<compile_context>
chip_gen: v7x
topology: tpu7x:2x2x1
jax: 0.10.2.dev20260603
libtpu: 0.0.44.dev20260713+nightly
codegen_flags: <defaults>
</compile_context>

<pallas_src>
import dataclasses
import functools

import jax
import jax.numpy as jnp
from jax import lax
from jax.experimental import pallas as pl
from jax.experimental.pallas import tpu as pltpu
from jax.experimental.pallas import tpu_sc as plsc

DIM = 128
H = 4
DH = DIM // H
SCALE = DH ** (-0.5)

NC = 2
NS = 16
LANES = 16

CHUNK = 128
PACK = 32
PACK_SHIFT = 5

NLOC = 5120
ACC_V_ROWS = 5248
ACC_E_ROWS = 168
RING = 280
SCAN = 128
N_GATHER = 11264


def _qkv_body(x_ref, wq_ref, wkv_ref, bq_ref, bkv_ref, q_ref, kv_ref):
    xb = x_ref[...]
    dn = (((1,), (1,)), ((), ()))
    q = lax.dot_general(xb, wq_ref[...], dn, preferred_element_type=jnp.float32)
    kv = lax.dot_general(xb, wkv_ref[...], dn, preferred_element_type=jnp.float32)
    q_ref[...] = (q + bq_ref[...]) * SCALE
    kv_ref[...] = kv + bkv_ref[...]


def _edge_body(q_hbm, kv_hbm, s_hbm, t_hbm, outv_hbm, oute_hbm,
               scan_s, scan_t, ring_s, ring_t,
               s_idx, t_idx, l_idx, qbuf, kvbuf, msgv, exbuf, acc_e_loc,
               acc_v, sem_q, sem_kv, sem_s,
               *, scan_blocks):
    cid = lax.axis_index("c")
    sid = lax.axis_index("s")
    lo = cid * NLOC

    zeros16 = jnp.zeros((LANES,), jnp.float32)
    lane_iota = lax.iota(jnp.int32, LANES)
    lane0 = lane_iota == 0

    @pl.loop(0, CHUNK)
    def _(erow):
        @pl.loop(0, DIM, step=LANES)
        def _(c0):
            msgv[erow, pl.ds(c0, LANES)] = zeros16

    @pl.loop(0, ACC_E_ROWS)
    def _(erow):
        @pl.loop(0, DIM, step=LANES)
        def _(c0):
            acc_e_loc[erow, pl.ds(c0, LANES)] = zeros16

    vrows_per_tile = ACC_V_ROWS // NS
    vcopies = [(r, min(CHUNK, vrows_per_tile - r))
               for r in range(0, vrows_per_tile, CHUNK)]
    for r, nr in vcopies:
        pltpu.sync_copy(msgv.at[pl.ds(0, nr)],
                        acc_v.at[pl.ds(sid * vrows_per_tile + r, nr)])

    plsc.subcore_barrier()

    dummy16 = jnp.full((LANES,), NLOC, jnp.int32)
    @pl.loop(0, CHUNK, step=LANES)
    def _(g0):
        l_idx[pl.ds(g0, LANES)] = dummy16
    pltpu.async_copy(msgv, acc_v.at[l_idx], sem_s, add=True)

    def flush():
        pltpu.make_async_copy(msgv, acc_v.at[l_idx], sem_s).wait()

        @pl.loop(0, CHUNK, step=LANES)
        def _(g0):
            sv = ring_s[pl.ds(g0, LANES)]
            s_idx[pl.ds(g0, LANES)] = sv
            l_idx[pl.ds(g0, LANES)] = sv - lo
            t_idx[pl.ds(g0, LANES)] = ring_t[pl.ds(g0, LANES)]

        cps = []
        for j in range(4):
            cps.append(pltpu.async_copy(
                kv_hbm.at[t_idx.at[pl.ds(j * 32, 32)]],
                kvbuf.at[pl.ds(j * 32, 32)], sem_kv))
        for j in range(2):
            cps.append(pltpu.async_copy(
                q_hbm.at[s_idx.at[pl.ds(j * 64, 64)]],
                qbuf.at[pl.ds(j * 64, 64)], sem_q))
        for cp in cps:
            cp.wait()

        @pl.loop(0, CHUNK, unroll=4)
        def _(e):
            prods = []
            for j in range(DIM // LANES):
                qj = qbuf[e, pl.ds(j * LANES, LANES)]
                kj = kvbuf[e, pl.ds(j * LANES, LANES)]
                prods.append(qj * kj)
            for h in range(H):
                sh = jnp.sum(prods[2 * h] + prods[2 * h + 1])
                plsc.store_scatter(
                    exbuf,
                    [jnp.full((LANES,), h, jnp.int32),
                     jnp.full((LANES,), e, jnp.int32)],
                    jnp.full((LANES,), sh, jnp.float32), mask=lane0)
                exv = jnp.exp(jnp.full((LANES,), sh, jnp.float32))
                v0 = kvbuf[e, pl.ds(DIM + 2 * h * LANES, LANES)]
                v1 = kvbuf[e, pl.ds(DIM + (2 * h + 1) * LANES, LANES)]
                msgv[e, pl.ds(2 * h * LANES, LANES)] = v0 * exv
                msgv[e, pl.ds((2 * h + 1) * LANES, LANES)] = v1 * exv

        @pl.loop(0, CHUNK, step=LANES)
        def _(g0):
            e_idx = lane_iota + g0
            lv = l_idx[pl.ds(g0, LANES)]
            erow = lax.shift_right_logical(lv, PACK_SHIFT)
            colbase = (lv & (PACK - 1)) * H
            for h in range(H):
                ch = plsc.load_gather(
                    exbuf, [jnp.full((LANES,), h, jnp.int32), e_idx])
                plsc.addupdate_scatter(acc_e_loc, [erow, colbase + h],
                                       jnp.exp(ch))

        pltpu.async_copy(msgv, acc_v.at[l_idx], sem_s, add=True)

        for j in range(CHUNK // LANES):
            ring_s[pl.ds(j * LANES, LANES)] = (
                ring_s[pl.ds(CHUNK + j * LANES, LANES)])
            ring_t[pl.ds(j * LANES, LANES)] = (
                ring_t[pl.ds(CHUNK + j * LANES, LANES)])

    edges_per_tile = scan_blocks * SCAN
    base_e = sid * edges_per_tile

    @pl.loop(0, scan_blocks, init_carry=jnp.int32(0))
    def final_off(bi, off):
        e0 = base_e + bi * SCAN
        cp_s = pltpu.async_copy(s_hbm.at[pl.ds(e0, SCAN)], scan_s, sem_q)
        cp_t = pltpu.async_copy(t_hbm.at[pl.ds(e0, SCAN)], scan_t, sem_kv)
        cp_s.wait()
        cp_t.wait()

        @pl.loop(0, SCAN, step=CHUNK, init_carry=off)
        def off_blk(c0, off_sc):
            @pl.loop(0, CHUNK, step=LANES, init_carry=off_sc)
            def off2(g0, off_c):
                sv = scan_s[pl.ds(c0 + g0, LANES)]
                tv = scan_t[pl.ds(c0 + g0, LANES)]
                lv = sv - lo
                keep = (lv >= 0) & (lv < NLOC)
                plsc.store_compressed(ring_s.at[pl.ds(off_c, LANES)], sv,
                                      mask=keep)
                plsc.store_compressed(ring_t.at[pl.ds(off_c, LANES)], tv,
                                      mask=keep)
                cnt = jnp.max(plsc.all_reduce_population_count(keep))
                return off_c + cnt

            @pl.when(off2 >= CHUNK)
            def _():
                flush()

            return jnp.where(off2 >= CHUNK, off2 - CHUNK, off2)

        return off_blk

    dummy_s = jnp.full((LANES,), lo + NLOC, jnp.int32)
    zeros_i = jnp.zeros((LANES,), jnp.int32)
    for j in range(CHUNK // LANES + 1):
        ring_s[pl.ds(final_off + j * LANES, LANES)] = dummy_s
        ring_t[pl.ds(final_off + j * LANES, LANES)] = zeros_i
    flush()

    pltpu.make_async_copy(msgv, acc_v.at[l_idx], sem_s).wait()
    pltpu.sync_copy(acc_e_loc, oute_hbm.at[cid, sid])

    plsc.subcore_barrier()

    for r, nr in vcopies:
        r0 = sid * vrows_per_tile + r
        pltpu.sync_copy(acc_v.at[pl.ds(r0, nr)], msgv.at[pl.ds(0, nr)])
        pltpu.sync_copy(msgv.at[pl.ds(0, nr)], outv_hbm.at[cid, pl.ds(r0, nr)])


def _norm_body(acc_ref, ex_ref, o_ref):
    a = acc_ref[...]
    exs = jnp.sum(ex_ref[...], axis=0)
    for h in range(H):
        den = exs[:, h][:, None] + 1e-16
        o_ref[:, h * DH:(h + 1) * DH] = a[:, h * DH:(h + 1) * DH] / den


def kernel(x, edge_index, num_super, W_qkv, b_qkv):
    n = x.shape[0]
    e = edge_index.shape[1]
    n_pad = NC * NLOC
    scan_blocks = (e + NS * SCAN - 1) // (NS * SCAN)
    e_pad = scan_blocks * NS * SCAN

    x_pad = jnp.pad(x, ((0, N_GATHER - n), (0, 0)))
    wq, wkv = W_qkv[:DIM], W_qkv[DIM:]
    bq, bkv = b_qkv[:DIM].reshape(1, DIM), b_qkv[DIM:].reshape(1, 2 * DIM)

    blk = 1024
    q_arr, kv_arr = pl.pallas_call(
        _qkv_body,
        grid=(N_GATHER // blk,),
        in_specs=[
            pl.BlockSpec((blk, DIM), lambda i: (i, 0)),
            pl.BlockSpec((DIM, DIM), lambda i: (0, 0)),
            pl.BlockSpec((2 * DIM, DIM), lambda i: (0, 0)),
            pl.BlockSpec((1, DIM), lambda i: (0, 0)),
            pl.BlockSpec((1, 2 * DIM), lambda i: (0, 0)),
        ],
        out_specs=[
            pl.BlockSpec((blk, DIM), lambda i: (i, 0)),
            pl.BlockSpec((blk, 2 * DIM), lambda i: (i, 0)),
        ],
        out_shape=[
            jax.ShapeDtypeStruct((N_GATHER, DIM), jnp.float32),
            jax.ShapeDtypeStruct((N_GATHER, 2 * DIM), jnp.float32),
        ],
    )(x_pad, wq, wkv, bq, bkv)

    s = jnp.concatenate(
        [edge_index[0], jnp.full((e_pad - e,), n_pad - 1, jnp.int32)])
    t = jnp.concatenate([edge_index[1], jnp.zeros((e_pad - e,), jnp.int32)])

    cp = pltpu.CompilerParams()
    if "needs_layout_passes" in pltpu.CompilerParams.__dataclass_fields__:
        cp = dataclasses.replace(cp, needs_layout_passes=False)
    mesh = plsc.VectorSubcoreMesh(
        core_axis_name="c", subcore_axis_name="s",
        num_cores=NC, num_subcores=NS)
    edge_kernel = pl.kernel(
        functools.partial(_edge_body, scan_blocks=scan_blocks),
        out_type=[
            jax.ShapeDtypeStruct((NC, ACC_V_ROWS, DIM), jnp.float32),
            jax.ShapeDtypeStruct((NC, NS, ACC_E_ROWS, DIM), jnp.float32),
        ],
        mesh=mesh,
        scratch_types=[
            pltpu.VMEM((SCAN,), jnp.int32),
            pltpu.VMEM((SCAN,), jnp.int32),
            pltpu.VMEM((RING,), jnp.int32),
            pltpu.VMEM((RING,), jnp.int32),
            pltpu.VMEM((CHUNK,), jnp.int32),
            pltpu.VMEM((CHUNK,), jnp.int32),
            pltpu.VMEM((CHUNK,), jnp.int32),
            pltpu.VMEM((CHUNK, DIM), jnp.float32),
            pltpu.VMEM((CHUNK, 2 * DIM), jnp.float32),
            pltpu.VMEM((CHUNK, DIM), jnp.float32),
            pltpu.VMEM((H, CHUNK), jnp.float32),
            pltpu.VMEM((ACC_E_ROWS, DIM), jnp.float32),
            pltpu.VMEM_SHARED((ACC_V_ROWS, DIM), jnp.float32),
            pltpu.SemaphoreType.DMA,
            pltpu.SemaphoreType.DMA,
            pltpu.SemaphoreType.DMA,
        ],
        compiler_params=cp,
    )
    acc_v, acc_e = edge_kernel(q_arr, kv_arr, s, t)

    outv = jnp.concatenate([acc_v[0, :NLOC], acc_v[1, :NLOC]])
    ex_r = jnp.concatenate([
        acc_e[0, :, :NLOC // PACK].reshape(NS, NLOC, H),
        acc_e[1, :, :NLOC // PACK].reshape(NS, NLOC, H),
    ], axis=1)

    fblk = 512
    out_pad = pl.pallas_call(
        _norm_body,
        grid=(n_pad // fblk,),
        in_specs=[
            pl.BlockSpec((fblk, DIM), lambda i: (i, 0)),
            pl.BlockSpec((NS, fblk, H), lambda i: (0, i, 0)),
        ],
        out_specs=pl.BlockSpec((fblk, DIM), lambda i: (i, 0)),
        out_shape=jax.ShapeDtypeStruct((n_pad, DIM), jnp.float32),
    )(outv, ex_r)
    return out_pad[:n]

# --- scband reference (transcript-rebuilt; emitter-appended) ---
"""Pipeline reference for scband-self-attention-block-88794153877713 (READ-ONLY COPY).

The authoritative reference and input builder live on the scoring server;
editing this copy changes nothing except your own understanding.
"""

import jax, jax.numpy as jnp
import numpy as np

N_NODES = 10000
N_EDGES = 320000
DIM = 128
H = 4
DH = DIM // H
SCALE = DH ** (-0.5)


def segment_softmax(compat, seg, num_segments):
    seg_max = jax.ops.segment_max(compat, seg, num_segments=num_segments)
    seg_max = jnp.where(jnp.isfinite(seg_max), seg_max, 0.0)
    seg_max = jax.lax.stop_gradient(seg_max)
    ex = jnp.exp(compat - seg_max[seg])
    seg_sum = jax.ops.segment_sum(ex, seg, num_segments=num_segments)
    return ex / (seg_sum[seg] + 1e-16)


def setup_inputs(seed: int = 0) -> dict:
    key = jax.random.key(seed)
    k1, k2, k3 = jax.random.split(key, 3)
    x = jax.random.normal(k1, (N_NODES, DIM), dtype=jnp.float32)
    edge_index = jax.random.randint(k2, (2, N_EDGES), 0, N_NODES, dtype=jnp.int32)
    W_qkv = jax.random.normal(k3, (3 * DIM, DIM), dtype=jnp.float32) * 0.02
    b_qkv = jnp.zeros((3 * DIM,), dtype=jnp.float32)
    return {"x": x, "edge_index": edge_index, "num_super": N_NODES, "W_qkv": W_qkv, "b_qkv": b_qkv}


def reference(x, edge_index, num_super, W_qkv, b_qkv):
    N = x.shape[0]
    qkv = (x @ W_qkv.T + b_qkv).reshape(N, 3, H, DH)
    s = edge_index[0] + jnp.asarray(num_super, dtype=jnp.int32) * 0
    t = edge_index[1]
    q = qkv[s, 0] * SCALE          # gather queries by source  (E, H, DH)
    k = qkv[t, 1]                  # gather keys by target
    v = qkv[t, 2]                  # gather values by target
    compat = jnp.einsum('ehd,ehd->eh', q, k)   # (E, H)
    attn = segment_softmax(compat, s, N)
    msg = (v * attn[..., None]).reshape(-1, DIM)  # (E, DIM)
    out = jax.ops.segment_sum(msg, s, num_segments=N)  # scatter-add to nodes
    return out

if __name__ == "__main__":
    import jax
    _d = setup_inputs()
    print(jax.jit(kernel)(*tuple(_d.values())))

</pallas_src>

<mosaic_0001>
#map = affine_map<(d0, d1) -> (0, 0)>
#map1 = affine_map<(d0, d1) -> (0)>
#map2 = affine_map<(d0, d1) -> (0, 0, 0)>
#map3 = affine_map<(d0, d1) -> (0, 0, 0, 0)>
module attributes {stable_mosaic.version = 14 : i64} {
  func.func @_edge_body(%arg0: i32, %arg1: i32, %arg2: memref<11264x128xf32, #tpu.memory_space<hbm>>, %arg3: memref<11264x256xf32, #tpu.memory_space<hbm>>, %arg4: memref<321536xi32, #tpu.memory_space<hbm>>, %arg5: memref<321536xi32, #tpu.memory_space<hbm>>, %arg6: memref<2x5248x128xf32, #tpu.memory_space<hbm>>, %arg7: memref<2x16x168x128xf32, #tpu.memory_space<hbm>>, %arg8: memref<128xi32, #tpu.memory_space<vmem>>, %arg9: memref<128xi32, #tpu.memory_space<vmem>>, %arg10: memref<280xi32, #tpu.memory_space<vmem>>, %arg11: memref<280xi32, #tpu.memory_space<vmem>>, %arg12: memref<128xi32, #tpu.memory_space<vmem>>, %arg13: memref<128xi32, #tpu.memory_space<vmem>>, %arg14: memref<128xi32, #tpu.memory_space<vmem>>, %arg15: memref<128x128xf32, #tpu.memory_space<vmem>>, %arg16: memref<128x256xf32, #tpu.memory_space<vmem>>, %arg17: memref<128x128xf32, #tpu.memory_space<vmem>>, %arg18: memref<4x128xf32, #tpu.memory_space<vmem>>, %arg19: memref<168x128xf32, #tpu.memory_space<vmem>>, %arg20: memref<5248x128xf32, #tpu.memory_space<vmem_shared>>, %arg21: memref<!tpu.dma_semaphore, #tpu.memory_space<semaphore_mem>>, %arg22: memref<!tpu.dma_semaphore, #tpu.memory_space<semaphore_mem>>, %arg23: memref<!tpu.dma_semaphore, #tpu.memory_space<semaphore_mem>>) attributes {dimension_semantics = [#tpu.dimension_semantics<core_parallel>, #tpu.dimension_semantics<subcore_parallel>], iteration_bounds = array<i64: 2, 16>, scalar_prefetch = 0 : i64, scratch_operands = 16 : i64, tpu.core_type = #tpu.core_type<sc_vector_subcore>, window_params = [{transform_indices = #map}, {transform_indices = #map}, {transform_indices = #map1}, {transform_indices = #map1}, {transform_indices = #map2}, {transform_indices = #map3}]} {
    %mul3A = arith.constant 5120 : i32
    %mul3A_0 = arith.muli %arg0, %mul3A : i32
    %broadcast_in_dim3A = arith.constant 0.000000e+00 : f32
    %broadcast_in_dim3A_1 = vector.broadcast %broadcast_in_dim3A : f32 to vector<16xf32>
    %iota3A = tpu.iota {dimensions = array<i32: 0>} : vector<16xi32>
    %eq3A = arith.constant 0 : i32
    %eq3A_2 = vector.broadcast %eq3A : i32 to vector<16xi32>
    %eq3A_3 = arith.cmpi eq, %iota3A, %eq3A_2 : vector<16xi32>
    %scan3A = arith.constant 0 : i32
    %scan3A_4 = arith.constant 128 : i32
    %scan3A_5 = arith.addi %scan3A, %scan3A_4 : i32
    %scan3A_6 = arith.constant 1 : i32
    scf.for %scan3A_313 = %scan3A to %scan3A_5 step %scan3A_6  : i32 {
      %mul3A_314 = arith.constant 1 : i32
      %mul3A_315 = arith.muli %scan3A_313, %mul3A_314 : i32
      %add3A_316 = arith.constant 0 : i32
      %add3A_317 = arith.addi %add3A_316, %mul3A_315 : i32
      %scan3A_318 = arith.constant 0 : i32
      %scan3A_319 = arith.constant 8 : i32
      %scan3A_320 = arith.addi %scan3A_318, %scan3A_319 : i32
      %scan3A_321 = arith.constant 1 : i32
      scf.for %scan3A_323 = %scan3A_318 to %scan3A_320 step %scan3A_321  : i32 {
        %mul3A_324 = arith.constant 16 : i32
        %mul3A_325 = arith.muli %scan3A_323, %mul3A_324 : i32
        %add3A_326 = arith.constant 0 : i32
        %add3A_327 = arith.addi %add3A_326, %mul3A_325 : i32
        %swap3A_328 = arith.index_cast %add3A_317 : i32 to index
        %swap3A_329 = arith.index_cast %add3A_327 : i32 to index
        %swap3A_330 = tpu.vector_load %arg17[%swap3A_328, %swap3A_329] {strides = array<i32>} : memref<128x128xf32, #tpu.memory_space<vmem>>, vector<16xf32>,
        tpu.vector_store %arg17[%swap3A_328, %swap3A_329], %broadcast_in_dim3A_1 {strides = array<i32>} : memref<128x128xf32, #tpu.memory_space<vmem>>, vector<16xf32>,
      }
      %scan3A_322 = arith.constant 8 : i32
    }
    %scan3A_7 = arith.constant 128 : i32
    %scan3A_8 = arith.constant 0 : i32
    %scan3A_9 = arith.constant 168 : i32
    %scan3A_10 = arith.addi %scan3A_8, %scan3A_9 : i32
    %scan3A_11 = arith.constant 1 : i32
    scf.for %scan3A_313 = %scan3A_8 to %scan3A_10 step %scan3A_11  : i32 {
      %mul3A_314 = arith.constant 1 : i32
      %mul3A_315 = arith.muli %scan3A_313, %mul3A_314 : i32
      %add3A_316 = arith.constant 0 : i32
      %add3A_317 = arith.addi %add3A_316, %mul3A_315 : i32
      %scan3A_318 = arith.constant 0 : i32
      %scan3A_319 = arith.constant 8 : i32
      %scan3A_320 = arith.addi %scan3A_318, %scan3A_319 : i32
      %scan3A_321 = arith.constant 1 : i32
      scf.for %scan3A_323 = %scan3A_318 to %scan3A_320 step %scan3A_321  : i32 {
        %mul3A_324 = arith.constant 16 : i32
        %mul3A_325 = arith.muli %scan3A_323, %mul3A_324 : i32
        %add3A_326 = arith.constant 0 : i32
        %add3A_327 = arith.addi %add3A_326, %mul3A_325 : i32
        %swap3A_328 = arith.index_cast %add3A_317 : i32 to index
        %swap3A_329 = arith.index_cast %add3A_327 : i32 to index
        %swap3A_330 = tpu.vector_load %arg19[%swap3A_328, %swap3A_329] {strides = array<i32>} : memref<168x128xf32, #tpu.memory_space<vmem>>, vector<16xf32>,
        tpu.vector_store %arg19[%swap3A_328, %swap3A_329], %broadcast_in_dim3A_1 {strides = array<i32>} : memref<168x128xf32, #tpu.memory_space<vmem>>, vector<16xf32>,
      }
      %scan3A_322 = arith.constant 8 : i32
    }
    %scan3A_12 = arith.constant 168 : i32
    %mul3A_13 = arith.constant 328 : i32
    %mul3A_14 = arith.muli %arg1, %mul3A_13 : i32
    %add3A = arith.constant 0 : i32
    %add3A_15 = arith.addi %mul3A_14, %add3A : i32
    "tpu.region"() ({
      %run_scoped3A = tpu.sem_alloc : memref<!tpu.dma_semaphore, #tpu.memory_space<semaphore_mem>>
      %dma_start3A_313 = arith.constant 0 : i32
      %dma_start3A_314 = arith.constant 0 : i32
      %dma_start3A_315 = tpu.memref_slice %arg17[%dma_start3A_313, %dma_start3A_314] : memref<128x128xf32, #tpu.memory_space<vmem>> -> memref<128x128xf32, #tpu.memory_space<vmem>>
      %dma_start3A_316 = arith.constant 0 : i32
      %dma_start3A_317 = tpu.memref_slice %arg20[%add3A_15, %dma_start3A_316] : memref<5248x128xf32, #tpu.memory_space<vmem_shared>> -> memref<128x128xf32, #tpu.memory_space<vmem_shared>>
      %dma_start3A_318 = arith.constant 0 : i32
      %dma_start3A_319 = tpu.memref_slice %arg20[%add3A_15, %dma_start3A_318] : memref<5248x128xf32, #tpu.memory_space<vmem_shared>> -> memref<128x128xf32, #tpu.memory_space<vmem_shared>>
      %dma_start3A_320 = arith.constant 0 : i32
      %dma_start3A_321 = arith.constant 0 : i32
      %dma_start3A_322 = tpu.memref_slice %arg17[%dma_start3A_320, %dma_start3A_321] : memref<128x128xf32, #tpu.memory_space<vmem>> -> memref<128x128xf32, #tpu.memory_space<vmem>>
      tpu.enqueue_dma source(%dma_start3A_322 : memref<128x128xf32, #tpu.memory_space<vmem>>) target(%dma_start3A_319 : memref<128x128xf32, #tpu.memory_space<vmem_shared>>) target_semaphore(%run_scoped3A : memref<!tpu.dma_semaphore, #tpu.memory_space<semaphore_mem>>)
      %dma_wait3A_323 = arith.constant 0 : i32
      %dma_wait3A_324 = arith.constant 0 : i32
      %dma_wait3A_325 = tpu.memref_slice %arg17[%dma_wait3A_323, %dma_wait3A_324] : memref<128x128xf32, #tpu.memory_space<vmem>> -> memref<128x128xf32, #tpu.memory_space<vmem>>
      %dma_wait3A_326 = arith.constant 0 : i32
      %dma_wait3A_327 = tpu.memref_slice %arg20[%add3A_15, %dma_wait3A_326] : memref<5248x128xf32, #tpu.memory_space<vmem_shared>> -> memref<128x128xf32, #tpu.memory_space<vmem_shared>>
      %dma_wait3A_328 = arith.constant 0 : i32
      %dma_wait3A_329 = tpu.memref_slice %arg20[%add3A_15, %dma_wait3A_328] : memref<5248x128xf32, #tpu.memory_space<vmem_shared>> -> memref<128x128xf32, #tpu.memory_space<vmem_shared>>
      %dma_wait3A_330 = arith.constant 0 : i32
      %dma_wait3A_331 = arith.constant 0 : i32
      %dma_wait3A_332 = tpu.memref_slice %arg17[%dma_wait3A_330, %dma_wait3A_331] : memref<128x128xf32, #tpu.memory_space<vmem>> -> memref<128x128xf32, #tpu.memory_space<vmem>>
      tpu.wait_dma2 semaphore(%run_scoped3A : memref<!tpu.dma_semaphore, #tpu.memory_space<semaphore_mem>>) src(%dma_wait3A_332 : memref<128x128xf32, #tpu.memory_space<vmem>>) dst(%dma_wait3A_329 : memref<128x128xf32, #tpu.memory_space<vmem_shared>>)
      tpu.yield
    }) : () -> ()
    %mul3A_16 = arith.constant 328 : i32
    %mul3A_17 = arith.muli %arg1, %mul3A_16 : i32
    %add3A_18 = arith.constant 128 : i32
    %add3A_19 = arith.addi %mul3A_17, %add3A_18 : i32
    "tpu.region"() ({
      %run_scoped3A = tpu.sem_alloc : memref<!tpu.dma_semaphore, #tpu.memory_space<semaphore_mem>>
      %dma_start3A_313 = arith.constant 0 : i32
      %dma_start3A_314 = arith.constant 0 : i32
      %dma_start3A_315 = tpu.memref_slice %arg17[%dma_start3A_313, %dma_start3A_314] : memref<128x128xf32, #tpu.memory_space<vmem>> -> memref<128x128xf32, #tpu.memory_space<vmem>>
      %dma_start3A_316 = arith.constant 0 : i32
      %dma_start3A_317 = tpu.memref_slice %arg20[%add3A_19, %dma_start3A_316] : memref<5248x128xf32, #tpu.memory_space<vmem_shared>> -> memref<128x128xf32, #tpu.memory_space<vmem_shared>>
      %dma_start3A_318 = arith.constant 0 : i32
      %dma_start3A_319 = tpu.memref_slice %arg20[%add3A_19, %dma_start3A_318] : memref<5248x128xf32, #tpu.memory_space<vmem_shared>> -> memref<128x128xf32, #tpu.memory_space<vmem_shared>>
      %dma_start3A_320 = arith.constant 0 : i32
      %dma_start3A_321 = arith.constant 0 : i32
      %dma_start3A_322 = tpu.memref_slice %arg17[%dma_start3A_320, %dma_start3A_321] : memref<128x128xf32, #tpu.memory_space<vmem>> -> memref<128x128xf32, #tpu.memory_space<vmem>>
      tpu.enqueue_dma source(%dma_start3A_322 : memref<128x128xf32, #tpu.memory_space<vmem>>) target(%dma_start3A_319 : memref<128x128xf32, #tpu.memory_space<vmem_shared>>) target_semaphore(%run_scoped3A : memref<!tpu.dma_semaphore, #tpu.memory_space<semaphore_mem>>)
      %dma_wait3A_323 = arith.constant 0 : i32
      %dma_wait3A_324 = arith.constant 0 : i32
      %dma_wait3A_325 = tpu.memref_slice %arg17[%dma_wait3A_323, %dma_wait3A_324] : memref<128x128xf32, #tpu.memory_space<vmem>> -> memref<128x128xf32, #tpu.memory_space<vmem>>
      %dma_wait3A_326 = arith.constant 0 : i32
      %dma_wait3A_327 = tpu.memref_slice %arg20[%add3A_19, %dma_wait3A_326] : memref<5248x128xf32, #tpu.memory_space<vmem_shared>> -> memref<128x128xf32, #tpu.memory_space<vmem_shared>>
      %dma_wait3A_328 = arith.constant 0 : i32
      %dma_wait3A_329 = tpu.memref_slice %arg20[%add3A_19, %dma_wait3A_328] : memref<5248x128xf32, #tpu.memory_space<vmem_shared>> -> memref<128x128xf32, #tpu.memory_space<vmem_shared>>
      %dma_wait3A_330 = arith.constant 0 : i32
      %dma_wait3A_331 = arith.constant 0 : i32
      %dma_wait3A_332 = tpu.memref_slice %arg17[%dma_wait3A_330, %dma_wait3A_331] : memref<128x128xf32, #tpu.memory_space<vmem>> -> memref<128x128xf32, #tpu.memory_space<vmem>>
      tpu.wait_dma2 semaphore(%run_scoped3A : memref<!tpu.dma_semaphore, #tpu.memory_space<semaphore_mem>>) src(%dma_wait3A_332 : memref<128x128xf32, #tpu.memory_space<vmem>>) dst(%dma_wait3A_329 : memref<128x128xf32, #tpu.memory_space<vmem_shared>>)
      tpu.yield
    }) : () -> ()
    %mul3A_20 = arith.constant 328 : i32
    %mul3A_21 = arith.muli %arg1, %mul3A_20 : i32
    %add3A_22 = arith.constant 256 : i32
    %add3A_23 = arith.addi %mul3A_21, %add3A_22 : i32
    "tpu.region"() ({
      %run_scoped3A = tpu.sem_alloc : memref<!tpu.dma_semaphore, #tpu.memory_space<semaphore_mem>>
      %dma_start3A_313 = arith.constant 0 : i32
      %dma_start3A_314 = arith.constant 0 : i32
      %dma_start3A_315 = tpu.memref_slice %arg17[%dma_start3A_313, %dma_start3A_314] : memref<128x128xf32, #tpu.memory_space<vmem>> -> memref<72x128xf32, #tpu.memory_space<vmem>>
      %dma_start3A_316 = arith.constant 0 : i32
      %dma_start3A_317 = tpu.memref_slice %arg20[%add3A_23, %dma_start3A_316] : memref<5248x128xf32, #tpu.memory_space<vmem_shared>> -> memref<72x128xf32, #tpu.memory_space<vmem_shared>>
      %dma_start3A_318 = arith.constant 0 : i32
      %dma_start3A_319 = tpu.memref_slice %arg20[%add3A_23, %dma_start3A_318] : memref<5248x128xf32, #tpu.memory_space<vmem_shared>> -> memref<72x128xf32, #tpu.memory_space<vmem_shared>>
      %dma_start3A_320 = arith.constant 0 : i32
      %dma_start3A_321 = arith.constant 0 : i32
      %dma_start3A_322 = tpu.memref_slice %arg17[%dma_start3A_320, %dma_start3A_321] : memref<128x128xf32, #tpu.memory_space<vmem>> -> memref<72x128xf32, #tpu.memory_space<vmem>>
      tpu.enqueue_dma source(%dma_start3A_322 : memref<72x128xf32, #tpu.memory_space<vmem>>) target(%dma_start3A_319 : memref<72x128xf32, #tpu.memory_space<vmem_shared>>) target_semaphore(%run_scoped3A : memref<!tpu.dma_semaphore, #tpu.memory_space<semaphore_mem>>)
      %dma_wait3A_323 = arith.constant 0 : i32
      %dma_wait3A_324 = arith.constant 0 : i32
      %dma_wait3A_325 = tpu.memref_slice %arg17[%dma_wait3A_323, %dma_wait3A_324] : memref<128x128xf32, #tpu.memory_space<vmem>> -> memref<72x128xf32, #tpu.memory_space<vmem>>
      %dma_wait3A_326 = arith.constant 0 : i32
      %dma_wait3A_327 = tpu.memref_slice %arg20[%add3A_23, %dma_wait3A_326] : memref<5248x128xf32, #tpu.memory_space<vmem_shared>> -> memref<72x128xf32, #tpu.memory_space<vmem_shared>>
      %dma_wait3A_328 = arith.constant 0 : i32
      %dma_wait3A_329 = tpu.memref_slice %arg20[%add3A_23, %dma_wait3A_328] : memref<5248x128xf32, #tpu.memory_space<vmem_shared>> -> memref<72x128xf32, #tpu.memory_space<vmem_shared>>
      %dma_wait3A_330 = arith.constant 0 : i32
      %dma_wait3A_331 = arith.constant 0 : i32
      %dma_wait3A_332 = tpu.memref_slice %arg17[%dma_wait3A_330, %dma_wait3A_331] : memref<128x128xf32, #tpu.memory_space<vmem>> -> memref<72x128xf32, #tpu.memory_space<vmem>>
      tpu.wait_dma2 semaphore(%run_scoped3A : memref<!tpu.dma_semaphore, #tpu.memory_space<semaphore_mem>>) src(%dma_wait3A_332 : memref<72x128xf32, #tpu.memory_space<vmem>>) dst(%dma_wait3A_329 : memref<72x128xf32, #tpu.memory_space<vmem_shared>>)
      tpu.yield
    }) : () -> ()
    %barrier3A = arith.constant 0 : index
    tpu.barrier barrier_id(%barrier3A)
    %broadcast_in_dim3A_24 = arith.constant 5120 : i32
    %broadcast_in_dim3A_25 = vector.broadcast %broadcast_in_dim3A_24 : i32 to vector<16xi32>
    %scan3A_26 = arith.constant 0 : i32
    %scan3A_27 = arith.constant 8 : i32
    %scan3A_28 = arith.addi %scan3A_26, %scan3A_27 : i32
    %scan3A_29 = arith.constant 1 : i32
    scf.for %scan3A_313 = %scan3A_26 to %scan3A_28 step %scan3A_29  : i32 {
      %mul3A_314 = arith.constant 16 : i32
      %mul3A_315 = arith.muli %scan3A_313, %mul3A_314 : i32
      %add3A_316 = arith.constant 0 : i32
      %add3A_317 = arith.addi %add3A_316, %mul3A_315 : i32
      %swap3A_318 = arith.index_cast %add3A_317 : i32 to index
      %swap3A_319 = tpu.vector_load %arg14[%swap3A_318] {strides = array<i32>} : memref<128xi32, #tpu.memory_space<vmem>>, vector<16xi32>,
      tpu.vector_store %arg14[%swap3A_318], %broadcast_in_dim3A_25 {strides = array<i32>} : memref<128xi32, #tpu.memory_space<vmem>>, vector<16xi32>,
    }
    %scan3A_30 = arith.constant 8 : i32
    %dma_start3A = arith.constant 0 : i32
    %dma_start3A_31 = arith.constant 0 : i32
    %dma_start3A_32 = tpu.memref_slice %arg20[%dma_start3A, %dma_start3A_31] : memref<5248x128xf32, #tpu.memory_space<vmem_shared>> -> memref<5248x128xf32, #tpu.memory_space<vmem_shared>>
    tpu.enqueue_indirect_dma source(%arg17 : memref<128x128xf32, #tpu.memory_space<vmem>>) target(%dma_start3A_32 : memref<5248x128xf32, #tpu.memory_space<vmem_shared>>) offsets(%arg14 : memref<128xi32, #tpu.memory_space<vmem>>) semaphore(%arg23 : memref<!tpu.dma_semaphore, #tpu.memory_space<semaphore_mem>>) {add = true}
    %mul3A_33 = arith.constant 20096 : i32
    %mul3A_34 = arith.muli %arg1, %mul3A_33 : i32
    %scan3A_35 = arith.constant 0 : i32
    %scan3A_36 = arith.constant 0 : i32
    %scan3A_37 = arith.constant 157 : i32
    %scan3A_38 = arith.addi %scan3A_36, %scan3A_37 : i32
    %scan3A_39 = arith.constant 1 : i32
    %scan3A_40 = scf.for %scan3A_313 = %scan3A_36 to %scan3A_38 step %scan3A_39 iter_args(%scan3A_314 = %scan3A_35) -> (i32)  : i32 {
      %mul3A_315 = arith.constant 1 : i32
      %mul3A_316 = arith.muli %scan3A_313, %mul3A_315 : i32
      %add3A_317 = arith.constant 0 : i32
      %add3A_318 = arith.addi %add3A_317, %mul3A_316 : i32
      %mul3A_319 = arith.constant 128 : i32
      %mul3A_320 = arith.muli %add3A_318, %mul3A_319 : i32
      %add3A_321 = arith.addi %mul3A_34, %mul3A_320 : i32
      %dma_start3A_322 = tpu.memref_slice %arg4[%add3A_321] : memref<321536xi32, #tpu.memory_space<hbm>> -> memref<128xi32, #tpu.memory_space<hbm>>
      %dma_start3A_323 = tpu.memref_slice %arg4[%add3A_321] : memref<321536xi32, #tpu.memory_space<hbm>> -> memref<128xi32, #tpu.memory_space<hbm>>
      tpu.enqueue_dma source(%dma_start3A_323 : memref<128xi32, #tpu.memory_space<hbm>>) target(%arg8 : memref<128xi32, #tpu.memory_space<vmem>>) target_semaphore(%arg21 : memref<!tpu.dma_semaphore, #tpu.memory_space<semaphore_mem>>)
      %dma_start3A_324 = tpu.memref_slice %arg5[%add3A_321] : memref<321536xi32, #tpu.memory_space<hbm>> -> memref<128xi32, #tpu.memory_space<hbm>>
      %dma_start3A_325 = tpu.memref_slice %arg5[%add3A_321] : memref<321536xi32, #tpu.memory_space<hbm>> -> memref<128xi32, #tpu.memory_space<hbm>>
      tpu.enqueue_dma source(%dma_start3A_325 : memref<128xi32, #tpu.memory_space<hbm>>) target(%arg9 : memref<128xi32, #tpu.memory_space<vmem>>) target_semaphore(%arg22 : memref<!tpu.dma_semaphore, #tpu.memory_space<semaphore_mem>>)
      %dma_wait3A_326 = tpu.memref_slice %arg4[%add3A_321] : memref<321536xi32, #tpu.memory_space<hbm>> -> memref<128xi32, #tpu.memory_space<hbm>>
      %dma_wait3A_327 = tpu.memref_slice %arg4[%add3A_321] : memref<321536xi32, #tpu.memory_space<hbm>> -> memref<128xi32, #tpu.memory_space<hbm>>
      tpu.wait_dma2 semaphore(%arg21 : memref<!tpu.dma_semaphore, #tpu.memory_space<semaphore_mem>>) src(%dma_wait3A_327 : memref<128xi32, #tpu.memory_space<hbm>>) dst(%arg8 : memref<128xi32, #tpu.memory_space<vmem>>)
      %dma_wait3A_328 = tpu.memref_slice %arg5[%add3A_321] : memref<321536xi32, #tpu.memory_space<hbm>> -> memref<128xi32, #tpu.memory_space<hbm>>
      %dma_wait3A_329 = tpu.memref_slice %arg5[%add3A_321] : memref<321536xi32, #tpu.memory_space<hbm>> -> memref<128xi32, #tpu.memory_space<hbm>>
      tpu.wait_dma2 semaphore(%arg22 : memref<!tpu.dma_semaphore, #tpu.memory_space<semaphore_mem>>) src(%dma_wait3A_329 : memref<128xi32, #tpu.memory_space<hbm>>) dst(%arg9 : memref<128xi32, #tpu.memory_space<vmem>>)
      %scan3A_330 = arith.constant 0 : i32
      %mul3A_331 = arith.constant 128 : i32
      %mul3A_332 = arith.muli %scan3A_330, %mul3A_331 : i32
      %add3A_333 = arith.constant 0 : i32
      %add3A_334 = arith.addi %add3A_333, %mul3A_332 : i32
      %scan3A_335 = arith.constant 0 : i32
      %scan3A_336 = arith.constant 8 : i32
      %scan3A_337 = arith.addi %scan3A_335, %scan3A_336 : i32
      %scan3A_338 = arith.constant 1 : i32
      %scan3A_339 = scf.for %scan3A_347 = %scan3A_335 to %scan3A_337 step %scan3A_338 iter_args(%scan3A_348 = %scan3A_314) -> (i32)  : i32 {
        %mul3A_349 = arith.constant 16 : i32
        %mul3A_350 = arith.muli %scan3A_347, %mul3A_349 : i32
        %add3A_351 = arith.constant 0 : i32
        %add3A_352 = arith.addi %add3A_351, %mul3A_350 : i32
        %add3A_353 = arith.addi %add3A_334, %add3A_352 : i32
        %get3A_354 = arith.index_cast %add3A_353 : i32 to index
        %get3A_355 = tpu.vector_load %arg8[%get3A_354] {strides = array<i32>} : memref<128xi32, #tpu.memory_space<vmem>>, vector<16xi32>,
        %add3A_356 = arith.addi %add3A_334, %add3A_352 : i32
        %get3A_357 = arith.index_cast %add3A_356 : i32 to index
        %get3A_358 = tpu.vector_load %arg9[%get3A_357] {strides = array<i32>} : memref<128xi32, #tpu.memory_space<vmem>>, vector<16xi32>,
        %sub3A_359 = vector.broadcast %mul3A_0 : i32 to vector<16xi32>
        %sub3A_360 = arith.subi %get3A_355, %sub3A_359 : vector<16xi32>
        %ge3A_361 = arith.constant 0 : i32
        %ge3A_362 = vector.broadcast %ge3A_361 : i32 to vector<16xi32>
        %ge3A_363 = arith.cmpi sge, %sub3A_360, %ge3A_362 : vector<16xi32>
        %lt3A = arith.constant 5120 : i32
        %lt3A_364 = vector.broadcast %lt3A : i32 to vector<16xi32>
        %lt3A_365 = arith.cmpi slt, %sub3A_360, %lt3A_364 : vector<16xi32>
        %and3A = arith.andi %ge3A_363, %lt3A_365 : vector<16xi1>
        %swap3A_366 = arith.index_cast %scan3A_348 : i32 to index
        %swap3A_367 = tpu.vector_load %arg10[%swap3A_366] masked %and3A {strides = array<i32>} : memref<280xi32, #tpu.memory_space<vmem>>, vector<16xi32>, vector<16xi1>
        tpu.vector_store %arg10[%swap3A_366], %get3A_355 masked %and3A {strides = array<i32>} : memref<280xi32, #tpu.memory_space<vmem>>, vector<16xi32>, vector<16xi1>
        %swap3A_368 = arith.index_cast %scan3A_348 : i32 to index
        %swap3A_369 = tpu.vector_load %arg11[%swap3A_368] masked %and3A {strides = array<i32>} : memref<280xi32, #tpu.memory_space<vmem>>, vector<16xi32>, vector<16xi1>
        tpu.vector_store %arg11[%swap3A_368], %get3A_358 masked %and3A {strides = array<i32>} : memref<280xi32, #tpu.memory_space<vmem>>, vector<16xi32>, vector<16xi1>
        %all_reduce_population_count3A = tpu.all_reduce %and3A {dim = 0 : i64, kind = #tpu.reduction_kind<sum>} : vector<16xi1> -> vector<16xi32>
        %reduce_max3A = arith.constant true
        %reduce_max3A_370 = vector.broadcast %reduce_max3A : i1 to vector<16xi1>
        %reduce_max3A_371 = arith.constant -2147483648 : i32
        %reduce_max3A_372 = vector.broadcast %reduce_max3A_371 : i32 to vector<16xi32>
        %reduce_max3A_373 = arith.xori %all_reduce_population_count3A, %reduce_max3A_372 : vector<16xi32>
        %reduce_max3A_374 = tpu.scan <max>, %reduce_max3A_373 masked %reduce_max3A_370 : vector<16xi32>, vector<16xi1> -> vector<16xi32>
        %reduce_max3A_375 = arith.xori %reduce_max3A_374, %reduce_max3A_372 : vector<16xi32>
        %reduce_max3A_376 = vector.extract %reduce_max3A_375[15] : i32 from vector<16xi32>
        %add3A_377 = arith.addi %scan3A_348, %reduce_max3A_376 : i32
        scf.yield %add3A_377 : i32
      }
      %scan3A_340 = arith.constant 8 : i32
      %ge3A = arith.constant 128 : i32
      %ge3A_341 = arith.cmpi sge, %scan3A_339, %ge3A : i32
      %convert_element_type3A = arith.extui %ge3A_341 : i1 to i32
      %cond3A = arith.constant 0 : i32
      %cond3A_342 = arith.cmpi ne, %convert_element_type3A, %cond3A : i32
      scf.if %cond3A_342 {
        %dma_wait3A_347 = arith.constant 0 : i32
        %dma_wait3A_348 = arith.constant 0 : i32
        %dma_wait3A_349 = tpu.memref_slice %arg20[%dma_wait3A_347, %dma_wait3A_348] : memref<5248x128xf32, #tpu.memory_space<vmem_shared>> -> memref<5248x128xf32, #tpu.memory_space<vmem_shared>>
        tpu.wait_indirect_dma semaphore(%arg23 : memref<!tpu.dma_semaphore, #tpu.memory_space<semaphore_mem>>) src(%arg17 : memref<128x128xf32, #tpu.memory_space<vmem>>) dst(%dma_wait3A_349 : memref<5248x128xf32, #tpu.memory_space<vmem_shared>>)
        %scan3A_350 = arith.constant 0 : i32
        %scan3A_351 = arith.constant 8 : i32
        %scan3A_352 = arith.addi %scan3A_350, %scan3A_351 : i32
        %scan3A_353 = arith.constant 1 : i32
        scf.for %scan3A_528 = %scan3A_350 to %scan3A_352 step %scan3A_353  : i32 {
          %mul3A_529 = arith.constant 16 : i32
          %mul3A_530 = arith.muli %scan3A_528, %mul3A_529 : i32
          %add3A_531 = arith.constant 0 : i32
          %add3A_532 = arith.addi %add3A_531, %mul3A_530 : i32
          %get3A_533 = arith.index_cast %add3A_532 : i32 to index
          %get3A_534 = tpu.vector_load %arg10[%get3A_533] {strides = array<i32>} : memref<280xi32, #tpu.memory_space<vmem>>, vector<16xi32>,
          %swap3A_535 = arith.index_cast %add3A_532 : i32 to index
          %swap3A_536 = tpu.vector_load %arg12[%swap3A_535] {strides = array<i32>} : memref<128xi32, #tpu.memory_space<vmem>>, vector<16xi32>,
          tpu.vector_store %arg12[%swap3A_535], %get3A_534 {strides = array<i32>} : memref<128xi32, #tpu.memory_space<vmem>>, vector<16xi32>,
          %sub3A_537 = vector.broadcast %mul3A_0 : i32 to vector<16xi32>
          %sub3A_538 = arith.subi %get3A_534, %sub3A_537 : vector<16xi32>
          %swap3A_539 = arith.index_cast %add3A_532 : i32 to index
          %swap3A_540 = tpu.vector_load %arg14[%swap3A_539] {strides = array<i32>} : memref<128xi32, #tpu.memory_space<vmem>>, vector<16xi32>,
          tpu.vector_store %arg14[%swap3A_539], %sub3A_538 {strides = array<i32>} : memref<128xi32, #tpu.memory_space<vmem>>, vector<16xi32>,
          %get3A_541 = arith.index_cast %add3A_532 : i32 to index
          %get3A_542 = tpu.vector_load %arg11[%get3A_541] {strides = array<i32>} : memref<280xi32, #tpu.memory_space<vmem>>, vector<16xi32>,
          %swap3A_543 = arith.index_cast %add3A_532 : i32 to index
          %swap3A_544 = tpu.vector_load %arg13[%swap3A_543] {strides = array<i32>} : memref<128xi32, #tpu.memory_space<vmem>>, vector<16xi32>,
          tpu.vector_store %arg13[%swap3A_543], %get3A_542 {strides = array<i32>} : memref<128xi32, #tpu.memory_space<vmem>>, vector<16xi32>,
        }
        %scan3A_354 = arith.constant 8 : i32
        %dma_start3A_355 = arith.constant 0 : i32
        %dma_start3A_356 = arith.constant 0 : i32
        %dma_start3A_357 = tpu.memref_slice %arg16[%dma_start3A_355, %dma_start3A_356] : memref<128x256xf32, #tpu.memory_space<vmem>> -> memref<32x256xf32, #tpu.memory_space<vmem>>
        %dma_start3A_358 = arith.constant 0 : i32
        %dma_start3A_359 = tpu.memref_slice %arg13[%dma_start3A_358] : memref<128xi32, #tpu.memory_space<vmem>> -> memref<32xi32, #tpu.memory_space<vmem>>
        %dma_start3A_360 = arith.constant 0 : i32
        %dma_start3A_361 = arith.constant 0 : i32
        %dma_start3A_362 = tpu.memref_slice %arg3[%dma_start3A_360, %dma_start3A_361] : memref<11264x256xf32, #tpu.memory_space<hbm>> -> memref<11264x256xf32, #tpu.memory_space<hbm>>
        tpu.enqueue_indirect_dma source(%dma_start3A_362 : memref<11264x256xf32, #tpu.memory_space<hbm>>) target(%dma_start3A_357 : memref<32x256xf32, #tpu.memory_space<vmem>>) offsets(%dma_start3A_359 : memref<32xi32, #tpu.memory_space<vmem>>) semaphore(%arg22 : memref<!tpu.dma_semaphore, #tpu.memory_space<semaphore_mem>>)
        %dma_start3A_363 = arith.constant 32 : i32
        %dma_start3A_364 = arith.constant 0 : i32
        %dma_start3A_365 = tpu.memref_slice %arg16[%dma_start3A_363, %dma_start3A_364] : memref<128x256xf32, #tpu.memory_space<vmem>> -> memref<32x256xf32, #tpu.memory_space<vmem>>
        %dma_start3A_366 = arith.constant 32 : i32
        %dma_start3A_367 = tpu.memref_slice %arg13[%dma_start3A_366] : memref<128xi32, #tpu.memory_space<vmem>> -> memref<32xi32, #tpu.memory_space<vmem>>
        %dma_start3A_368 = arith.constant 0 : i32
        %dma_start3A_369 = arith.constant 0 : i32
        %dma_start3A_370 = tpu.memref_slice %arg3[%dma_start3A_368, %dma_start3A_369] : memref<11264x256xf32, #tpu.memory_space<hbm>> -> memref<11264x256xf32, #tpu.memory_space<hbm>>
        tpu.enqueue_indirect_dma source(%dma_start3A_370 : memref<11264x256xf32, #tpu.memory_space<hbm>>) target(%dma_start3A_365 : memref<32x256xf32, #tpu.memory_space<vmem>>) offsets(%dma_start3A_367 : memref<32xi32, #tpu.memory_space<vmem>>) semaphore(%arg22 : memref<!tpu.dma_semaphore, #tpu.memory_space<semaphore_mem>>)
        %dma_start3A_371 = arith.constant 64 : i32
        %dma_start3A_372 = arith.constant 0 : i32
        %dma_start3A_373 = tpu.memref_slice %arg16[%dma_start3A_371, %dma_start3A_372] : memref<128x256xf32, #tpu.memory_space<vmem>> -> memref<32x256xf32, #tpu.memory_space<vmem>>
        %dma_start3A_374 = arith.constant 64 : i32
        %dma_start3A_375 = tpu.memref_slice %arg13[%dma_start3A_374] : memref<128xi32, #tpu.memory_space<vmem>> -> memref<32xi32, #tpu.memory_space<vmem>>
        %dma_start3A_376 = arith.constant 0 : i32
        %dma_start3A_377 = arith.constant 0 : i32
        %dma_start3A_378 = tpu.memref_slice %arg3[%dma_start3A_376, %dma_start3A_377] : memref<11264x256xf32, #tpu.memory_space<hbm>> -> memref<11264x256xf32, #tpu.memory_space<hbm>>
        tpu.enqueue_indirect_dma source(%dma_start3A_378 : memref<11264x256xf32, #tpu.memory_space<hbm>>) target(%dma_start3A_373 : memref<32x256xf32, #tpu.memory_space<vmem>>) offsets(%dma_start3A_375 : memref<32xi32, #tpu.memory_space<vmem>>) semaphore(%arg22 : memref<!tpu.dma_semaphore, #tpu.memory_space<semaphore_mem>>)
        %dma_start3A_379 = arith.constant 96 : i32
        %dma_start3A_380 = arith.constant 0 : i32
        %dma_start3A_381 = tpu.memref_slice %arg16[%dma_start3A_379, %dma_start3A_380] : memref<128x256xf32, #tpu.memory_space<vmem>> -> memref<32x256xf32, #tpu.memory_space<vmem>>
        %dma_start3A_382 = arith.constant 96 : i32
        %dma_start3A_383 = tpu.memref_slice %arg13[%dma_start3A_382] : memref<128xi32, #tpu.memory_space<vmem>> -> memref<32xi32, #tpu.memory_space<vmem>>
        %dma_start3A_384 = arith.constant 0 : i32
        %dma_start3A_385 = arith.constant 0 : i32
        %dma_start3A_386 = tpu.memref_slice %arg3[%dma_start3A_384, %dma_start3A_385] : memref<11264x256xf32, #tpu.memory_space<hbm>> -> memref<11264x256xf32, #tpu.memory_space<hbm>>
        tpu.enqueue_indirect_dma source(%dma_start3A_386 : memref<11264x256xf32, #tpu.memory_space<hbm>>) target(%dma_start3A_381 : memref<32x256xf32, #tpu.memory_space<vmem>>) offsets(%dma_start3A_383 : memref<32xi32, #tpu.memory_space<vmem>>) semaphore(%arg22 : memref<!tpu.dma_semaphore, #tpu.memory_space<semaphore_mem>>)
        %dma_start3A_387 = arith.constant 0 : i32
        %dma_start3A_388 = arith.constant 0 : i32
        %dma_start3A_389 = tpu.memref_slice %arg15[%dma_start3A_387, %dma_start3A_388] : memref<128x128xf32, #tpu.memory_space<vmem>> -> memref<64x128xf32, #tpu.memory_space<vmem>>
        %dma_start3A_390 = arith.constant 0 : i32
        %dma_start3A_391 = tpu.memref_slice %arg12[%dma_start3A_390] : memref<128xi32, #tpu.memory_space<vmem>> -> memref<64xi32, #tpu.memory_space<vmem>>
        %dma_start3A_392 = arith.constant 0 : i32
        %dma_start3A_393 = arith.constant 0 : i32
        %dma_start3A_394 = tpu.memref_slice %arg2[%dma_start3A_392, %dma_start3A_393] : memref<11264x128xf32, #tpu.memory_space<hbm>> -> memref<11264x128xf32, #tpu.memory_space<hbm>>
        tpu.enqueue_indirect_dma source(%dma_start3A_394 : memref<11264x128xf32, #tpu.memory_space<hbm>>) target(%dma_start3A_389 : memref<64x128xf32, #tpu.memory_space<vmem>>) offsets(%dma_start3A_391 : memref<64xi32, #tpu.memory_space<vmem>>) semaphore(%arg21 : memref<!tpu.dma_semaphore, #tpu.memory_space<semaphore_mem>>)
        %dma_start3A_395 = arith.constant 64 : i32
        %dma_start3A_396 = arith.constant 0 : i32
        %dma_start3A_397 = tpu.memref_slice %arg15[%dma_start3A_395, %dma_start3A_396] : memref<128x128xf32, #tpu.memory_space<vmem>> -> memref<64x128xf32, #tpu.memory_space<vmem>>
        %dma_start3A_398 = arith.constant 64 : i32
        %dma_start3A_399 = tpu.memref_slice %arg12[%dma_start3A_398] : memref<128xi32, #tpu.memory_space<vmem>> -> memref<64xi32, #tpu.memory_space<vmem>>
        %dma_start3A_400 = arith.constant 0 : i32
        %dma_start3A_401 = arith.constant 0 : i32
        %dma_start3A_402 = tpu.memref_slice %arg2[%dma_start3A_400, %dma_start3A_401] : memref<11264x128xf32, #tpu.memory_space<hbm>> -> memref<11264x128xf32, #tpu.memory_space<hbm>>
        tpu.enqueue_indirect_dma source(%dma_start3A_402 : memref<11264x128xf32, #tpu.memory_space<hbm>>) target(%dma_start3A_397 : memref<64x128xf32, #tpu.memory_space<vmem>>) offsets(%dma_start3A_399 : memref<64xi32, #tpu.memory_space<vmem>>) semaphore(%arg21 : memref<!tpu.dma_semaphore, #tpu.memory_space<semaphore_mem>>)
        %dma_wait3A_403 = arith.constant 0 : i32
        %dma_wait3A_404 = arith.constant 0 : i32
        %dma_wait3A_405 = tpu.memref_slice %arg16[%dma_wait3A_403, %dma_wait3A_404] : memref<128x256xf32, #tpu.memory_space<vmem>> -> memref<32x256xf32, #tpu.memory_space<vmem>>
        %dma_wait3A_406 = arith.constant 0 : i32
        %dma_wait3A_407 = tpu.memref_slice %arg13[%dma_wait3A_406] : memref<128xi32, #tpu.memory_space<vmem>> -> memref<32xi32, #tpu.memory_space<vmem>>
        %dma_wait3A_408 = arith.constant 0 : i32
        %dma_wait3A_409 = arith.constant 0 : i32
        %dma_wait3A_410 = tpu.memref_slice %arg3[%dma_wait3A_408, %dma_wait3A_409] : memref<11264x256xf32, #tpu.memory_space<hbm>> -> memref<11264x256xf32, #tpu.memory_space<hbm>>
        tpu.wait_indirect_dma semaphore(%arg22 : memref<!tpu.dma_semaphore, #tpu.memory_space<semaphore_mem>>) src(%dma_wait3A_410 : memref<11264x256xf32, #tpu.memory_space<hbm>>) dst(%dma_wait3A_405 : memref<32x256xf32, #tpu.memory_space<vmem>>)
        %dma_wait3A_411 = arith.constant 32 : i32
        %dma_wait3A_412 = arith.constant 0 : i32
        %dma_wait3A_413 = tpu.memref_slice %arg16[%dma_wait3A_411, %dma_wait3A_412] : memref<128x256xf32, #tpu.memory_space<vmem>> -> memref<32x256xf32, #tpu.memory_space<vmem>>
        %dma_wait3A_414 = arith.constant 32 : i32
        %dma_wait3A_415 = tpu.memref_slice %arg13[%dma_wait3A_414] : memref<128xi32, #tpu.memory_space<vmem>> -> memref<32xi32, #tpu.memory_space<vmem>>
        %dma_wait3A_416 = arith.constant 0 : i32
        %dma_wait3A_417 = arith.constant 0 : i32
        %dma_wait3A_418 = tpu.memref_slice %arg3[%dma_wait3A_416, %dma_wait3A_417] : memref<11264x256xf32, #tpu.memory_space<hbm>> -> memref<11264x256xf32, #tpu.memory_space<hbm>>
        tpu.wait_indirect_dma semaphore(%arg22 : memref<!tpu.dma_semaphore, #tpu.memory_space<semaphore_mem>>) src(%dma_wait3A_418 : memref<11264x256xf32, #tpu.memory_space<hbm>>) dst(%dma_wait3A_413 : memref<32x256xf32, #tpu.memory_space<vmem>>)
        %dma_wait3A_419 = arith.constant 64 : i32
        %dma_wait3A_420 = arith.constant 0 : i32
        %dma_wait3A_421 = tpu.memref_slice %arg16[%dma_wait3A_419, %dma_wait3A_420] : memref<128x256xf32, #tpu.memory_space<vmem>> -> memref<32x256xf32, #tpu.memory_space<vmem>>
        %dma_wait3A_422 = arith.constant 64 : i32
        %dma_wait3A_423 = tpu.memref_slice %arg13[%dma_wait3A_422] : memref<128xi32, #tpu.memory_space<vmem>> -> memref<32xi32, #tpu.memory_space<vmem>>
        %dma_wait3A_424 = arith.constant 0 : i32
        %dma_wait3A_425 = arith.constant 0 : i32
        %dma_wait3A_426 = tpu.memref_slice %arg3[%dma_wait3A_424, %dma_wait3A_425] : memref<11264x256xf32, #tpu.memory_space<hbm>> -> memref<11264x256xf32, #tpu.memory_space<hbm>>
        tpu.wait_indirect_dma semaphore(%arg22 : memref<!tpu.dma_semaphore, #tpu.memory_space<semaphore_mem>>) src(%dma_wait3A_426 : memref<11264x256xf32, #tpu.memory_space<hbm>>) dst(%dma_wait3A_421 : memref<32x256xf32, #tpu.memory_space<vmem>>)
        %dma_wait3A_427 = arith.constant 96 : i32
        %dma_wait3A_428 = arith.constant 0 : i32
        %dma_wait3A_429 = tpu.memref_slice %arg16[%dma_wait3A_427, %dma_wait3A_428] : memref<128x256xf32, #tpu.memory_space<vmem>> -> memref<32x256xf32, #tpu.memory_space<vmem>>
        %dma_wait3A_430 = arith.constant 96 : i32
        %dma_wait3A_431 = tpu.memref_slice %arg13[%dma_wait3A_430] : memref<128xi32, #tpu.memory_space<vmem>> -> memref<32xi32, #tpu.memory_space<vmem>>
        %dma_wait3A_432 = arith.constant 0 : i32
        %dma_wait3A_433 = arith.constant 0 : i32
        %dma_wait3A_434 = tpu.memref_slice %arg3[%dma_wait3A_432, %dma_wait3A_433] : memref<11264x256xf32, #tpu.memory_space<hbm>> -> memref<11264x256xf32, #tpu.memory_space<hbm>>
        tpu.wait_indirect_dma semaphore(%arg22 : memref<!tpu.dma_semaphore, #tpu.memory_space<semaphore_mem>>) src(%dma_wait3A_434 : memref<11264x256xf32, #tpu.memory_space<hbm>>) dst(%dma_wait3A_429 : memref<32x256xf32, #tpu.memory_space<vmem>>)
        %dma_wait3A_435 = arith.constant 0 : i32
        %dma_wait3A_436 = arith.constant 0 : i32
        %dma_wait3A_437 = tpu.memref_slice %arg15[%dma_wait3A_435, %dma_wait3A_436] : memref<128x128xf32, #tpu.memory_space<vmem>> -> memref<64x128xf32, #tpu.memory_space<vmem>>
        %dma_wait3A_438 = arith.constant 0 : i32
        %dma_wait3A_439 = tpu.memref_slice %arg12[%dma_wait3A_438] : memref<128xi32, #tpu.memory_space<vmem>> -> memref<64xi32, #tpu.memory_space<vmem>>
        %dma_wait3A_440 = arith.constant 0 : i32
        %dma_wait3A_441 = arith.constant 0 : i32
        %dma_wait3A_442 = tpu.memref_slice %arg2[%dma_wait3A_440, %dma_wait3A_441] : memref<11264x128xf32, #tpu.memory_space<hbm>> -> memref<11264x128xf32, #tpu.memory_space<hbm>>
        tpu.wait_indirect_dma semaphore(%arg21 : memref<!tpu.dma_semaphore, #tpu.memory_space<semaphore_mem>>) src(%dma_wait3A_442 : memref<11264x128xf32, #tpu.memory_space<hbm>>) dst(%dma_wait3A_437 : memref<64x128xf32, #tpu.memory_space<vmem>>)
        %dma_wait3A_443 = arith.constant 64 : i32
        %dma_wait3A_444 = arith.constant 0 : i32
        %dma_wait3A_445 = tpu.memref_slice %arg15[%dma_wait3A_443, %dma_wait3A_444] : memref<128x128xf32, #tpu.memory_space<vmem>> -> memref<64x128xf32, #tpu.memory_space<vmem>>
        %dma_wait3A_446 = arith.constant 64 : i32
        %dma_wait3A_447 = tpu.memref_slice %arg12[%dma_wait3A_446] : memref<128xi32, #tpu.memory_space<vmem>> -> memref<64xi32, #tpu.memory_space<vmem>>
        %dma_wait3A_448 = arith.constant 0 : i32
        %dma_wait3A_449 = arith.constant 0 : i32
        %dma_wait3A_450 = tpu.memref_slice %arg2[%dma_wait3A_448, %dma_wait3A_449] : memref<11264x128xf32, #tpu.memory_space<hbm>> -> memref<11264x128xf32, #tpu.memory_space<hbm>>
        tpu.wait_indirect_dma semaphore(%arg21 : memref<!tpu.dma_semaphore, #tpu.memory_space<semaphore_mem>>) src(%dma_wait3A_450 : memref<11264x128xf32, #tpu.memory_space<hbm>>) dst(%dma_wait3A_445 : memref<64x128xf32, #tpu.memory_space<vmem>>)
        %scan3A_451 = arith.constant 0 : i32
        %scan3A_452 = arith.constant 128 : i32
        %scan3A_453 = arith.addi %scan3A_451, %scan3A_452 : i32
        %scan3A_454 = arith.constant 4 : i32
        scf.for %scan3A_528 = %scan3A_451 to %scan3A_453 step %scan3A_454  : i32 {
          %mul3A_529 = arith.constant 1 : i32
          %mul3A_530 = arith.muli %scan3A_528, %mul3A_529 : i32
          %add3A_531 = arith.constant 0 : i32
          %add3A_532 = arith.addi %add3A_531, %mul3A_530 : i32
          %get3A_533 = arith.index_cast %add3A_532 : i32 to index
          %get3A_534 = arith.constant 0 : index
          %get3A_535 = tpu.vector_load %arg15[%get3A_533, %get3A_534] {strides = array<i32>} : memref<128x128xf32, #tpu.memory_space<vmem>>, vector<16xf32>,
          %get3A_536 = arith.index_cast %add3A_532 : i32 to index
          %get3A_537 = arith.constant 0 : index
          %get3A_538 = tpu.vector_load %arg16[%get3A_536, %get3A_537] {strides = array<i32>} : memref<128x256xf32, #tpu.memory_space<vmem>>, vector<16xf32>,
          %mul3A_539 = arith.mulf %get3A_535, %get3A_538 : vector<16xf32>
          %get3A_540 = arith.index_cast %add3A_532 : i32 to index
          %get3A_541 = arith.constant 16 : index
          %get3A_542 = tpu.vector_load %arg15[%get3A_540, %get3A_541] {strides = array<i32>} : memref<128x128xf32, #tpu.memory_space<vmem>>, vector<16xf32>,
          %get3A_543 = arith.index_cast %add3A_532 : i32 to index
          %get3A_544 = arith.constant 16 : index
          %get3A_545 = tpu.vector_load %arg16[%get3A_543, %get3A_544] {strides = array<i32>} : memref<128x256xf32, #tpu.memory_space<vmem>>, vector<16xf32>,
          %mul3A_546 = arith.mulf %get3A_542, %get3A_545 : vector<16xf32>
          %get3A_547 = arith.index_cast %add3A_532 : i32 to index
          %get3A_548 = arith.constant 32 : index
          %get3A_549 = tpu.vector_load %arg15[%get3A_547, %get3A_548] {strides = array<i32>} : memref<128x128xf32, #tpu.memory_space<vmem>>, vector<16xf32>,
          %get3A_550 = arith.index_cast %add3A_532 : i32 to index
          %get3A_551 = arith.constant 32 : index
          %get3A_552 = tpu.vector_load %arg16[%get3A_550, %get3A_551] {strides = array<i32>} : memref<128x256xf32, #tpu.memory_space<vmem>>, vector<16xf32>,
          %mul3A_553 = arith.mulf %get3A_549, %get3A_552 : vector<16xf32>
          %get3A_554 = arith.index_cast %add3A_532 : i32 to index
          %get3A_555 = arith.constant 48 : index
          %get3A_556 = tpu.vector_load %arg15[%get3A_554, %get3A_555] {strides = array<i32>} : memref<128x128xf32, #tpu.memory_space<vmem>>, vector<16xf32>,
          %get3A_557 = arith.index_cast %add3A_532 : i32 to index
          %get3A_558 = arith.constant 48 : index
          %get3A_559 = tpu.vector_load %arg16[%get3A_557, %get3A_558] {strides = array<i32>} : memref<128x256xf32, #tpu.memory_space<vmem>>, vector<16xf32>,
          %mul3A_560 = arith.mulf %get3A_556, %get3A_559 : vector<16xf32>
          %get3A_561 = arith.index_cast %add3A_532 : i32 to index
          %get3A_562 = arith.constant 64 : index
          %get3A_563 = tpu.vector_load %arg15[%get3A_561, %get3A_562] {strides = array<i32>} : memref<128x128xf32, #tpu.memory_space<vmem>>, vector<16xf32>,
          %get3A_564 = arith.index_cast %add3A_532 : i32 to index
          %get3A_565 = arith.constant 64 : index
          %get3A_566 = tpu.vector_load %arg16[%get3A_564, %get3A_565] {strides = array<i32>} : memref<128x256xf32, #tpu.memory_space<vmem>>, vector<16xf32>,
          %mul3A_567 = arith.mulf %get3A_563, %get3A_566 : vector<16xf32>
          %get3A_568 = arith.index_cast %add3A_532 : i32 to index
          %get3A_569 = arith.constant 80 : index
          %get3A_570 = tpu.vector_load %arg15[%get3A_568, %get3A_569] {strides = array<i32>} : memref<128x128xf32, #tpu.memory_space<vmem>>, vector<16xf32>,
          %get3A_571 = arith.index_cast %add3A_532 : i32 to index
          %get3A_572 = arith.constant 80 : index
          %get3A_573 = tpu.vector_load %arg16[%get3A_571, %get3A_572] {strides = array<i32>} : memref<128x256xf32, #tpu.memory_space<vmem>>, vector<16xf32>,
          %mul3A_574 = arith.mulf %get3A_570, %get3A_573 : vector<16xf32>
          %get3A_575 = arith.index_cast %add3A_532 : i32 to index
          %get3A_576 = arith.constant 96 : index
          %get3A_577 = tpu.vector_load %arg15[%get3A_575, %get3A_576] {strides = array<i32>} : memref<128x128xf32, #tpu.memory_space<vmem>>, vector<16xf32>,
          %get3A_578 = arith.index_cast %add3A_532 : i32 to index
          %get3A_579 = arith.constant 96 : index
          %get3A_580 = tpu.vector_load %arg16[%get3A_578, %get3A_579] {strides = array<i32>} : memref<128x256xf32, #tpu.memory_space<vmem>>, vector<16xf32>,
          %mul3A_581 = arith.mulf %get3A_577, %get3A_580 : vector<16xf32>
          %get3A_582 = arith.index_cast %add3A_532 : i32 to index
          %get3A_583 = arith.constant 112 : index
          %get3A_584 = tpu.vector_load %arg15[%get3A_582, %get3A_583] {strides = array<i32>} : memref<128x128xf32, #tpu.memory_space<vmem>>, vector<16xf32>,
          %get3A_585 = arith.index_cast %add3A_532 : i32 to index
          %get3A_586 = arith.constant 112 : index
          %get3A_587 = tpu.vector_load %arg16[%get3A_585, %get3A_586] {strides = array<i32>} : memref<128x256xf32, #tpu.memory_space<vmem>>, vector<16xf32>,
          %mul3A_588 = arith.mulf %get3A_584, %get3A_587 : vector<16xf32>
          %add3A_589 = arith.addf %mul3A_539, %mul3A_546 : vector<16xf32>
          %reduce_sum3A = arith.constant true
          %reduce_sum3A_590 = vector.broadcast %reduce_sum3A : i1 to vector<16xi1>
          %reduce_sum3A_591 = tpu.scan <sum>, %add3A_589 masked %reduce_sum3A_590 : vector<16xf32>, vector<16xi1> -> vector<16xf32>
          %reduce_sum3A_592 = vector.extract %reduce_sum3A_591[15] : f32 from vector<16xf32>
          %broadcast_in_dim3A_593 = arith.constant 0 : i32
          %broadcast_in_dim3A_594 = vector.broadcast %broadcast_in_dim3A_593 : i32 to vector<16xi32>
          %broadcast_in_dim3A_595 = vector.broadcast %add3A_532 : i32 to vector<16xi32>
          %broadcast_in_dim3A_596 = vector.broadcast %reduce_sum3A_592 : f32 to vector<16xf32>
          tpu.vector_store_idx %arg18[%broadcast_in_dim3A_594, %broadcast_in_dim3A_595], %broadcast_in_dim3A_596 masked %eq3A_3 : memref<4x128xf32, #tpu.memory_space<vmem>>[vector<16xi32>, vector<16xi32>], vector<16xf32>, vector<16xi1>
          %broadcast_in_dim3A_597 = vector.broadcast %reduce_sum3A_592 : f32 to vector<16xf32>
          %exp3A = math.exp %broadcast_in_dim3A_597 : vector<16xf32>
          %get3A_598 = arith.index_cast %add3A_532 : i32 to index
          %get3A_599 = arith.constant 128 : index
          %get3A_600 = tpu.vector_load %arg16[%get3A_598, %get3A_599] {strides = array<i32>} : memref<128x256xf32, #tpu.memory_space<vmem>>, vector<16xf32>,
          %get3A_601 = arith.index_cast %add3A_532 : i32 to index
          %get3A_602 = arith.constant 144 : index
          %get3A_603 = tpu.vector_load %arg16[%get3A_601, %get3A_602] {strides = array<i32>} : memref<128x256xf32, #tpu.memory_space<vmem>>, vector<16xf32>,
          %mul3A_604 = arith.mulf %get3A_600, %exp3A : vector<16xf32>
          %swap3A_605 = arith.index_cast %add3A_532 : i32 to index
          %swap3A_606 = arith.constant 0 : index
          %swap3A_607 = tpu.vector_load %arg17[%swap3A_605, %swap3A_606] {strides = array<i32>} : memref<128x128xf32, #tpu.memory_space<vmem>>, vector<16xf32>,
          tpu.vector_store %arg17[%swap3A_605, %swap3A_606], %mul3A_604 {strides = array<i32>} : memref<128x128xf32, #tpu.memory_space<vmem>>, vector<16xf32>,
          %mul3A_608 = arith.mulf %get3A_603, %exp3A : vector<16xf32>
          %swap3A_609 = arith.index_cast %add3A_532 : i32 to index
          %swap3A_610 = arith.constant 16 : index
          %swap3A_611 = tpu.vector_load %arg17[%swap3A_609, %swap3A_610] {strides = array<i32>} : memref<128x128xf32, #tpu.memory_space<vmem>>, vector<16xf32>,
          tpu.vector_store %arg17[%swap3A_609, %swap3A_610], %mul3A_608 {strides = array<i32>} : memref<128x128xf32, #tpu.memory_space<vmem>>, vector<16xf32>,
          %add3A_612 = arith.addf %mul3A_553, %mul3A_560 : vector<16xf32>
          %reduce_sum3A_613 = arith.constant true
          %reduce_sum3A_614 = vector.broadcast %reduce_sum3A_613 : i1 to vector<16xi1>
          %reduce_sum3A_615 = tpu.scan <sum>, %add3A_612 masked %reduce_sum3A_614 : vector<16xf32>, vector<16xi1> -> vector<16xf32>
          %reduce_sum3A_616 = vector.extract %reduce_sum3A_615[15] : f32 from vector<16xf32>
          %broadcast_in_dim3A_617 = arith.constant 1 : i32
          %broadcast_in_dim3A_618 = vector.broadcast %broadcast_in_dim3A_617 : i32 to vector<16xi32>
          %broadcast_in_dim3A_619 = vector.broadcast %add3A_532 : i32 to vector<16xi32>
          %broadcast_in_dim3A_620 = vector.broadcast %reduce_sum3A_616 : f32 to vector<16xf32>
          tpu.vector_store_idx %arg18[%broadcast_in_dim3A_618, %broadcast_in_dim3A_619], %broadcast_in_dim3A_620 masked %eq3A_3 : memref<4x128xf32, #tpu.memory_space<vmem>>[vector<16xi32>, vector<16xi32>], vector<16xf32>, vector<16xi1>
          %broadcast_in_dim3A_621 = vector.broadcast %reduce_sum3A_616 : f32 to vector<16xf32>
          %exp3A_622 = math.exp %broadcast_in_dim3A_621 : vector<16xf32>
          %get3A_623 = arith.index_cast %add3A_532 : i32 to index
          %get3A_624 = arith.constant 160 : index
          %get3A_625 = tpu.vector_load %arg16[%get3A_623, %get3A_624] {strides = array<i32>} : memref<128x256xf32, #tpu.memory_space<vmem>>, vector<16xf32>,
          %get3A_626 = arith.index_cast %add3A_532 : i32 to index
          %get3A_627 = arith.constant 176 : index
          %get3A_628 = tpu.vector_load %arg16[%get3A_626, %get3A_627] {strides = array<i32>} : memref<128x256xf32, #tpu.memory_space<vmem>>, vector<16xf32>,
          %mul3A_629 = arith.mulf %get3A_625, %exp3A_622 : vector<16xf32>
          %swap3A_630 = arith.index_cast %add3A_532 : i32 to index
          %swap3A_631 = arith.constant 32 : index
          %swap3A_632 = tpu.vector_load %arg17[%swap3A_630, %swap3A_631] {strides = array<i32>} : memref<128x128xf32, #tpu.memory_space<vmem>>, vector<16xf32>,
          tpu.vector_store %arg17[%swap3A_630, %swap3A_631], %mul3A_629 {strides = array<i32>} : memref<128x128xf32, #tpu.memory_space<vmem>>, vector<16xf32>,
          %mul3A_633 = arith.mulf %get3A_628, %exp3A_622 : vector<16xf32>
          %swap3A_634 = arith.index_cast %add3A_532 : i32 to index
          %swap3A_635 = arith.constant 48 : index
          %swap3A_636 = tpu.vector_load %arg17[%swap3A_634, %swap3A_635] {strides = array<i32>} : memref<128x128xf32, #tpu.memory_space<vmem>>, vector<16xf32>,
          tpu.vector_store %arg17[%swap3A_634, %swap3A_635], %mul3A_633 {strides = array<i32>} : memref<128x128xf32, #tpu.memory_space<vmem>>, vector<16xf32>,
          %add3A_637 = arith.addf %mul3A_567, %mul3A_574 : vector<16xf32>
          %reduce_sum3A_638 = arith.constant true
          %reduce_sum3A_639 = vector.broadcast %reduce_sum3A_638 : i1 to vector<16xi1>
          %reduce_sum3A_640 = tpu.scan <sum>, %add3A_637 masked %reduce_sum3A_639 : vector<16xf32>, vector<16xi1> -> vector<16xf32>
          %reduce_sum3A_641 = vector.extract %reduce_sum3A_640[15] : f32 from vector<16xf32>
          %broadcast_in_dim3A_642 = arith.constant 2 : i32
          %broadcast_in_dim3A_643 = vector.broadcast %broadcast_in_dim3A_642 : i32 to vector<16xi32>
          %broadcast_in_dim3A_644 = vector.broadcast %add3A_532 : i32 to vector<16xi32>
          %broadcast_in_dim3A_645 = vector.broadcast %reduce_sum3A_641 : f32 to vector<16xf32>
          tpu.vector_store_idx %arg18[%broadcast_in_dim3A_643, %broadcast_in_dim3A_644], %broadcast_in_dim3A_645 masked %eq3A_3 : memref<4x128xf32, #tpu.memory_space<vmem>>[vector<16xi32>, vector<16xi32>], vector<16xf32>, vector<16xi1>
          %broadcast_in_dim3A_646 = vector.broadcast %reduce_sum3A_641 : f32 to vector<16xf32>
          %exp3A_647 = math.exp %broadcast_in_dim3A_646 : vector<16xf32>
          %get3A_648 = arith.index_cast %add3A_532 : i32 to index
          %get3A_649 = arith.constant 192 : index
          %get3A_650 = tpu.vector_load %arg16[%get3A_648, %get3A_649] {strides = array<i32>} : memref<128x256xf32, #tpu.memory_space<vmem>>, vector<16xf32>,
          %get3A_651 = arith.index_cast %add3A_532 : i32 to index
          %get3A_652 = arith.constant 208 : index
          %get3A_653 = tpu.vector_load %arg16[%get3A_651, %get3A_652] {strides = array<i32>} : memref<128x256xf32, #tpu.memory_space<vmem>>, vector<16xf32>,
          %mul3A_654 = arith.mulf %get3A_650, %exp3A_647 : vector<16xf32>
          %swap3A_655 = arith.index_cast %add3A_532 : i32 to index
          %swap3A_656 = arith.constant 64 : index
          %swap3A_657 = tpu.vector_load %arg17[%swap3A_655, %swap3A_656] {strides = array<i32>} : memref<128x128xf32, #tpu.memory_space<vmem>>, vector<16xf32>,
          tpu.vector_store %arg17[%swap3A_655, %swap3A_656], %mul3A_654 {strides = array<i32>} : memref<128x128xf32, #tpu.memory_space<vmem>>, vector<16xf32>,
          %mul3A_658 = arith.mulf %get3A_653, %exp3A_647 : vector<16xf32>
          %swap3A_659 = arith.index_cast %add3A_532 : i32 to index
          %swap3A_660 = arith.constant 80 : index
          %swap3A_661 = tpu.vector_load %arg17[%swap3A_659, %swap3A_660] {strides = array<i32>} : memref<128x128xf32, #tpu.memory_space<vmem>>, vector<16xf32>,
          tpu.vector_store %arg17[%swap3A_659, %swap3A_660], %mul3A_658 {strides = array<i32>} : memref<128x128xf32, #tpu.memory_space<vmem>>, vector<16xf32>,
          %add3A_662 = arith.addf %mul3A_581, %mul3A_588 : vector<16xf32>
          %reduce_sum3A_663 = arith.constant true
          %reduce_sum3A_664 = vector.broadcast %reduce_sum3A_663 : i1 to vector<16xi1>
          %reduce_sum3A_665 = tpu.scan <sum>, %add3A_662 masked %reduce_sum3A_664 : vector<16xf32>, vector<16xi1> -> vector<16xf32>
          %reduce_sum3A_666 = vector.extract %reduce_sum3A_665[15] : f32 from vector<16xf32>
          %broadcast_in_dim3A_667 = arith.constant 3 : i32
          %broadcast_in_dim3A_668 = vector.broadcast %broadcast_in_dim3A_667 : i32 to vector<16xi32>
          %broadcast_in_dim3A_669 = vector.broadcast %add3A_532 : i32 to vector<16xi32>
          %broadcast_in_dim3A_670 = vector.broadcast %reduce_sum3A_666 : f32 to vector<16xf32>
          tpu.vector_store_idx %arg18[%broadcast_in_dim3A_668, %broadcast_in_dim3A_669], %broadcast_in_dim3A_670 masked %eq3A_3 : memref<4x128xf32, #tpu.memory_space<vmem>>[vector<16xi32>, vector<16xi32>], vector<16xf32>, vector<16xi1>
          %broadcast_in_dim3A_671 = vector.broadcast %reduce_sum3A_666 : f32 to vector<16xf32>
          %exp3A_672 = math.exp %broadcast_in_dim3A_671 : vector<16xf32>
          %get3A_673 = arith.index_cast %add3A_532 : i32 to index
          %get3A_674 = arith.constant 224 : index
          %get3A_675 = tpu.vector_load %arg16[%get3A_673, %get3A_674] {strides = array<i32>} : memref<128x256xf32, #tpu.memory_space<vmem>>, vector<16xf32>,
          %get3A_676 = arith.index_cast %add3A_532 : i32 to index
          %get3A_677 = arith.constant 240 : index
          %get3A_678 = tpu.vector_load %arg16[%get3A_676, %get3A_677] {strides = array<i32>} : memref<128x256xf32, #tpu.memory_space<vmem>>, vector<16xf32>,
          %mul3A_679 = arith.mulf %get3A_675, %exp3A_672 : vector<16xf32>
          %swap3A_680 = arith.index_cast %add3A_532 : i32 to index
          %swap3A_681 = arith.constant 96 : index
          %swap3A_682 = tpu.vector_load %arg17[%swap3A_680, %swap3A_681] {strides = array<i32>} : memref<128x128xf32, #tpu.memory_space<vmem>>, vector<16xf32>,
          tpu.vector_store %arg17[%swap3A_680, %swap3A_681], %mul3A_679 {strides = array<i32>} : memref<128x128xf32, #tpu.memory_space<vmem>>, vector<16xf32>,
          %mul3A_683 = arith.mulf %get3A_678, %exp3A_672 : vector<16xf32>
          %swap3A_684 = arith.index_cast %add3A_532 : i32 to index
          %swap3A_685 = arith.constant 112 : index
          %swap3A_686 = tpu.vector_load %arg17[%swap3A_684, %swap3A_685] {strides = array<i32>} : memref<128x128xf32, #tpu.memory_space<vmem>>, vector<16xf32>,
          tpu.vector_store %arg17[%swap3A_684, %swap3A_685], %mul3A_683 {strides = array<i32>} : memref<128x128xf32, #tpu.memory_space<vmem>>, vector<16xf32>,
          %scan3A_687 = arith.constant 1 : i32
          %scan3A_688 = arith.addi %scan3A_528, %scan3A_687 : i32
          %mul3A_689 = arith.constant 1 : i32
          %mul3A_690 = arith.muli %scan3A_688, %mul3A_689 : i32
          %add3A_691 = arith.constant 0 : i32
          %add3A_692 = arith.addi %add3A_691, %mul3A_690 : i32
          %get3A_693 = arith.index_cast %add3A_692 : i32 to index
          %get3A_694 = arith.constant 0 : index
          %get3A_695 = tpu.vector_load %arg15[%get3A_693, %get3A_694] {strides = array<i32>} : memref<128x128xf32, #tpu.memory_space<vmem>>, vector<16xf32>,
          %get3A_696 = arith.index_cast %add3A_692 : i32 to index
          %get3A_697 = arith.constant 0 : index
          %get3A_698 = tpu.vector_load %arg16[%get3A_696, %get3A_697] {strides = array<i32>} : memref<128x256xf32, #tpu.memory_space<vmem>>, vector<16xf32>,
          %mul3A_699 = arith.mulf %get3A_695, %get3A_698 : vector<16xf32>
          %get3A_700 = arith.index_cast %add3A_692 : i32 to index
          %get3A_701 = arith.constant 16 : index
          %get3A_702 = tpu.vector_load %arg15[%get3A_700, %get3A_701] {strides = array<i32>} : memref<128x128xf32, #tpu.memory_space<vmem>>, vector<16xf32>,
          %get3A_703 = arith.index_cast %add3A_692 : i32 to index
          %get3A_704 = arith.constant 16 : index
          %get3A_705 = tpu.vector_load %arg16[%get3A_703, %get3A_704] {strides = array<i32>} : memref<128x256xf32, #tpu.memory_space<vmem>>, vector<16xf32>,
          %mul3A_706 = arith.mulf %get3A_702, %get3A_705 : vector<16xf32>
          %get3A_707 = arith.index_cast %add3A_692 : i32 to index
          %get3A_708 = arith.constant 32 : index
          %get3A_709 = tpu.vector_load %arg15[%get3A_707, %get3A_708] {strides = array<i32>} : memref<128x128xf32, #tpu.memory_space<vmem>>, vector<16xf32>,
          %get3A_710 = arith.index_cast %add3A_692 : i32 to index
          %get3A_711 = arith.constant 32 : index
          %get3A_712 = tpu.vector_load %arg16[%get3A_710, %get3A_711] {strides = array<i32>} : memref<128x256xf32, #tpu.memory_space<vmem>>, vector<16xf32>,
          %mul3A_713 = arith.mulf %get3A_709, %get3A_712 : vector<16xf32>
          %get3A_714 = arith.index_cast %add3A_692 : i32 to index
          %get3A_715 = arith.constant 48 : index
          %get3A_716 = tpu.vector_load %arg15[%get3A_714, %get3A_715] {strides = array<i32>} : memref<128x128xf32, #tpu.memory_space<vmem>>, vector<16xf32>,
          %get3A_717 = arith.index_cast %add3A_692 : i32 to index
          %get3A_718 = arith.constant 48 : index
          %get3A_719 = tpu.vector_load %arg16[%get3A_717, %get3A_718] {strides = array<i32>} : memref<128x256xf32, #tpu.memory_space<vmem>>, vector<16xf32>,
          %mul3A_720 = arith.mulf %get3A_716, %get3A_719 : vector<16xf32>
          %get3A_721 = arith.index_cast %add3A_692 : i32 to index
          %get3A_722 = arith.constant 64 : index
          %get3A_723 = tpu.vector_load %arg15[%get3A_721, %get3A_722] {strides = array<i32>} : memref<128x128xf32, #tpu.memory_space<vmem>>, vector<16xf32>,
          %get3A_724 = arith.index_cast %add3A_692 : i32 to index
          %get3A_725 = arith.constant 64 : index
          %get3A_726 = tpu.vector_load %arg16[%get3A_724, %get3A_725] {strides = array<i32>} : memref<128x256xf32, #tpu.memory_space<vmem>>, vector<16xf32>,
          %mul3A_727 = arith.mulf %get3A_723, %get3A_726 : vector<16xf32>
          %get3A_728 = arith.index_cast %add3A_692 : i32 to index
          %get3A_729 = arith.constant 80 : index
          %get3A_730 = tpu.vector_load %arg15[%get3A_728, %get3A_729] {strides = array<i32>} : memref<128x128xf32, #tpu.memory_space<vmem>>, vector<16xf32>,
          %get3A_731 = arith.index_cast %add3A_692 : i32 to index
          %get3A_732 = arith.constant 80 : index
          %get3A_733 = tpu.vector_load %arg16[%get3A_731, %get3A_732] {strides = array<i32>} : memref<128x256xf32, #tpu.memory_space<vmem>>, vector<16xf32>,
          %mul3A_734 = arith.mulf %get3A_730, %get3A_733 : vector<16xf32>
          %get3A_735 = arith.index_cast %add3A_692 : i32 to index
          %get3A_736 = arith.constant 96 : index
          %get3A_737 = tpu.vector_load %arg15[%get3A_735, %get3A_736] {strides = array<i32>} : memref<128x128xf32, #tpu.memory_space<vmem>>, vector<16xf32>,
          %get3A_738 = arith.index_cast %add3A_692 : i32 to index
          %get3A_739 = arith.constant 96 : index
          %get3A_740 = tpu.vector_load %arg16[%get3A_738, %get3A_739] {strides = array<i32>} : memref<128x256xf32, #tpu.memory_space<vmem>>, vector<16xf32>,
          %mul3A_741 = arith.mulf %get3A_737, %get3A_740 : vector<16xf32>
          %get3A_742 = arith.index_cast %add3A_692 : i32 to index
          %get3A_743 = arith.constant 112 : index
          %get3A_744 = tpu.vector_load %arg15[%get3A_742, %get3A_743] {strides = array<i32>} : memref<128x128xf32, #tpu.memory_space<vmem>>, vector<16xf32>,
          %get3A_745 = arith.index_cast %add3A_692 : i32 to index
          %get3A_746 = arith.constant 112 : index
          %get3A_747 = tpu.vector_load %arg16[%get3A_745, %get3A_746] {strides = array<i32>} : memref<128x256xf32, #tpu.memory_space<vmem>>, vector<16xf32>,
          %mul3A_748 = arith.mulf %get3A_744, %get3A_747 : vector<16xf32>
          %add3A_749 = arith.addf %mul3A_699, %mul3A_706 : vector<16xf32>
          %reduce_sum3A_750 = arith.constant true
          %reduce_sum3A_751 = vector.broadcast %reduce_sum3A_750 : i1 to vector<16xi1>
          %reduce_sum3A_752 = tpu.scan <sum>, %add3A_749 masked %reduce_sum3A_751 : vector<16xf32>, vector<16xi1> -> vector<16xf32>
          %reduce_sum3A_753 = vector.extract %reduce_sum3A_752[15] : f32 from vector<16xf32>
          %broadcast_in_dim3A_754 = arith.constant 0 : i32
          %broadcast_in_dim3A_755 = vector.broadcast %broadcast_in_dim3A_754 : i32 to vector<16xi32>
          %broadcast_in_dim3A_756 = vector.broadcast %add3A_692 : i32 to vector<16xi32>
          %broadcast_in_dim3A_757 = vector.broadcast %reduce_sum3A_753 : f32 to vector<16xf32>
          tpu.vector_store_idx %arg18[%broadcast_in_dim3A_755, %broadcast_in_dim3A_756], %broadcast_in_dim3A_757 masked %eq3A_3 : memref<4x128xf32, #tpu.memory_space<vmem>>[vector<16xi32>, vector<16xi32>], vector<16xf32>, vector<16xi1>
          %broadcast_in_dim3A_758 = vector.broadcast %reduce_sum3A_753 : f32 to vector<16xf32>
          %exp3A_759 = math.exp %broadcast_in_dim3A_758 : vector<16xf32>
          %get3A_760 = arith.index_cast %add3A_692 : i32 to index
          %get3A_761 = arith.constant 128 : index
          %get3A_762 = tpu.vector_load %arg16[%get3A_760, %get3A_761] {strides = array<i32>} : memref<128x256xf32, #tpu.memory_space<vmem>>, vector<16xf32>,
          %get3A_763 = arith.index_cast %add3A_692 : i32 to index
          %get3A_764 = arith.constant 144 : index
          %get3A_765 = tpu.vector_load %arg16[%get3A_763, %get3A_764] {strides = array<i32>} : memref<128x256xf32, #tpu.memory_space<vmem>>, vector<16xf32>,
          %mul3A_766 = arith.mulf %get3A_762, %exp3A_759 : vector<16xf32>
          %swap3A_767 = arith.index_cast %add3A_692 : i32 to index
          %swap3A_768 = arith.constant 0 : index
          %swap3A_769 = tpu.vector_load %arg17[%swap3A_767, %swap3A_768] {strides = array<i32>} : memref<128x128xf32, #tpu.memory_space<vmem>>, vector<16xf32>,
          tpu.vector_store %arg17[%swap3A_767, %swap3A_768], %mul3A_766 {strides = array<i32>} : memref<128x128xf32, #tpu.memory_space<vmem>>, vector<16xf32>,
          %mul3A_770 = arith.mulf %get3A_765, %exp3A_759 : vector<16xf32>
          %swap3A_771 = arith.index_cast %add3A_692 : i32 to index
          %swap3A_772 = arith.constant 16 : index
          %swap3A_773 = tpu.vector_load %arg17[%swap3A_771, %swap3A_772] {strides = array<i32>} : memref<128x128xf32, #tpu.memory_space<vmem>>, vector<16xf32>,
          tpu.vector_store %arg17[%swap3A_771, %swap3A_772], %mul3A_770 {strides = array<i32>} : memref<128x128xf32, #tpu.memory_space<vmem>>, vector<16xf32>,
          %add3A_774 = arith.addf %mul3A_713, %mul3A_720 : vector<16xf32>
          %reduce_sum3A_775 = arith.constant true
          %reduce_sum3A_776 = vector.broadcast %reduce_sum3A_775 : i1 to vector<16xi1>
          %reduce_sum3A_777 = tpu.scan <sum>, %add3A_774 masked %reduce_sum3A_776 : vector<16xf32>, vector<16xi1> -> vector<16xf32>
          %reduce_sum3A_778 = vector.extract %reduce_sum3A_777[15] : f32 from vector<16xf32>
          %broadcast_in_dim3A_779 = arith.constant 1 : i32
          %broadcast_in_dim3A_780 = vector.broadcast %broadcast_in_dim3A_779 : i32 to vector<16xi32>
          %broadcast_in_dim3A_781 = vector.broadcast %add3A_692 : i32 to vector<16xi32>
          %broadcast_in_dim3A_782 = vector.broadcast %reduce_sum3A_778 : f32 to vector<16xf32>
          tpu.vector_store_idx %arg18[%broadcast_in_dim3A_780, %broadcast_in_dim3A_781], %broadcast_in_dim3A_782 masked %eq3A_3 : memref<4x128xf32, #tpu.memory_space<vmem>>[vector<16xi32>, vector<16xi32>], vector<16xf32>, vector<16xi1>
          %broadcast_in_dim3A_783 = vector.broadcast %reduce_sum3A_778 : f32 to vector<16xf32>
          %exp3A_784 = math.exp %broadcast_in_dim3A_783 : vector<16xf32>
          %get3A_785 = arith.index_cast %add3A_692 : i32 to index
          %get3A_786 = arith.constant 160 : index
          %get3A_787 = tpu.vector_load %arg16[%get3A_785, %get3A_786] {strides = array<i32>} : memref<128x256xf32, #tpu.memory_space<vmem>>, vector<16xf32>,
          %get3A_788 = arith.index_cast %add3A_692 : i32 to index
          %get3A_789 = arith.constant 176 : index
          %get3A_790 = tpu.vector_load %arg16[%get3A_788, %get3A_789] {strides = array<i32>} : memref<128x256xf32, #tpu.memory_space<vmem>>, vector<16xf32>,
          %mul3A_791 = arith.mulf %get3A_787, %exp3A_784 : vector<16xf32>
          %swap3A_792 = arith.index_cast %add3A_692 : i32 to index
          %swap3A_793 = arith.constant 32 : index
          %swap3A_794 = tpu.vector_load %arg17[%swap3A_792, %swap3A_793] {strides = array<i32>} : memref<128x128xf32, #tpu.memory_space<vmem>>, vector<16xf32>,
          tpu.vector_store %arg17[%swap3A_792, %swap3A_793], %mul3A_791 {strides = array<i32>} : memref<128x128xf32, #tpu.memory_space<vmem>>, vector<16xf32>,
          %mul3A_795 = arith.mulf %get3A_790, %exp3A_784 : vector<16xf32>
          %swap3A_796 = arith.index_cast %add3A_692 : i32 to index
          %swap3A_797 = arith.constant 48 : index
          %swap3A_798 = tpu.vector_load %arg17[%swap3A_796, %swap3A_797] {strides = array<i32>} : memref<128x128xf32, #tpu.memory_space<vmem>>, vector<16xf32>,
          tpu.vector_store %arg17[%swap3A_796, %swap3A_797], %mul3A_795 {strides = array<i32>} : memref<128x128xf32, #tpu.memory_space<vmem>>, vector<16xf32>,
          %add3A_799 = arith.addf %mul3A_727, %mul3A_734 : vector<16xf32>
          %reduce_sum3A_800 = arith.constant true
          %reduce_sum3A_801 = vector.broadcast %reduce_sum3A_800 : i1 to vector<16xi1>
          %reduce_sum3A_802 = tpu.scan <sum>, %add3A_799 masked %reduce_sum3A_801 : vector<16xf32>, vector<16xi1> -> vector<16xf32>
          %reduce_sum3A_803 = vector.extract %reduce_sum3A_802[15] : f32 from vector<16xf32>
          %broadcast_in_dim3A_804 = arith.constant 2 : i32
          %broadcast_in_dim3A_805 = vector.broadcast %broadcast_in_dim3A_804 : i32 to vector<16xi32>
          %broadcast_in_dim3A_806 = vector.broadcast %add3A_692 : i32 to vector<16xi32>
          %broadcast_in_dim3A_807 = vector.broadcast %reduce_sum3A_803 : f32 to vector<16xf32>
          tpu.vector_store_idx %arg18[%broadcast_in_dim3A_805, %broadcast_in_dim3A_806], %broadcast_in_dim3A_807 masked %eq3A_3 : memref<4x128xf32, #tpu.memory_space<vmem>>[vector<16xi32>, vector<16xi32>], vector<16xf32>, vector<16xi1>
          %broadcast_in_dim3A_808 = vector.broadcast %reduce_sum3A_803 : f32 to vector<16xf32>
          %exp3A_809 = math.exp %broadcast_in_dim3A_808 : vector<16xf32>
          %get3A_810 = arith.index_cast %add3A_692 : i32 to index
          %get3A_811 = arith.constant 192 : index
          %get3A_812 = tpu.vector_load %arg16[%get3A_810, %get3A_811] {strides = array<i32>} : memref<128x256xf32, #tpu.memory_space<vmem>>, vector<16xf32>,
          %get3A_813 = arith.index_cast %add3A_692 : i32 to index
          %get3A_814 = arith.constant 208 : index
          %get3A_815 = tpu.vector_load %arg16[%get3A_813, %get3A_814] {strides = array<i32>} : memref<128x256xf32, #tpu.memory_space<vmem>>, vector<16xf32>,
          %mul3A_816 = arith.mulf %get3A_812, %exp3A_809 : vector<16xf32>
          %swap3A_817 = arith.index_cast %add3A_692 : i32 to index
          %swap3A_818 = arith.constant 64 : index
          %swap3A_819 = tpu.vector_load %arg17[%swap3A_817, %swap3A_818] {strides = array<i32>} : memref<128x128xf32, #tpu.memory_space<vmem>>, vector<16xf32>,
          tpu.vector_store %arg17[%swap3A_817, %swap3A_818], %mul3A_816 {strides = array<i32>} : memref<128x128xf32, #tpu.memory_space<vmem>>, vector<16xf32>,
          %mul3A_820 = arith.mulf %get3A_815, %exp3A_809 : vector<16xf32>
          %swap3A_821 = arith.index_cast %add3A_692 : i32 to index
          %swap3A_822 = arith.constant 80 : index
          %swap3A_823 = tpu.vector_load %arg17[%swap3A_821, %swap3A_822] {strides = array<i32>} : memref<128x128xf32, #tpu.memory_space<vmem>>, vector<16xf32>,
          tpu.vector_store %arg17[%swap3A_821, %swap3A_822], %mul3A_820 {strides = array<i32>} : memref<128x128xf32, #tpu.memory_space<vmem>>, vector<16xf32>,
          %add3A_824 = arith.addf %mul3A_741, %mul3A_748 : vector<16xf32>
          %reduce_sum3A_825 = arith.constant true
          %reduce_sum3A_826 = vector.broadcast %reduce_sum3A_825 : i1 to vector<16xi1>
          %reduce_sum3A_827 = tpu.scan <sum>, %add3A_824 masked %reduce_sum3A_826 : vector<16xf32>, vector<16xi1> -> vector<16xf32>
          %reduce_sum3A_828 = vector.extract %reduce_sum3A_827[15] : f32 from vector<16xf32>
          %broadcast_in_dim3A_829 = arith.constant 3 : i32
          %broadcast_in_dim3A_830 = vector.broadcast %broadcast_in_dim3A_829 : i32 to vector<16xi32>
          %broadcast_in_dim3A_831 = vector.broadcast %add3A_692 : i32 to vector<16xi32>
          %broadcast_in_dim3A_832 = vector.broadcast %reduce_sum3A_828 : f32 to vector<16xf32>
          tpu.vector_store_idx %arg18[%broadcast_in_dim3A_830, %broadcast_in_dim3A_831], %broadcast_in_dim3A_832 masked %eq3A_3 : memref<4x128xf32, #tpu.memory_space<vmem>>[vector<16xi32>, vector<16xi32>], vector<16xf32>, vector<16xi1>
          %broadcast_in_dim3A_833 = vector.broadcast %reduce_sum3A_828 : f32 to vector<16xf32>
          %exp3A_834 = math.exp %broadcast_in_dim3A_833 : vector<16xf32>
          %get3A_835 = arith.index_cast %add3A_692 : i32 to index
          %get3A_836 = arith.constant 224 : index
          %get3A_837 = tpu.vector_load %arg16[%get3A_835, %get3A_836] {strides = array<i32>} : memref<128x256xf32, #tpu.memory_space<vmem>>, vector<16xf32>,
          %get3A_838 = arith.index_cast %add3A_692 : i32 to index
          %get3A_839 = arith.constant 240 : index
          %get3A_840 = tpu.vector_load %arg16[%get3A_838, %get3A_839] {strides = array<i32>} : memref<128x256xf32, #tpu.memory_space<vmem>>, vector<16xf32>,
          %mul3A_841 = arith.mulf %get3A_837, %exp3A_834 : vector<16xf32>
          %swap3A_842 = arith.index_cast %add3A_692 : i32 to index
          %swap3A_843 = arith.constant 96 : index
          %swap3A_844 = tpu.vector_load %arg17[%swap3A_842, %swap3A_843] {strides = array<i32>} : memref<128x128xf32, #tpu.memory_space<vmem>>, vector<16xf32>,
          tpu.vector_store %arg17[%swap3A_842, %swap3A_843], %mul3A_841 {strides = array<i32>} : memref<128x128xf32, #tpu.memory_space<vmem>>, vector<16xf32>,
          %mul3A_845 = arith.mulf %get3A_840, %exp3A_834 : vector<16xf32>
          %swap3A_846 = arith.index_cast %add3A_692 : i32 to index
          %swap3A_847 = arith.constant 112 : index
          %swap3A_848 = tpu.vector_load %arg17[%swap3A_846, %swap3A_847] {strides = array<i32>} : memref<128x128xf32, #tpu.memory_space<vmem>>, vector<16xf32>,
          tpu.vector_store %arg17[%swap3A_846, %swap3A_847], %mul3A_845 {strides = array<i32>} : memref<128x128xf32, #tpu.memory_space<vmem>>, vector<16xf32>,
          %scan3A_849 = arith.constant 2 : i32
          %scan3A_850 = arith.addi %scan3A_528, %scan3A_849 : i32
          %mul3A_851 = arith.constant 1 : i32
          %mul3A_852 = arith.muli %scan3A_850, %mul3A_851 : i32
          %add3A_853 = arith.constant 0 : i32
          %add3A_854 = arith.addi %add3A_853, %mul3A_852 : i32
          %get3A_855 = arith.index_cast %add3A_854 : i32 to index
          %get3A_856 = arith.constant 0 : index
          %get3A_857 = tpu.vector_load %arg15[%get3A_855, %get3A_856] {strides = array<i32>} : memref<128x128xf32, #tpu.memory_space<vmem>>, vector<16xf32>,
          %get3A_858 = arith.index_cast %add3A_854 : i32 to index
          %get3A_859 = arith.constant 0 : index
          %get3A_860 = tpu.vector_load %arg16[%get3A_858, %get3A_859] {strides = array<i32>} : memref<128x256xf32, #tpu.memory_space<vmem>>, vector<16xf32>,
          %mul3A_861 = arith.mulf %get3A_857, %get3A_860 : vector<16xf32>
          %get3A_862 = arith.index_cast %add3A_854 : i32 to index
          %get3A_863 = arith.constant 16 : index
          %get3A_864 = tpu.vector_load %arg15[%get3A_862, %get3A_863] {strides = array<i32>} : memref<128x128xf32, #tpu.memory_space<vmem>>, vector<16xf32>,
          %get3A_865 = arith.index_cast %add3A_854 : i32 to index
          %get3A_866 = arith.constant 16 : index
          %get3A_867 = tpu.vector_load %arg16[%get3A_865, %get3A_866] {strides = array<i32>} : memref<128x256xf32, #tpu.memory_space<vmem>>, vector<16xf32>,
          %mul3A_868 = arith.mulf %get3A_864, %get3A_867 : vector<16xf32>
          %get3A_869 = arith.index_cast %add3A_854 : i32 to index
          %get3A_870 = arith.constant 32 : index
          %get3A_871 = tpu.vector_load %arg15[%get3A_869, %get3A_870] {strides = array<i32>} : memref<128x128xf32, #tpu.memory_space<vmem>>, vector<16xf32>,
          %get3A_872 = arith.index_cast %add3A_854 : i32 to index
          %get3A_873 = arith.constant 32 : index
          %get3A_874 = tpu.vector_load %arg16[%get3A_872, %get3A_873] {strides = array<i32>} : memref<128x256xf32, #tpu.memory_space<vmem>>, vector<16xf32>,
          %mul3A_875 = arith.mulf %get3A_871, %get3A_874 : vector<16xf32>
          %get3A_876 = arith.index_cast %add3A_854 : i32 to index
          %get3A_877 = arith.constant 48 : index
          %get3A_878 = tpu.vector_load %arg15[%get3A_876, %get3A_877] {strides = array<i32>} : memref<128x128xf32, #tpu.memory_space<vmem>>, vector<16xf32>,
          %get3A_879 = arith.index_cast %add3A_854 : i32 to index
          %get3A_880 = arith.constant 48 : index
          %get3A_881 = tpu.vector_load %arg16[%get3A_879, %get3A_880] {strides = array<i32>} : memref<128x256xf32, #tpu.memory_space<vmem>>, vector<16xf32>,
          %mul3A_882 = arith.mulf %get3A_878, %get3A_881 : vector<16xf32>
          %get3A_883 = arith.index_cast %add3A_854 : i32 to index
          %get3A_884 = arith.constant 64 : index
          %get3A_885 = tpu.vector_load %arg15[%get3A_883, %get3A_884] {strides = array<i32>} : memref<128x128xf32, #tpu.memory_space<vmem>>, vector<16xf32>,
          %get3A_886 = arith.index_cast %add3A_854 : i32 to index
          %get3A_887 = arith.constant 64 : index
          %get3A_888 = tpu.vector_load %arg16[%get3A_886, %get3A_887] {strides = array<i32>} : memref<128x256xf32, #tpu.memory_space<vmem>>, vector<16xf32>,
          %mul3A_889 = arith.mulf %get3A_885, %get3A_888 : vector<16xf32>
          %get3A_890 = arith.index_cast %add3A_854 : i32 to index
          %get3A_891 = arith.constant 80 : index
          %get3A_892 = tpu.vector_load %arg15[%get3A_890, %get3A_891] {strides = array<i32>} : memref<128x128xf32, #tpu.memory_space<vmem>>, vector<16xf32>,
          %get3A_893 = arith.index_cast %add3A_854 : i32 to index
          %get3A_894 = arith.constant 80 : index
          %get3A_895 = tpu.vector_load %arg16[%get3A_893, %get3A_894] {strides = array<i32>} : memref<128x256xf32, #tpu.memory_space<vmem>>, vector<16xf32>,
          %mul3A_896 = arith.mulf %get3A_892, %get3A_895 : vector<16xf32>
          %get3A_897 = arith.index_cast %add3A_854 : i32 to index
          %get3A_898 = arith.constant 96 : index
          %get3A_899 = tpu.vector_load %arg15[%get3A_897, %get3A_898] {strides = array<i32>} : memref<128x128xf32, #tpu.memory_space<vmem>>, vector<16xf32>,
          %get3A_900 = arith.index_cast %add3A_854 : i32 to index
          %get3A_901 = arith.constant 96 : index
          %get3A_902 = tpu.vector_load %arg16[%get3A_900, %get3A_901] {strides = array<i32>} : memref<128x256xf32, #tpu.memory_space<vmem>>, vector<16xf32>,
          %mul3A_903 = arith.mulf %get3A_899, %get3A_902 : vector<16xf32>
          %get3A_904 = arith.index_cast %add3A_854 : i32 to index
          %get3A_905 = arith.constant 112 : index
          %get3A_906 = tpu.vector_load %arg15[%get3A_904, %get3A_905] {strides = array<i32>} : memref<128x128xf32, #tpu.memory_space<vmem>>, vector<16xf32>,
          %get3A_907 = arith.index_cast %add3A_854 : i32 to index
          %get3A_908 = arith.constant 112 : index
          %get3A_909 = tpu.vector_load %arg16[%get3A_907, %get3A_908] {strides = array<i32>} : memref<128x256xf32, #tpu.memory_space<vmem>>, vector<16xf32>,
          %mul3A_910 = arith.mulf %get3A_906, %get3A_909 : vector<16xf32>
          %add3A_911 = arith.addf %mul3A_861, %mul3A_868 : vector<16xf32>
          %reduce_sum3A_912 = arith.constant true
          %reduce_sum3A_913 = vector.broadcast %reduce_sum3A_912 : i1 to vector<16xi1>
          %reduce_sum3A_914 = tpu.scan <sum>, %add3A_911 masked %reduce_sum3A_913 : vector<16xf32>, vector<16xi1> -> vector<16xf32>
          %reduce_sum3A_915 = vector.extract %reduce_sum3A_914[15] : f32 from vector<16xf32>
          %broadcast_in_dim3A_916 = arith.constant 0 : i32
          %broadcast_in_dim3A_917 = vector.broadcast %broadcast_in_dim3A_916 : i32 to vector<16xi32>
          %broadcast_in_dim3A_918 = vector.broadcast %add3A_854 : i32 to vector<16xi32>
          %broadcast_in_dim3A_919 = vector.broadcast %reduce_sum3A_915 : f32 to vector<16xf32>
          tpu.vector_store_idx %arg18[%broadcast_in_dim3A_917, %broadcast_in_dim3A_918], %broadcast_in_dim3A_919 masked %eq3A_3 : memref<4x128xf32, #tpu.memory_space<vmem>>[vector<16xi32>, vector<16xi32>], vector<16xf32>, vector<16xi1>
          %broadcast_in_dim3A_920 = vector.broadcast %reduce_sum3A_915 : f32 to vector<16xf32>
          %exp3A_921 = math.exp %broadcast_in_dim3A_920 : vector<16xf32>
          %get3A_922 = arith.index_cast %add3A_854 : i32 to index
          %get3A_923 = arith.constant 128 : index
          %get3A_924 = tpu.vector_load %arg16[%get3A_922, %get3A_923] {strides = array<i32>} : memref<128x256xf32, #tpu.memory_space<vmem>>, vector<16xf32>,
          %get3A_925 = arith.index_cast %add3A_854 : i32 to index
          %get3A_926 = arith.constant 144 : index
          %get3A_927 = tpu.vector_load %arg16[%get3A_925, %get3A_926] {strides = array<i32>} : memref<128x256xf32, #tpu.memory_space<vmem>>, vector<16xf32>,
          %mul3A_928 = arith.mulf %get3A_924, %exp3A_921 : vector<16xf32>
          %swap3A_929 = arith.index_cast %add3A_854 : i32 to index
          %swap3A_930 = arith.constant 0 : index
          %swap3A_931 = tpu.vector_load %arg17[%swap3A_929, %swap3A_930] {strides = array<i32>} : memref<128x128xf32, #tpu.memory_space<vmem>>, vector<16xf32>,
          tpu.vector_store %arg17[%swap3A_929, %swap3A_930], %mul3A_928 {strides = array<i32>} : memref<128x128xf32, #tpu.memory_space<vmem>>, vector<16xf32>,
          %mul3A_932 = arith.mulf %get3A_927, %exp3A_921 : vector<16xf32>
          %swap3A_933 = arith.index_cast %add3A_854 : i32 to index
          %swap3A_934 = arith.constant 16 : index
          %swap3A_935 = tpu.vector_load %arg17[%swap3A_933, %swap3A_934] {strides = array<i32>} : memref<128x128xf32, #tpu.memory_space<vmem>>, vector<16xf32>,
          tpu.vector_store %arg17[%swap3A_933, %swap3A_934], %mul3A_932 {strides = array<i32>} : memref<128x128xf32, #tpu.memory_space<vmem>>, vector<16xf32>,
          %add3A_936 = arith.addf %mul3A_875, %mul3A_882 : vector<16xf32>
          %reduce_sum3A_937 = arith.constant true
          %reduce_sum3A_938 = vector.broadcast %reduce_sum3A_937 : i1 to vector<16xi1>
          %reduce_sum3A_939 = tpu.scan <sum>, %add3A_936 masked %reduce_sum3A_938 : vector<16xf32>, vector<16xi1> -> vector<16xf32>
          %reduce_sum3A_940 = vector.extract %reduce_sum3A_939[15] : f32 from vector<16xf32>
          %broadcast_in_dim3A_941 = arith.constant 1 : i32
          %broadcast_in_dim3A_942 = vector.broadcast %broadcast_in_dim3A_941 : i32 to vector<16xi32>
          %broadcast_in_dim3A_943 = vector.broadcast %add3A_854 : i32 to vector<16xi32>
          %broadcast_in_dim3A_944 = vector.broadcast %reduce_sum3A_940 : f32 to vector<16xf32>
          tpu.vector_store_idx %arg18[%broadcast_in_dim3A_942, %broadcast_in_dim3A_943], %broadcast_in_dim3A_944 masked %eq3A_3 : memref<4x128xf32, #tpu.memory_space<vmem>>[vector<16xi32>, vector<16xi32>], vector<16xf32>, vector<16xi1>
          %broadcast_in_dim3A_945 = vector.broadcast %reduce_sum3A_940 : f32 to vector<16xf32>
          %exp3A_946 = math.exp %broadcast_in_dim3A_945 : vector<16xf32>
          %get3A_947 = arith.index_cast %add3A_854 : i32 to index
          %get3A_948 = arith.constant 160 : index
          %get3A_949 = tpu.vector_load %arg16[%get3A_947, %get3A_948] {strides = array<i32>} : memref<128x256xf32, #tpu.memory_space<vmem>>, vector<16xf32>,
          %get3A_950 = arith.index_cast %add3A_854 : i32 to index
          %get3A_951 = arith.constant 176 : index
          %get3A_952 = tpu.vector_load %arg16[%get3A_950, %get3A_951] {strides = array<i32>} : memref<128x256xf32, #tpu.memory_space<vmem>>, vector<16xf32>,
          %mul3A_953 = arith.mulf %get3A_949, %exp3A_946 : vector<16xf32>
          %swap3A_954 = arith.index_cast %add3A_854 : i32 to index
          %swap3A_955 = arith.constant 32 : index
          %swap3A_956 = tpu.vector_load %arg17[%swap3A_954, %swap3A_955] {strides = array<i32>} : memref<128x128xf32, #tpu.memory_space<vmem>>, vector<16xf32>,
          tpu.vector_store %arg17[%swap3A_954, %swap3A_955], %mul3A_953 {strides = array<i32>} : memref<128x128xf32, #tpu.memory_space<vmem>>, vector<16xf32>,
          %mul3A_957 = arith.mulf %get3A_952, %exp3A_946 : vector<16xf32>
          %swap3A_958 = arith.index_cast %add3A_854 : i32 to index
          %swap3A_959 = arith.constant 48 : index
          %swap3A_960 = tpu.vector_load %arg17[%swap3A_958, %swap3A_959] {strides = array<i32>} : memref<128x128xf32, #tpu.memory_space<vmem>>, vector<16xf32>,
          tpu.vector_store %arg17[%swap3A_958, %swap3A_959], %mul3A_957 {strides = array<i32>} : memref<128x128xf32, #tpu.memory_space<vmem>>, vector<16xf32>,
          %add3A_961 = arith.addf %mul3A_889, %mul3A_896 : vector<16xf32>
          %reduce_sum3A_962 = arith.constant true
          %reduce_sum3A_963 = vector.broadcast %reduce_sum3A_962 : i1 to vector<16xi1>
          %reduce_sum3A_964 = tpu.scan <sum>, %add3A_961 masked %reduce_sum3A_963 : vector<16xf32>, vector<16xi1> -> vector<16xf32>
          %reduce_sum3A_965 = vector.extract %reduce_sum3A_964[15] : f32 from vector<16xf32>
          %broadcast_in_dim3A_966 = arith.constant 2 : i32
          %broadcast_in_dim3A_967 = vector.broadcast %broadcast_in_dim3A_966 : i32 to vector<16xi32>
          %broadcast_in_dim3A_968 = vector.broadcast %add3A_854 : i32 to vector<16xi32>
          %broadcast_in_dim3A_969 = vector.broadcast %reduce_sum3A_965 : f32 to vector<16xf32>
          tpu.vector_store_idx %arg18[%broadcast_in_dim3A_967, %broadcast_in_dim3A_968], %broadcast_in_dim3A_969 masked %eq3A_3 : memref<4x128xf32, #tpu.memory_space<vmem>>[vector<16xi32>, vector<16xi32>], vector<16xf32>, vector<16xi1>
          %broadcast_in_dim3A_970 = vector.broadcast %reduce_sum3A_965 : f32 to vector<16xf32>
          %exp3A_971 = math.exp %broadcast_in_dim3A_970 : vector<16xf32>
          %get3A_972 = arith.index_cast %add3A_854 : i32 to index
          %get3A_973 = arith.constant 192 : index
          %get3A_974 = tpu.vector_load %arg16[%get3A_972, %get3A_973] {strides = array<i32>} : memref<128x256xf32, #tpu.memory_space<vmem>>, vector<16xf32>,
          %get3A_975 = arith.index_cast %add3A_854 : i32 to index
          %get3A_976 = arith.constant 208 : index
          %get3A_977 = tpu.vector_load %arg16[%get3A_975, %get3A_976] {strides = array<i32>} : memref<128x256xf32, #tpu.memory_space<vmem>>, vector<16xf32>,
          %mul3A_978 = arith.mulf %get3A_974, %exp3A_971 : vector<16xf32>
          %swap3A_979 = arith.index_cast %add3A_854 : i32 to index
          %swap3A_980 = arith.constant 64 : index
          %swap3A_981 = tpu.vector_load %arg17[%swap3A_979, %swap3A_980] {strides = array<i32>} : memref<128x128xf32, #tpu.memory_space<vmem>>, vector<16xf32>,
          tpu.vector_store %arg17[%swap3A_979, %swap3A_980], %mul3A_978 {strides = array<i32>} : memref<128x128xf32, #tpu.memory_space<vmem>>, vector<16xf32>,
          %mul3A_982 = arith.mulf %get3A_977, %exp3A_971 : vector<16xf32>
          %swap3A_983 = arith.index_cast %add3A_854 : i32 to index
          %swap3A_984 = arith.constant 80 : index
          %swap3A_985 = tpu.vector_load %arg17[%swap3A_983, %swap3A_984] {strides = array<i32>} : memref<128x128xf32, #tpu.memory_space<vmem>>, vector<16xf32>,
          tpu.vector_store %arg17[%swap3A_983, %swap3A_984], %mul3A_982 {strides = array<i32>} : memref<128x128xf32, #tpu.memory_space<vmem>>, vector<16xf32>,
          %add3A_986 = arith.addf %mul3A_903, %mul3A_910 : vector<16xf32>
          %reduce_sum3A_987 = arith.constant true
          %reduce_sum3A_988 = vector.broadcast %reduce_sum3A_987 : i1 to vector<16xi1>
          %reduce_sum3A_989 = tpu.scan <sum>, %add3A_986 masked %reduce_sum3A_988 : vector<16xf32>, vector<16xi1> -> vector<16xf32>
          %reduce_sum3A_990 = vector.extract %reduce_sum3A_989[15] : f32 from vector<16xf32>
          %broadcast_in_dim3A_991 = arith.constant 3 : i32
          %broadcast_in_dim3A_992 = vector.broadcast %broadcast_in_dim3A_991 : i32 to vector<16xi32>
          %broadcast_in_dim3A_993 = vector.broadcast %add3A_854 : i32 to vector<16xi32>
          %broadcast_in_dim3A_994 = vector.broadcast %reduce_sum3A_990 : f32 to vector<16xf32>
          tpu.vector_store_idx %arg18[%broadcast_in_dim3A_992, %broadcast_in_dim3A_993], %broadcast_in_dim3A_994 masked %eq3A_3 : memref<4x128xf32, #tpu.memory_space<vmem>>[vector<16xi32>, vector<16xi32>], vector<16xf32>, vector<16xi1>
          %broadcast_in_dim3A_995 = vector.broadcast %reduce_sum3A_990 : f32 to vector<16xf32>
          %exp3A_996 = math.exp %broadcast_in_dim3A_995 : vector<16xf32>
          %get3A_997 = arith.index_cast %add3A_854 : i32 to index
          %get3A_998 = arith.constant 224 : index
          %get3A_999 = tpu.vector_load %arg16[%get3A_997, %get3A_998] {strides = array<i32>} : memref<128x256xf32, #tpu.memory_space<vmem>>, vector<16xf32>,
          %get3A_1000 = arith.index_cast %add3A_854 : i32 to index
          %get3A_1001 = arith.constant 240 : index
          %get3A_1002 = tpu.vector_load %arg16[%get3A_1000, %get3A_1001] {strides = array<i32>} : memref<128x256xf32, #tpu.memory_space<vmem>>, vector<16xf32>,
          %mul3A_1003 = arith.mulf %get3A_999, %exp3A_996 : vector<16xf32>
          %swap3A_1004 = arith.index_cast %add3A_854 : i32 to index
          %swap3A_1005 = arith.constant 96 : index
          %swap3A_1006 = tpu.vector_load %arg17[%swap3A_1004, %swap3A_1005] {strides = array<i32>} : memref<128x128xf32, #tpu.memory_space<vmem>>, vector<16xf32>,
          tpu.vector_store %arg17[%swap3A_1004, %swap3A_1005], %mul3A_1003 {strides = array<i32>} : memref<128x128xf32, #tpu.memory_space<vmem>>, vector<16xf32>,
          %mul3A_1007 = arith.mulf %get3A_1002, %exp3A_996 : vector<16xf32>
          %swap3A_1008 = arith.index_cast %add3A_854 : i32 to index
          %swap3A_1009 = arith.constant 112 : index
          %swap3A_1010 = tpu.vector_load %arg17[%swap3A_1008, %swap3A_1009] {strides = array<i32>} : memref<128x128xf32, #tpu.memory_space<vmem>>, vector<16xf32>,
          tpu.vector_store %arg17[%swap3A_1008, %swap3A_1009], %mul3A_1007 {strides = array<i32>} : memref<128x128xf32, #tpu.memory_space<vmem>>, vector<16xf32>,
          %scan3A_1011 = arith.constant 3 : i32
          %scan3A_1012 = arith.addi %scan3A_528, %scan3A_1011 : i32
          %mul3A_1013 = arith.constant 1 : i32
          %mul3A_1014 = arith.muli %scan3A_1012, %mul3A_1013 : i32
          %add3A_1015 = arith.constant 0 : i32
          %add3A_1016 = arith.addi %add3A_1015, %mul3A_1014 : i32
          %get3A_1017 = arith.index_cast %add3A_1016 : i32 to index
          %get3A_1018 = arith.constant 0 : index
          %get3A_1019 = tpu.vector_load %arg15[%get3A_1017, %get3A_1018] {strides = array<i32>} : memref<128x128xf32, #tpu.memory_space<vmem>>, vector<16xf32>,
          %get3A_1020 = arith.index_cast %add3A_1016 : i32 to index
          %get3A_1021 = arith.constant 0 : index
          %get3A_1022 = tpu.vector_load %arg16[%get3A_1020, %get3A_1021] {strides = array<i32>} : memref<128x256xf32, #tpu.memory_space<vmem>>, vector<16xf32>,
          %mul3A_1023 = arith.mulf %get3A_1019, %get3A_1022 : vector<16xf32>
          %get3A_1024 = arith.index_cast %add3A_1016 : i32 to index
          %get3A_1025 = arith.constant 16 : index
          %get3A_1026 = tpu.vector_load %arg15[%get3A_1024, %get3A_1025] {strides = array<i32>} : memref<128x128xf32, #tpu.memory_space<vmem>>, vector<16xf32>,
          %get3A_1027 = arith.index_cast %add3A_1016 : i32 to index
          %get3A_1028 = arith.constant 16 : index
          %get3A_1029 = tpu.vector_load %arg16[%get3A_1027, %get3A_1028] {strides = array<i32>} : memref<128x256xf32, #tpu.memory_space<vmem>>, vector<16xf32>,
          %mul3A_1030 = arith.mulf %get3A_1026, %get3A_1029 : vector<16xf32>
          %get3A_1031 = arith.index_cast %add3A_1016 : i32 to index
          %get3A_1032 = arith.constant 32 : index
          %get3A_1033 = tpu.vector_load %arg15[%get3A_1031, %get3A_1032] {strides = array<i32>} : memref<128x128xf32, #tpu.memory_space<vmem>>, vector<16xf32>,
          %get3A_1034 = arith.index_cast %add3A_1016 : i32 to index
          %get3A_1035 = arith.constant 32 : index
          %get3A_1036 = tpu.vector_load %arg16[%get3A_1034, %get3A_1035] {strides = array<i32>} : memref<128x256xf32, #tpu.memory_space<vmem>>, vector<16xf32>,
          %mul3A_1037 = arith.mulf %get3A_1033, %get3A_1036 : vector<16xf32>
          %get3A_1038 = arith.index_cast %add3A_1016 : i32 to index
          %get3A_1039 = arith.constant 48 : index
          %get3A_1040 = tpu.vector_load %arg15[%get3A_1038, %get3A_1039] {strides = array<i32>} : memref<128x128xf32, #tpu.memory_space<vmem>>, vector<16xf32>,
          %get3A_1041 = arith.index_cast %add3A_1016 : i32 to index
          %get3A_1042 = arith.constant 48 : index
          %get3A_1043 = tpu.vector_load %arg16[%get3A_1041, %get3A_1042] {strides = array<i32>} : memref<128x256xf32, #tpu.memory_space<vmem>>, vector<16xf32>,
          %mul3A_1044 = arith.mulf %get3A_1040, %get3A_1043 : vector<16xf32>
          %get3A_1045 = arith.index_cast %add3A_1016 : i32 to index
          %get3A_1046 = arith.constant 64 : index
          %get3A_1047 = tpu.vector_load %arg15[%get3A_1045, %get3A_1046] {strides = array<i32>} : memref<128x128xf32, #tpu.memory_space<vmem>>, vector<16xf32>,
          %get3A_1048 = arith.index_cast %add3A_1016 : i32 to index
          %get3A_1049 = arith.constant 64 : index
          %get3A_1050 = tpu.vector_load %arg16[%get3A_1048, %get3A_1049] {strides = array<i32>} : memref<128x256xf32, #tpu.memory_space<vmem>>, vector<16xf32>,
          %mul3A_1051 = arith.mulf %get3A_1047, %get3A_1050 : vector<16xf32>
          %get3A_1052 = arith.index_cast %add3A_1016 : i32 to index
          %get3A_1053 = arith.constant 80 : index
          %get3A_1054 = tpu.vector_load %arg15[%get3A_1052, %get3A_1053] {strides = array<i32>} : memref<128x128xf32, #tpu.memory_space<vmem>>, vector<16xf32>,
          %get3A_1055 = arith.index_cast %add3A_1016 : i32 to index
          %get3A_1056 = arith.constant 80 : index
          %get3A_1057 = tpu.vector_load %arg16[%get3A_1055, %get3A_1056] {strides = array<i32>} : memref<128x256xf32, #tpu.memory_space<vmem>>, vector<16xf32>,
          %mul3A_1058 = arith.mulf %get3A_1054, %get3A_1057 : vector<16xf32>
          %get3A_1059 = arith.index_cast %add3A_1016 : i32 to index
          %get3A_1060 = arith.constant 96 : index
          %get3A_1061 = tpu.vector_load %arg15[%get3A_1059, %get3A_1060] {strides = array<i32>} : memref<128x128xf32, #tpu.memory_space<vmem>>, vector<16xf32>,
          %get3A_1062 = arith.index_cast %add3A_1016 : i32 to index
          %get3A_1063 = arith.constant 96 : index
          %get3A_1064 = tpu.vector_load %arg16[%get3A_1062, %get3A_1063] {strides = array<i32>} : memref<128x256xf32, #tpu.memory_space<vmem>>, vector<16xf32>,
          %mul3A_1065 = arith.mulf %get3A_1061, %get3A_1064 : vector<16xf32>
          %get3A_1066 = arith.index_cast %add3A_1016 : i32 to index
          %get3A_1067 = arith.constant 112 : index
          %get3A_1068 = tpu.vector_load %arg15[%get3A_1066, %get3A_1067] {strides = array<i32>} : memref<128x128xf32, #tpu.memory_space<vmem>>, vector<16xf32>,
          %get3A_1069 = arith.index_cast %add3A_1016 : i32 to index
          %get3A_1070 = arith.constant 112 : index
          %get3A_1071 = tpu.vector_load %arg16[%get3A_1069, %get3A_1070] {strides = array<i32>} : memref<128x256xf32, #tpu.memory_space<vmem>>, vector<16xf32>,
          %mul3A_1072 = arith.mulf %get3A_1068, %get3A_1071 : vector<16xf32>
          %add3A_1073 = arith.addf %mul3A_1023, %mul3A_1030 : vector<16xf32>
          %reduce_sum3A_1074 = arith.constant true
          %reduce_sum3A_1075 = vector.broadcast %reduce_sum3A_1074 : i1 to vector<16xi1>
          %reduce_sum3A_1076 = tpu.scan <sum>, %add3A_1073 masked %reduce_sum3A_1075 : vector<16xf32>, vector<16xi1> -> vector<16xf32>
          %reduce_sum3A_1077 = vector.extract %reduce_sum3A_1076[15] : f32 from vector<16xf32>
          %broadcast_in_dim3A_1078 = arith.constant 0 : i32
          %broadcast_in_dim3A_1079 = vector.broadcast %broadcast_in_dim3A_1078 : i32 to vector<16xi32>
          %broadcast_in_dim3A_1080 = vector.broadcast %add3A_1016 : i32 to vector<16xi32>
          %broadcast_in_dim3A_1081 = vector.broadcast %reduce_sum3A_1077 : f32 to vector<16xf32>
          tpu.vector_store_idx %arg18[%broadcast_in_dim3A_1079, %broadcast_in_dim3A_1080], %broadcast_in_dim3A_1081 masked %eq3A_3 : memref<4x128xf32, #tpu.memory_space<vmem>>[vector<16xi32>, vector<16xi32>], vector<16xf32>, vector<16xi1>
          %broadcast_in_dim3A_1082 = vector.broadcast %reduce_sum3A_1077 : f32 to vector<16xf32>
          %exp3A_1083 = math.exp %broadcast_in_dim3A_1082 : vector<16xf32>
          %get3A_1084 = arith.index_cast %add3A_1016 : i32 to index
          %get3A_1085 = arith.constant 128 : index
          %get3A_1086 = tpu.vector_load %arg16[%get3A_1084, %get3A_1085] {strides = array<i32>} : memref<128x256xf32, #tpu.memory_space<vmem>>, vector<16xf32>,
          %get3A_1087 = arith.index_cast %add3A_1016 : i32 to index
          %get3A_1088 = arith.constant 144 : index
          %get3A_1089 = tpu.vector_load %arg16[%get3A_1087, %get3A_1088] {strides = array<i32>} : memref<128x256xf32, #tpu.memory_space<vmem>>, vector<16xf32>,
          %mul3A_1090 = arith.mulf %get3A_1086, %exp3A_1083 : vector<16xf32>
          %swap3A_1091 = arith.index_cast %add3A_1016 : i32 to index
          %swap3A_1092 = arith.constant 0 : index
          %swap3A_1093 = tpu.vector_load %arg17[%swap3A_1091, %swap3A_1092] {strides = array<i32>} : memref<128x128xf32, #tpu.memory_space<vmem>>, vector<16xf32>,
          tpu.vector_store %arg17[%swap3A_1091, %swap3A_1092], %mul3A_1090 {strides = array<i32>} : memref<128x128xf32, #tpu.memory_space<vmem>>, vector<16xf32>,
          %mul3A_1094 = arith.mulf %get3A_1089, %exp3A_1083 : vector<16xf32>
          %swap3A_1095 = arith.index_cast %add3A_1016 : i32 to index
          %swap3A_1096 = arith.constant 16 : index
          %swap3A_1097 = tpu.vector_load %arg17[%swap3A_1095, %swap3A_1096] {strides = array<i32>} : memref<128x128xf32, #tpu.memory_space<vmem>>, vector<16xf32>,
          tpu.vector_store %arg17[%swap3A_1095, %swap3A_1096], %mul3A_1094 {strides = array<i32>} : memref<128x128xf32, #tpu.memory_space<vmem>>, vector<16xf32>,
          %add3A_1098 = arith.addf %mul3A_1037, %mul3A_1044 : vector<16xf32>
          %reduce_sum3A_1099 = arith.constant true
          %reduce_sum3A_1100 = vector.broadcast %reduce_sum3A_1099 : i1 to vector<16xi1>
          %reduce_sum3A_1101 = tpu.scan <sum>, %add3A_1098 masked %reduce_sum3A_1100 : vector<16xf32>, vector<16xi1> -> vector<16xf32>
          %reduce_sum3A_1102 = vector.extract %reduce_sum3A_1101[15] : f32 from vector<16xf32>
          %broadcast_in_dim3A_1103 = arith.constant 1 : i32
          %broadcast_in_dim3A_1104 = vector.broadcast %broadcast_in_dim3A_1103 : i32 to vector<16xi32>
          %broadcast_in_dim3A_1105 = vector.broadcast %add3A_1016 : i32 to vector<16xi32>
          %broadcast_in_dim3A_1106 = vector.broadcast %reduce_sum3A_1102 : f32 to vector<16xf32>
          tpu.vector_store_idx %arg18[%broadcast_in_dim3A_1104, %broadcast_in_dim3A_1105], %broadcast_in_dim3A_1106 masked %eq3A_3 : memref<4x128xf32, #tpu.memory_space<vmem>>[vector<16xi32>, vector<16xi32>], vector<16xf32>, vector<16xi1>
          %broadcast_in_dim3A_1107 = vector.broadcast %reduce_sum3A_1102 : f32 to vector<16xf32>
          %exp3A_1108 = math.exp %broadcast_in_dim3A_1107 : vector<16xf32>
          %get3A_1109 = arith.index_cast %add3A_1016 : i32 to index
          %get3A_1110 = arith.constant 160 : index
          %get3A_1111 = tpu.vector_load %arg16[%get3A_1109, %get3A_1110] {strides = array<i32>} : memref<128x256xf32, #tpu.memory_space<vmem>>, vector<16xf32>,
          %get3A_1112 = arith.index_cast %add3A_1016 : i32 to index
          %get3A_1113 = arith.constant 176 : index
          %get3A_1114 = tpu.vector_load %arg16[%get3A_1112, %get3A_1113] {strides = array<i32>} : memref<128x256xf32, #tpu.memory_space<vmem>>, vector<16xf32>,
          %mul3A_1115 = arith.mulf %get3A_1111, %exp3A_1108 : vector<16xf32>
          %swap3A_1116 = arith.index_cast %add3A_1016 : i32 to index
          %swap3A_1117 = arith.constant 32 : index
          %swap3A_1118 = tpu.vector_load %arg17[%swap3A_1116, %swap3A_1117] {strides = array<i32>} : memref<128x128xf32, #tpu.memory_space<vmem>>, vector<16xf32>,
          tpu.vector_store %arg17[%swap3A_1116, %swap3A_1117], %mul3A_1115 {strides = array<i32>} : memref<128x128xf32, #tpu.memory_space<vmem>>, vector<16xf32>,
          %mul3A_1119 = arith.mulf %get3A_1114, %exp3A_1108 : vector<16xf32>
          %swap3A_1120 = arith.index_cast %add3A_1016 : i32 to index
          %swap3A_1121 = arith.constant 48 : index
          %swap3A_1122 = tpu.vector_load %arg17[%swap3A_1120, %swap3A_1121] {strides = array<i32>} : memref<128x128xf32, #tpu.memory_space<vmem>>, vector<16xf32>,
          tpu.vector_store %arg17[%swap3A_1120, %swap3A_1121], %mul3A_1119 {strides = array<i32>} : memref<128x128xf32, #tpu.memory_space<vmem>>, vector<16xf32>,
          %add3A_1123 = arith.addf %mul3A_1051, %mul3A_1058 : vector<16xf32>
          %reduce_sum3A_1124 = arith.constant true
          %reduce_sum3A_1125 = vector.broadcast %reduce_sum3A_1124 : i1 to vector<16xi1>
          %reduce_sum3A_1126 = tpu.scan <sum>, %add3A_1123 masked %reduce_sum3A_1125 : vector<16xf32>, vector<16xi1> -> vector<16xf32>
          %reduce_sum3A_1127 = vector.extract %reduce_sum3A_1126[15] : f32 from vector<16xf32>
          %broadcast_in_dim3A_1128 = arith.constant 2 : i32
          %broadcast_in_dim3A_1129 = vector.broadcast %broadcast_in_dim3A_1128 : i32 to vector<16xi32>
          %broadcast_in_dim3A_1130 = vector.broadcast %add3A_1016 : i32 to vector<16xi32>
          %broadcast_in_dim3A_1131 = vector.broadcast %reduce_sum3A_1127 : f32 to vector<16xf32>
          tpu.vector_store_idx %arg18[%broadcast_in_dim3A_1129, %broadcast_in_dim3A_1130], %broadcast_in_dim3A_1131 masked %eq3A_3 : memref<4x128xf32, #tpu.memory_space<vmem>>[vector<16xi32>, vector<16xi32>], vector<16xf32>, vector<16xi1>
          %broadcast_in_dim3A_1132 = vector.broadcast %reduce_sum3A_1127 : f32 to vector<16xf32>
          %exp3A_1133 = math.exp %broadcast_in_dim3A_1132 : vector<16xf32>
          %get3A_1134 = arith.index_cast %add3A_1016 : i32 to index
          %get3A_1135 = arith.constant 192 : index
          %get3A_1136 = tpu.vector_load %arg16[%get3A_1134, %get3A_1135] {strides = array<i32>} : memref<128x256xf32, #tpu.memory_space<vmem>>, vector<16xf32>,
          %get3A_1137 = arith.index_cast %add3A_1016 : i32 to index
          %get3A_1138 = arith.constant 208 : index
          %get3A_1139 = tpu.vector_load %arg16[%get3A_1137, %get3A_1138] {strides = array<i32>} : memref<128x256xf32, #tpu.memory_space<vmem>>, vector<16xf32>,
          %mul3A_1140 = arith.mulf %get3A_1136, %exp3A_1133 : vector<16xf32>
          %swap3A_1141 = arith.index_cast %add3A_1016 : i32 to index
          %swap3A_1142 = arith.constant 64 : index
          %swap3A_1143 = tpu.vector_load %arg17[%swap3A_1141, %swap3A_1142] {strides = array<i32>} : memref<128x128xf32, #tpu.memory_space<vmem>>, vector<16xf32>,
          tpu.vector_store %arg17[%swap3A_1141, %swap3A_1142], %mul3A_1140 {strides = array<i32>} : memref<128x128xf32, #tpu.memory_space<vmem>>, vector<16xf32>,
          %mul3A_1144 = arith.mulf %get3A_1139, %exp3A_1133 : vector<16xf32>
          %swap3A_1145 = arith.index_cast %add3A_1016 : i32 to index
          %swap3A_1146 = arith.constant 80 : index
          %swap3A_1147 = tpu.vector_load %arg17[%swap3A_1145, %swap3A_1146] {strides = array<i32>} : memref<128x128xf32, #tpu.memory_space<vmem>>, vector<16xf32>,
          tpu.vector_store %arg17[%swap3A_1145, %swap3A_1146], %mul3A_1144 {strides = array<i32>} : memref<128x128xf32, #tpu.memory_space<vmem>>, vector<16xf32>,
          %add3A_1148 = arith.addf %mul3A_1065, %mul3A_1072 : vector<16xf32>
          %reduce_sum3A_1149 = arith.constant true
          %reduce_sum3A_1150 = vector.broadcast %reduce_sum3A_1149 : i1 to vector<16xi1>
          %reduce_sum3A_1151 = tpu.scan <sum>, %add3A_1148 masked %reduce_sum3A_1150 : vector<16xf32>, vector<16xi1> -> vector<16xf32>
          %reduce_sum3A_1152 = vector.extract %reduce_sum3A_1151[15] : f32 from vector<16xf32>
          %broadcast_in_dim3A_1153 = arith.constant 3 : i32
          %broadcast_in_dim3A_1154 = vector.broadcast %broadcast_in_dim3A_1153 : i32 to vector<16xi32>
          %broadcast_in_dim3A_1155 = vector.broadcast %add3A_1016 : i32 to vector<16xi32>
          %broadcast_in_dim3A_1156 = vector.broadcast %reduce_sum3A_1152 : f32 to vector<16xf32>
          tpu.vector_store_idx %arg18[%broadcast_in_dim3A_1154, %broadcast_in_dim3A_1155], %broadcast_in_dim3A_1156 masked %eq3A_3 : memref<4x128xf32, #tpu.memory_space<vmem>>[vector<16xi32>, vector<16xi32>], vector<16xf32>, vector<16xi1>
          %broadcast_in_dim3A_1157 = vector.broadcast %reduce_sum3A_1152 : f32 to vector<16xf32>
          %exp3A_1158 = math.exp %broadcast_in_dim3A_1157 : vector<16xf32>
          %get3A_1159 = arith.index_cast %add3A_1016 : i32 to index
          %get3A_1160 = arith.constant 224 : index
          %get3A_1161 = tpu.vector_load %arg16[%get3A_1159, %get3A_1160] {strides = array<i32>} : memref<128x256xf32, #tpu.memory_space<vmem>>, vector<16xf32>,
          %get3A_1162 = arith.index_cast %add3A_1016 : i32 to index
          %get3A_1163 = arith.constant 240 : index
          %get3A_1164 = tpu.vector_load %arg16[%get3A_1162, %get3A_1163] {strides = array<i32>} : memref<128x256xf32, #tpu.memory_space<vmem>>, vector<16xf32>,
          %mul3A_1165 = arith.mulf %get3A_1161, %exp3A_1158 : vector<16xf32>
          %swap3A_1166 = arith.index_cast %add3A_1016 : i32 to index
          %swap3A_1167 = arith.constant 96 : index
          %swap3A_1168 = tpu.vector_load %arg17[%swap3A_1166, %swap3A_1167] {strides = array<i32>} : memref<128x128xf32, #tpu.memory_space<vmem>>, vector<16xf32>,
          tpu.vector_store %arg17[%swap3A_1166, %swap3A_1167], %mul3A_1165 {strides = array<i32>} : memref<128x128xf32, #tpu.memory_space<vmem>>, vector<16xf32>,
          %mul3A_1169 = arith.mulf %get3A_1164, %exp3A_1158 : vector<16xf32>
          %swap3A_1170 = arith.index_cast %add3A_1016 : i32 to index
          %swap3A_1171 = arith.constant 112 : index
          %swap3A_1172 = tpu.vector_load %arg17[%swap3A_1170, %swap3A_1171] {strides = array<i32>} : memref<128x128xf32, #tpu.memory_space<vmem>>, vector<16xf32>,
          tpu.vector_store %arg17[%swap3A_1170, %swap3A_1171], %mul3A_1169 {strides = array<i32>} : memref<128x128xf32, #tpu.memory_space<vmem>>, vector<16xf32>,
        }
        %scan3A_455 = arith.constant 128 : i32
        %scan3A_456 = arith.constant 0 : i32
        %scan3A_457 = arith.constant 8 : i32
        %scan3A_458 = arith.addi %scan3A_456, %scan3A_457 : i32
        %scan3A_459 = arith.constant 1 : i32
        scf.for %scan3A_528 = %scan3A_456 to %scan3A_458 step %scan3A_459  : i32 {
          %mul3A_529 = arith.constant 16 : i32
          %mul3A_530 = arith.muli %scan3A_528, %mul3A_529 : i32
          %add3A_531 = arith.constant 0 : i32
          %add3A_532 = arith.addi %add3A_531, %mul3A_530 : i32
          %add3A_533 = vector.broadcast %add3A_532 : i32 to vector<16xi32>
          %add3A_534 = arith.addi %iota3A, %add3A_533 : vector<16xi32>
          %get3A_535 = arith.index_cast %add3A_532 : i32 to index
          %get3A_536 = tpu.vector_load %arg14[%get3A_535] {strides = array<i32>} : memref<128xi32, #tpu.memory_space<vmem>>, vector<16xi32>,
          %shift_right_logical3A = arith.constant 5 : i32
          %shift_right_logical3A_537 = vector.broadcast %shift_right_logical3A : i32 to vector<16xi32>
          %shift_right_logical3A_538 = arith.shrui %get3A_536, %shift_right_logical3A_537 : vector<16xi32>
          %and3A = arith.constant 31 : i32
          %and3A_539 = vector.broadcast %and3A : i32 to vector<16xi32>
          %and3A_540 = arith.andi %get3A_536, %and3A_539 : vector<16xi32>
          %mul3A_541 = arith.constant 4 : i32
          %mul3A_542 = vector.broadcast %mul3A_541 : i32 to vector<16xi32>
          %mul3A_543 = arith.muli %and3A_540, %mul3A_542 : vector<16xi32>
          %broadcast_in_dim3A_544 = arith.constant 0 : i32
          %broadcast_in_dim3A_545 = vector.broadcast %broadcast_in_dim3A_544 : i32 to vector<16xi32>
          %gather3A = tpu.vector_load_idx %arg18[%broadcast_in_dim3A_545, %add3A_534] : memref<4x128xf32, #tpu.memory_space<vmem>>[vector<16xi32>, vector<16xi32>], vector<16xf32>,
          %add3A_546 = arith.constant 0 : i32
          %add3A_547 = vector.broadcast %add3A_546 : i32 to vector<16xi32>
          %add3A_548 = arith.addi %mul3A_543, %add3A_547 : vector<16xi32>
          %exp3A = math.exp %gather3A : vector<16xf32>
          tpu.vector_store_idx %arg19[%shift_right_logical3A_538, %add3A_548], %exp3A {add = true} : memref<168x128xf32, #tpu.memory_space<vmem>>[vector<16xi32>, vector<16xi32>], vector<16xf32>,
          %broadcast_in_dim3A_549 = arith.constant 1 : i32
          %broadcast_in_dim3A_550 = vector.broadcast %broadcast_in_dim3A_549 : i32 to vector<16xi32>
          %gather3A_551 = tpu.vector_load_idx %arg18[%broadcast_in_dim3A_550, %add3A_534] : memref<4x128xf32, #tpu.memory_space<vmem>>[vector<16xi32>, vector<16xi32>], vector<16xf32>,
          %add3A_552 = arith.constant 1 : i32
          %add3A_553 = vector.broadcast %add3A_552 : i32 to vector<16xi32>
          %add3A_554 = arith.addi %mul3A_543, %add3A_553 : vector<16xi32>
          %exp3A_555 = math.exp %gather3A_551 : vector<16xf32>
          tpu.vector_store_idx %arg19[%shift_right_logical3A_538, %add3A_554], %exp3A_555 {add = true} : memref<168x128xf32, #tpu.memory_space<vmem>>[vector<16xi32>, vector<16xi32>], vector<16xf32>,
          %broadcast_in_dim3A_556 = arith.constant 2 : i32
          %broadcast_in_dim3A_557 = vector.broadcast %broadcast_in_dim3A_556 : i32 to vector<16xi32>
          %gather3A_558 = tpu.vector_load_idx %arg18[%broadcast_in_dim3A_557, %add3A_534] : memref<4x128xf32, #tpu.memory_space<vmem>>[vector<16xi32>, vector<16xi32>], vector<16xf32>,
          %add3A_559 = arith.constant 2 : i32
          %add3A_560 = vector.broadcast %add3A_559 : i32 to vector<16xi32>
          %add3A_561 = arith.addi %mul3A_543, %add3A_560 : vector<16xi32>
          %exp3A_562 = math.exp %gather3A_558 : vector<16xf32>
          tpu.vector_store_idx %arg19[%shift_right_logical3A_538, %add3A_561], %exp3A_562 {add = true} : memref<168x128xf32, #tpu.memory_space<vmem>>[vector<16xi32>, vector<16xi32>], vector<16xf32>,
          %broadcast_in_dim3A_563 = arith.constant 3 : i32
          %broadcast_in_dim3A_564 = vector.broadcast %broadcast_in_dim3A_563 : i32 to vector<16xi32>
          %gather3A_565 = tpu.vector_load_idx %arg18[%broadcast_in_dim3A_564, %add3A_534] : memref<4x128xf32, #tpu.memory_space<vmem>>[vector<16xi32>, vector<16xi32>], vector<16xf32>,
          %add3A_566 = arith.constant 3 : i32
          %add3A_567 = vector.broadcast %add3A_566 : i32 to vector<16xi32>
          %add3A_568 = arith.addi %mul3A_543, %add3A_567 : vector<16xi32>
          %exp3A_569 = math.exp %gather3A_565 : vector<16xf32>
          tpu.vector_store_idx %arg19[%shift_right_logical3A_538, %add3A_568], %exp3A_569 {add = true} : memref<168x128xf32, #tpu.memory_space<vmem>>[vector<16xi32>, vector<16xi32>], vector<16xf32>,
        }
        %scan3A_460 = arith.constant 8 : i32
        %dma_start3A_461 = arith.constant 0 : i32
        %dma_start3A_462 = arith.constant 0 : i32
        %dma_start3A_463 = tpu.memref_slice %arg20[%dma_start3A_461, %dma_start3A_462] : memref<5248x128xf32, #tpu.memory_space<vmem_shared>> -> memref<5248x128xf32, #tpu.memory_space<vmem_shared>>
        tpu.enqueue_indirect_dma source(%arg17 : memref<128x128xf32, #tpu.memory_space<vmem>>) target(%dma_start3A_463 : memref<5248x128xf32, #tpu.memory_space<vmem_shared>>) offsets(%arg14 : memref<128xi32, #tpu.memory_space<vmem>>) semaphore(%arg23 : memref<!tpu.dma_semaphore, #tpu.memory_space<semaphore_mem>>) {add = true}
        %get3A_464 = arith.constant 128 : index
        %get3A_465 = tpu.vector_load %arg10[%get3A_464] {strides = array<i32>} : memref<280xi32, #tpu.memory_space<vmem>>, vector<16xi32>,
        %swap3A_466 = arith.constant 0 : index
        %swap3A_467 = tpu.vector_load %arg10[%swap3A_466] {strides = array<i32>} : memref<280xi32, #tpu.memory_space<vmem>>, vector<16xi32>,
        tpu.vector_store %arg10[%swap3A_466], %get3A_465 {strides = array<i32>} : memref<280xi32, #tpu.memory_space<vmem>>, vector<16xi32>,
        %get3A_468 = arith.constant 128 : index
        %get3A_469 = tpu.vector_load %arg11[%get3A_468] {strides = array<i32>} : memref<280xi32, #tpu.memory_space<vmem>>, vector<16xi32>,
        %swap3A_470 = arith.constant 0 : index
        %swap3A_471 = tpu.vector_load %arg11[%swap3A_470] {strides = array<i32>} : memref<280xi32, #tpu.memory_space<vmem>>, vector<16xi32>,
        tpu.vector_store %arg11[%swap3A_470], %get3A_469 {strides = array<i32>} : memref<280xi32, #tpu.memory_space<vmem>>, vector<16xi32>,
        %get3A_472 = arith.constant 144 : index
        %get3A_473 = tpu.vector_load %arg10[%get3A_472] {strides = array<i32>} : memref<280xi32, #tpu.memory_space<vmem>>, vector<16xi32>,
        %swap3A_474 = arith.constant 16 : index
        %swap3A_475 = tpu.vector_load %arg10[%swap3A_474] {strides = array<i32>} : memref<280xi32, #tpu.memory_space<vmem>>, vector<16xi32>,
        tpu.vector_store %arg10[%swap3A_474], %get3A_473 {strides = array<i32>} : memref<280xi32, #tpu.memory_space<vmem>>, vector<16xi32>,
        %get3A_476 = arith.constant 144 : index
        %get3A_477 = tpu.vector_load %arg11[%get3A_476] {strides = array<i32>} : memref<280xi32, #tpu.memory_space<vmem>>, vector<16xi32>,
        %swap3A_478 = arith.constant 16 : index
        %swap3A_479 = tpu.vector_load %arg11[%swap3A_478] {strides = array<i32>} : memref<280xi32, #tpu.memory_space<vmem>>, vector<16xi32>,
        tpu.vector_store %arg11[%swap3A_478], %get3A_477 {strides = array<i32>} : memref<280xi32, #tpu.memory_space<vmem>>, vector<16xi32>,
        %get3A_480 = arith.constant 160 : index
        %get3A_481 = tpu.vector_load %arg10[%get3A_480] {strides = array<i32>} : memref<280xi32, #tpu.memory_space<vmem>>, vector<16xi32>,
        %swap3A_482 = arith.constant 32 : index
        %swap3A_483 = tpu.vector_load %arg10[%swap3A_482] {strides = array<i32>} : memref<280xi32, #tpu.memory_space<vmem>>, vector<16xi32>,
        tpu.vector_store %arg10[%swap3A_482], %get3A_481 {strides = array<i32>} : memref<280xi32, #tpu.memory_space<vmem>>, vector<16xi32>,
        %get3A_484 = arith.constant 160 : index
        %get3A_485 = tpu.vector_load %arg11[%get3A_484] {strides = array<i32>} : memref<280xi32, #tpu.memory_space<vmem>>, vector<16xi32>,
        %swap3A_486 = arith.constant 32 : index
        %swap3A_487 = tpu.vector_load %arg11[%swap3A_486] {strides = array<i32>} : memref<280xi32, #tpu.memory_space<vmem>>, vector<16xi32>,
        tpu.vector_store %arg11[%swap3A_486], %get3A_485 {strides = array<i32>} : memref<280xi32, #tpu.memory_space<vmem>>, vector<16xi32>,
        %get3A_488 = arith.constant 176 : index
        %get3A_489 = tpu.vector_load %arg10[%get3A_488] {strides = array<i32>} : memref<280xi32, #tpu.memory_space<vmem>>, vector<16xi32>,
        %swap3A_490 = arith.constant 48 : index
        %swap3A_491 = tpu.vector_load %arg10[%swap3A_490] {strides = array<i32>} : memref<280xi32, #tpu.memory_space<vmem>>, vector<16xi32>,
        tpu.vector_store %arg10[%swap3A_490], %get3A_489 {strides = array<i32>} : memref<280xi32, #tpu.memory_space<vmem>>, vector<16xi32>,
        %get3A_492 = arith.constant 176 : index
        %get3A_493 = tpu.vector_load %arg11[%get3A_492] {strides = array<i32>} : memref<280xi32, #tpu.memory_space<vmem>>, vector<16xi32>,
        %swap3A_494 = arith.constant 48 : index
        %swap3A_495 = tpu.vector_load %arg11[%swap3A_494] {strides = array<i32>} : memref<280xi32, #tpu.memory_space<vmem>>, vector<16xi32>,
        tpu.vector_store %arg11[%swap3A_494], %get3A_493 {strides = array<i32>} : memref<280xi32, #tpu.memory_space<vmem>>, vector<16xi32>,
        %get3A_496 = arith.constant 192 : index
        %get3A_497 = tpu.vector_load %arg10[%get3A_496] {strides = array<i32>} : memref<280xi32, #tpu.memory_space<vmem>>, vector<16xi32>,
        %swap3A_498 = arith.constant 64 : index
        %swap3A_499 = tpu.vector_load %arg10[%swap3A_498] {strides = array<i32>} : memref<280xi32, #tpu.memory_space<vmem>>, vector<16xi32>,
        tpu.vector_store %arg10[%swap3A_498], %get3A_497 {strides = array<i32>} : memref<280xi32, #tpu.memory_space<vmem>>, vector<16xi32>,
        %get3A_500 = arith.constant 192 : index
        %get3A_501 = tpu.vector_load %arg11[%get3A_500] {strides = array<i32>} : memref<280xi32, #tpu.memory_space<vmem>>, vector<16xi32>,
        %swap3A_502 = arith.constant 64 : index
        %swap3A_503 = tpu.vector_load %arg11[%swap3A_502] {strides = array<i32>} : memref<280xi32, #tpu.memory_space<vmem>>, vector<16xi32>,
        tpu.vector_store %arg11[%swap3A_502], %get3A_501 {strides = array<i32>} : memref<280xi32, #tpu.memory_space<vmem>>, vector<16xi32>,
        %get3A_504 = arith.constant 208 : index
        %get3A_505 = tpu.vector_load %arg10[%get3A_504] {strides = array<i32>} : memref<280xi32, #tpu.memory_space<vmem>>, vector<16xi32>,
        %swap3A_506 = arith.constant 80 : index
        %swap3A_507 = tpu.vector_load %arg10[%swap3A_506] {strides = array<i32>} : memref<280xi32, #tpu.memory_space<vmem>>, vector<16xi32>,
        tpu.vector_store %arg10[%swap3A_506], %get3A_505 {strides = array<i32>} : memref<280xi32, #tpu.memory_space<vmem>>, vector<16xi32>,
        %get3A_508 = arith.constant 208 : index
        %get3A_509 = tpu.vector_load %arg11[%get3A_508] {strides = array<i32>} : memref<280xi32, #tpu.memory_space<vmem>>, vector<16xi32>,
        %swap3A_510 = arith.constant 80 : index
        %swap3A_511 = tpu.vector_load %arg11[%swap3A_510] {strides = array<i32>} : memref<280xi32, #tpu.memory_space<vmem>>, vector<16xi32>,
        tpu.vector_store %arg11[%swap3A_510], %get3A_509 {strides = array<i32>} : memref<280xi32, #tpu.memory_space<vmem>>, vector<16xi32>,
        %get3A_512 = arith.constant 224 : index
        %get3A_513 = tpu.vector_load %arg10[%get3A_512] {strides = array<i32>} : memref<280xi32, #tpu.memory_space<vmem>>, vector<16xi32>,
        %swap3A_514 = arith.constant 96 : index
        %swap3A_515 = tpu.vector_load %arg10[%swap3A_514] {strides = array<i32>} : memref<280xi32, #tpu.memory_space<vmem>>, vector<16xi32>,
        tpu.vector_store %arg10[%swap3A_514], %get3A_513 {strides = array<i32>} : memref<280xi32, #tpu.memory_space<vmem>>, vector<16xi32>,
        %get3A_516 = arith.constant 224 : index
        %get3A_517 = tpu.vector_load %arg11[%get3A_516] {strides = array<i32>} : memref<280xi32, #tpu.memory_space<vmem>>, vector<16xi32>,
        %swap3A_518 = arith.constant 96 : index
        %swap3A_519 = tpu.vector_load %arg11[%swap3A_518] {strides = array<i32>} : memref<280xi32, #tpu.memory_space<vmem>>, vector<16xi32>,
        tpu.vector_store %arg11[%swap3A_518], %get3A_517 {strides = array<i32>} : memref<280xi32, #tpu.memory_space<vmem>>, vector<16xi32>,
        %get3A_520 = arith.constant 240 : index
        %get3A_521 = tpu.vector_load %arg10[%get3A_520] {strides = array<i32>} : memref<280xi32, #tpu.memory_space<vmem>>, vector<16xi32>,
        %swap3A_522 = arith.constant 112 : index
        %swap3A_523 = tpu.vector_load %arg10[%swap3A_522] {strides = array<i32>} : memref<280xi32, #tpu.memory_space<vmem>>, vector<16xi32>,
        tpu.vector_store %arg10[%swap3A_522], %get3A_521 {strides = array<i32>} : memref<280xi32, #tpu.memory_space<vmem>>, vector<16xi32>,
        %get3A_524 = arith.constant 240 : index
        %get3A_525 = tpu.vector_load %arg11[%get3A_524] {strides = array<i32>} : memref<280xi32, #tpu.memory_space<vmem>>, vector<16xi32>,
        %swap3A_526 = arith.constant 112 : index
        %swap3A_527 = tpu.vector_load %arg11[%swap3A_526] {strides = array<i32>} : memref<280xi32, #tpu.memory_space<vmem>>, vector<16xi32>,
        tpu.vector_store %arg11[%swap3A_526], %get3A_525 {strides = array<i32>} : memref<280xi32, #tpu.memory_space<vmem>>, vector<16xi32>,
      } else {
      }
      %ge3A_343 = arith.constant 128 : i32
      %ge3A_344 = arith.cmpi sge, %scan3A_339, %ge3A_343 : i32
      %sub3A = arith.constant 128 : i32
      %sub3A_345 = arith.subi %scan3A_339, %sub3A : i32
      %select_n3A = arith.select %ge3A_344, %sub3A_345, %scan3A_339 : i32
      %scan3A_346 = arith.constant 1 : i32
      scf.yield %select_n3A : i32
    }
    %scan3A_41 = arith.constant 157 : i32
    %add3A_42 = arith.constant 5120 : i32
    %add3A_43 = arith.addi %mul3A_0, %add3A_42 : i32
    %broadcast_in_dim3A_44 = vector.broadcast %add3A_43 : i32 to vector<16xi32>
    %broadcast_in_dim3A_45 = arith.constant 0 : i32
    %broadcast_in_dim3A_46 = vector.broadcast %broadcast_in_dim3A_45 : i32 to vector<16xi32>
    %add3A_47 = arith.constant 0 : i32
    %add3A_48 = arith.addi %scan3A_40, %add3A_47 : i32
    %swap3A = arith.index_cast %add3A_48 : i32 to index
    %swap3A_49 = tpu.vector_load %arg10[%swap3A] {strides = array<i32>} : memref<280xi32, #tpu.memory_space<vmem>>, vector<16xi32>,
    tpu.vector_store %arg10[%swap3A], %broadcast_in_dim3A_44 {strides = array<i32>} : memref<280xi32, #tpu.memory_space<vmem>>, vector<16xi32>,
    %add3A_50 = arith.constant 0 : i32
    %add3A_51 = arith.addi %scan3A_40, %add3A_50 : i32
    %swap3A_52 = arith.index_cast %add3A_51 : i32 to index
    %swap3A_53 = tpu.vector_load %arg11[%swap3A_52] {strides = array<i32>} : memref<280xi32, #tpu.memory_space<vmem>>, vector<16xi32>,
    tpu.vector_store %arg11[%swap3A_52], %broadcast_in_dim3A_46 {strides = array<i32>} : memref<280xi32, #tpu.memory_space<vmem>>, vector<16xi32>,
    %add3A_54 = arith.constant 16 : i32
    %add3A_55 = arith.addi %scan3A_40, %add3A_54 : i32
    %swap3A_56 = arith.index_cast %add3A_55 : i32 to index
    %swap3A_57 = tpu.vector_load %arg10[%swap3A_56] {strides = array<i32>} : memref<280xi32, #tpu.memory_space<vmem>>, vector<16xi32>,
    tpu.vector_store %arg10[%swap3A_56], %broadcast_in_dim3A_44 {strides = array<i32>} : memref<280xi32, #tpu.memory_space<vmem>>, vector<16xi32>,
    %add3A_58 = arith.constant 16 : i32
    %add3A_59 = arith.addi %scan3A_40, %add3A_58 : i32
    %swap3A_60 = arith.index_cast %add3A_59 : i32 to index
    %swap3A_61 = tpu.vector_load %arg11[%swap3A_60] {strides = array<i32>} : memref<280xi32, #tpu.memory_space<vmem>>, vector<16xi32>,
    tpu.vector_store %arg11[%swap3A_60], %broadcast_in_dim3A_46 {strides = array<i32>} : memref<280xi32, #tpu.memory_space<vmem>>, vector<16xi32>,
    %add3A_62 = arith.constant 32 : i32
    %add3A_63 = arith.addi %scan3A_40, %add3A_62 : i32
    %swap3A_64 = arith.index_cast %add3A_63 : i32 to index
    %swap3A_65 = tpu.vector_load %arg10[%swap3A_64] {strides = array<i32>} : memref<280xi32, #tpu.memory_space<vmem>>, vector<16xi32>,
    tpu.vector_store %arg10[%swap3A_64], %broadcast_in_dim3A_44 {strides = array<i32>} : memref<280xi32, #tpu.memory_space<vmem>>, vector<16xi32>,
    %add3A_66 = arith.constant 32 : i32
    %add3A_67 = arith.addi %scan3A_40, %add3A_66 : i32
    %swap3A_68 = arith.index_cast %add3A_67 : i32 to index
    %swap3A_69 = tpu.vector_load %arg11[%swap3A_68] {strides = array<i32>} : memref<280xi32, #tpu.memory_space<vmem>>, vector<16xi32>,
    tpu.vector_store %arg11[%swap3A_68], %broadcast_in_dim3A_46 {strides = array<i32>} : memref<280xi32, #tpu.memory_space<vmem>>, vector<16xi32>,
    %add3A_70 = arith.constant 48 : i32
    %add3A_71 = arith.addi %scan3A_40, %add3A_70 : i32
    %swap3A_72 = arith.index_cast %add3A_71 : i32 to index
    %swap3A_73 = tpu.vector_load %arg10[%swap3A_72] {strides = array<i32>} : memref<280xi32, #tpu.memory_space<vmem>>, vector<16xi32>,
    tpu.vector_store %arg10[%swap3A_72], %broadcast_in_dim3A_44 {strides = array<i32>} : memref<280xi32, #tpu.memory_space<vmem>>, vector<16xi32>,
    %add3A_74 = arith.constant 48 : i32
    %add3A_75 = arith.addi %scan3A_40, %add3A_74 : i32
    %swap3A_76 = arith.index_cast %add3A_75 : i32 to index
    %swap3A_77 = tpu.vector_load %arg11[%swap3A_76] {strides = array<i32>} : memref<280xi32, #tpu.memory_space<vmem>>, vector<16xi32>,
    tpu.vector_store %arg11[%swap3A_76], %broadcast_in_dim3A_46 {strides = array<i32>} : memref<280xi32, #tpu.memory_space<vmem>>, vector<16xi32>,
    %add3A_78 = arith.constant 64 : i32
    %add3A_79 = arith.addi %scan3A_40, %add3A_78 : i32
    %swap3A_80 = arith.index_cast %add3A_79 : i32 to index
    %swap3A_81 = tpu.vector_load %arg10[%swap3A_80] {strides = array<i32>} : memref<280xi32, #tpu.memory_space<vmem>>, vector<16xi32>,
    tpu.vector_store %arg10[%swap3A_80], %broadcast_in_dim3A_44 {strides = array<i32>} : memref<280xi32, #tpu.memory_space<vmem>>, vector<16xi32>,
    %add3A_82 = arith.constant 64 : i32
    %add3A_83 = arith.addi %scan3A_40, %add3A_82 : i32
    %swap3A_84 = arith.index_cast %add3A_83 : i32 to index
    %swap3A_85 = tpu.vector_load %arg11[%swap3A_84] {strides = array<i32>} : memref<280xi32, #tpu.memory_space<vmem>>, vector<16xi32>,
    tpu.vector_store %arg11[%swap3A_84], %broadcast_in_dim3A_46 {strides = array<i32>} : memref<280xi32, #tpu.memory_space<vmem>>, vector<16xi32>,
    %add3A_86 = arith.constant 80 : i32
    %add3A_87 = arith.addi %scan3A_40, %add3A_86 : i32
    %swap3A_88 = arith.index_cast %add3A_87 : i32 to index
    %swap3A_89 = tpu.vector_load %arg10[%swap3A_88] {strides = array<i32>} : memref<280xi32, #tpu.memory_space<vmem>>, vector<16xi32>,
    tpu.vector_store %arg10[%swap3A_88], %broadcast_in_dim3A_44 {strides = array<i32>} : memref<280xi32, #tpu.memory_space<vmem>>, vector<16xi32>,
    %add3A_90 = arith.constant 80 : i32
    %add3A_91 = arith.addi %scan3A_40, %add3A_90 : i32
    %swap3A_92 = arith.index_cast %add3A_91 : i32 to index
    %swap3A_93 = tpu.vector_load %arg11[%swap3A_92] {strides = array<i32>} : memref<280xi32, #tpu.memory_space<vmem>>, vector<16xi32>,
    tpu.vector_store %arg11[%swap3A_92], %broadcast_in_dim3A_46 {strides = array<i32>} : memref<280xi32, #tpu.memory_space<vmem>>, vector<16xi32>,
    %add3A_94 = arith.constant 96 : i32
    %add3A_95 = arith.addi %scan3A_40, %add3A_94 : i32
    %swap3A_96 = arith.index_cast %add3A_95 : i32 to index
    %swap3A_97 = tpu.vector_load %arg10[%swap3A_96] {strides = array<i32>} : memref<280xi32, #tpu.memory_space<vmem>>, vector<16xi32>,
    tpu.vector_store %arg10[%swap3A_96], %broadcast_in_dim3A_44 {strides = array<i32>} : memref<280xi32, #tpu.memory_space<vmem>>, vector<16xi32>,
    %add3A_98 = arith.constant 96 : i32
    %add3A_99 = arith.addi %scan3A_40, %add3A_98 : i32
    %swap3A_100 = arith.index_cast %add3A_99 : i32 to index
    %swap3A_101 = tpu.vector_load %arg11[%swap3A_100] {strides = array<i32>} : memref<280xi32, #tpu.memory_space<vmem>>, vector<16xi32>,
    tpu.vector_store %arg11[%swap3A_100], %broadcast_in_dim3A_46 {strides = array<i32>} : memref<280xi32, #tpu.memory_space<vmem>>, vector<16xi32>,
    %add3A_102 = arith.constant 112 : i32
    %add3A_103 = arith.addi %scan3A_40, %add3A_102 : i32
    %swap3A_104 = arith.index_cast %add3A_103 : i32 to index
    %swap3A_105 = tpu.vector_load %arg10[%swap3A_104] {strides = array<i32>} : memref<280xi32, #tpu.memory_space<vmem>>, vector<16xi32>,
    tpu.vector_store %arg10[%swap3A_104], %broadcast_in_dim3A_44 {strides = array<i32>} : memref<280xi32, #tpu.memory_space<vmem>>, vector<16xi32>,
    %add3A_106 = arith.constant 112 : i32
    %add3A_107 = arith.addi %scan3A_40, %add3A_106 : i32
    %swap3A_108 = arith.index_cast %add3A_107 : i32 to index
    %swap3A_109 = tpu.vector_load %arg11[%swap3A_108] {strides = array<i32>} : memref<280xi32, #tpu.memory_space<vmem>>, vector<16xi32>,
    tpu.vector_store %arg11[%swap3A_108], %broadcast_in_dim3A_46 {strides = array<i32>} : memref<280xi32, #tpu.memory_space<vmem>>, vector<16xi32>,
    %add3A_110 = arith.constant 128 : i32
    %add3A_111 = arith.addi %scan3A_40, %add3A_110 : i32
    %swap3A_112 = arith.index_cast %add3A_111 : i32 to index
    %swap3A_113 = tpu.vector_load %arg10[%swap3A_112] {strides = array<i32>} : memref<280xi32, #tpu.memory_space<vmem>>, vector<16xi32>,
    tpu.vector_store %arg10[%swap3A_112], %broadcast_in_dim3A_44 {strides = array<i32>} : memref<280xi32, #tpu.memory_space<vmem>>, vector<16xi32>,
    %add3A_114 = arith.constant 128 : i32
    %add3A_115 = arith.addi %scan3A_40, %add3A_114 : i32
    %swap3A_116 = arith.index_cast %add3A_115 : i32 to index
    %swap3A_117 = tpu.vector_load %arg11[%swap3A_116] {strides = array<i32>} : memref<280xi32, #tpu.memory_space<vmem>>, vector<16xi32>,
    tpu.vector_store %arg11[%swap3A_116], %broadcast_in_dim3A_46 {strides = array<i32>} : memref<280xi32, #tpu.memory_space<vmem>>, vector<16xi32>,
    %dma_wait3A = arith.constant 0 : i32
    %dma_wait3A_118 = arith.constant 0 : i32
    %dma_wait3A_119 = tpu.memref_slice %arg20[%dma_wait3A, %dma_wait3A_118] : memref<5248x128xf32, #tpu.memory_space<vmem_shared>> -> memref<5248x128xf32, #tpu.memory_space<vmem_shared>>
    tpu.wait_indirect_dma semaphore(%arg23 : memref<!tpu.dma_semaphore, #tpu.memory_space<semaphore_mem>>) src(%arg17 : memref<128x128xf32, #tpu.memory_space<vmem>>) dst(%dma_wait3A_119 : memref<5248x128xf32, #tpu.memory_space<vmem_shared>>)
    %scan3A_120 = arith.constant 0 : i32
    %scan3A_121 = arith.constant 8 : i32
    %scan3A_122 = arith.addi %scan3A_120, %scan3A_121 : i32
    %scan3A_123 = arith.constant 1 : i32
    scf.for %scan3A_313 = %scan3A_120 to %scan3A_122 step %scan3A_123  : i32 {
      %mul3A_314 = arith.constant 16 : i32
      %mul3A_315 = arith.muli %scan3A_313, %mul3A_314 : i32
      %add3A_316 = arith.constant 0 : i32
      %add3A_317 = arith.addi %add3A_316, %mul3A_315 : i32
      %get3A_318 = arith.index_cast %add3A_317 : i32 to index
      %get3A_319 = tpu.vector_load %arg10[%get3A_318] {strides = array<i32>} : memref<280xi32, #tpu.memory_space<vmem>>, vector<16xi32>,
      %swap3A_320 = arith.index_cast %add3A_317 : i32 to index
      %swap3A_321 = tpu.vector_load %arg12[%swap3A_320] {strides = array<i32>} : memref<128xi32, #tpu.memory_space<vmem>>, vector<16xi32>,
      tpu.vector_store %arg12[%swap3A_320], %get3A_319 {strides = array<i32>} : memref<128xi32, #tpu.memory_space<vmem>>, vector<16xi32>,
      %sub3A = vector.broadcast %mul3A_0 : i32 to vector<16xi32>
      %sub3A_322 = arith.subi %get3A_319, %sub3A : vector<16xi32>
      %swap3A_323 = arith.index_cast %add3A_317 : i32 to index
      %swap3A_324 = tpu.vector_load %arg14[%swap3A_323] {strides = array<i32>} : memref<128xi32, #tpu.memory_space<vmem>>, vector<16xi32>,
      tpu.vector_store %arg14[%swap3A_323], %sub3A_322 {strides = array<i32>} : memref<128xi32, #tpu.memory_space<vmem>>, vector<16xi32>,
      %get3A_325 = arith.index_cast %add3A_317 : i32 to index
      %get3A_326 = tpu.vector_load %arg11[%get3A_325] {strides = array<i32>} : memref<280xi32, #tpu.memory_space<vmem>>, vector<16xi32>,
      %swap3A_327 = arith.index_cast %add3A_317 : i32 to index
      %swap3A_328 = tpu.vector_load %arg13[%swap3A_327] {strides = array<i32>} : memref<128xi32, #tpu.memory_space<vmem>>, vector<16xi32>,
      tpu.vector_store %arg13[%swap3A_327], %get3A_326 {strides = array<i32>} : memref<128xi32, #tpu.memory_space<vmem>>, vector<16xi32>,
    }
    %scan3A_124 = arith.constant 8 : i32
    %dma_start3A_125 = arith.constant 0 : i32
    %dma_start3A_126 = arith.constant 0 : i32
    %dma_start3A_127 = tpu.memref_slice %arg16[%dma_start3A_125, %dma_start3A_126] : memref<128x256xf32, #tpu.memory_space<vmem>> -> memref<32x256xf32, #tpu.memory_space<vmem>>
    %dma_start3A_128 = arith.constant 0 : i32
    %dma_start3A_129 = tpu.memref_slice %arg13[%dma_start3A_128] : memref<128xi32, #tpu.memory_space<vmem>> -> memref<32xi32, #tpu.memory_space<vmem>>
    %dma_start3A_130 = arith.constant 0 : i32
    %dma_start3A_131 = arith.constant 0 : i32
    %dma_start3A_132 = tpu.memref_slice %arg3[%dma_start3A_130, %dma_start3A_131] : memref<11264x256xf32, #tpu.memory_space<hbm>> -> memref<11264x256xf32, #tpu.memory_space<hbm>>
    tpu.enqueue_indirect_dma source(%dma_start3A_132 : memref<11264x256xf32, #tpu.memory_space<hbm>>) target(%dma_start3A_127 : memref<32x256xf32, #tpu.memory_space<vmem>>) offsets(%dma_start3A_129 : memref<32xi32, #tpu.memory_space<vmem>>) semaphore(%arg22 : memref<!tpu.dma_semaphore, #tpu.memory_space<semaphore_mem>>)
    %dma_start3A_133 = arith.constant 32 : i32
    %dma_start3A_134 = arith.constant 0 : i32
    %dma_start3A_135 = tpu.memref_slice %arg16[%dma_start3A_133, %dma_start3A_134] : memref<128x256xf32, #tpu.memory_space<vmem>> -> memref<32x256xf32, #tpu.memory_space<vmem>>
    %dma_start3A_136 = arith.constant 32 : i32
    %dma_start3A_137 = tpu.memref_slice %arg13[%dma_start3A_136] : memref<128xi32, #tpu.memory_space<vmem>> -> memref<32xi32, #tpu.memory_space<vmem>>
    %dma_start3A_138 = arith.constant 0 : i32
    %dma_start3A_139 = arith.constant 0 : i32
    %dma_start3A_140 = tpu.memref_slice %arg3[%dma_start3A_138, %dma_start3A_139] : memref<11264x256xf32, #tpu.memory_space<hbm>> -> memref<11264x256xf32, #tpu.memory_space<hbm>>
    tpu.enqueue_indirect_dma source(%dma_start3A_140 : memref<11264x256xf32, #tpu.memory_space<hbm>>) target(%dma_start3A_135 : memref<32x256xf32, #tpu.memory_space<vmem>>) offsets(%dma_start3A_137 : memref<32xi32, #tpu.memory_space<vmem>>) semaphore(%arg22 : memref<!tpu.dma_semaphore, #tpu.memory_space<semaphore_mem>>)
    %dma_start3A_141 = arith.constant 64 : i32
    %dma_start3A_142 = arith.constant 0 : i32
    %dma_start3A_143 = tpu.memref_slice %arg16[%dma_start3A_141, %dma_start3A_142] : memref<128x256xf32, #tpu.memory_space<vmem>> -> memref<32x256xf32, #tpu.memory_space<vmem>>
    %dma_start3A_144 = arith.constant 64 : i32
    %dma_start3A_145 = tpu.memref_slice %arg13[%dma_start3A_144] : memref<128xi32, #tpu.memory_space<vmem>> -> memref<32xi32, #tpu.memory_space<vmem>>
    %dma_start3A_146 = arith.constant 0 : i32
    %dma_start3A_147 = arith.constant 0 : i32
    %dma_start3A_148 = tpu.memref_slice %arg3[%dma_start3A_146, %dma_start3A_147] : memref<11264x256xf32, #tpu.memory_space<hbm>> -> memref<11264x256xf32, #tpu.memory_space<hbm>>
    tpu.enqueue_indirect_dma source(%dma_start3A_148 : memref<11264x256xf32, #tpu.memory_space<hbm>>) target(%dma_start3A_143 : memref<32x256xf32, #tpu.memory_space<vmem>>) offsets(%dma_start3A_145 : memref<32xi32, #tpu.memory_space<vmem>>) semaphore(%arg22 : memref<!tpu.dma_semaphore, #tpu.memory_space<semaphore_mem>>)
    %dma_start3A_149 = arith.constant 96 : i32
    %dma_start3A_150 = arith.constant 0 : i32
    %dma_start3A_151 = tpu.memref_slice %arg16[%dma_start3A_149, %dma_start3A_150] : memref<128x256xf32, #tpu.memory_space<vmem>> -> memref<32x256xf32, #tpu.memory_space<vmem>>
    %dma_start3A_152 = arith.constant 96 : i32
    %dma_start3A_153 = tpu.memref_slice %arg13[%dma_start3A_152] : memref<128xi32, #tpu.memory_space<vmem>> -> memref<32xi32, #tpu.memory_space<vmem>>
    %dma_start3A_154 = arith.constant 0 : i32
    %dma_start3A_155 = arith.constant 0 : i32
    %dma_start3A_156 = tpu.memref_slice %arg3[%dma_start3A_154, %dma_start3A_155] : memref<11264x256xf32, #tpu.memory_space<hbm>> -> memref<11264x256xf32, #tpu.memory_space<hbm>>
    tpu.enqueue_indirect_dma source(%dma_start3A_156 : memref<11264x256xf32, #tpu.memory_space<hbm>>) target(%dma_start3A_151 : memref<32x256xf32, #tpu.memory_space<vmem>>) offsets(%dma_start3A_153 : memref<32xi32, #tpu.memory_space<vmem>>) semaphore(%arg22 : memref<!tpu.dma_semaphore, #tpu.memory_space<semaphore_mem>>)
    %dma_start3A_157 = arith.constant 0 : i32
    %dma_start3A_158 = arith.constant 0 : i32
    %dma_start3A_159 = tpu.memref_slice %arg15[%dma_start3A_157, %dma_start3A_158] : memref<128x128xf32, #tpu.memory_space<vmem>> -> memref<64x128xf32, #tpu.memory_space<vmem>>
    %dma_start3A_160 = arith.constant 0 : i32
    %dma_start3A_161 = tpu.memref_slice %arg12[%dma_start3A_160] : memref<128xi32, #tpu.memory_space<vmem>> -> memref<64xi32, #tpu.memory_space<vmem>>
    %dma_start3A_162 = arith.constant 0 : i32
    %dma_start3A_163 = arith.constant 0 : i32
    %dma_start3A_164 = tpu.memref_slice %arg2[%dma_start3A_162, %dma_start3A_163] : memref<11264x128xf32, #tpu.memory_space<hbm>> -> memref<11264x128xf32, #tpu.memory_space<hbm>>
    tpu.enqueue_indirect_dma source(%dma_start3A_164 : memref<11264x128xf32, #tpu.memory_space<hbm>>) target(%dma_start3A_159 : memref<64x128xf32, #tpu.memory_space<vmem>>) offsets(%dma_start3A_161 : memref<64xi32, #tpu.memory_space<vmem>>) semaphore(%arg21 : memref<!tpu.dma_semaphore, #tpu.memory_space<semaphore_mem>>)
    %dma_start3A_165 = arith.constant 64 : i32
    %dma_start3A_166 = arith.constant 0 : i32
    %dma_start3A_167 = tpu.memref_slice %arg15[%dma_start3A_165, %dma_start3A_166] : memref<128x128xf32, #tpu.memory_space<vmem>> -> memref<64x128xf32, #tpu.memory_space<vmem>>
    %dma_start3A_168 = arith.constant 64 : i32
    %dma_start3A_169 = tpu.memref_slice %arg12[%dma_start3A_168] : memref<128xi32, #tpu.memory_space<vmem>> -> memref<64xi32, #tpu.memory_space<vmem>>
    %dma_start3A_170 = arith.constant 0 : i32
    %dma_start3A_171 = arith.constant 0 : i32
    %dma_start3A_172 = tpu.memref_slice %arg2[%dma_start3A_170, %dma_start3A_171] : memref<11264x128xf32, #tpu.memory_space<hbm>> -> memref<11264x128xf32, #tpu.memory_space<hbm>>
    tpu.enqueue_indirect_dma source(%dma_start3A_172 : memref<11264x128xf32, #tpu.memory_space<hbm>>) target(%dma_start3A_167 : memref<64x128xf32, #tpu.memory_space<vmem>>) offsets(%dma_start3A_169 : memref<64xi32, #tpu.memory_space<vmem>>) semaphore(%arg21 : memref<!tpu.dma_semaphore, #tpu.memory_space<semaphore_mem>>)
    %dma_wait3A_173 = arith.constant 0 : i32
    %dma_wait3A_174 = arith.constant 0 : i32
    %dma_wait3A_175 = tpu.memref_slice %arg16[%dma_wait3A_173, %dma_wait3A_174] : memref<128x256xf32, #tpu.memory_space<vmem>> -> memref<32x256xf32, #tpu.memory_space<vmem>>
    %dma_wait3A_176 = arith.constant 0 : i32
    %dma_wait3A_177 = tpu.memref_slice %arg13[%dma_wait3A_176] : memref<128xi32, #tpu.memory_space<vmem>> -> memref<32xi32, #tpu.memory_space<vmem>>
    %dma_wait3A_178 = arith.constant 0 : i32
    %dma_wait3A_179 = arith.constant 0 : i32
    %dma_wait3A_180 = tpu.memref_slice %arg3[%dma_wait3A_178, %dma_wait3A_179] : memref<11264x256xf32, #tpu.memory_space<hbm>> -> memref<11264x256xf32, #tpu.memory_space<hbm>>
    tpu.wait_indirect_dma semaphore(%arg22 : memref<!tpu.dma_semaphore, #tpu.memory_space<semaphore_mem>>) src(%dma_wait3A_180 : memref<11264x256xf32, #tpu.memory_space<hbm>>) dst(%dma_wait3A_175 : memref<32x256xf32, #tpu.memory_space<vmem>>)
    %dma_wait3A_181 = arith.constant 32 : i32
    %dma_wait3A_182 = arith.constant 0 : i32
    %dma_wait3A_183 = tpu.memref_slice %arg16[%dma_wait3A_181, %dma_wait3A_182] : memref<128x256xf32, #tpu.memory_space<vmem>> -> memref<32x256xf32, #tpu.memory_space<vmem>>
    %dma_wait3A_184 = arith.constant 32 : i32
    %dma_wait3A_185 = tpu.memref_slice %arg13[%dma_wait3A_184] : memref<128xi32, #tpu.memory_space<vmem>> -> memref<32xi32, #tpu.memory_space<vmem>>
    %dma_wait3A_186 = arith.constant 0 : i32
    %dma_wait3A_187 = arith.constant 0 : i32
    %dma_wait3A_188 = tpu.memref_slice %arg3[%dma_wait3A_186, %dma_wait3A_187] : memref<11264x256xf32, #tpu.memory_space<hbm>> -> memref<11264x256xf32, #tpu.memory_space<hbm>>
    tpu.wait_indirect_dma semaphore(%arg22 : memref<!tpu.dma_semaphore, #tpu.memory_space<semaphore_mem>>) src(%dma_wait3A_188 : memref<11264x256xf32, #tpu.memory_space<hbm>>) dst(%dma_wait3A_183 : memref<32x256xf32, #tpu.memory_space<vmem>>)
    %dma_wait3A_189 = arith.constant 64 : i32
    %dma_wait3A_190 = arith.constant 0 : i32
    %dma_wait3A_191 = tpu.memref_slice %arg16[%dma_wait3A_189, %dma_wait3A_190] : memref<128x256xf32, #tpu.memory_space<vmem>> -> memref<32x256xf32, #tpu.memory_space<vmem>>
    %dma_wait3A_192 = arith.constant 64 : i32
    %dma_wait3A_193 = tpu.memref_slice %arg13[%dma_wait3A_192] : memref<128xi32, #tpu.memory_space<vmem>> -> memref<32xi32, #tpu.memory_space<vmem>>
    %dma_wait3A_194 = arith.constant 0 : i32
    %dma_wait3A_195 = arith.constant 0 : i32
    %dma_wait3A_196 = tpu.memref_slice %arg3[%dma_wait3A_194, %dma_wait3A_195] : memref<11264x256xf32, #tpu.memory_space<hbm>> -> memref<11264x256xf32, #tpu.memory_space<hbm>>
    tpu.wait_indirect_dma semaphore(%arg22 : memref<!tpu.dma_semaphore, #tpu.memory_space<semaphore_mem>>) src(%dma_wait3A_196 : memref<11264x256xf32, #tpu.memory_space<hbm>>) dst(%dma_wait3A_191 : memref<32x256xf32, #tpu.memory_space<vmem>>)
    %dma_wait3A_197 = arith.constant 96 : i32
    %dma_wait3A_198 = arith.constant 0 : i32
    %dma_wait3A_199 = tpu.memref_slice %arg16[%dma_wait3A_197, %dma_wait3A_198] : memref<128x256xf32, #tpu.memory_space<vmem>> -> memref<32x256xf32, #tpu.memory_space<vmem>>
    %dma_wait3A_200 = arith.constant 96 : i32
    %dma_wait3A_201 = tpu.memref_slice %arg13[%dma_wait3A_200] : memref<128xi32, #tpu.memory_space<vmem>> -> memref<32xi32, #tpu.memory_space<vmem>>
    %dma_wait3A_202 = arith.constant 0 : i32
    %dma_wait3A_203 = arith.constant 0 : i32
    %dma_wait3A_204 = tpu.memref_slice %arg3[%dma_wait3A_202, %dma_wait3A_203] : memref<11264x256xf32, #tpu.memory_space<hbm>> -> memref<11264x256xf32, #tpu.memory_space<hbm>>
    tpu.wait_indirect_dma semaphore(%arg22 : memref<!tpu.dma_semaphore, #tpu.memory_space<semaphore_mem>>) src(%dma_wait3A_204 : memref<11264x256xf32, #tpu.memory_space<hbm>>) dst(%dma_wait3A_199 : memref<32x256xf32, #tpu.memory_space<vmem>>)
    %dma_wait3A_205 = arith.constant 0 : i32
    %dma_wait3A_206 = arith.constant 0 : i32
    %dma_wait3A_207 = tpu.memref_slice %arg15[%dma_wait3A_205, %dma_wait3A_206] : memref<128x128xf32, #tpu.memory_space<vmem>> -> memref<64x128xf32, #tpu.memory_space<vmem>>
    %dma_wait3A_208 = arith.constant 0 : i32
    %dma_wait3A_209 = tpu.memref_slice %arg12[%dma_wait3A_208] : memref<128xi32, #tpu.memory_space<vmem>> -> memref<64xi32, #tpu.memory_space<vmem>>
    %dma_wait3A_210 = arith.constant 0 : i32
    %dma_wait3A_211 = arith.constant 0 : i32
    %dma_wait3A_212 = tpu.memref_slice %arg2[%dma_wait3A_210, %dma_wait3A_211] : memref<11264x128xf32, #tpu.memory_space<hbm>> -> memref<11264x128xf32, #tpu.memory_space<hbm>>
    tpu.wait_indirect_dma semaphore(%arg21 : memref<!tpu.dma_semaphore, #tpu.memory_space<semaphore_mem>>) src(%dma_wait3A_212 : memref<11264x128xf32, #tpu.memory_space<hbm>>) dst(%dma_wait3A_207 : memref<64x128xf32, #tpu.memory_space<vmem>>)
    %dma_wait3A_213 = arith.constant 64 : i32
    %dma_wait3A_214 = arith.constant 0 : i32
    %dma_wait3A_215 = tpu.memref_slice %arg15[%dma_wait3A_213, %dma_wait3A_214] : memref<128x128xf32, #tpu.memory_space<vmem>> -> memref<64x128xf32, #tpu.memory_space<vmem>>
    %dma_wait3A_216 = arith.constant 64 : i32
    %dma_wait3A_217 = tpu.memref_slice %arg12[%dma_wait3A_216] : memref<128xi32, #tpu.memory_space<vmem>> -> memref<64xi32, #tpu.memory_space<vmem>>
    %dma_wait3A_218 = arith.constant 0 : i32
    %dma_wait3A_219 = arith.constant 0 : i32
    %dma_wait3A_220 = tpu.memref_slice %arg2[%dma_wait3A_218, %dma_wait3A_219] : memref<11264x128xf32, #tpu.memory_space<hbm>> -> memref<11264x128xf32, #tpu.memory_space<hbm>>
    tpu.wait_indirect_dma semaphore(%arg21 : memref<!tpu.dma_semaphore, #tpu.memory_space<semaphore_mem>>) src(%dma_wait3A_220 : memref<11264x128xf32, #tpu.memory_space<hbm>>) dst(%dma_wait3A_215 : memref<64x128xf32, #tpu.memory_space<vmem>>)
    %scan3A_221 = arith.constant 0 : i32
    %scan3A_222 = arith.constant 128 : i32
    %scan3A_223 = arith.addi %scan3A_221, %scan3A_222 : i32
    %scan3A_224 = arith.constant 4 : i32
    scf.for %scan3A_313 = %scan3A_221 to %scan3A_223 step %scan3A_224  : i32 {
      %mul3A_314 = arith.constant 1 : i32
      %mul3A_315 = arith.muli %scan3A_313, %mul3A_314 : i32
      %add3A_316 = arith.constant 0 : i32
      %add3A_317 = arith.addi %add3A_316, %mul3A_315 : i32
      %get3A_318 = arith.index_cast %add3A_317 : i32 to index
      %get3A_319 = arith.constant 0 : index
      %get3A_320 = tpu.vector_load %arg15[%get3A_318, %get3A_319] {strides = array<i32>} : memref<128x128xf32, #tpu.memory_space<vmem>>, vector<16xf32>,
      %get3A_321 = arith.index_cast %add3A_317 : i32 to index
      %get3A_322 = arith.constant 0 : index
      %get3A_323 = tpu.vector_load %arg16[%get3A_321, %get3A_322] {strides = array<i32>} : memref<128x256xf32, #tpu.memory_space<vmem>>, vector<16xf32>,
      %mul3A_324 = arith.mulf %get3A_320, %get3A_323 : vector<16xf32>
      %get3A_325 = arith.index_cast %add3A_317 : i32 to index
      %get3A_326 = arith.constant 16 : index
      %get3A_327 = tpu.vector_load %arg15[%get3A_325, %get3A_326] {strides = array<i32>} : memref<128x128xf32, #tpu.memory_space<vmem>>, vector<16xf32>,
      %get3A_328 = arith.index_cast %add3A_317 : i32 to index
      %get3A_329 = arith.constant 16 : index
      %get3A_330 = tpu.vector_load %arg16[%get3A_328, %get3A_329] {strides = array<i32>} : memref<128x256xf32, #tpu.memory_space<vmem>>, vector<16xf32>,
      %mul3A_331 = arith.mulf %get3A_327, %get3A_330 : vector<16xf32>
      %get3A_332 = arith.index_cast %add3A_317 : i32 to index
      %get3A_333 = arith.constant 32 : index
      %get3A_334 = tpu.vector_load %arg15[%get3A_332, %get3A_333] {strides = array<i32>} : memref<128x128xf32, #tpu.memory_space<vmem>>, vector<16xf32>,
      %get3A_335 = arith.index_cast %add3A_317 : i32 to index
      %get3A_336 = arith.constant 32 : index
      %get3A_337 = tpu.vector_load %arg16[%get3A_335, %get3A_336] {strides = array<i32>} : memref<128x256xf32, #tpu.memory_space<vmem>>, vector<16xf32>,
      %mul3A_338 = arith.mulf %get3A_334, %get3A_337 : vector<16xf32>
      %get3A_339 = arith.index_cast %add3A_317 : i32 to index
      %get3A_340 = arith.constant 48 : index
      %get3A_341 = tpu.vector_load %arg15[%get3A_339, %get3A_340] {strides = array<i32>} : memref<128x128xf32, #tpu.memory_space<vmem>>, vector<16xf32>,
      %get3A_342 = arith.index_cast %add3A_317 : i32 to index
      %get3A_343 = arith.constant 48 : index
      %get3A_344 = tpu.vector_load %arg16[%get3A_342, %get3A_343] {strides = array<i32>} : memref<128x256xf32, #tpu.memory_space<vmem>>, vector<16xf32>,
      %mul3A_345 = arith.mulf %get3A_341, %get3A_344 : vector<16xf32>
      %get3A_346 = arith.index_cast %add3A_317 : i32 to index
      %get3A_347 = arith.constant 64 : index
      %get3A_348 = tpu.vector_load %arg15[%get3A_346, %get3A_347] {strides = array<i32>} : memref<128x128xf32, #tpu.memory_space<vmem>>, vector<16xf32>,
      %get3A_349 = arith.index_cast %add3A_317 : i32 to index
      %get3A_350 = arith.constant 64 : index
      %get3A_351 = tpu.vector_load %arg16[%get3A_349, %get3A_350] {strides = array<i32>} : memref<128x256xf32, #tpu.memory_space<vmem>>, vector<16xf32>,
      %mul3A_352 = arith.mulf %get3A_348, %get3A_351 : vector<16xf32>
      %get3A_353 = arith.index_cast %add3A_317 : i32 to index
      %get3A_354 = arith.constant 80 : index
      %get3A_355 = tpu.vector_load %arg15[%get3A_353, %get3A_354] {strides = array<i32>} : memref<128x128xf32, #tpu.memory_space<vmem>>, vector<16xf32>,
      %get3A_356 = arith.index_cast %add3A_317 : i32 to index
      %get3A_357 = arith.constant 80 : index
      %get3A_358 = tpu.vector_load %arg16[%get3A_356, %get3A_357] {strides = array<i32>} : memref<128x256xf32, #tpu.memory_space<vmem>>, vector<16xf32>,
      %mul3A_359 = arith.mulf %get3A_355, %get3A_358 : vector<16xf32>
      %get3A_360 = arith.index_cast %add3A_317 : i32 to index
      %get3A_361 = arith.constant 96 : index
      %get3A_362 = tpu.vector_load %arg15[%get3A_360, %get3A_361] {strides = array<i32>} : memref<128x128xf32, #tpu.memory_space<vmem>>, vector<16xf32>,
      %get3A_363 = arith.index_cast %add3A_317 : i32 to index
      %get3A_364 = arith.constant 96 : index
      %get3A_365 = tpu.vector_load %arg16[%get3A_363, %get3A_364] {strides = array<i32>} : memref<128x256xf32, #tpu.memory_space<vmem>>, vector<16xf32>,
      %mul3A_366 = arith.mulf %get3A_362, %get3A_365 : vector<16xf32>
      %get3A_367 = arith.index_cast %add3A_317 : i32 to index
      %get3A_368 = arith.constant 112 : index
      %get3A_369 = tpu.vector_load %arg15[%get3A_367, %get3A_368] {strides = array<i32>} : memref<128x128xf32, #tpu.memory_space<vmem>>, vector<16xf32>,
      %get3A_370 = arith.index_cast %add3A_317 : i32 to index
      %get3A_371 = arith.constant 112 : index
      %get3A_372 = tpu.vector_load %arg16[%get3A_370, %get3A_371] {strides = array<i32>} : memref<128x256xf32, #tpu.memory_space<vmem>>, vector<16xf32>,
      %mul3A_373 = arith.mulf %get3A_369, %get3A_372 : vector<16xf32>
      %add3A_374 = arith.addf %mul3A_324, %mul3A_331 : vector<16xf32>
      %reduce_sum3A = arith.constant true
      %reduce_sum3A_375 = vector.broadcast %reduce_sum3A : i1 to vector<16xi1>
      %reduce_sum3A_376 = tpu.scan <sum>, %add3A_374 masked %reduce_sum3A_375 : vector<16xf32>, vector<16xi1> -> vector<16xf32>
      %reduce_sum3A_377 = vector.extract %reduce_sum3A_376[15] : f32 from vector<16xf32>
      %broadcast_in_dim3A_378 = arith.constant 0 : i32
      %broadcast_in_dim3A_379 = vector.broadcast %broadcast_in_dim3A_378 : i32 to vector<16xi32>
      %broadcast_in_dim3A_380 = vector.broadcast %add3A_317 : i32 to vector<16xi32>
      %broadcast_in_dim3A_381 = vector.broadcast %reduce_sum3A_377 : f32 to vector<16xf32>
      tpu.vector_store_idx %arg18[%broadcast_in_dim3A_379, %broadcast_in_dim3A_380], %broadcast_in_dim3A_381 masked %eq3A_3 : memref<4x128xf32, #tpu.memory_space<vmem>>[vector<16xi32>, vector<16xi32>], vector<16xf32>, vector<16xi1>
      %broadcast_in_dim3A_382 = vector.broadcast %reduce_sum3A_377 : f32 to vector<16xf32>
      %exp3A = math.exp %broadcast_in_dim3A_382 : vector<16xf32>
      %get3A_383 = arith.index_cast %add3A_317 : i32 to index
      %get3A_384 = arith.constant 128 : index
      %get3A_385 = tpu.vector_load %arg16[%get3A_383, %get3A_384] {strides = array<i32>} : memref<128x256xf32, #tpu.memory_space<vmem>>, vector<16xf32>,
      %get3A_386 = arith.index_cast %add3A_317 : i32 to index
      %get3A_387 = arith.constant 144 : index
      %get3A_388 = tpu.vector_load %arg16[%get3A_386, %get3A_387] {strides = array<i32>} : memref<128x256xf32, #tpu.memory_space<vmem>>, vector<16xf32>,
      %mul3A_389 = arith.mulf %get3A_385, %exp3A : vector<16xf32>
      %swap3A_390 = arith.index_cast %add3A_317 : i32 to index
      %swap3A_391 = arith.constant 0 : index
      %swap3A_392 = tpu.vector_load %arg17[%swap3A_390, %swap3A_391] {strides = array<i32>} : memref<128x128xf32, #tpu.memory_space<vmem>>, vector<16xf32>,
      tpu.vector_store %arg17[%swap3A_390, %swap3A_391], %mul3A_389 {strides = array<i32>} : memref<128x128xf32, #tpu.memory_space<vmem>>, vector<16xf32>,
      %mul3A_393 = arith.mulf %get3A_388, %exp3A : vector<16xf32>
      %swap3A_394 = arith.index_cast %add3A_317 : i32 to index
      %swap3A_395 = arith.constant 16 : index
      %swap3A_396 = tpu.vector_load %arg17[%swap3A_394, %swap3A_395] {strides = array<i32>} : memref<128x128xf32, #tpu.memory_space<vmem>>, vector<16xf32>,
      tpu.vector_store %arg17[%swap3A_394, %swap3A_395], %mul3A_393 {strides = array<i32>} : memref<128x128xf32, #tpu.memory_space<vmem>>, vector<16xf32>,
      %add3A_397 = arith.addf %mul3A_338, %mul3A_345 : vector<16xf32>
      %reduce_sum3A_398 = arith.constant true
      %reduce_sum3A_399 = vector.broadcast %reduce_sum3A_398 : i1 to vector<16xi1>
      %reduce_sum3A_400 = tpu.scan <sum>, %add3A_397 masked %reduce_sum3A_399 : vector<16xf32>, vector<16xi1> -> vector<16xf32>
      %reduce_sum3A_401 = vector.extract %reduce_sum3A_400[15] : f32 from vector<16xf32>
      %broadcast_in_dim3A_402 = arith.constant 1 : i32
      %broadcast_in_dim3A_403 = vector.broadcast %broadcast_in_dim3A_402 : i32 to vector<16xi32>
      %broadcast_in_dim3A_404 = vector.broadcast %add3A_317 : i32 to vector<16xi32>
      %broadcast_in_dim3A_405 = vector.broadcast %reduce_sum3A_401 : f32 to vector<16xf32>
      tpu.vector_store_idx %arg18[%broadcast_in_dim3A_403, %broadcast_in_dim3A_404], %broadcast_in_dim3A_405 masked %eq3A_3 : memref<4x128xf32, #tpu.memory_space<vmem>>[vector<16xi32>, vector<16xi32>], vector<16xf32>, vector<16xi1>
      %broadcast_in_dim3A_406 = vector.broadcast %reduce_sum3A_401 : f32 to vector<16xf32>
      %exp3A_407 = math.exp %broadcast_in_dim3A_406 : vector<16xf32>
      %get3A_408 = arith.index_cast %add3A_317 : i32 to index
      %get3A_409 = arith.constant 160 : index
      %get3A_410 = tpu.vector_load %arg16[%get3A_408, %get3A_409] {strides = array<i32>} : memref<128x256xf32, #tpu.memory_space<vmem>>, vector<16xf32>,
      %get3A_411 = arith.index_cast %add3A_317 : i32 to index
      %get3A_412 = arith.constant 176 : index
      %get3A_413 = tpu.vector_load %arg16[%get3A_411, %get3A_412] {strides = array<i32>} : memref<128x256xf32, #tpu.memory_space<vmem>>, vector<16xf32>,
      %mul3A_414 = arith.mulf %get3A_410, %exp3A_407 : vector<16xf32>
      %swap3A_415 = arith.index_cast %add3A_317 : i32 to index
      %swap3A_416 = arith.constant 32 : index
      %swap3A_417 = tpu.vector_load %arg17[%swap3A_415, %swap3A_416] {strides = array<i32>} : memref<128x128xf32, #tpu.memory_space<vmem>>, vector<16xf32>,
      tpu.vector_store %arg17[%swap3A_415, %swap3A_416], %mul3A_414 {strides = array<i32>} : memref<128x128xf32, #tpu.memory_space<vmem>>, vector<16xf32>,
      %mul3A_418 = arith.mulf %get3A_413, %exp3A_407 : vector<16xf32>
      %swap3A_419 = arith.index_cast %add3A_317 : i32 to index
      %swap3A_420 = arith.constant 48 : index
      %swap3A_421 = tpu.vector_load %arg17[%swap3A_419, %swap3A_420] {strides = array<i32>} : memref<128x128xf32, #tpu.memory_space<vmem>>, vector<16xf32>,
      tpu.vector_store %arg17[%swap3A_419, %swap3A_420], %mul3A_418 {strides = array<i32>} : memref<128x128xf32, #tpu.memory_space<vmem>>, vector<16xf32>,
      %add3A_422 = arith.addf %mul3A_352, %mul3A_359 : vector<16xf32>
      %reduce_sum3A_423 = arith.constant true
      %reduce_sum3A_424 = vector.broadcast %reduce_sum3A_423 : i1 to vector<16xi1>
      %reduce_sum3A_425 = tpu.scan <sum>, %add3A_422 masked %reduce_sum3A_424 : vector<16xf32>, vector<16xi1> -> vector<16xf32>
      %reduce_sum3A_426 = vector.extract %reduce_sum3A_425[15] : f32 from vector<16xf32>
      %broadcast_in_dim3A_427 = arith.constant 2 : i32
      %broadcast_in_dim3A_428 = vector.broadcast %broadcast_in_dim3A_427 : i32 to vector<16xi32>
      %broadcast_in_dim3A_429 = vector.broadcast %add3A_317 : i32 to vector<16xi32>
      %broadcast_in_dim3A_430 = vector.broadcast %reduce_sum3A_426 : f32 to vector<16xf32>
      tpu.vector_store_idx %arg18[%broadcast_in_dim3A_428, %broadcast_in_dim3A_429], %broadcast_in_dim3A_430 masked %eq3A_3 : memref<4x128xf32, #tpu.memory_space<vmem>>[vector<16xi32>, vector<16xi32>], vector<16xf32>, vector<16xi1>
      %broadcast_in_dim3A_431 = vector.broadcast %reduce_sum3A_426 : f32 to vector<16xf32>
      %exp3A_432 = math.exp %broadcast_in_dim3A_431 : vector<16xf32>
      %get3A_433 = arith.index_cast %add3A_317 : i32 to index
      %get3A_434 = arith.constant 192 : index
      %get3A_435 = tpu.vector_load %arg16[%get3A_433, %get3A_434] {strides = array<i32>} : memref<128x256xf32, #tpu.memory_space<vmem>>, vector<16xf32>,
      %get3A_436 = arith.index_cast %add3A_317 : i32 to index
      %get3A_437 = arith.constant 208 : index
      %get3A_438 = tpu.vector_load %arg16[%get3A_436, %get3A_437] {strides = array<i32>} : memref<128x256xf32, #tpu.memory_space<vmem>>, vector<16xf32>,
      %mul3A_439 = arith.mulf %get3A_435, %exp3A_432 : vector<16xf32>
      %swap3A_440 = arith.index_cast %add3A_317 : i32 to index
      %swap3A_441 = arith.constant 64 : index
      %swap3A_442 = tpu.vector_load %arg17[%swap3A_440, %swap3A_441] {strides = array<i32>} : memref<128x128xf32, #tpu.memory_space<vmem>>, vector<16xf32>,
      tpu.vector_store %arg17[%swap3A_440, %swap3A_441], %mul3A_439 {strides = array<i32>} : memref<128x128xf32, #tpu.memory_space<vmem>>, vector<16xf32>,
      %mul3A_443 = arith.mulf %get3A_438, %exp3A_432 : vector<16xf32>
      %swap3A_444 = arith.index_cast %add3A_317 : i32 to index
      %swap3A_445 = arith.constant 80 : index
      %swap3A_446 = tpu.vector_load %arg17[%swap3A_444, %swap3A_445] {strides = array<i32>} : memref<128x128xf32, #tpu.memory_space<vmem>>, vector<16xf32>,
      tpu.vector_store %arg17[%swap3A_444, %swap3A_445], %mul3A_443 {strides = array<i32>} : memref<128x128xf32, #tpu.memory_space<vmem>>, vector<16xf32>,
      %add3A_447 = arith.addf %mul3A_366, %mul3A_373 : vector<16xf32>
      %reduce_sum3A_448 = arith.constant true
      %reduce_sum3A_449 = vector.broadcast %reduce_sum3A_448 : i1 to vector<16xi1>
      %reduce_sum3A_450 = tpu.scan <sum>, %add3A_447 masked %reduce_sum3A_449 : vector<16xf32>, vector<16xi1> -> vector<16xf32>
      %reduce_sum3A_451 = vector.extract %reduce_sum3A_450[15] : f32 from vector<16xf32>
      %broadcast_in_dim3A_452 = arith.constant 3 : i32
      %broadcast_in_dim3A_453 = vector.broadcast %broadcast_in_dim3A_452 : i32 to vector<16xi32>
      %broadcast_in_dim3A_454 = vector.broadcast %add3A_317 : i32 to vector<16xi32>
      %broadcast_in_dim3A_455 = vector.broadcast %reduce_sum3A_451 : f32 to vector<16xf32>
      tpu.vector_store_idx %arg18[%broadcast_in_dim3A_453, %broadcast_in_dim3A_454], %broadcast_in_dim3A_455 masked %eq3A_3 : memref<4x128xf32, #tpu.memory_space<vmem>>[vector<16xi32>, vector<16xi32>], vector<16xf32>, vector<16xi1>
      %broadcast_in_dim3A_456 = vector.broadcast %reduce_sum3A_451 : f32 to vector<16xf32>
      %exp3A_457 = math.exp %broadcast_in_dim3A_456 : vector<16xf32>
      %get3A_458 = arith.index_cast %add3A_317 : i32 to index
      %get3A_459 = arith.constant 224 : index
      %get3A_460 = tpu.vector_load %arg16[%get3A_458, %get3A_459] {strides = array<i32>} : memref<128x256xf32, #tpu.memory_space<vmem>>, vector<16xf32>,
      %get3A_461 = arith.index_cast %add3A_317 : i32 to index
      %get3A_462 = arith.constant 240 : index
      %get3A_463 = tpu.vector_load %arg16[%get3A_461, %get3A_462] {strides = array<i32>} : memref<128x256xf32, #tpu.memory_space<vmem>>, vector<16xf32>,
      %mul3A_464 = arith.mulf %get3A_460, %exp3A_457 : vector<16xf32>
      %swap3A_465 = arith.index_cast %add3A_317 : i32 to index
      %swap3A_466 = arith.constant 96 : index
      %swap3A_467 = tpu.vector_load %arg17[%swap3A_465, %swap3A_466] {strides = array<i32>} : memref<128x128xf32, #tpu.memory_space<vmem>>, vector<16xf32>,
      tpu.vector_store %arg17[%swap3A_465, %swap3A_466], %mul3A_464 {strides = array<i32>} : memref<128x128xf32, #tpu.memory_space<vmem>>, vector<16xf32>,
      %mul3A_468 = arith.mulf %get3A_463, %exp3A_457 : vector<16xf32>
      %swap3A_469 = arith.index_cast %add3A_317 : i32 to index
      %swap3A_470 = arith.constant 112 : index
      %swap3A_471 = tpu.vector_load %arg17[%swap3A_469, %swap3A_470] {strides = array<i32>} : memref<128x128xf32, #tpu.memory_space<vmem>>, vector<16xf32>,
      tpu.vector_store %arg17[%swap3A_469, %swap3A_470], %mul3A_468 {strides = array<i32>} : memref<128x128xf32, #tpu.memory_space<vmem>>, vector<16xf32>,
      %scan3A_472 = arith.constant 1 : i32
      %scan3A_473 = arith.addi %scan3A_313, %scan3A_472 : i32
      %mul3A_474 = arith.constant 1 : i32
      %mul3A_475 = arith.muli %scan3A_473, %mul3A_474 : i32
      %add3A_476 = arith.constant 0 : i32
      %add3A_477 = arith.addi %add3A_476, %mul3A_475 : i32
      %get3A_478 = arith.index_cast %add3A_477 : i32 to index
      %get3A_479 = arith.constant 0 : index
      %get3A_480 = tpu.vector_load %arg15[%get3A_478, %get3A_479] {strides = array<i32>} : memref<128x128xf32, #tpu.memory_space<vmem>>, vector<16xf32>,
      %get3A_481 = arith.index_cast %add3A_477 : i32 to index
      %get3A_482 = arith.constant 0 : index
      %get3A_483 = tpu.vector_load %arg16[%get3A_481, %get3A_482] {strides = array<i32>} : memref<128x256xf32, #tpu.memory_space<vmem>>, vector<16xf32>,
      %mul3A_484 = arith.mulf %get3A_480, %get3A_483 : vector<16xf32>
      %get3A_485 = arith.index_cast %add3A_477 : i32 to index
      %get3A_486 = arith.constant 16 : index
      %get3A_487 = tpu.vector_load %arg15[%get3A_485, %get3A_486] {strides = array<i32>} : memref<128x128xf32, #tpu.memory_space<vmem>>, vector<16xf32>,
      %get3A_488 = arith.index_cast %add3A_477 : i32 to index
      %get3A_489 = arith.constant 16 : index
      %get3A_490 = tpu.vector_load %arg16[%get3A_488, %get3A_489] {strides = array<i32>} : memref<128x256xf32, #tpu.memory_space<vmem>>, vector<16xf32>,
      %mul3A_491 = arith.mulf %get3A_487, %get3A_490 : vector<16xf32>
      %get3A_492 = arith.index_cast %add3A_477 : i32 to index
      %get3A_493 = arith.constant 32 : index
      %get3A_494 = tpu.vector_load %arg15[%get3A_492, %get3A_493] {strides = array<i32>} : memref<128x128xf32, #tpu.memory_space<vmem>>, vector<16xf32>,
      %get3A_495 = arith.index_cast %add3A_477 : i32 to index
      %get3A_496 = arith.constant 32 : index
      %get3A_497 = tpu.vector_load %arg16[%get3A_495, %get3A_496] {strides = array<i32>} : memref<128x256xf32, #tpu.memory_space<vmem>>, vector<16xf32>,
      %mul3A_498 = arith.mulf %get3A_494, %get3A_497 : vector<16xf32>
      %get3A_499 = arith.index_cast %add3A_477 : i32 to index
      %get3A_500 = arith.constant 48 : index
      %get3A_501 = tpu.vector_load %arg15[%get3A_499, %get3A_500] {strides = array<i32>} : memref<128x128xf32, #tpu.memory_space<vmem>>, vector<16xf32>,
      %get3A_502 = arith.index_cast %add3A_477 : i32 to index
      %get3A_503 = arith.constant 48 : index
      %get3A_504 = tpu.vector_load %arg16[%get3A_502, %get3A_503] {strides = array<i32>} : memref<128x256xf32, #tpu.memory_space<vmem>>, vector<16xf32>,
      %mul3A_505 = arith.mulf %get3A_501, %get3A_504 : vector<16xf32>
      %get3A_506 = arith.index_cast %add3A_477 : i32 to index
      %get3A_507 = arith.constant 64 : index
      %get3A_508 = tpu.vector_load %arg15[%get3A_506, %get3A_507] {strides = array<i32>} : memref<128x128xf32, #tpu.memory_space<vmem>>, vector<16xf32>,
      %get3A_509 = arith.index_cast %add3A_477 : i32 to index
      %get3A_510 = arith.constant 64 : index
      %get3A_511 = tpu.vector_load %arg16[%get3A_509, %get3A_510] {strides = array<i32>} : memref<128x256xf32, #tpu.memory_space<vmem>>, vector<16xf32>,
      %mul3A_512 = arith.mulf %get3A_508, %get3A_511 : vector<16xf32>
      %get3A_513 = arith.index_cast %add3A_477 : i32 to index
      %get3A_514 = arith.constant 80 : index
      %get3A_515 = tpu.vector_load %arg15[%get3A_513, %get3A_514] {strides = array<i32>} : memref<128x128xf32, #tpu.memory_space<vmem>>, vector<16xf32>,
      %get3A_516 = arith.index_cast %add3A_477 : i32 to index
      %get3A_517 = arith.constant 80 : index
      %get3A_518 = tpu.vector_load %arg16[%get3A_516, %get3A_517] {strides = array<i32>} : memref<128x256xf32, #tpu.memory_space<vmem>>, vector<16xf32>,
      %mul3A_519 = arith.mulf %get3A_515, %get3A_518 : vector<16xf32>
      %get3A_520 = arith.index_cast %add3A_477 : i32 to index
      %get3A_521 = arith.constant 96 : index
      %get3A_522 = tpu.vector_load %arg15[%get3A_520, %get3A_521] {strides = array<i32>} : memref<128x128xf32, #tpu.memory_space<vmem>>, vector<16xf32>,
      %get3A_523 = arith.index_cast %add3A_477 : i32 to index
      %get3A_524 = arith.constant 96 : index
      %get3A_525 = tpu.vector_load %arg16[%get3A_523, %get3A_524] {strides = array<i32>} : memref<128x256xf32, #tpu.memory_space<vmem>>, vector<16xf32>,
      %mul3A_526 = arith.mulf %get3A_522, %get3A_525 : vector<16xf32>
      %get3A_527 = arith.index_cast %add3A_477 : i32 to index
      %get3A_528 = arith.constant 112 : index
      %get3A_529 = tpu.vector_load %arg15[%get3A_527, %get3A_528] {strides = array<i32>} : memref<128x128xf32, #tpu.memory_space<vmem>>, vector<16xf32>,
      %get3A_530 = arith.index_cast %add3A_477 : i32 to index
      %get3A_531 = arith.constant 112 : index
      %get3A_532 = tpu.vector_load %arg16[%get3A_530, %get3A_531] {strides = array<i32>} : memref<128x256xf32, #tpu.memory_space<vmem>>, vector<16xf32>,
      %mul3A_533 = arith.mulf %get3A_529, %get3A_532 : vector<16xf32>
      %add3A_534 = arith.addf %mul3A_484, %mul3A_491 : vector<16xf32>
      %reduce_sum3A_535 = arith.constant true
      %reduce_sum3A_536 = vector.broadcast %reduce_sum3A_535 : i1 to vector<16xi1>
      %reduce_sum3A_537 = tpu.scan <sum>, %add3A_534 masked %reduce_sum3A_536 : vector<16xf32>, vector<16xi1> -> vector<16xf32>
      %reduce_sum3A_538 = vector.extract %reduce_sum3A_537[15] : f32 from vector<16xf32>
      %broadcast_in_dim3A_539 = arith.constant 0 : i32
      %broadcast_in_dim3A_540 = vector.broadcast %broadcast_in_dim3A_539 : i32 to vector<16xi32>
      %broadcast_in_dim3A_541 = vector.broadcast %add3A_477 : i32 to vector<16xi32>
      %broadcast_in_dim3A_542 = vector.broadcast %reduce_sum3A_538 : f32 to vector<16xf32>
      tpu.vector_store_idx %arg18[%broadcast_in_dim3A_540, %broadcast_in_dim3A_541], %broadcast_in_dim3A_542 masked %eq3A_3 : memref<4x128xf32, #tpu.memory_space<vmem>>[vector<16xi32>, vector<16xi32>], vector<16xf32>, vector<16xi1>
      %broadcast_in_dim3A_543 = vector.broadcast %reduce_sum3A_538 : f32 to vector<16xf32>
      %exp3A_544 = math.exp %broadcast_in_dim3A_543 : vector<16xf32>
      %get3A_545 = arith.index_cast %add3A_477 : i32 to index
      %get3A_546 = arith.constant 128 : index
      %get3A_547 = tpu.vector_load %arg16[%get3A_545, %get3A_546] {strides = array<i32>} : memref<128x256xf32, #tpu.memory_space<vmem>>, vector<16xf32>,
      %get3A_548 = arith.index_cast %add3A_477 : i32 to index
      %get3A_549 = arith.constant 144 : index
      %get3A_550 = tpu.vector_load %arg16[%get3A_548, %get3A_549] {strides = array<i32>} : memref<128x256xf32, #tpu.memory_space<vmem>>, vector<16xf32>,
      %mul3A_551 = arith.mulf %get3A_547, %exp3A_544 : vector<16xf32>
      %swap3A_552 = arith.index_cast %add3A_477 : i32 to index
      %swap3A_553 = arith.constant 0 : index
      %swap3A_554 = tpu.vector_load %arg17[%swap3A_552, %swap3A_553] {strides = array<i32>} : memref<128x128xf32, #tpu.memory_space<vmem>>, vector<16xf32>,
      tpu.vector_store %arg17[%swap3A_552, %swap3A_553], %mul3A_551 {strides = array<i32>} : memref<128x128xf32, #tpu.memory_space<vmem>>, vector<16xf32>,
      %mul3A_555 = arith.mulf %get3A_550, %exp3A_544 : vector<16xf32>
      %swap3A_556 = arith.index_cast %add3A_477 : i32 to index
      %swap3A_557 = arith.constant 16 : index
      %swap3A_558 = tpu.vector_load %arg17[%swap3A_556, %swap3A_557] {strides = array<i32>} : memref<128x128xf32, #tpu.memory_space<vmem>>, vector<16xf32>,
      tpu.vector_store %arg17[%swap3A_556, %swap3A_557], %mul3A_555 {strides = array<i32>} : memref<128x128xf32, #tpu.memory_space<vmem>>, vector<16xf32>,
      %add3A_559 = arith.addf %mul3A_498, %mul3A_505 : vector<16xf32>
      %reduce_sum3A_560 = arith.constant true
      %reduce_sum3A_561 = vector.broadcast %reduce_sum3A_560 : i1 to vector<16xi1>
      %reduce_sum3A_562 = tpu.scan <sum>, %add3A_559 masked %reduce_sum3A_561 : vector<16xf32>, vector<16xi1> -> vector<16xf32>
      %reduce_sum3A_563 = vector.extract %reduce_sum3A_562[15] : f32 from vector<16xf32>
      %broadcast_in_dim3A_564 = arith.constant 1 : i32
      %broadcast_in_dim3A_565 = vector.broadcast %broadcast_in_dim3A_564 : i32 to vector<16xi32>
      %broadcast_in_dim3A_566 = vector.broadcast %add3A_477 : i32 to vector<16xi32>
      %broadcast_in_dim3A_567 = vector.broadcast %reduce_sum3A_563 : f32 to vector<16xf32>
      tpu.vector_store_idx %arg18[%broadcast_in_dim3A_565, %broadcast_in_dim3A_566], %broadcast_in_dim3A_567 masked %eq3A_3 : memref<4x128xf32, #tpu.memory_space<vmem>>[vector<16xi32>, vector<16xi32>], vector<16xf32>, vector<16xi1>
      %broadcast_in_dim3A_568 = vector.broadcast %reduce_sum3A_563 : f32 to vector<16xf32>
      %exp3A_569 = math.exp %broadcast_in_dim3A_568 : vector<16xf32>
      %get3A_570 = arith.index_cast %add3A_477 : i32 to index
      %get3A_571 = arith.constant 160 : index
      %get3A_572 = tpu.vector_load %arg16[%get3A_570, %get3A_571] {strides = array<i32>} : memref<128x256xf32, #tpu.memory_space<vmem>>, vector<16xf32>,
      %get3A_573 = arith.index_cast %add3A_477 : i32 to index
      %get3A_574 = arith.constant 176 : index
      %get3A_575 = tpu.vector_load %arg16[%get3A_573, %get3A_574] {strides = array<i32>} : memref<128x256xf32, #tpu.memory_space<vmem>>, vector<16xf32>,
      %mul3A_576 = arith.mulf %get3A_572, %exp3A_569 : vector<16xf32>
      %swap3A_577 = arith.index_cast %add3A_477 : i32 to index
      %swap3A_578 = arith.constant 32 : index
      %swap3A_579 = tpu.vector_load %arg17[%swap3A_577, %swap3A_578] {strides = array<i32>} : memref<128x128xf32, #tpu.memory_space<vmem>>, vector<16xf32>,
      tpu.vector_store %arg17[%swap3A_577, %swap3A_578], %mul3A_576 {strides = array<i32>} : memref<128x128xf32, #tpu.memory_space<vmem>>, vector<16xf32>,
      %mul3A_580 = arith.mulf %get3A_575, %exp3A_569 : vector<16xf32>
      %swap3A_581 = arith.index_cast %add3A_477 : i32 to index
      %swap3A_582 = arith.constant 48 : index
      %swap3A_583 = tpu.vector_load %arg17[%swap3A_581, %swap3A_582] {strides = array<i32>} : memref<128x128xf32, #tpu.memory_space<vmem>>, vector<16xf32>,
      tpu.vector_store %arg17[%swap3A_581, %swap3A_582], %mul3A_580 {strides = array<i32>} : memref<128x128xf32, #tpu.memory_space<vmem>>, vector<16xf32>,
      %add3A_584 = arith.addf %mul3A_512, %mul3A_519 : vector<16xf32>
      %reduce_sum3A_585 = arith.constant true
      %reduce_sum3A_586 = vector.broadcast %reduce_sum3A_585 : i1 to vector<16xi1>
      %reduce_sum3A_587 = tpu.scan <sum>, %add3A_584 masked %reduce_sum3A_586 : vector<16xf32>, vector<16xi1> -> vector<16xf32>
      %reduce_sum3A_588 = vector.extract %reduce_sum3A_587[15] : f32 from vector<16xf32>
      %broadcast_in_dim3A_589 = arith.constant 2 : i32
      %broadcast_in_dim3A_590 = vector.broadcast %broadcast_in_dim3A_589 : i32 to vector<16xi32>
      %broadcast_in_dim3A_591 = vector.broadcast %add3A_477 : i32 to vector<16xi32>
      %broadcast_in_dim3A_592 = vector.broadcast %reduce_sum3A_588 : f32 to vector<16xf32>
      tpu.vector_store_idx %arg18[%broadcast_in_dim3A_590, %broadcast_in_dim3A_591], %broadcast_in_dim3A_592 masked %eq3A_3 : memref<4x128xf32, #tpu.memory_space<vmem>>[vector<16xi32>, vector<16xi32>], vector<16xf32>, vector<16xi1>
      %broadcast_in_dim3A_593 = vector.broadcast %reduce_sum3A_588 : f32 to vector<16xf32>
      %exp3A_594 = math.exp %broadcast_in_dim3A_593 : vector<16xf32>
      %get3A_595 = arith.index_cast %add3A_477 : i32 to index
      %get3A_596 = arith.constant 192 : index
      %get3A_597 = tpu.vector_load %arg16[%get3A_595, %get3A_596] {strides = array<i32>} : memref<128x256xf32, #tpu.memory_space<vmem>>, vector<16xf32>,
      %get3A_598 = arith.index_cast %add3A_477 : i32 to index
      %get3A_599 = arith.constant 208 : index
      %get3A_600 = tpu.vector_load %arg16[%get3A_598, %get3A_599] {strides = array<i32>} : memref<128x256xf32, #tpu.memory_space<vmem>>, vector<16xf32>,
      %mul3A_601 = arith.mulf %get3A_597, %exp3A_594 : vector<16xf32>
      %swap3A_602 = arith.index_cast %add3A_477 : i32 to index
      %swap3A_603 = arith.constant 64 : index
      %swap3A_604 = tpu.vector_load %arg17[%swap3A_602, %swap3A_603] {strides = array<i32>} : memref<128x128xf32, #tpu.memory_space<vmem>>, vector<16xf32>,
      tpu.vector_store %arg17[%swap3A_602, %swap3A_603], %mul3A_601 {strides = array<i32>} : memref<128x128xf32, #tpu.memory_space<vmem>>, vector<16xf32>,
      %mul3A_605 = arith.mulf %get3A_600, %exp3A_594 : vector<16xf32>
      %swap3A_606 = arith.index_cast %add3A_477 : i32 to index
      %swap3A_607 = arith.constant 80 : index
      %swap3A_608 = tpu.vector_load %arg17[%swap3A_606, %swap3A_607] {strides = array<i32>} : memref<128x128xf32, #tpu.memory_space<vmem>>, vector<16xf32>,
      tpu.vector_store %arg17[%swap3A_606, %swap3A_607], %mul3A_605 {strides = array<i32>} : memref<128x128xf32, #tpu.memory_space<vmem>>, vector<16xf32>,
      %add3A_609 = arith.addf %mul3A_526, %mul3A_533 : vector<16xf32>
      %reduce_sum3A_610 = arith.constant true
      %reduce_sum3A_611 = vector.broadcast %reduce_sum3A_610 : i1 to vector<16xi1>
      %reduce_sum3A_612 = tpu.scan <sum>, %add3A_609 masked %reduce_sum3A_611 : vector<16xf32>, vector<16xi1> -> vector<16xf32>
      %reduce_sum3A_613 = vector.extract %reduce_sum3A_612[15] : f32 from vector<16xf32>
      %broadcast_in_dim3A_614 = arith.constant 3 : i32
      %broadcast_in_dim3A_615 = vector.broadcast %broadcast_in_dim3A_614 : i32 to vector<16xi32>
      %broadcast_in_dim3A_616 = vector.broadcast %add3A_477 : i32 to vector<16xi32>
      %broadcast_in_dim3A_617 = vector.broadcast %reduce_sum3A_613 : f32 to vector<16xf32>
      tpu.vector_store_idx %arg18[%broadcast_in_dim3A_615, %broadcast_in_dim3A_616], %broadcast_in_dim3A_617 masked %eq3A_3 : memref<4x128xf32, #tpu.memory_space<vmem>>[vector<16xi32>, vector<16xi32>], vector<16xf32>, vector<16xi1>
      %broadcast_in_dim3A_618 = vector.broadcast %reduce_sum3A_613 : f32 to vector<16xf32>
      %exp3A_619 = math.exp %broadcast_in_dim3A_618 : vector<16xf32>
      %get3A_620 = arith.index_cast %add3A_477 : i32 to index
      %get3A_621 = arith.constant 224 : index
      %get3A_622 = tpu.vector_load %arg16[%get3A_620, %get3A_621] {strides = array<i32>} : memref<128x256xf32, #tpu.memory_space<vmem>>, vector<16xf32>,
      %get3A_623 = arith.index_cast %add3A_477 : i32 to index
      %get3A_624 = arith.constant 240 : index
      %get3A_625 = tpu.vector_load %arg16[%get3A_623, %get3A_624] {strides = array<i32>} : memref<128x256xf32, #tpu.memory_space<vmem>>, vector<16xf32>,
      %mul3A_626 = arith.mulf %get3A_622, %exp3A_619 : vector<16xf32>
      %swap3A_627 = arith.index_cast %add3A_477 : i32 to index
      %swap3A_628 = arith.constant 96 : index
      %swap3A_629 = tpu.vector_load %arg17[%swap3A_627, %swap3A_628] {strides = array<i32>} : memref<128x128xf32, #tpu.memory_space<vmem>>, vector<16xf32>,
      tpu.vector_store %arg17[%swap3A_627, %swap3A_628], %mul3A_626 {strides = array<i32>} : memref<128x128xf32, #tpu.memory_space<vmem>>, vector<16xf32>,
      %mul3A_630 = arith.mulf %get3A_625, %exp3A_619 : vector<16xf32>
      %swap3A_631 = arith.index_cast %add3A_477 : i32 to index
      %swap3A_632 = arith.constant 112 : index
      %swap3A_633 = tpu.vector_load %arg17[%swap3A_631, %swap3A_632] {strides = array<i32>} : memref<128x128xf32, #tpu.memory_space<vmem>>, vector<16xf32>,
      tpu.vector_store %arg17[%swap3A_631, %swap3A_632], %mul3A_630 {strides = array<i32>} : memref<128x128xf32, #tpu.memory_space<vmem>>, vector<16xf32>,
      %scan3A_634 = arith.constant 2 : i32
      %scan3A_635 = arith.addi %scan3A_313, %scan3A_634 : i32
      %mul3A_636 = arith.constant 1 : i32
      %mul3A_637 = arith.muli %scan3A_635, %mul3A_636 : i32
      %add3A_638 = arith.constant 0 : i32
      %add3A_639 = arith.addi %add3A_638, %mul3A_637 : i32
      %get3A_640 = arith.index_cast %add3A_639 : i32 to index
      %get3A_641 = arith.constant 0 : index
      %get3A_642 = tpu.vector_load %arg15[%get3A_640, %get3A_641] {strides = array<i32>} : memref<128x128xf32, #tpu.memory_space<vmem>>, vector<16xf32>,
      %get3A_643 = arith.index_cast %add3A_639 : i32 to index
      %get3A_644 = arith.constant 0 : index
      %get3A_645 = tpu.vector_load %arg16[%get3A_643, %get3A_644] {strides = array<i32>} : memref<128x256xf32, #tpu.memory_space<vmem>>, vector<16xf32>,
      %mul3A_646 = arith.mulf %get3A_642, %get3A_645 : vector<16xf32>
      %get3A_647 = arith.index_cast %add3A_639 : i32 to index
      %get3A_648 = arith.constant 16 : index
      %get3A_649 = tpu.vector_load %arg15[%get3A_647, %get3A_648] {strides = array<i32>} : memref<128x128xf32, #tpu.memory_space<vmem>>, vector<16xf32>,
      %get3A_650 = arith.index_cast %add3A_639 : i32 to index
      %get3A_651 = arith.constant 16 : index
      %get3A_652 = tpu.vector_load %arg16[%get3A_650, %get3A_651] {strides = array<i32>} : memref<128x256xf32, #tpu.memory_space<vmem>>, vector<16xf32>,
      %mul3A_653 = arith.mulf %get3A_649, %get3A_652 : vector<16xf32>
      %get3A_654 = arith.index_cast %add3A_639 : i32 to index
      %get3A_655 = arith.constant 32 : index
      %get3A_656 = tpu.vector_load %arg15[%get3A_654, %get3A_655] {strides = array<i32>} : memref<128x128xf32, #tpu.memory_space<vmem>>, vector<16xf32>,
      %get3A_657 = arith.index_cast %add3A_639 : i32 to index
      %get3A_658 = arith.constant 32 : index
      %get3A_659 = tpu.vector_load %arg16[%get3A_657, %get3A_658] {strides = array<i32>} : memref<128x256xf32, #tpu.memory_space<vmem>>, vector<16xf32>,
      %mul3A_660 = arith.mulf %get3A_656, %get3A_659 : vector<16xf32>
      %get3A_661 = arith.index_cast %add3A_639 : i32 to index
      %get3A_662 = arith.constant 48 : index
      %get3A_663 = tpu.vector_load %arg15[%get3A_661, %get3A_662] {strides = array<i32>} : memref<128x128xf32, #tpu.memory_space<vmem>>, vector<16xf32>,
      %get3A_664 = arith.index_cast %add3A_639 : i32 to index
      %get3A_665 = arith.constant 48 : index
      %get3A_666 = tpu.vector_load %arg16[%get3A_664, %get3A_665] {strides = array<i32>} : memref<128x256xf32, #tpu.memory_space<vmem>>, vector<16xf32>,
      %mul3A_667 = arith.mulf %get3A_663, %get3A_666 : vector<16xf32>
      %get3A_668 = arith.index_cast %add3A_639 : i32 to index
      %get3A_669 = arith.constant 64 : index
      %get3A_670 = tpu.vector_load %arg15[%get3A_668, %get3A_669] {strides = array<i32>} : memref<128x128xf32, #tpu.memory_space<vmem>>, vector<16xf32>,
      %get3A_671 = arith.index_cast %add3A_639 : i32 to index
      %get3A_672 = arith.constant 64 : index
      %get3A_673 = tpu.vector_load %arg16[%get3A_671, %get3A_672] {strides = array<i32>} : memref<128x256xf32, #tpu.memory_space<vmem>>, vector<16xf32>,
      %mul3A_674 = arith.mulf %get3A_670, %get3A_673 : vector<16xf32>
      %get3A_675 = arith.index_cast %add3A_639 : i32 to index
      %get3A_676 = arith.constant 80 : index
      %get3A_677 = tpu.vector_load %arg15[%get3A_675, %get3A_676] {strides = array<i32>} : memref<128x128xf32, #tpu.memory_space<vmem>>, vector<16xf32>,
      %get3A_678 = arith.index_cast %add3A_639 : i32 to index
      %get3A_679 = arith.constant 80 : index
      %get3A_680 = tpu.vector_load %arg16[%get3A_678, %get3A_679] {strides = array<i32>} : memref<128x256xf32, #tpu.memory_space<vmem>>, vector<16xf32>,
      %mul3A_681 = arith.mulf %get3A_677, %get3A_680 : vector<16xf32>
      %get3A_682 = arith.index_cast %add3A_639 : i32 to index
      %get3A_683 = arith.constant 96 : index
      %get3A_684 = tpu.vector_load %arg15[%get3A_682, %get3A_683] {strides = array<i32>} : memref<128x128xf32, #tpu.memory_space<vmem>>, vector<16xf32>,
      %get3A_685 = arith.index_cast %add3A_639 : i32 to index
      %get3A_686 = arith.constant 96 : index
      %get3A_687 = tpu.vector_load %arg16[%get3A_685, %get3A_686] {strides = array<i32>} : memref<128x256xf32, #tpu.memory_space<vmem>>, vector<16xf32>,
      %mul3A_688 = arith.mulf %get3A_684, %get3A_687 : vector<16xf32>
      %get3A_689 = arith.index_cast %add3A_639 : i32 to index
      %get3A_690 = arith.constant 112 : index
      %get3A_691 = tpu.vector_load %arg15[%get3A_689, %get3A_690] {strides = array<i32>} : memref<128x128xf32, #tpu.memory_space<vmem>>, vector<16xf32>,
      %get3A_692 = arith.index_cast %add3A_639 : i32 to index
      %get3A_693 = arith.constant 112 : index
      %get3A_694 = tpu.vector_load %arg16[%get3A_692, %get3A_693] {strides = array<i32>} : memref<128x256xf32, #tpu.memory_space<vmem>>, vector<16xf32>,
      %mul3A_695 = arith.mulf %get3A_691, %get3A_694 : vector<16xf32>
      %add3A_696 = arith.addf %mul3A_646, %mul3A_653 : vector<16xf32>
      %reduce_sum3A_697 = arith.constant true
      %reduce_sum3A_698 = vector.broadcast %reduce_sum3A_697 : i1 to vector<16xi1>
      %reduce_sum3A_699 = tpu.scan <sum>, %add3A_696 masked %reduce_sum3A_698 : vector<16xf32>, vector<16xi1> -> vector<16xf32>
      %reduce_sum3A_700 = vector.extract %reduce_sum3A_699[15] : f32 from vector<16xf32>
      %broadcast_in_dim3A_701 = arith.constant 0 : i32
      %broadcast_in_dim3A_702 = vector.broadcast %broadcast_in_dim3A_701 : i32 to vector<16xi32>
      %broadcast_in_dim3A_703 = vector.broadcast %add3A_639 : i32 to vector<16xi32>
      %broadcast_in_dim3A_704 = vector.broadcast %reduce_sum3A_700 : f32 to vector<16xf32>
      tpu.vector_store_idx %arg18[%broadcast_in_dim3A_702, %broadcast_in_dim3A_703], %broadcast_in_dim3A_704 masked %eq3A_3 : memref<4x128xf32, #tpu.memory_space<vmem>>[vector<16xi32>, vector<16xi32>], vector<16xf32>, vector<16xi1>
      %broadcast_in_dim3A_705 = vector.broadcast %reduce_sum3A_700 : f32 to vector<16xf32>
      %exp3A_706 = math.exp %broadcast_in_dim3A_705 : vector<16xf32>
      %get3A_707 = arith.index_cast %add3A_639 : i32 to index
      %get3A_708 = arith.constant 128 : index
      %get3A_709 = tpu.vector_load %arg16[%get3A_707, %get3A_708] {strides = array<i32>} : memref<128x256xf32, #tpu.memory_space<vmem>>, vector<16xf32>,
      %get3A_710 = arith.index_cast %add3A_639 : i32 to index
      %get3A_711 = arith.constant 144 : index
      %get3A_712 = tpu.vector_load %arg16[%get3A_710, %get3A_711] {strides = array<i32>} : memref<128x256xf32, #tpu.memory_space<vmem>>, vector<16xf32>,
      %mul3A_713 = arith.mulf %get3A_709, %exp3A_706 : vector<16xf32>
      %swap3A_714 = arith.index_cast %add3A_639 : i32 to index
      %swap3A_715 = arith.constant 0 : index
      %swap3A_716 = tpu.vector_load %arg17[%swap3A_714, %swap3A_715] {strides = array<i32>} : memref<128x128xf32, #tpu.memory_space<vmem>>, vector<16xf32>,
      tpu.vector_store %arg17[%swap3A_714, %swap3A_715], %mul3A_713 {strides = array<i32>} : memref<128x128xf32, #tpu.memory_space<vmem>>, vector<16xf32>,
      %mul3A_717 = arith.mulf %get3A_712, %exp3A_706 : vector<16xf32>
      %swap3A_718 = arith.index_cast %add3A_639 : i32 to index
      %swap3A_719 = arith.constant 16 : index
      %swap3A_720 = tpu.vector_load %arg17[%swap3A_718, %swap3A_719] {strides = array<i32>} : memref<128x128xf32, #tpu.memory_space<vmem>>, vector<16xf32>,
      tpu.vector_store %arg17[%swap3A_718, %swap3A_719], %mul3A_717 {strides = array<i32>} : memref<128x128xf32, #tpu.memory_space<vmem>>, vector<16xf32>,
      %add3A_721 = arith.addf %mul3A_660, %mul3A_667 : vector<16xf32>
      %reduce_sum3A_722 = arith.constant true
      %reduce_sum3A_723 = vector.broadcast %reduce_sum3A_722 : i1 to vector<16xi1>
      %reduce_sum3A_724 = tpu.scan <sum>, %add3A_721 masked %reduce_sum3A_723 : vector<16xf32>, vector<16xi1> -> vector<16xf32>
      %reduce_sum3A_725 = vector.extract %reduce_sum3A_724[15] : f32 from vector<16xf32>
      %broadcast_in_dim3A_726 = arith.constant 1 : i32
      %broadcast_in_dim3A_727 = vector.broadcast %broadcast_in_dim3A_726 : i32 to vector<16xi32>
      %broadcast_in_dim3A_728 = vector.broadcast %add3A_639 : i32 to vector<16xi32>
      %broadcast_in_dim3A_729 = vector.broadcast %reduce_sum3A_725 : f32 to vector<16xf32>
      tpu.vector_store_idx %arg18[%broadcast_in_dim3A_727, %broadcast_in_dim3A_728], %broadcast_in_dim3A_729 masked %eq3A_3 : memref<4x128xf32, #tpu.memory_space<vmem>>[vector<16xi32>, vector<16xi32>], vector<16xf32>, vector<16xi1>
      %broadcast_in_dim3A_730 = vector.broadcast %reduce_sum3A_725 : f32 to vector<16xf32>
      %exp3A_731 = math.exp %broadcast_in_dim3A_730 : vector<16xf32>
      %get3A_732 = arith.index_cast %add3A_639 : i32 to index
      %get3A_733 = arith.constant 160 : index
      %get3A_734 = tpu.vector_load %arg16[%get3A_732, %get3A_733] {strides = array<i32>} : memref<128x256xf32, #tpu.memory_space<vmem>>, vector<16xf32>,
      %get3A_735 = arith.index_cast %add3A_639 : i32 to index
      %get3A_736 = arith.constant 176 : index
      %get3A_737 = tpu.vector_load %arg16[%get3A_735, %get3A_736] {strides = array<i32>} : memref<128x256xf32, #tpu.memory_space<vmem>>, vector<16xf32>,
      %mul3A_738 = arith.mulf %get3A_734, %exp3A_731 : vector<16xf32>
      %swap3A_739 = arith.index_cast %add3A_639 : i32 to index
      %swap3A_740 = arith.constant 32 : index
      %swap3A_741 = tpu.vector_load %arg17[%swap3A_739, %swap3A_740] {strides = array<i32>} : memref<128x128xf32, #tpu.memory_space<vmem>>, vector<16xf32>,
      tpu.vector_store %arg17[%swap3A_739, %swap3A_740], %mul3A_738 {strides = array<i32>} : memref<128x128xf32, #tpu.memory_space<vmem>>, vector<16xf32>,
      %mul3A_742 = arith.mulf %get3A_737, %exp3A_731 : vector<16xf32>
      %swap3A_743 = arith.index_cast %add3A_639 : i32 to index
      %swap3A_744 = arith.constant 48 : index
      %swap3A_745 = tpu.vector_load %arg17[%swap3A_743, %swap3A_744] {strides = array<i32>} : memref<128x128xf32, #tpu.memory_space<vmem>>, vector<16xf32>,
      tpu.vector_store %arg17[%swap3A_743, %swap3A_744], %mul3A_742 {strides = array<i32>} : memref<128x128xf32, #tpu.memory_space<vmem>>, vector<16xf32>,
      %add3A_746 = arith.addf %mul3A_674, %mul3A_681 : vector<16xf32>
      %reduce_sum3A_747 = arith.constant true
      %reduce_sum3A_748 = vector.broadcast %reduce_sum3A_747 : i1 to vector<16xi1>
      %reduce_sum3A_749 = tpu.scan <sum>, %add3A_746 masked %reduce_sum3A_748 : vector<16xf32>, vector<16xi1> -> vector<16xf32>
      %reduce_sum3A_750 = vector.extract %reduce_sum3A_749[15] : f32 from vector<16xf32>
      %broadcast_in_dim3A_751 = arith.constant 2 : i32
      %broadcast_in_dim3A_752 = vector.broadcast %broadcast_in_dim3A_751 : i32 to vector<16xi32>
      %broadcast_in_dim3A_753 = vector.broadcast %add3A_639 : i32 to vector<16xi32>
      %broadcast_in_dim3A_754 = vector.broadcast %reduce_sum3A_750 : f32 to vector<16xf32>
      tpu.vector_store_idx %arg18[%broadcast_in_dim3A_752, %broadcast_in_dim3A_753], %broadcast_in_dim3A_754 masked %eq3A_3 : memref<4x128xf32, #tpu.memory_space<vmem>>[vector<16xi32>, vector<16xi32>], vector<16xf32>, vector<16xi1>
      %broadcast_in_dim3A_755 = vector.broadcast %reduce_sum3A_750 : f32 to vector<16xf32>
      %exp3A_756 = math.exp %broadcast_in_dim3A_755 : vector<16xf32>
      %get3A_757 = arith.index_cast %add3A_639 : i32 to index
      %get3A_758 = arith.constant 192 : index
      %get3A_759 = tpu.vector_load %arg16[%get3A_757, %get3A_758] {strides = array<i32>} : memref<128x256xf32, #tpu.memory_space<vmem>>, vector<16xf32>,
      %get3A_760 = arith.index_cast %add3A_639 : i32 to index
      %get3A_761 = arith.constant 208 : index
      %get3A_762 = tpu.vector_load %arg16[%get3A_760, %get3A_761] {strides = array<i32>} : memref<128x256xf32, #tpu.memory_space<vmem>>, vector<16xf32>,
      %mul3A_763 = arith.mulf %get3A_759, %exp3A_756 : vector<16xf32>
      %swap3A_764 = arith.index_cast %add3A_639 : i32 to index
      %swap3A_765 = arith.constant 64 : index
      %swap3A_766 = tpu.vector_load %arg17[%swap3A_764, %swap3A_765] {strides = array<i32>} : memref<128x128xf32, #tpu.memory_space<vmem>>, vector<16xf32>,
      tpu.vector_store %arg17[%swap3A_764, %swap3A_765], %mul3A_763 {strides = array<i32>} : memref<128x128xf32, #tpu.memory_space<vmem>>, vector<16xf32>,
      %mul3A_767 = arith.mulf %get3A_762, %exp3A_756 : vector<16xf32>
      %swap3A_768 = arith.index_cast %add3A_639 : i32 to index
      %swap3A_769 = arith.constant 80 : index
      %swap3A_770 = tpu.vector_load %arg17[%swap3A_768, %swap3A_769] {strides = array<i32>} : memref<128x128xf32, #tpu.memory_space<vmem>>, vector<16xf32>,
      tpu.vector_store %arg17[%swap3A_768, %swap3A_769], %mul3A_767 {strides = array<i32>} : memref<128x128xf32, #tpu.memory_space<vmem>>, vector<16xf32>,
      %add3A_771 = arith.addf %mul3A_688, %mul3A_695 : vector<16xf32>
      %reduce_sum3A_772 = arith.constant true
      %reduce_sum3A_773 = vector.broadcast %reduce_sum3A_772 : i1 to vector<16xi1>
      %reduce_sum3A_774 = tpu.scan <sum>, %add3A_771 masked %reduce_sum3A_773 : vector<16xf32>, vector<16xi1> -> vector<16xf32>
      %reduce_sum3A_775 = vector.extract %reduce_sum3A_774[15] : f32 from vector<16xf32>
      %broadcast_in_dim3A_776 = arith.constant 3 : i32
      %broadcast_in_dim3A_777 = vector.broadcast %broadcast_in_dim3A_776 : i32 to vector<16xi32>
      %broadcast_in_dim3A_778 = vector.broadcast %add3A_639 : i32 to vector<16xi32>
      %broadcast_in_dim3A_779 = vector.broadcast %reduce_sum3A_775 : f32 to vector<16xf32>
      tpu.vector_store_idx %arg18[%broadcast_in_dim3A_777, %broadcast_in_dim3A_778], %broadcast_in_dim3A_779 masked %eq3A_3 : memref<4x128xf32, #tpu.memory_space<vmem>>[vector<16xi32>, vector<16xi32>], vector<16xf32>, vector<16xi1>
      %broadcast_in_dim3A_780 = vector.broadcast %reduce_sum3A_775 : f32 to vector<16xf32>
      %exp3A_781 = math.exp %broadcast_in_dim3A_780 : vector<16xf32>
      %get3A_782 = arith.index_cast %add3A_639 : i32 to index
      %get3A_783 = arith.constant 224 : index
      %get3A_784 = tpu.vector_load %arg16[%get3A_782, %get3A_783] {strides = array<i32>} : memref<128x256xf32, #tpu.memory_space<vmem>>, vector<16xf32>,
      %get3A_785 = arith.index_cast %add3A_639 : i32 to index
      %get3A_786 = arith.constant 240 : index
      %get3A_787 = tpu.vector_load %arg16[%get3A_785, %get3A_786] {strides = array<i32>} : memref<128x256xf32, #tpu.memory_space<vmem>>, vector<16xf32>,
      %mul3A_788 = arith.mulf %get3A_784, %exp3A_781 : vector<16xf32>
      %swap3A_789 = arith.index_cast %add3A_639 : i32 to index
      %swap3A_790 = arith.constant 96 : index
      %swap3A_791 = tpu.vector_load %arg17[%swap3A_789, %swap3A_790] {strides = array<i32>} : memref<128x128xf32, #tpu.memory_space<vmem>>, vector<16xf32>,
      tpu.vector_store %arg17[%swap3A_789, %swap3A_790], %mul3A_788 {strides = array<i32>} : memref<128x128xf32, #tpu.memory_space<vmem>>, vector<16xf32>,
      %mul3A_792 = arith.mulf %get3A_787, %exp3A_781 : vector<16xf32>
      %swap3A_793 = arith.index_cast %add3A_639 : i32 to index
      %swap3A_794 = arith.constant 112 : index
      %swap3A_795 = tpu.vector_load %arg17[%swap3A_793, %swap3A_794] {strides = array<i32>} : memref<128x128xf32, #tpu.memory_space<vmem>>, vector<16xf32>,
      tpu.vector_store %arg17[%swap3A_793, %swap3A_794], %mul3A_792 {strides = array<i32>} : memref<128x128xf32, #tpu.memory_space<vmem>>, vector<16xf32>,
      %scan3A_796 = arith.constant 3 : i32
      %scan3A_797 = arith.addi %scan3A_313, %scan3A_796 : i32
      %mul3A_798 = arith.constant 1 : i32
      %mul3A_799 = arith.muli %scan3A_797, %mul3A_798 : i32
      %add3A_800 = arith.constant 0 : i32
      %add3A_801 = arith.addi %add3A_800, %mul3A_799 : i32
      %get3A_802 = arith.index_cast %add3A_801 : i32 to index
      %get3A_803 = arith.constant 0 : index
      %get3A_804 = tpu.vector_load %arg15[%get3A_802, %get3A_803] {strides = array<i32>} : memref<128x128xf32, #tpu.memory_space<vmem>>, vector<16xf32>,
      %get3A_805 = arith.index_cast %add3A_801 : i32 to index
      %get3A_806 = arith.constant 0 : index
      %get3A_807 = tpu.vector_load %arg16[%get3A_805, %get3A_806] {strides = array<i32>} : memref<128x256xf32, #tpu.memory_space<vmem>>, vector<16xf32>,
      %mul3A_808 = arith.mulf %get3A_804, %get3A_807 : vector<16xf32>
      %get3A_809 = arith.index_cast %add3A_801 : i32 to index
      %get3A_810 = arith.constant 16 : index
      %get3A_811 = tpu.vector_load %arg15[%get3A_809, %get3A_810] {strides = array<i32>} : memref<128x128xf32, #tpu.memory_space<vmem>>, vector<16xf32>,
      %get3A_812 = arith.index_cast %add3A_801 : i32 to index
      %get3A_813 = arith.constant 16 : index
      %get3A_814 = tpu.vector_load %arg16[%get3A_812, %get3A_813] {strides = array<i32>} : memref<128x256xf32, #tpu.memory_space<vmem>>, vector<16xf32>,
      %mul3A_815 = arith.mulf %get3A_811, %get3A_814 : vector<16xf32>
      %get3A_816 = arith.index_cast %add3A_801 : i32 to index
      %get3A_817 = arith.constant 32 : index
      %get3A_818 = tpu.vector_load %arg15[%get3A_816, %get3A_817] {strides = array<i32>} : memref<128x128xf32, #tpu.memory_space<vmem>>, vector<16xf32>,
      %get3A_819 = arith.index_cast %add3A_801 : i32 to index
      %get3A_820 = arith.constant 32 : index
      %get3A_821 = tpu.vector_load %arg16[%get3A_819, %get3A_820] {strides = array<i32>} : memref<128x256xf32, #tpu.memory_space<vmem>>, vector<16xf32>,
      %mul3A_822 = arith.mulf %get3A_818, %get3A_821 : vector<16xf32>
      %get3A_823 = arith.index_cast %add3A_801 : i32 to index
      %get3A_824 = arith.constant 48 : index
      %get3A_825 = tpu.vector_load %arg15[%get3A_823, %get3A_824] {strides = array<i32>} : memref<128x128xf32, #tpu.memory_space<vmem>>, vector<16xf32>,
      %get3A_826 = arith.index_cast %add3A_801 : i32 to index
      %get3A_827 = arith.constant 48 : index
      %get3A_828 = tpu.vector_load %arg16[%get3A_826, %get3A_827] {strides = array<i32>} : memref<128x256xf32, #tpu.memory_space<vmem>>, vector<16xf32>,
      %mul3A_829 = arith.mulf %get3A_825, %get3A_828 : vector<16xf32>
      %get3A_830 = arith.index_cast %add3A_801 : i32 to index
      %get3A_831 = arith.constant 64 : index
      %get3A_832 = tpu.vector_load %arg15[%get3A_830, %get3A_831] {strides = array<i32>} : memref<128x128xf32, #tpu.memory_space<vmem>>, vector<16xf32>,
      %get3A_833 = arith.index_cast %add3A_801 : i32 to index
      %get3A_834 = arith.constant 64 : index
      %get3A_835 = tpu.vector_load %arg16[%get3A_833, %get3A_834] {strides = array<i32>} : memref<128x256xf32, #tpu.memory_space<vmem>>, vector<16xf32>,
      %mul3A_836 = arith.mulf %get3A_832, %get3A_835 : vector<16xf32>
      %get3A_837 = arith.index_cast %add3A_801 : i32 to index
      %get3A_838 = arith.constant 80 : index
      %get3A_839 = tpu.vector_load %arg15[%get3A_837, %get3A_838] {strides = array<i32>} : memref<128x128xf32, #tpu.memory_space<vmem>>, vector<16xf32>,
      %get3A_840 = arith.index_cast %add3A_801 : i32 to index
      %get3A_841 = arith.constant 80 : index
      %get3A_842 = tpu.vector_load %arg16[%get3A_840, %get3A_841] {strides = array<i32>} : memref<128x256xf32, #tpu.memory_space<vmem>>, vector<16xf32>,
      %mul3A_843 = arith.mulf %get3A_839, %get3A_842 : vector<16xf32>
      %get3A_844 = arith.index_cast %add3A_801 : i32 to index
      %get3A_845 = arith.constant 96 : index
      %get3A_846 = tpu.vector_load %arg15[%get3A_844, %get3A_845] {strides = array<i32>} : memref<128x128xf32, #tpu.memory_space<vmem>>, vector<16xf32>,
      %get3A_847 = arith.index_cast %add3A_801 : i32 to index
      %get3A_848 = arith.constant 96 : index
      %get3A_849 = tpu.vector_load %arg16[%get3A_847, %get3A_848] {strides = array<i32>} : memref<128x256xf32, #tpu.memory_space<vmem>>, vector<16xf32>,
      %mul3A_850 = arith.mulf %get3A_846, %get3A_849 : vector<16xf32>
      %get3A_851 = arith.index_cast %add3A_801 : i32 to index
      %get3A_852 = arith.constant 112 : index
      %get3A_853 = tpu.vector_load %arg15[%get3A_851, %get3A_852] {strides = array<i32>} : memref<128x128xf32, #tpu.memory_space<vmem>>, vector<16xf32>,
      %get3A_854 = arith.index_cast %add3A_801 : i32 to index
      %get3A_855 = arith.constant 112 : index
      %get3A_856 = tpu.vector_load %arg16[%get3A_854, %get3A_855] {strides = array<i32>} : memref<128x256xf32, #tpu.memory_space<vmem>>, vector<16xf32>,
      %mul3A_857 = arith.mulf %get3A_853, %get3A_856 : vector<16xf32>
      %add3A_858 = arith.addf %mul3A_808, %mul3A_815 : vector<16xf32>
      %reduce_sum3A_859 = arith.constant true
      %reduce_sum3A_860 = vector.broadcast %reduce_sum3A_859 : i1 to vector<16xi1>
      %reduce_sum3A_861 = tpu.scan <sum>, %add3A_858 masked %reduce_sum3A_860 : vector<16xf32>, vector<16xi1> -> vector<16xf32>
      %reduce_sum3A_862 = vector.extract %reduce_sum3A_861[15] : f32 from vector<16xf32>
      %broadcast_in_dim3A_863 = arith.constant 0 : i32
      %broadcast_in_dim3A_864 = vector.broadcast %broadcast_in_dim3A_863 : i32 to vector<16xi32>
      %broadcast_in_dim3A_865 = vector.broadcast %add3A_801 : i32 to vector<16xi32>
      %broadcast_in_dim3A_866 = vector.broadcast %reduce_sum3A_862 : f32 to vector<16xf32>
      tpu.vector_store_idx %arg18[%broadcast_in_dim3A_864, %broadcast_in_dim3A_865], %broadcast_in_dim3A_866 masked %eq3A_3 : memref<4x128xf32, #tpu.memory_space<vmem>>[vector<16xi32>, vector<16xi32>], vector<16xf32>, vector<16xi1>
      %broadcast_in_dim3A_867 = vector.broadcast %reduce_sum3A_862 : f32 to vector<16xf32>
      %exp3A_868 = math.exp %broadcast_in_dim3A_867 : vector<16xf32>
      %get3A_869 = arith.index_cast %add3A_801 : i32 to index
      %get3A_870 = arith.constant 128 : index
      %get3A_871 = tpu.vector_load %arg16[%get3A_869, %get3A_870] {strides = array<i32>} : memref<128x256xf32, #tpu.memory_space<vmem>>, vector<16xf32>,
      %get3A_872 = arith.index_cast %add3A_801 : i32 to index
      %get3A_873 = arith.constant 144 : index
      %get3A_874 = tpu.vector_load %arg16[%get3A_872, %get3A_873] {strides = array<i32>} : memref<128x256xf32, #tpu.memory_space<vmem>>, vector<16xf32>,
      %mul3A_875 = arith.mulf %get3A_871, %exp3A_868 : vector<16xf32>
      %swap3A_876 = arith.index_cast %add3A_801 : i32 to index
      %swap3A_877 = arith.constant 0 : index
      %swap3A_878 = tpu.vector_load %arg17[%swap3A_876, %swap3A_877] {strides = array<i32>} : memref<128x128xf32, #tpu.memory_space<vmem>>, vector<16xf32>,
      tpu.vector_store %arg17[%swap3A_876, %swap3A_877], %mul3A_875 {strides = array<i32>} : memref<128x128xf32, #tpu.memory_space<vmem>>, vector<16xf32>,
      %mul3A_879 = arith.mulf %get3A_874, %exp3A_868 : vector<16xf32>
      %swap3A_880 = arith.index_cast %add3A_801 : i32 to index
      %swap3A_881 = arith.constant 16 : index
      %swap3A_882 = tpu.vector_load %arg17[%swap3A_880, %swap3A_881] {strides = array<i32>} : memref<128x128xf32, #tpu.memory_space<vmem>>, vector<16xf32>,
      tpu.vector_store %arg17[%swap3A_880, %swap3A_881], %mul3A_879 {strides = array<i32>} : memref<128x128xf32, #tpu.memory_space<vmem>>, vector<16xf32>,
      %add3A_883 = arith.addf %mul3A_822, %mul3A_829 : vector<16xf32>
      %reduce_sum3A_884 = arith.constant true
      %reduce_sum3A_885 = vector.broadcast %reduce_sum3A_884 : i1 to vector<16xi1>
      %reduce_sum3A_886 = tpu.scan <sum>, %add3A_883 masked %reduce_sum3A_885 : vector<16xf32>, vector<16xi1> -> vector<16xf32>
      %reduce_sum3A_887 = vector.extract %reduce_sum3A_886[15] : f32 from vector<16xf32>
      %broadcast_in_dim3A_888 = arith.constant 1 : i32
      %broadcast_in_dim3A_889 = vector.broadcast %broadcast_in_dim3A_888 : i32 to vector<16xi32>
      %broadcast_in_dim3A_890 = vector.broadcast %add3A_801 : i32 to vector<16xi32>
      %broadcast_in_dim3A_891 = vector.broadcast %reduce_sum3A_887 : f32 to vector<16xf32>
      tpu.vector_store_idx %arg18[%broadcast_in_dim3A_889, %broadcast_in_dim3A_890], %broadcast_in_dim3A_891 masked %eq3A_3 : memref<4x128xf32, #tpu.memory_space<vmem>>[vector<16xi32>, vector<16xi32>], vector<16xf32>, vector<16xi1>
      %broadcast_in_dim3A_892 = vector.broadcast %reduce_sum3A_887 : f32 to vector<16xf32>
      %exp3A_893 = math.exp %broadcast_in_dim3A_892 : vector<16xf32>
      %get3A_894 = arith.index_cast %add3A_801 : i32 to index
      %get3A_895 = arith.constant 160 : index
      %get3A_896 = tpu.vector_load %arg16[%get3A_894, %get3A_895] {strides = array<i32>} : memref<128x256xf32, #tpu.memory_space<vmem>>, vector<16xf32>,
      %get3A_897 = arith.index_cast %add3A_801 : i32 to index
      %get3A_898 = arith.constant 176 : index
      %get3A_899 = tpu.vector_load %arg16[%get3A_897, %get3A_898] {strides = array<i32>} : memref<128x256xf32, #tpu.memory_space<vmem>>, vector<16xf32>,
      %mul3A_900 = arith.mulf %get3A_896, %exp3A_893 : vector<16xf32>
      %swap3A_901 = arith.index_cast %add3A_801 : i32 to index
      %swap3A_902 = arith.constant 32 : index
      %swap3A_903 = tpu.vector_load %arg17[%swap3A_901, %swap3A_902] {strides = array<i32>} : memref<128x128xf32, #tpu.memory_space<vmem>>, vector<16xf32>,
      tpu.vector_store %arg17[%swap3A_901, %swap3A_902], %mul3A_900 {strides = array<i32>} : memref<128x128xf32, #tpu.memory_space<vmem>>, vector<16xf32>,
      %mul3A_904 = arith.mulf %get3A_899, %exp3A_893 : vector<16xf32>
      %swap3A_905 = arith.index_cast %add3A_801 : i32 to index
      %swap3A_906 = arith.constant 48 : index
      %swap3A_907 = tpu.vector_load %arg17[%swap3A_905, %swap3A_906] {strides = array<i32>} : memref<128x128xf32, #tpu.memory_space<vmem>>, vector<16xf32>,
      tpu.vector_store %arg17[%swap3A_905, %swap3A_906], %mul3A_904 {strides = array<i32>} : memref<128x128xf32, #tpu.memory_space<vmem>>, vector<16xf32>,
      %add3A_908 = arith.addf %mul3A_836, %mul3A_843 : vector<16xf32>
      %reduce_sum3A_909 = arith.constant true
      %reduce_sum3A_910 = vector.broadcast %reduce_sum3A_909 : i1 to vector<16xi1>
      %reduce_sum3A_911 = tpu.scan <sum>, %add3A_908 masked %reduce_sum3A_910 : vector<16xf32>, vector<16xi1> -> vector<16xf32>
      %reduce_sum3A_912 = vector.extract %reduce_sum3A_911[15] : f32 from vector<16xf32>
      %broadcast_in_dim3A_913 = arith.constant 2 : i32
      %broadcast_in_dim3A_914 = vector.broadcast %broadcast_in_dim3A_913 : i32 to vector<16xi32>
      %broadcast_in_dim3A_915 = vector.broadcast %add3A_801 : i32 to vector<16xi32>
      %broadcast_in_dim3A_916 = vector.broadcast %reduce_sum3A_912 : f32 to vector<16xf32>
      tpu.vector_store_idx %arg18[%broadcast_in_dim3A_914, %broadcast_in_dim3A_915], %broadcast_in_dim3A_916 masked %eq3A_3 : memref<4x128xf32, #tpu.memory_space<vmem>>[vector<16xi32>, vector<16xi32>], vector<16xf32>, vector<16xi1>
      %broadcast_in_dim3A_917 = vector.broadcast %reduce_sum3A_912 : f32 to vector<16xf32>
      %exp3A_918 = math.exp %broadcast_in_dim3A_917 : vector<16xf32>
      %get3A_919 = arith.index_cast %add3A_801 : i32 to index
      %get3A_920 = arith.constant 192 : index
      %get3A_921 = tpu.vector_load %arg16[%get3A_919, %get3A_920] {strides = array<i32>} : memref<128x256xf32, #tpu.memory_space<vmem>>, vector<16xf32>,
      %get3A_922 = arith.index_cast %add3A_801 : i32 to index
      %get3A_923 = arith.constant 208 : index
      %get3A_924 = tpu.vector_load %arg16[%get3A_922, %get3A_923] {strides = array<i32>} : memref<128x256xf32, #tpu.memory_space<vmem>>, vector<16xf32>,
      %mul3A_925 = arith.mulf %get3A_921, %exp3A_918 : vector<16xf32>
      %swap3A_926 = arith.index_cast %add3A_801 : i32 to index
      %swap3A_927 = arith.constant 64 : index
      %swap3A_928 = tpu.vector_load %arg17[%swap3A_926, %swap3A_927] {strides = array<i32>} : memref<128x128xf32, #tpu.memory_space<vmem>>, vector<16xf32>,
      tpu.vector_store %arg17[%swap3A_926, %swap3A_927], %mul3A_925 {strides = array<i32>} : memref<128x128xf32, #tpu.memory_space<vmem>>, vector<16xf32>,
      %mul3A_929 = arith.mulf %get3A_924, %exp3A_918 : vector<16xf32>
      %swap3A_930 = arith.index_cast %add3A_801 : i32 to index
      %swap3A_931 = arith.constant 80 : index
      %swap3A_932 = tpu.vector_load %arg17[%swap3A_930, %swap3A_931] {strides = array<i32>} : memref<128x128xf32, #tpu.memory_space<vmem>>, vector<16xf32>,
      tpu.vector_store %arg17[%swap3A_930, %swap3A_931], %mul3A_929 {strides = array<i32>} : memref<128x128xf32, #tpu.memory_space<vmem>>, vector<16xf32>,
      %add3A_933 = arith.addf %mul3A_850, %mul3A_857 : vector<16xf32>
      %reduce_sum3A_934 = arith.constant true
      %reduce_sum3A_935 = vector.broadcast %reduce_sum3A_934 : i1 to vector<16xi1>
      %reduce_sum3A_936 = tpu.scan <sum>, %add3A_933 masked %reduce_sum3A_935 : vector<16xf32>, vector<16xi1> -> vector<16xf32>
      %reduce_sum3A_937 = vector.extract %reduce_sum3A_936[15] : f32 from vector<16xf32>
      %broadcast_in_dim3A_938 = arith.constant 3 : i32
      %broadcast_in_dim3A_939 = vector.broadcast %broadcast_in_dim3A_938 : i32 to vector<16xi32>
      %broadcast_in_dim3A_940 = vector.broadcast %add3A_801 : i32 to vector<16xi32>
      %broadcast_in_dim3A_941 = vector.broadcast %reduce_sum3A_937 : f32 to vector<16xf32>
      tpu.vector_store_idx %arg18[%broadcast_in_dim3A_939, %broadcast_in_dim3A_940], %broadcast_in_dim3A_941 masked %eq3A_3 : memref<4x128xf32, #tpu.memory_space<vmem>>[vector<16xi32>, vector<16xi32>], vector<16xf32>, vector<16xi1>
      %broadcast_in_dim3A_942 = vector.broadcast %reduce_sum3A_937 : f32 to vector<16xf32>
      %exp3A_943 = math.exp %broadcast_in_dim3A_942 : vector<16xf32>
      %get3A_944 = arith.index_cast %add3A_801 : i32 to index
      %get3A_945 = arith.constant 224 : index
      %get3A_946 = tpu.vector_load %arg16[%get3A_944, %get3A_945] {strides = array<i32>} : memref<128x256xf32, #tpu.memory_space<vmem>>, vector<16xf32>,
      %get3A_947 = arith.index_cast %add3A_801 : i32 to index
      %get3A_948 = arith.constant 240 : index
      %get3A_949 = tpu.vector_load %arg16[%get3A_947, %get3A_948] {strides = array<i32>} : memref<128x256xf32, #tpu.memory_space<vmem>>, vector<16xf32>,
      %mul3A_950 = arith.mulf %get3A_946, %exp3A_943 : vector<16xf32>
      %swap3A_951 = arith.index_cast %add3A_801 : i32 to index
      %swap3A_952 = arith.constant 96 : index
      %swap3A_953 = tpu.vector_load %arg17[%swap3A_951, %swap3A_952] {strides = array<i32>} : memref<128x128xf32, #tpu.memory_space<vmem>>, vector<16xf32>,
      tpu.vector_store %arg17[%swap3A_951, %swap3A_952], %mul3A_950 {strides = array<i32>} : memref<128x128xf32, #tpu.memory_space<vmem>>, vector<16xf32>,
      %mul3A_954 = arith.mulf %get3A_949, %exp3A_943 : vector<16xf32>
      %swap3A_955 = arith.index_cast %add3A_801 : i32 to index
      %swap3A_956 = arith.constant 112 : index
      %swap3A_957 = tpu.vector_load %arg17[%swap3A_955, %swap3A_956] {strides = array<i32>} : memref<128x128xf32, #tpu.memory_space<vmem>>, vector<16xf32>,
      tpu.vector_store %arg17[%swap3A_955, %swap3A_956], %mul3A_954 {strides = array<i32>} : memref<128x128xf32, #tpu.memory_space<vmem>>, vector<16xf32>,
    }
    %scan3A_225 = arith.constant 128 : i32
    %scan3A_226 = arith.constant 0 : i32
    %scan3A_227 = arith.constant 8 : i32
    %scan3A_228 = arith.addi %scan3A_226, %scan3A_227 : i32
    %scan3A_229 = arith.constant 1 : i32
    scf.for %scan3A_313 = %scan3A_226 to %scan3A_228 step %scan3A_229  : i32 {
      %mul3A_314 = arith.constant 16 : i32
      %mul3A_315 = arith.muli %scan3A_313, %mul3A_314 : i32
      %add3A_316 = arith.constant 0 : i32
      %add3A_317 = arith.addi %add3A_316, %mul3A_315 : i32
      %add3A_318 = vector.broadcast %add3A_317 : i32 to vector<16xi32>
      %add3A_319 = arith.addi %iota3A, %add3A_318 : vector<16xi32>
      %get3A_320 = arith.index_cast %add3A_317 : i32 to index
      %get3A_321 = tpu.vector_load %arg14[%get3A_320] {strides = array<i32>} : memref<128xi32, #tpu.memory_space<vmem>>, vector<16xi32>,
      %shift_right_logical3A = arith.constant 5 : i32
      %shift_right_logical3A_322 = vector.broadcast %shift_right_logical3A : i32 to vector<16xi32>
      %shift_right_logical3A_323 = arith.shrui %get3A_321, %shift_right_logical3A_322 : vector<16xi32>
      %and3A = arith.constant 31 : i32
      %and3A_324 = vector.broadcast %and3A : i32 to vector<16xi32>
      %and3A_325 = arith.andi %get3A_321, %and3A_324 : vector<16xi32>
      %mul3A_326 = arith.constant 4 : i32
      %mul3A_327 = vector.broadcast %mul3A_326 : i32 to vector<16xi32>
      %mul3A_328 = arith.muli %and3A_325, %mul3A_327 : vector<16xi32>
      %broadcast_in_dim3A_329 = arith.constant 0 : i32
      %broadcast_in_dim3A_330 = vector.broadcast %broadcast_in_dim3A_329 : i32 to vector<16xi32>
      %gather3A = tpu.vector_load_idx %arg18[%broadcast_in_dim3A_330, %add3A_319] : memref<4x128xf32, #tpu.memory_space<vmem>>[vector<16xi32>, vector<16xi32>], vector<16xf32>,
      %add3A_331 = arith.constant 0 : i32
      %add3A_332 = vector.broadcast %add3A_331 : i32 to vector<16xi32>
      %add3A_333 = arith.addi %mul3A_328, %add3A_332 : vector<16xi32>
      %exp3A = math.exp %gather3A : vector<16xf32>
      tpu.vector_store_idx %arg19[%shift_right_logical3A_323, %add3A_333], %exp3A {add = true} : memref<168x128xf32, #tpu.memory_space<vmem>>[vector<16xi32>, vector<16xi32>], vector<16xf32>,
      %broadcast_in_dim3A_334 = arith.constant 1 : i32
      %broadcast_in_dim3A_335 = vector.broadcast %broadcast_in_dim3A_334 : i32 to vector<16xi32>
      %gather3A_336 = tpu.vector_load_idx %arg18[%broadcast_in_dim3A_335, %add3A_319] : memref<4x128xf32, #tpu.memory_space<vmem>>[vector<16xi32>, vector<16xi32>], vector<16xf32>,
      %add3A_337 = arith.constant 1 : i32
      %add3A_338 = vector.broadcast %add3A_337 : i32 to vector<16xi32>
      %add3A_339 = arith.addi %mul3A_328, %add3A_338 : vector<16xi32>
      %exp3A_340 = math.exp %gather3A_336 : vector<16xf32>
      tpu.vector_store_idx %arg19[%shift_right_logical3A_323, %add3A_339], %exp3A_340 {add = true} : memref<168x128xf32, #tpu.memory_space<vmem>>[vector<16xi32>, vector<16xi32>], vector<16xf32>,
      %broadcast_in_dim3A_341 = arith.constant 2 : i32
      %broadcast_in_dim3A_342 = vector.broadcast %broadcast_in_dim3A_341 : i32 to vector<16xi32>
      %gather3A_343 = tpu.vector_load_idx %arg18[%broadcast_in_dim3A_342, %add3A_319] : memref<4x128xf32, #tpu.memory_space<vmem>>[vector<16xi32>, vector<16xi32>], vector<16xf32>,
      %add3A_344 = arith.constant 2 : i32
      %add3A_345 = vector.broadcast %add3A_344 : i32 to vector<16xi32>
      %add3A_346 = arith.addi %mul3A_328, %add3A_345 : vector<16xi32>
      %exp3A_347 = math.exp %gather3A_343 : vector<16xf32>
      tpu.vector_store_idx %arg19[%shift_right_logical3A_323, %add3A_346], %exp3A_347 {add = true} : memref<168x128xf32, #tpu.memory_space<vmem>>[vector<16xi32>, vector<16xi32>], vector<16xf32>,
      %broadcast_in_dim3A_348 = arith.constant 3 : i32
      %broadcast_in_dim3A_349 = vector.broadcast %broadcast_in_dim3A_348 : i32 to vector<16xi32>
      %gather3A_350 = tpu.vector_load_idx %arg18[%broadcast_in_dim3A_349, %add3A_319] : memref<4x128xf32, #tpu.memory_space<vmem>>[vector<16xi32>, vector<16xi32>], vector<16xf32>,
      %add3A_351 = arith.constant 3 : i32
      %add3A_352 = vector.broadcast %add3A_351 : i32 to vector<16xi32>
      %add3A_353 = arith.addi %mul3A_328, %add3A_352 : vector<16xi32>
      %exp3A_354 = math.exp %gather3A_350 : vector<16xf32>
      tpu.vector_store_idx %arg19[%shift_right_logical3A_323, %add3A_353], %exp3A_354 {add = true} : memref<168x128xf32, #tpu.memory_space<vmem>>[vector<16xi32>, vector<16xi32>], vector<16xf32>,
    }
    %scan3A_230 = arith.constant 8 : i32
    %dma_start3A_231 = arith.constant 0 : i32
    %dma_start3A_232 = arith.constant 0 : i32
    %dma_start3A_233 = tpu.memref_slice %arg20[%dma_start3A_231, %dma_start3A_232] : memref<5248x128xf32, #tpu.memory_space<vmem_shared>> -> memref<5248x128xf32, #tpu.memory_space<vmem_shared>>
    tpu.enqueue_indirect_dma source(%arg17 : memref<128x128xf32, #tpu.memory_space<vmem>>) target(%dma_start3A_233 : memref<5248x128xf32, #tpu.memory_space<vmem_shared>>) offsets(%arg14 : memref<128xi32, #tpu.memory_space<vmem>>) semaphore(%arg23 : memref<!tpu.dma_semaphore, #tpu.memory_space<semaphore_mem>>) {add = true}
    %get3A = arith.constant 128 : index
    %get3A_234 = tpu.vector_load %arg10[%get3A] {strides = array<i32>} : memref<280xi32, #tpu.memory_space<vmem>>, vector<16xi32>,
    %swap3A_235 = arith.constant 0 : index
    %swap3A_236 = tpu.vector_load %arg10[%swap3A_235] {strides = array<i32>} : memref<280xi32, #tpu.memory_space<vmem>>, vector<16xi32>,
    tpu.vector_store %arg10[%swap3A_235], %get3A_234 {strides = array<i32>} : memref<280xi32, #tpu.memory_space<vmem>>, vector<16xi32>,
    %get3A_237 = arith.constant 128 : index
    %get3A_238 = tpu.vector_load %arg11[%get3A_237] {strides = array<i32>} : memref<280xi32, #tpu.memory_space<vmem>>, vector<16xi32>,
    %swap3A_239 = arith.constant 0 : index
    %swap3A_240 = tpu.vector_load %arg11[%swap3A_239] {strides = array<i32>} : memref<280xi32, #tpu.memory_space<vmem>>, vector<16xi32>,
    tpu.vector_store %arg11[%swap3A_239], %get3A_238 {strides = array<i32>} : memref<280xi32, #tpu.memory_space<vmem>>, vector<16xi32>,
    %get3A_241 = arith.constant 144 : index
    %get3A_242 = tpu.vector_load %arg10[%get3A_241] {strides = array<i32>} : memref<280xi32, #tpu.memory_space<vmem>>, vector<16xi32>,
    %swap3A_243 = arith.constant 16 : index
    %swap3A_244 = tpu.vector_load %arg10[%swap3A_243] {strides = array<i32>} : memref<280xi32, #tpu.memory_space<vmem>>, vector<16xi32>,
    tpu.vector_store %arg10[%swap3A_243], %get3A_242 {strides = array<i32>} : memref<280xi32, #tpu.memory_space<vmem>>, vector<16xi32>,
    %get3A_245 = arith.constant 144 : index
    %get3A_246 = tpu.vector_load %arg11[%get3A_245] {strides = array<i32>} : memref<280xi32, #tpu.memory_space<vmem>>, vector<16xi32>,
    %swap3A_247 = arith.constant 16 : index
    %swap3A_248 = tpu.vector_load %arg11[%swap3A_247] {strides = array<i32>} : memref<280xi32, #tpu.memory_space<vmem>>, vector<16xi32>,
    tpu.vector_store %arg11[%swap3A_247], %get3A_246 {strides = array<i32>} : memref<280xi32, #tpu.memory_space<vmem>>, vector<16xi32>,
    %get3A_249 = arith.constant 160 : index
    %get3A_250 = tpu.vector_load %arg10[%get3A_249] {strides = array<i32>} : memref<280xi32, #tpu.memory_space<vmem>>, vector<16xi32>,
    %swap3A_251 = arith.constant 32 : index
    %swap3A_252 = tpu.vector_load %arg10[%swap3A_251] {strides = array<i32>} : memref<280xi32, #tpu.memory_space<vmem>>, vector<16xi32>,
    tpu.vector_store %arg10[%swap3A_251], %get3A_250 {strides = array<i32>} : memref<280xi32, #tpu.memory_space<vmem>>, vector<16xi32>,
    %get3A_253 = arith.constant 160 : index
    %get3A_254 = tpu.vector_load %arg11[%get3A_253] {strides = array<i32>} : memref<280xi32, #tpu.memory_space<vmem>>, vector<16xi32>,
    %swap3A_255 = arith.constant 32 : index
    %swap3A_256 = tpu.vector_load %arg11[%swap3A_255] {strides = array<i32>} : memref<280xi32, #tpu.memory_space<vmem>>, vector<16xi32>,
    tpu.vector_store %arg11[%swap3A_255], %get3A_254 {strides = array<i32>} : memref<280xi32, #tpu.memory_space<vmem>>, vector<16xi32>,
    %get3A_257 = arith.constant 176 : index
    %get3A_258 = tpu.vector_load %arg10[%get3A_257] {strides = array<i32>} : memref<280xi32, #tpu.memory_space<vmem>>, vector<16xi32>,
    %swap3A_259 = arith.constant 48 : index
    %swap3A_260 = tpu.vector_load %arg10[%swap3A_259] {strides = array<i32>} : memref<280xi32, #tpu.memory_space<vmem>>, vector<16xi32>,
    tpu.vector_store %arg10[%swap3A_259], %get3A_258 {strides = array<i32>} : memref<280xi32, #tpu.memory_space<vmem>>, vector<16xi32>,
    %get3A_261 = arith.constant 176 : index
    %get3A_262 = tpu.vector_load %arg11[%get3A_261] {strides = array<i32>} : memref<280xi32, #tpu.memory_space<vmem>>, vector<16xi32>,
    %swap3A_263 = arith.constant 48 : index
    %swap3A_264 = tpu.vector_load %arg11[%swap3A_263] {strides = array<i32>} : memref<280xi32, #tpu.memory_space<vmem>>, vector<16xi32>,
    tpu.vector_store %arg11[%swap3A_263], %get3A_262 {strides = array<i32>} : memref<280xi32, #tpu.memory_space<vmem>>, vector<16xi32>,
    %get3A_265 = arith.constant 192 : index
    %get3A_266 = tpu.vector_load %arg10[%get3A_265] {strides = array<i32>} : memref<280xi32, #tpu.memory_space<vmem>>, vector<16xi32>,
    %swap3A_267 = arith.constant 64 : index
    %swap3A_268 = tpu.vector_load %arg10[%swap3A_267] {strides = array<i32>} : memref<280xi32, #tpu.memory_space<vmem>>, vector<16xi32>,
    tpu.vector_store %arg10[%swap3A_267], %get3A_266 {strides = array<i32>} : memref<280xi32, #tpu.memory_space<vmem>>, vector<16xi32>,
    %get3A_269 = arith.constant 192 : index
    %get3A_270 = tpu.vector_load %arg11[%get3A_269] {strides = array<i32>} : memref<280xi32, #tpu.memory_space<vmem>>, vector<16xi32>,
    %swap3A_271 = arith.constant 64 : index
    %swap3A_272 = tpu.vector_load %arg11[%swap3A_271] {strides = array<i32>} : memref<280xi32, #tpu.memory_space<vmem>>, vector<16xi32>,
    tpu.vector_store %arg11[%swap3A_271], %get3A_270 {strides = array<i32>} : memref<280xi32, #tpu.memory_space<vmem>>, vector<16xi32>,
    %get3A_273 = arith.constant 208 : index
    %get3A_274 = tpu.vector_load %arg10[%get3A_273] {strides = array<i32>} : memref<280xi32, #tpu.memory_space<vmem>>, vector<16xi32>,
    %swap3A_275 = arith.constant 80 : index
    %swap3A_276 = tpu.vector_load %arg10[%swap3A_275] {strides = array<i32>} : memref<280xi32, #tpu.memory_space<vmem>>, vector<16xi32>,
    tpu.vector_store %arg10[%swap3A_275], %get3A_274 {strides = array<i32>} : memref<280xi32, #tpu.memory_space<vmem>>, vector<16xi32>,
    %get3A_277 = arith.constant 208 : index
    %get3A_278 = tpu.vector_load %arg11[%get3A_277] {strides = array<i32>} : memref<280xi32, #tpu.memory_space<vmem>>, vector<16xi32>,
    %swap3A_279 = arith.constant 80 : index
    %swap3A_280 = tpu.vector_load %arg11[%swap3A_279] {strides = array<i32>} : memref<280xi32, #tpu.memory_space<vmem>>, vector<16xi32>,
    tpu.vector_store %arg11[%swap3A_279], %get3A_278 {strides = array<i32>} : memref<280xi32, #tpu.memory_space<vmem>>, vector<16xi32>,
    %get3A_281 = arith.constant 224 : index
    %get3A_282 = tpu.vector_load %arg10[%get3A_281] {strides = array<i32>} : memref<280xi32, #tpu.memory_space<vmem>>, vector<16xi32>,
    %swap3A_283 = arith.constant 96 : index
    %swap3A_284 = tpu.vector_load %arg10[%swap3A_283] {strides = array<i32>} : memref<280xi32, #tpu.memory_space<vmem>>, vector<16xi32>,
    tpu.vector_store %arg10[%swap3A_283], %get3A_282 {strides = array<i32>} : memref<280xi32, #tpu.memory_space<vmem>>, vector<16xi32>,
    %get3A_285 = arith.constant 224 : index
    %get3A_286 = tpu.vector_load %arg11[%get3A_285] {strides = array<i32>} : memref<280xi32, #tpu.memory_space<vmem>>, vector<16xi32>,
    %swap3A_287 = arith.constant 96 : index
    %swap3A_288 = tpu.vector_load %arg11[%swap3A_287] {strides = array<i32>} : memref<280xi32, #tpu.memory_space<vmem>>, vector<16xi32>,
    tpu.vector_store %arg11[%swap3A_287], %get3A_286 {strides = array<i32>} : memref<280xi32, #tpu.memory_space<vmem>>, vector<16xi32>,
    %get3A_289 = arith.constant 240 : index
    %get3A_290 = tpu.vector_load %arg10[%get3A_289] {strides = array<i32>} : memref<280xi32, #tpu.memory_space<vmem>>, vector<16xi32>,
    %swap3A_291 = arith.constant 112 : index
    %swap3A_292 = tpu.vector_load %arg10[%swap3A_291] {strides = array<i32>} : memref<280xi32, #tpu.memory_space<vmem>>, vector<16xi32>,
    tpu.vector_store %arg10[%swap3A_291], %get3A_290 {strides = array<i32>} : memref<280xi32, #tpu.memory_space<vmem>>, vector<16xi32>,
    %get3A_293 = arith.constant 240 : index
    %get3A_294 = tpu.vector_load %arg11[%get3A_293] {strides = array<i32>} : memref<280xi32, #tpu.memory_space<vmem>>, vector<16xi32>,
    %swap3A_295 = arith.constant 112 : index
    %swap3A_296 = tpu.vector_load %arg11[%swap3A_295] {strides = array<i32>} : memref<280xi32, #tpu.memory_space<vmem>>, vector<16xi32>,
    tpu.vector_store %arg11[%swap3A_295], %get3A_294 {strides = array<i32>} : memref<280xi32, #tpu.memory_space<vmem>>, vector<16xi32>,
    %dma_wait3A_297 = arith.constant 0 : i32
    %dma_wait3A_298 = arith.constant 0 : i32
    %dma_wait3A_299 = tpu.memref_slice %arg20[%dma_wait3A_297, %dma_wait3A_298] : memref<5248x128xf32, #tpu.memory_space<vmem_shared>> -> memref<5248x128xf32, #tpu.memory_space<vmem_shared>>
    tpu.wait_indirect_dma semaphore(%arg23 : memref<!tpu.dma_semaphore, #tpu.memory_space<semaphore_mem>>) src(%arg17 : memref<128x128xf32, #tpu.memory_space<vmem>>) dst(%dma_wait3A_299 : memref<5248x128xf32, #tpu.memory_space<vmem_shared>>)
    "tpu.region"() ({
      %run_scoped3A = tpu.sem_alloc : memref<!tpu.dma_semaphore, #tpu.memory_space<semaphore_mem>>
      %dma_start3A_313 = arith.constant 0 : i32
      %dma_start3A_314 = arith.constant 0 : i32
      %dma_start3A_315 = tpu.memref_slice %arg7[%arg0, %arg1, %dma_start3A_313, %dma_start3A_314] : memref<2x16x168x128xf32, #tpu.memory_space<hbm>> -> memref<1x1x168x128xf32, #tpu.memory_space<hbm>>
      %dma_start3A_316 = tpu.memref_squeeze %dma_start3A_315 : memref<1x1x168x128xf32, #tpu.memory_space<hbm>> -> memref<168x128xf32, #tpu.memory_space<hbm>>
      %dma_start3A_317 = arith.constant 0 : i32
      %dma_start3A_318 = arith.constant 0 : i32
      %dma_start3A_319 = tpu.memref_slice %arg7[%arg0, %arg1, %dma_start3A_317, %dma_start3A_318] : memref<2x16x168x128xf32, #tpu.memory_space<hbm>> -> memref<1x1x168x128xf32, #tpu.memory_space<hbm>>
      %dma_start3A_320 = tpu.memref_squeeze %dma_start3A_319 : memref<1x1x168x128xf32, #tpu.memory_space<hbm>> -> memref<168x128xf32, #tpu.memory_space<hbm>>
      tpu.enqueue_dma source(%arg19 : memref<168x128xf32, #tpu.memory_space<vmem>>) target(%dma_start3A_320 : memref<168x128xf32, #tpu.memory_space<hbm>>) target_semaphore(%run_scoped3A : memref<!tpu.dma_semaphore, #tpu.memory_space<semaphore_mem>>)
      %dma_wait3A_321 = arith.constant 0 : i32
      %dma_wait3A_322 = arith.constant 0 : i32
      %dma_wait3A_323 = tpu.memref_slice %arg7[%arg0, %arg1, %dma_wait3A_321, %dma_wait3A_322] : memref<2x16x168x128xf32, #tpu.memory_space<hbm>> -> memref<1x1x168x128xf32, #tpu.memory_space<hbm>>
      %dma_wait3A_324 = tpu.memref_squeeze %dma_wait3A_323 : memref<1x1x168x128xf32, #tpu.memory_space<hbm>> -> memref<168x128xf32, #tpu.memory_space<hbm>>
      %dma_wait3A_325 = arith.constant 0 : i32
      %dma_wait3A_326 = arith.constant 0 : i32
      %dma_wait3A_327 = tpu.memref_slice %arg7[%arg0, %arg1, %dma_wait3A_325, %dma_wait3A_326] : memref<2x16x168x128xf32, #tpu.memory_space<hbm>> -> memref<1x1x168x128xf32, #tpu.memory_space<hbm>>
      %dma_wait3A_328 = tpu.memref_squeeze %dma_wait3A_327 : memref<1x1x168x128xf32, #tpu.memory_space<hbm>> -> memref<168x128xf32, #tpu.memory_space<hbm>>
      tpu.wait_dma2 semaphore(%run_scoped3A : memref<!tpu.dma_semaphore, #tpu.memory_space<semaphore_mem>>) src(%arg19 : memref<168x128xf32, #tpu.memory_space<vmem>>) dst(%dma_wait3A_328 : memref<168x128xf32, #tpu.memory_space<hbm>>)
      tpu.yield
    }) : () -> ()
    %barrier3A_300 = arith.constant 0 : index
    tpu.barrier barrier_id(%barrier3A_300)
    %mul3A_301 = arith.constant 328 : i32
    %mul3A_302 = arith.muli %arg1, %mul3A_301 : i32
    %add3A_303 = arith.constant 0 : i32
    %add3A_304 = arith.addi %mul3A_302, %add3A_303 : i32
    "tpu.region"() ({
      %run_scoped3A = tpu.sem_alloc : memref<!tpu.dma_semaphore, #tpu.memory_space<semaphore_mem>>
      %dma_start3A_313 = arith.constant 0 : i32
      %dma_start3A_314 = arith.constant 0 : i32
      %dma_start3A_315 = tpu.memref_slice %arg17[%dma_start3A_313, %dma_start3A_314] : memref<128x128xf32, #tpu.memory_space<vmem>> -> memref<128x128xf32, #tpu.memory_space<vmem>>
      %dma_start3A_316 = arith.constant 0 : i32
      %dma_start3A_317 = tpu.memref_slice %arg20[%add3A_304, %dma_start3A_316] : memref<5248x128xf32, #tpu.memory_space<vmem_shared>> -> memref<128x128xf32, #tpu.memory_space<vmem_shared>>
      %dma_start3A_318 = arith.constant 0 : i32
      %dma_start3A_319 = arith.constant 0 : i32
      %dma_start3A_320 = tpu.memref_slice %arg17[%dma_start3A_318, %dma_start3A_319] : memref<128x128xf32, #tpu.memory_space<vmem>> -> memref<128x128xf32, #tpu.memory_space<vmem>>
      %dma_start3A_321 = arith.constant 0 : i32
      %dma_start3A_322 = tpu.memref_slice %arg20[%add3A_304, %dma_start3A_321] : memref<5248x128xf32, #tpu.memory_space<vmem_shared>> -> memref<128x128xf32, #tpu.memory_space<vmem_shared>>
      tpu.enqueue_dma source(%dma_start3A_322 : memref<128x128xf32, #tpu.memory_space<vmem_shared>>) target(%dma_start3A_320 : memref<128x128xf32, #tpu.memory_space<vmem>>) target_semaphore(%run_scoped3A : memref<!tpu.dma_semaphore, #tpu.memory_space<semaphore_mem>>)
      %dma_wait3A_323 = arith.constant 0 : i32
      %dma_wait3A_324 = arith.constant 0 : i32
      %dma_wait3A_325 = tpu.memref_slice %arg17[%dma_wait3A_323, %dma_wait3A_324] : memref<128x128xf32, #tpu.memory_space<vmem>> -> memref<128x128xf32, #tpu.memory_space<vmem>>
      %dma_wait3A_326 = arith.constant 0 : i32
      %dma_wait3A_327 = tpu.memref_slice %arg20[%add3A_304, %dma_wait3A_326] : memref<5248x128xf32, #tpu.memory_space<vmem_shared>> -> memref<128x128xf32, #tpu.memory_space<vmem_shared>>
      %dma_wait3A_328 = arith.constant 0 : i32
      %dma_wait3A_329 = arith.constant 0 : i32
      %dma_wait3A_330 = tpu.memref_slice %arg17[%dma_wait3A_328, %dma_wait3A_329] : memref<128x128xf32, #tpu.memory_space<vmem>> -> memref<128x128xf32, #tpu.memory_space<vmem>>
      %dma_wait3A_331 = arith.constant 0 : i32
      %dma_wait3A_332 = tpu.memref_slice %arg20[%add3A_304, %dma_wait3A_331] : memref<5248x128xf32, #tpu.memory_space<vmem_shared>> -> memref<128x128xf32, #tpu.memory_space<vmem_shared>>
      tpu.wait_dma2 semaphore(%run_scoped3A : memref<!tpu.dma_semaphore, #tpu.memory_space<semaphore_mem>>) src(%dma_wait3A_332 : memref<128x128xf32, #tpu.memory_space<vmem_shared>>) dst(%dma_wait3A_330 : memref<128x128xf32, #tpu.memory_space<vmem>>)
      tpu.yield
    }) : () -> ()
    "tpu.region"() ({
      %run_scoped3A = tpu.sem_alloc : memref<!tpu.dma_semaphore, #tpu.memory_space<semaphore_mem>>
      %dma_start3A_313 = arith.constant 0 : i32
      %dma_start3A_314 = arith.constant 0 : i32
      %dma_start3A_315 = tpu.memref_slice %arg17[%dma_start3A_313, %dma_start3A_314] : memref<128x128xf32, #tpu.memory_space<vmem>> -> memref<128x128xf32, #tpu.memory_space<vmem>>
      %dma_start3A_316 = arith.constant 0 : i32
      %dma_start3A_317 = tpu.memref_slice %arg6[%arg0, %add3A_304, %dma_start3A_316] : memref<2x5248x128xf32, #tpu.memory_space<hbm>> -> memref<1x128x128xf32, #tpu.memory_space<hbm>>
      %dma_start3A_318 = tpu.memref_squeeze %dma_start3A_317 : memref<1x128x128xf32, #tpu.memory_space<hbm>> -> memref<128x128xf32, #tpu.memory_space<hbm>>
      %dma_start3A_319 = arith.constant 0 : i32
      %dma_start3A_320 = tpu.memref_slice %arg6[%arg0, %add3A_304, %dma_start3A_319] : memref<2x5248x128xf32, #tpu.memory_space<hbm>> -> memref<1x128x128xf32, #tpu.memory_space<hbm>>
      %dma_start3A_321 = tpu.memref_squeeze %dma_start3A_320 : memref<1x128x128xf32, #tpu.memory_space<hbm>> -> memref<128x128xf32, #tpu.memory_space<hbm>>
      %dma_start3A_322 = arith.constant 0 : i32
      %dma_start3A_323 = arith.constant 0 : i32
      %dma_start3A_324 = tpu.memref_slice %arg17[%dma_start3A_322, %dma_start3A_323] : memref<128x128xf32, #tpu.memory_space<vmem>> -> memref<128x128xf32, #tpu.memory_space<vmem>>
      tpu.enqueue_dma source(%dma_start3A_324 : memref<128x128xf32, #tpu.memory_space<vmem>>) target(%dma_start3A_321 : memref<128x128xf32, #tpu.memory_space<hbm>>) target_semaphore(%run_scoped3A : memref<!tpu.dma_semaphore, #tpu.memory_space<semaphore_mem>>)
      %dma_wait3A_325 = arith.constant 0 : i32
      %dma_wait3A_326 = arith.constant 0 : i32
      %dma_wait3A_327 = tpu.memref_slice %arg17[%dma_wait3A_325, %dma_wait3A_326] : memref<128x128xf32, #tpu.memory_space<vmem>> -> memref<128x128xf32, #tpu.memory_space<vmem>>
      %dma_wait3A_328 = arith.constant 0 : i32
      %dma_wait3A_329 = tpu.memref_slice %arg6[%arg0, %add3A_304, %dma_wait3A_328] : memref<2x5248x128xf32, #tpu.memory_space<hbm>> -> memref<1x128x128xf32, #tpu.memory_space<hbm>>
      %dma_wait3A_330 = tpu.memref_squeeze %dma_wait3A_329 : memref<1x128x128xf32, #tpu.memory_space<hbm>> -> memref<128x128xf32, #tpu.memory_space<hbm>>
      %dma_wait3A_331 = arith.constant 0 : i32
      %dma_wait3A_332 = tpu.memref_slice %arg6[%arg0, %add3A_304, %dma_wait3A_331] : memref<2x5248x128xf32, #tpu.memory_space<hbm>> -> memref<1x128x128xf32, #tpu.memory_space<hbm>>
      %dma_wait3A_333 = tpu.memref_squeeze %dma_wait3A_332 : memref<1x128x128xf32, #tpu.memory_space<hbm>> -> memref<128x128xf32, #tpu.memory_space<hbm>>
      %dma_wait3A_334 = arith.constant 0 : i32
      %dma_wait3A_335 = arith.constant 0 : i32
      %dma_wait3A_336 = tpu.memref_slice %arg17[%dma_wait3A_334, %dma_wait3A_335] : memref<128x128xf32, #tpu.memory_space<vmem>> -> memref<128x128xf32, #tpu.memory_space<vmem>>
      tpu.wait_dma2 semaphore(%run_scoped3A : memref<!tpu.dma_semaphore, #tpu.memory_space<semaphore_mem>>) src(%dma_wait3A_336 : memref<128x128xf32, #tpu.memory_space<vmem>>) dst(%dma_wait3A_333 : memref<128x128xf32, #tpu.memory_space<hbm>>)
      tpu.yield
    }) : () -> ()
    %mul3A_305 = arith.constant 328 : i32
    %mul3A_306 = arith.muli %arg1, %mul3A_305 : i32
    %add3A_307 = arith.constant 128 : i32
    %add3A_308 = arith.addi %mul3A_306, %add3A_307 : i32
    "tpu.region"() ({
      %run_scoped3A = tpu.sem_alloc : memref<!tpu.dma_semaphore, #tpu.memory_space<semaphore_mem>>
      %dma_start3A_313 = arith.constant 0 : i32
      %dma_start3A_314 = arith.constant 0 : i32
      %dma_start3A_315 = tpu.memref_slice %arg17[%dma_start3A_313, %dma_start3A_314] : memref<128x128xf32, #tpu.memory_space<vmem>> -> memref<128x128xf32, #tpu.memory_space<vmem>>
      %dma_start3A_316 = arith.constant 0 : i32
      %dma_start3A_317 = tpu.memref_slice %arg20[%add3A_308, %dma_start3A_316] : memref<5248x128xf32, #tpu.memory_space<vmem_shared>> -> memref<128x128xf32, #tpu.memory_space<vmem_shared>>
      %dma_start3A_318 = arith.constant 0 : i32
      %dma_start3A_319 = arith.constant 0 : i32
      %dma_start3A_320 = tpu.memref_slice %arg17[%dma_start3A_318, %dma_start3A_319] : memref<128x128xf32, #tpu.memory_space<vmem>> -> memref<128x128xf32, #tpu.memory_space<vmem>>
      %dma_start3A_321 = arith.constant 0 : i32
      %dma_start3A_322 = tpu.memref_slice %arg20[%add3A_308, %dma_start3A_321] : memref<5248x128xf32, #tpu.memory_space<vmem_shared>> -> memref<128x128xf32, #tpu.memory_space<vmem_shared>>
      tpu.enqueue_dma source(%dma_start3A_322 : memref<128x128xf32, #tpu.memory_space<vmem_shared>>) target(%dma_start3A_320 : memref<128x128xf32, #tpu.memory_space<vmem>>) target_semaphore(%run_scoped3A : memref<!tpu.dma_semaphore, #tpu.memory_space<semaphore_mem>>)
      %dma_wait3A_323 = arith.constant 0 : i32
      %dma_wait3A_324 = arith.constant 0 : i32
      %dma_wait3A_325 = tpu.memref_slice %arg17[%dma_wait3A_323, %dma_wait3A_324] : memref<128x128xf32, #tpu.memory_space<vmem>> -> memref<128x128xf32, #tpu.memory_space<vmem>>
      %dma_wait3A_326 = arith.constant 0 : i32
      %dma_wait3A_327 = tpu.memref_slice %arg20[%add3A_308, %dma_wait3A_326] : memref<5248x128xf32, #tpu.memory_space<vmem_shared>> -> memref<128x128xf32, #tpu.memory_space<vmem_shared>>
      %dma_wait3A_328 = arith.constant 0 : i32
      %dma_wait3A_329 = arith.constant 0 : i32
      %dma_wait3A_330 = tpu.memref_slice %arg17[%dma_wait3A_328, %dma_wait3A_329] : memref<128x128xf32, #tpu.memory_space<vmem>> -> memref<128x128xf32, #tpu.memory_space<vmem>>
      %dma_wait3A_331 = arith.constant 0 : i32
      %dma_wait3A_332 = tpu.memref_slice %arg20[%add3A_308, %dma_wait3A_331] : memref<5248x128xf32, #tpu.memory_space<vmem_shared>> -> memref<128x128xf32, #tpu.memory_space<vmem_shared>>
      tpu.wait_dma2 semaphore(%run_scoped3A : memref<!tpu.dma_semaphore, #tpu.memory_space<semaphore_mem>>) src(%dma_wait3A_332 : memref<128x128xf32, #tpu.memory_space<vmem_shared>>) dst(%dma_wait3A_330 : memref<128x128xf32, #tpu.memory_space<vmem>>)
      tpu.yield
    }) : () -> ()
    "tpu.region"() ({
      %run_scoped3A = tpu.sem_alloc : memref<!tpu.dma_semaphore, #tpu.memory_space<semaphore_mem>>
      %dma_start3A_313 = arith.constant 0 : i32
      %dma_start3A_314 = arith.constant 0 : i32
      %dma_start3A_315 = tpu.memref_slice %arg17[%dma_start3A_313, %dma_start3A_314] : memref<128x128xf32, #tpu.memory_space<vmem>> -> memref<128x128xf32, #tpu.memory_space<vmem>>
      %dma_start3A_316 = arith.constant 0 : i32
      %dma_start3A_317 = tpu.memref_slice %arg6[%arg0, %add3A_308, %dma_start3A_316] : memref<2x5248x128xf32, #tpu.memory_space<hbm>> -> memref<1x128x128xf32, #tpu.memory_space<hbm>>
      %dma_start3A_318 = tpu.memref_squeeze %dma_start3A_317 : memref<1x128x128xf32, #tpu.memory_space<hbm>> -> memref<128x128xf32, #tpu.memory_space<hbm>>
      %dma_start3A_319 = arith.constant 0 : i32
      %dma_start3A_320 = tpu.memref_slice %arg6[%arg0, %add3A_308, %dma_start3A_319] : memref<2x5248x128xf32, #tpu.memory_space<hbm>> -> memref<1x128x128xf32, #tpu.memory_space<hbm>>
      %dma_start3A_321 = tpu.memref_squeeze %dma_start3A_320 : memref<1x128x128xf32, #tpu.memory_space<hbm>> -> memref<128x128xf32, #tpu.memory_space<hbm>>
      %dma_start3A_322 = arith.constant 0 : i32
      %dma_start3A_323 = arith.constant 0 : i32
      %dma_start3A_324 = tpu.memref_slice %arg17[%dma_start3A_322, %dma_start3A_323] : memref<128x128xf32, #tpu.memory_space<vmem>> -> memref<128x128xf32, #tpu.memory_space<vmem>>
      tpu.enqueue_dma source(%dma_start3A_324 : memref<128x128xf32, #tpu.memory_space<vmem>>) target(%dma_start3A_321 : memref<128x128xf32, #tpu.memory_space<hbm>>) target_semaphore(%run_scoped3A : memref<!tpu.dma_semaphore, #tpu.memory_space<semaphore_mem>>)
      %dma_wait3A_325 = arith.constant 0 : i32
      %dma_wait3A_326 = arith.constant 0 : i32
      %dma_wait3A_327 = tpu.memref_slice %arg17[%dma_wait3A_325, %dma_wait3A_326] : memref<128x128xf32, #tpu.memory_space<vmem>> -> memref<128x128xf32, #tpu.memory_space<vmem>>
      %dma_wait3A_328 = arith.constant 0 : i32
      %dma_wait3A_329 = tpu.memref_slice %arg6[%arg0, %add3A_308, %dma_wait3A_328] : memref<2x5248x128xf32, #tpu.memory_space<hbm>> -> memref<1x128x128xf32, #tpu.memory_space<hbm>>
      %dma_wait3A_330 = tpu.memref_squeeze %dma_wait3A_329 : memref<1x128x128xf32, #tpu.memory_space<hbm>> -> memref<128x128xf32, #tpu.memory_space<hbm>>
      %dma_wait3A_331 = arith.constant 0 : i32
      %dma_wait3A_332 = tpu.memref_slice %arg6[%arg0, %add3A_308, %dma_wait3A_331] : memref<2x5248x128xf32, #tpu.memory_space<hbm>> -> memref<1x128x128xf32, #tpu.memory_space<hbm>>
      %dma_wait3A_333 = tpu.memref_squeeze %dma_wait3A_332 : memref<1x128x128xf32, #tpu.memory_space<hbm>> -> memref<128x128xf32, #tpu.memory_space<hbm>>
      %dma_wait3A_334 = arith.constant 0 : i32
      %dma_wait3A_335 = arith.constant 0 : i32
      %dma_wait3A_336 = tpu.memref_slice %arg17[%dma_wait3A_334, %dma_wait3A_335] : memref<128x128xf32, #tpu.memory_space<vmem>> -> memref<128x128xf32, #tpu.memory_space<vmem>>
      tpu.wait_dma2 semaphore(%run_scoped3A : memref<!tpu.dma_semaphore, #tpu.memory_space<semaphore_mem>>) src(%dma_wait3A_336 : memref<128x128xf32, #tpu.memory_space<vmem>>) dst(%dma_wait3A_333 : memref<128x128xf32, #tpu.memory_space<hbm>>)
      tpu.yield
    }) : () -> ()
    %mul3A_309 = arith.constant 328 : i32
    %mul3A_310 = arith.muli %arg1, %mul3A_309 : i32
    %add3A_311 = arith.constant 256 : i32
    %add3A_312 = arith.addi %mul3A_310, %add3A_311 : i32
    "tpu.region"() ({
      %run_scoped3A = tpu.sem_alloc : memref<!tpu.dma_semaphore, #tpu.memory_space<semaphore_mem>>
      %dma_start3A_313 = arith.constant 0 : i32
      %dma_start3A_314 = arith.constant 0 : i32
      %dma_start3A_315 = tpu.memref_slice %arg17[%dma_start3A_313, %dma_start3A_314] : memref<128x128xf32, #tpu.memory_space<vmem>> -> memref<72x128xf32, #tpu.memory_space<vmem>>
      %dma_start3A_316 = arith.constant 0 : i32
      %dma_start3A_317 = tpu.memref_slice %arg20[%add3A_312, %dma_start3A_316] : memref<5248x128xf32, #tpu.memory_space<vmem_shared>> -> memref<72x128xf32, #tpu.memory_space<vmem_shared>>
      %dma_start3A_318 = arith.constant 0 : i32
      %dma_start3A_319 = arith.constant 0 : i32
      %dma_start3A_320 = tpu.memref_slice %arg17[%dma_start3A_318, %dma_start3A_319] : memref<128x128xf32, #tpu.memory_space<vmem>> -> memref<72x128xf32, #tpu.memory_space<vmem>>
      %dma_start3A_321 = arith.constant 0 : i32
      %dma_start3A_322 = tpu.memref_slice %arg20[%add3A_312, %dma_start3A_321] : memref<5248x128xf32, #tpu.memory_space<vmem_shared>> -> memref<72x128xf32, #tpu.memory_space<vmem_shared>>
      tpu.enqueue_dma source(%dma_start3A_322 : memref<72x128xf32, #tpu.memory_space<vmem_shared>>) target(%dma_start3A_320 : memref<72x128xf32, #tpu.memory_space<vmem>>) target_semaphore(%run_scoped3A : memref<!tpu.dma_semaphore, #tpu.memory_space<semaphore_mem>>)
      %dma_wait3A_323 = arith.constant 0 : i32
      %dma_wait3A_324 = arith.constant 0 : i32
      %dma_wait3A_325 = tpu.memref_slice %arg17[%dma_wait3A_323, %dma_wait3A_324] : memref<128x128xf32, #tpu.memory_space<vmem>> -> memref<72x128xf32, #tpu.memory_space<vmem>>
      %dma_wait3A_326 = arith.constant 0 : i32
      %dma_wait3A_327 = tpu.memref_slice %arg20[%add3A_312, %dma_wait3A_326] : memref<5248x128xf32, #tpu.memory_space<vmem_shared>> -> memref<72x128xf32, #tpu.memory_space<vmem_shared>>
      %dma_wait3A_328 = arith.constant 0 : i32
      %dma_wait3A_329 = arith.constant 0 : i32
      %dma_wait3A_330 = tpu.memref_slice %arg17[%dma_wait3A_328, %dma_wait3A_329] : memref<128x128xf32, #tpu.memory_space<vmem>> -> memref<72x128xf32, #tpu.memory_space<vmem>>
      %dma_wait3A_331 = arith.constant 0 : i32
      %dma_wait3A_332 = tpu.memref_slice %arg20[%add3A_312, %dma_wait3A_331] : memref<5248x128xf32, #tpu.memory_space<vmem_shared>> -> memref<72x128xf32, #tpu.memory_space<vmem_shared>>
      tpu.wait_dma2 semaphore(%run_scoped3A : memref<!tpu.dma_semaphore, #tpu.memory_space<semaphore_mem>>) src(%dma_wait3A_332 : memref<72x128xf32, #tpu.memory_space<vmem_shared>>) dst(%dma_wait3A_330 : memref<72x128xf32, #tpu.memory_space<vmem>>)
      tpu.yield
    }) : () -> ()
    "tpu.region"() ({
      %run_scoped3A = tpu.sem_alloc : memref<!tpu.dma_semaphore, #tpu.memory_space<semaphore_mem>>
      %dma_start3A_313 = arith.constant 0 : i32
      %dma_start3A_314 = arith.constant 0 : i32
      %dma_start3A_315 = tpu.memref_slice %arg17[%dma_start3A_313, %dma_start3A_314] : memref<128x128xf32, #tpu.memory_space<vmem>> -> memref<72x128xf32, #tpu.memory_space<vmem>>
      %dma_start3A_316 = arith.constant 0 : i32
      %dma_start3A_317 = tpu.memref_slice %arg6[%arg0, %add3A_312, %dma_start3A_316] : memref<2x5248x128xf32, #tpu.memory_space<hbm>> -> memref<1x72x128xf32, #tpu.memory_space<hbm>>
      %dma_start3A_318 = tpu.memref_squeeze %dma_start3A_317 : memref<1x72x128xf32, #tpu.memory_space<hbm>> -> memref<72x128xf32, #tpu.memory_space<hbm>>
      %dma_start3A_319 = arith.constant 0 : i32
      %dma_start3A_320 = tpu.memref_slice %arg6[%arg0, %add3A_312, %dma_start3A_319] : memref<2x5248x128xf32, #tpu.memory_space<hbm>> -> memref<1x72x128xf32, #tpu.memory_space<hbm>>
      %dma_start3A_321 = tpu.memref_squeeze %dma_start3A_320 : memref<1x72x128xf32, #tpu.memory_space<hbm>> -> memref<72x128xf32, #tpu.memory_space<hbm>>
      %dma_start3A_322 = arith.constant 0 : i32
      %dma_start3A_323 = arith.constant 0 : i32
      %dma_start3A_324 = tpu.memref_slice %arg17[%dma_start3A_322, %dma_start3A_323] : memref<128x128xf32, #tpu.memory_space<vmem>> -> memref<72x128xf32, #tpu.memory_space<vmem>>
      tpu.enqueue_dma source(%dma_start3A_324 : memref<72x128xf32, #tpu.memory_space<vmem>>) target(%dma_start3A_321 : memref<72x128xf32, #tpu.memory_space<hbm>>) target_semaphore(%run_scoped3A : memref<!tpu.dma_semaphore, #tpu.memory_space<semaphore_mem>>)
      %dma_wait3A_325 = arith.constant 0 : i32
      %dma_wait3A_326 = arith.constant 0 : i32
      %dma_wait3A_327 = tpu.memref_slice %arg17[%dma_wait3A_325, %dma_wait3A_326] : memref<128x128xf32, #tpu.memory_space<vmem>> -> memref<72x128xf32, #tpu.memory_space<vmem>>
      %dma_wait3A_328 = arith.constant 0 : i32
      %dma_wait3A_329 = tpu.memref_slice %arg6[%arg0, %add3A_312, %dma_wait3A_328] : memref<2x5248x128xf32, #tpu.memory_space<hbm>> -> memref<1x72x128xf32, #tpu.memory_space<hbm>>
      %dma_wait3A_330 = tpu.memref_squeeze %dma_wait3A_329 : memref<1x72x128xf32, #tpu.memory_space<hbm>> -> memref<72x128xf32, #tpu.memory_space<hbm>>
      %dma_wait3A_331 = arith.constant 0 : i32
      %dma_wait3A_332 = tpu.memref_slice %arg6[%arg0, %add3A_312, %dma_wait3A_331] : memref<2x5248x128xf32, #tpu.memory_space<hbm>> -> memref<1x72x128xf32, #tpu.memory_space<hbm>>
      %dma_wait3A_333 = tpu.memref_squeeze %dma_wait3A_332 : memref<1x72x128xf32, #tpu.memory_space<hbm>> -> memref<72x128xf32, #tpu.memory_space<hbm>>
      %dma_wait3A_334 = arith.constant 0 : i32
      %dma_wait3A_335 = arith.constant 0 : i32
      %dma_wait3A_336 = tpu.memref_slice %arg17[%dma_wait3A_334, %dma_wait3A_335] : memref<128x128xf32, #tpu.memory_space<vmem>> -> memref<72x128xf32, #tpu.memory_space<vmem>>
      tpu.wait_dma2 semaphore(%run_scoped3A : memref<!tpu.dma_semaphore, #tpu.memory_space<semaphore_mem>>) src(%dma_wait3A_336 : memref<72x128xf32, #tpu.memory_space<vmem>>) dst(%dma_wait3A_333 : memref<72x128xf32, #tpu.memory_space<hbm>>)
      tpu.yield
    }) : () -> ()
    return
  }
}

module attributes {stable_mosaic.version = 14 : i64} {
  func.func @_qkv_body(%arg0: i32, %arg1: memref<1024x128xf32, #tpu.memory_space<vmem>>, %arg2: memref<128x128xf32, #tpu.memory_space<vmem>>, %arg3: memref<256x128xf32, #tpu.memory_space<vmem>>, %arg4: memref<1x128xf32, #tpu.memory_space<vmem>>, %arg5: memref<1x256xf32, #tpu.memory_space<vmem>>, %arg6: memref<1024x128xf32, #tpu.memory_space<vmem>>, %arg7: memref<1024x256xf32, #tpu.memory_space<vmem>>) attributes {dimension_semantics = [#tpu.dimension_semantics<arbitrary>], iteration_bounds = array<i64: 11>, scalar_prefetch = 0 : i64, scratch_operands = 0 : i64, tpu.core_type = #tpu.core_type<tc>, window_params = [{transform_indices = @transform_0, window_bounds = array<i64: 1024, 128>}, {pipeline_mode = #tpu.pipeline_mode<synchronous>, transform_indices = @transform_1, window_bounds = array<i64: 128, 128>}, {pipeline_mode = #tpu.pipeline_mode<synchronous>, transform_indices = @transform_2, window_bounds = array<i64: 256, 128>}, {pipeline_mode = #tpu.pipeline_mode<synchronous>, transform_indices = @transform_3, window_bounds = array<i64: 1, 128>}, {pipeline_mode = #tpu.pipeline_mode<synchronous>, transform_indices = @transform_4, window_bounds = array<i64: 1, 256>}, {transform_indices = @transform_5, window_bounds = array<i64: 1024, 128>}, {transform_indices = @transform_6, window_bounds = array<i64: 1024, 256>}]} {
    %get3A = arith.constant 0 : index
    %get3A_0 = arith.constant 0 : index
    %get3A_1 = vector.load %arg1[%get3A, %get3A_0] : memref<1024x128xf32, #tpu.memory_space<vmem>>, vector<1024x128xf32>
    %get3A_2 = arith.constant 0 : index
    %get3A_3 = arith.constant 0 : index
    %get3A_4 = vector.load %arg2[%get3A_2, %get3A_3] : memref<128x128xf32, #tpu.memory_space<vmem>>, vector<128x128xf32>
    %dot_general3A = arith.constant dense<0.000000e+00> : vector<1024x128xf32>
    %dot_general3A_5 = tpu.matmul %get3A_1, %get3A_4, %dot_general3A {dimension_numbers = #tpu.dot_dimension_numbers<[1], [1], [0], [0], [0, 0, 1, 0], [], []>, transpose_lhs_hint = false} : vector<1024x128xf32>, vector<128x128xf32>, vector<1024x128xf32> -> vector<1024x128xf32>
    %get3A_6 = arith.constant 0 : index
    %get3A_7 = arith.constant 0 : index
    %get3A_8 = vector.load %arg3[%get3A_6, %get3A_7] : memref<256x128xf32, #tpu.memory_space<vmem>>, vector<256x128xf32>
    %dot_general3A_9 = arith.constant dense<0.000000e+00> : vector<1024x256xf32>
    %dot_general3A_10 = tpu.matmul %get3A_1, %get3A_8, %dot_general3A_9 {dimension_numbers = #tpu.dot_dimension_numbers<[1], [1], [0], [0], [0, 0, 1, 0], [], []>, transpose_lhs_hint = false} : vector<1024x128xf32>, vector<256x128xf32>, vector<1024x256xf32> -> vector<1024x256xf32>
    %get3A_11 = arith.constant 0 : index
    %get3A_12 = arith.constant 0 : index
    %get3A_13 = vector.load %arg4[%get3A_11, %get3A_12] : memref<1x128xf32, #tpu.memory_space<vmem>>, vector<1x128xf32>
    %add3A = vector.broadcast %get3A_13 : vector<1x128xf32> to vector<1024x128xf32>
    %add3A_14 = arith.addf %dot_general3A_5, %add3A : vector<1024x128xf32>
    %mul3A = arith.constant 0.176776692 : f32
    %mul3A_15 = vector.broadcast %mul3A : f32 to vector<1024x128xf32>
    %mul3A_16 = arith.mulf %add3A_14, %mul3A_15 : vector<1024x128xf32>
    %swap3A = arith.constant 0 : index
    %swap3A_17 = arith.constant 0 : index
    %swap3A_18 = vector.load %arg6[%swap3A, %swap3A_17] : memref<1024x128xf32, #tpu.memory_space<vmem>>, vector<1024x128xf32>
    tpu.vector_store %arg6[%swap3A, %swap3A_17], %mul3A_16 {strides = array<i32>} : memref<1024x128xf32, #tpu.memory_space<vmem>>, vector<1024x128xf32>,
    %get3A_19 = arith.constant 0 : index
    %get3A_20 = arith.constant 0 : index
    %get3A_21 = vector.load %arg5[%get3A_19, %get3A_20] : memref<1x256xf32, #tpu.memory_space<vmem>>, vector<1x256xf32>
    %add3A_22 = vector.broadcast %get3A_21 : vector<1x256xf32> to vector<1024x256xf32>
    %add3A_23 = arith.addf %dot_general3A_10, %add3A_22 : vector<1024x256xf32>
    %swap3A_24 = arith.constant 0 : index
    %swap3A_25 = arith.constant 0 : index
    %swap3A_26 = vector.load %arg7[%swap3A_24, %swap3A_25] : memref<1024x256xf32, #tpu.memory_space<vmem>>, vector<1024x256xf32>
    tpu.vector_store %arg7[%swap3A_24, %swap3A_25], %add3A_23 {strides = array<i32>} : memref<1024x256xf32, #tpu.memory_space<vmem>>, vector<1024x256xf32>,
    return
  }
  func.func @transform_0(%arg0: i32) -> (i32, i32) {
    %c0_i32 = arith.constant 0 : i32
    %c0_i32_0 = arith.constant 0 : i32
    return %arg0, %c0_i32 : i32, i32
  }
  func.func @transform_1(%arg0: i32) -> (i32, i32) {
    %c0_i32 = arith.constant 0 : i32
    %c0_i32_0 = arith.constant 0 : i32
    %c0_i32_1 = arith.constant 0 : i32
    return %c0_i32, %c0_i32_0 : i32, i32
  }
  func.func @transform_2(%arg0: i32) -> (i32, i32) {
    %c0_i32 = arith.constant 0 : i32
    %c0_i32_0 = arith.constant 0 : i32
    %c0_i32_1 = arith.constant 0 : i32
    return %c0_i32, %c0_i32_0 : i32, i32
  }
  func.func @transform_3(%arg0: i32) -> (i32, i32) {
    %c0_i32 = arith.constant 0 : i32
    %c0_i32_0 = arith.constant 0 : i32
    %c0_i32_1 = arith.constant 0 : i32
    return %c0_i32, %c0_i32_0 : i32, i32
  }
  func.func @transform_4(%arg0: i32) -> (i32, i32) {
    %c0_i32 = arith.constant 0 : i32
    %c0_i32_0 = arith.constant 0 : i32
    %c0_i32_1 = arith.constant 0 : i32
    return %c0_i32, %c0_i32_0 : i32, i32
  }
  func.func @transform_5(%arg0: i32) -> (i32, i32) {
    %c0_i32 = arith.constant 0 : i32
    %c0_i32_0 = arith.constant 0 : i32
    return %arg0, %c0_i32 : i32, i32
  }
  func.func @transform_6(%arg0: i32) -> (i32, i32) {
    %c0_i32 = arith.constant 0 : i32
    %c0_i32_0 = arith.constant 0 : i32
    return %arg0, %c0_i32 : i32, i32
  }
}

module attributes {stable_mosaic.version = 14 : i64} {
  func.func @_norm_body(%arg0: i32, %arg1: memref<512x128xf32, #tpu.memory_space<vmem>>, %arg2: memref<16x512x4xf32, #tpu.memory_space<vmem>>, %arg3: memref<512x128xf32, #tpu.memory_space<vmem>>) attributes {dimension_semantics = [#tpu.dimension_semantics<arbitrary>], iteration_bounds = array<i64: 20>, scalar_prefetch = 0 : i64, scratch_operands = 0 : i64, tpu.core_type = #tpu.core_type<tc>, window_params = [{transform_indices = @transform_0, window_bounds = array<i64: 512, 128>}, {transform_indices = @transform_1, window_bounds = array<i64: 16, 512, 4>}, {transform_indices = @transform_2, window_bounds = array<i64: 512, 128>}]} {
    %get3A = arith.constant 0 : index
    %get3A_0 = arith.constant 0 : index
    %get3A_1 = vector.load %arg1[%get3A, %get3A_0] : memref<512x128xf32, #tpu.memory_space<vmem>>, vector<512x128xf32>
    %get3A_2 = arith.constant 0 : index
    %get3A_3 = arith.constant 0 : index
    %get3A_4 = arith.constant 0 : index
    %get3A_5 = vector.load %arg2[%get3A_2, %get3A_3, %get3A_4] : memref<16x512x4xf32, #tpu.memory_space<vmem>>, vector<16x512x4xf32>
    %reduce_sum3A = arith.constant dense<0.000000e+00> : vector<512x4xf32>
    %reduce_sum3A_6 = vector.multi_reduction <add>, %get3A_5, %reduce_sum3A [0] : vector<16x512x4xf32> to vector<512x4xf32>
    %slice3A = vector.extract_strided_slice %reduce_sum3A_6 {offsets = [0, 0], sizes = [512, 1], strides = [1, 1]} : vector<512x4xf32> to vector<512x1xf32>
    %squeeze3A = vector.shape_cast %slice3A : vector<512x1xf32> to vector<512xf32>
    %broadcast_in_dim3A = vector.shape_cast %squeeze3A : vector<512xf32> to vector<512x1xf32>
    %add3A = arith.constant 1.000000e-16 : f32
    %add3A_7 = vector.broadcast %add3A : f32 to vector<512x1xf32>
    %add3A_8 = arith.addf %broadcast_in_dim3A, %add3A_7 : vector<512x1xf32>
    %slice3A_9 = vector.extract_strided_slice %get3A_1 {offsets = [0, 0], sizes = [512, 32], strides = [1, 1]} : vector<512x128xf32> to vector<512x32xf32>
    %div3A = vector.broadcast %add3A_8 : vector<512x1xf32> to vector<512x32xf32>
    %div3A_10 = arith.divf %slice3A_9, %div3A : vector<512x32xf32>
    %swap3A = arith.constant 0 : index
    %swap3A_11 = arith.constant 0 : index
    %swap3A_12 = vector.load %arg3[%swap3A, %swap3A_11] : memref<512x128xf32, #tpu.memory_space<vmem>>, vector<512x32xf32>
    tpu.vector_store %arg3[%swap3A, %swap3A_11], %div3A_10 {strides = array<i32>} : memref<512x128xf32, #tpu.memory_space<vmem>>, vector<512x32xf32>,
    %slice3A_13 = vector.extract_strided_slice %reduce_sum3A_6 {offsets = [0, 1], sizes = [512, 1], strides = [1, 1]} : vector<512x4xf32> to vector<512x1xf32>
    %squeeze3A_14 = vector.shape_cast %slice3A_13 : vector<512x1xf32> to vector<512xf32>
    %broadcast_in_dim3A_15 = vector.shape_cast %squeeze3A_14 : vector<512xf32> to vector<512x1xf32>
    %add3A_16 = arith.constant 1.000000e-16 : f32
    %add3A_17 = vector.broadcast %add3A_16 : f32 to vector<512x1xf32>
    %add3A_18 = arith.addf %broadcast_in_dim3A_15, %add3A_17 : vector<512x1xf32>
    %slice3A_19 = vector.extract_strided_slice %get3A_1 {offsets = [0, 32], sizes = [512, 32], strides = [1, 1]} : vector<512x128xf32> to vector<512x32xf32>
    %div3A_20 = vector.broadcast %add3A_18 : vector<512x1xf32> to vector<512x32xf32>
    %div3A_21 = arith.divf %slice3A_19, %div3A_20 : vector<512x32xf32>
    %swap3A_22 = arith.constant 0 : index
    %swap3A_23 = arith.constant 32 : index
    %swap3A_24 = vector.load %arg3[%swap3A_22, %swap3A_23] : memref<512x128xf32, #tpu.memory_space<vmem>>, vector<512x32xf32>
    tpu.vector_store %arg3[%swap3A_22, %swap3A_23], %div3A_21 {strides = array<i32>} : memref<512x128xf32, #tpu.memory_space<vmem>>, vector<512x32xf32>,
    %slice3A_25 = vector.extract_strided_slice %reduce_sum3A_6 {offsets = [0, 2], sizes = [512, 1], strides = [1, 1]} : vector<512x4xf32> to vector<512x1xf32>
    %squeeze3A_26 = vector.shape_cast %slice3A_25 : vector<512x1xf32> to vector<512xf32>
    %broadcast_in_dim3A_27 = vector.shape_cast %squeeze3A_26 : vector<512xf32> to vector<512x1xf32>
    %add3A_28 = arith.constant 1.000000e-16 : f32
    %add3A_29 = vector.broadcast %add3A_28 : f32 to vector<512x1xf32>
    %add3A_30 = arith.addf %broadcast_in_dim3A_27, %add3A_29 : vector<512x1xf32>
    %slice3A_31 = vector.extract_strided_slice %get3A_1 {offsets = [0, 64], sizes = [512, 32], strides = [1, 1]} : vector<512x128xf32> to vector<512x32xf32>
    %div3A_32 = vector.broadcast %add3A_30 : vector<512x1xf32> to vector<512x32xf32>
    %div3A_33 = arith.divf %slice3A_31, %div3A_32 : vector<512x32xf32>
    %swap3A_34 = arith.constant 0 : index
    %swap3A_35 = arith.constant 64 : index
    %swap3A_36 = vector.load %arg3[%swap3A_34, %swap3A_35] : memref<512x128xf32, #tpu.memory_space<vmem>>, vector<512x32xf32>
    tpu.vector_store %arg3[%swap3A_34, %swap3A_35], %div3A_33 {strides = array<i32>} : memref<512x128xf32, #tpu.memory_space<vmem>>, vector<512x32xf32>,
    %slice3A_37 = vector.extract_strided_slice %reduce_sum3A_6 {offsets = [0, 3], sizes = [512, 1], strides = [1, 1]} : vector<512x4xf32> to vector<512x1xf32>
    %squeeze3A_38 = vector.shape_cast %slice3A_37 : vector<512x1xf32> to vector<512xf32>
    %broadcast_in_dim3A_39 = vector.shape_cast %squeeze3A_38 : vector<512xf32> to vector<512x1xf32>
    %add3A_40 = arith.constant 1.000000e-16 : f32
    %add3A_41 = vector.broadcast %add3A_40 : f32 to vector<512x1xf32>
    %add3A_42 = arith.addf %broadcast_in_dim3A_39, %add3A_41 : vector<512x1xf32>
    %slice3A_43 = vector.extract_strided_slice %get3A_1 {offsets = [0, 96], sizes = [512, 32], strides = [1, 1]} : vector<512x128xf32> to vector<512x32xf32>
    %div3A_44 = vector.broadcast %add3A_42 : vector<512x1xf32> to vector<512x32xf32>
    %div3A_45 = arith.divf %slice3A_43, %div3A_44 : vector<512x32xf32>
    %swap3A_46 = arith.constant 0 : index
    %swap3A_47 = arith.constant 96 : index
    %swap3A_48 = vector.load %arg3[%swap3A_46, %swap3A_47] : memref<512x128xf32, #tpu.memory_space<vmem>>, vector<512x32xf32>
    tpu.vector_store %arg3[%swap3A_46, %swap3A_47], %div3A_45 {strides = array<i32>} : memref<512x128xf32, #tpu.memory_space<vmem>>, vector<512x32xf32>,
    return
  }
  func.func @transform_0(%arg0: i32) -> (i32, i32) {
    %c0_i32 = arith.constant 0 : i32
    %c0_i32_0 = arith.constant 0 : i32
    return %arg0, %c0_i32 : i32, i32
  }
  func.func @transform_1(%arg0: i32) -> (i32, i32, i32) {
    %c0_i32 = arith.constant 0 : i32
    %c0_i32_0 = arith.constant 0 : i32
    %c0_i32_1 = arith.constant 0 : i32
    return %c0_i32, %arg0, %c0_i32_0 : i32, i32, i32
  }
  func.func @transform_2(%arg0: i32) -> (i32, i32) {
    %c0_i32 = arith.constant 0 : i32
    %c0_i32_0 = arith.constant 0 : i32
    return %arg0, %c0_i32 : i32, i32
  }
}

</mosaic_0001>

<sc_bundles>
// kernel: kernel.5.cloned.1.call-start
scs
__scs_entry_jumppad:
0x0: {  	(pc) =	sbr.rel $0x88, $3  }
0x1: {  	(tag) =	ssettag $0x0;
	lr =	simm.s32 $0x1  }
0x2: {  	[smem:$0x3F9D] =	sst lr;
	_ =	strace $0xD0000000  }
0x3: {  	_ = 	snop  }
0x4: {  	_ = 	snop  }
0x5: {  	_ = 	snop  }
0x6: {  	_ = 	snop  }
0x7: {  	_ = 	snop  }
__scs_overlays_trampoline_lowered:
0x8: {  	[smem:$0x3FAC] =	sst s0  }
0x9: {  	[smem:$0x3FAD] =	sst s1  }
0xa: {  	[smem:$0x3FAE] =	sst s2  }
0xb: {  	[smem:$0x3FAF] =	sst s3  }
0xc: {  	[smem:$0x3FB0] =	sst s4  }
0xd: {  	[smem:$0x3FB1] =	sst s5  }
0xe: {  	[smem:$0x3FB2] =	sst s6  }
0xf: {  	[smem:$0x3FB3] =	sst s7  }
0x10: {  	[smem:$0x3FB4] =	sst s8  }
0x11: {  	[smem:$0x3FB5] =	sst s9;
	s0 =	simm.s32 @!p0 $0x0  }
0x12: {  	s1 =	sld [smem:$0x3F9B];
	s0 =	simm.s32 @p0 $0x1  }
0x13: {  	[smem:$0x3FB6] =	sst s0;
	s0 =	simm.s32 @!p1 $0x0  }
0x14: {  	s2 =	sld [smem:$0x3F9A];
	s0 =	simm.s32 @p1 $0x1  }
0x15: {  	[smem:$0x3FB7] =	sst s0;
	s0 =	simm.s32 @!p2 $0x0  }
0x16: {  	s3 =	sld [smem:$0x3FDB];
	s0 =	simm.s32 @p2 $0x1  }
0x17: {  	s4 =	simm.s32 $0x1BF5;
	[smem:$0x3FB9] =	sst s0  }
0x18: {  	s0 =	sld [smem:$0x3F9C];
	_ =	swait.ge [sflag:s4], $0x0  }
0x19: {  	s7 =	sld [smem:$0x3F9D]  }
0x1a: {  	s8 =	sadd.s32 $0xFFFFE003, lr  }
0x1b: {  	s9 =	sadd.s32 $0xFFFFFEF7, lr;
	s5 =	simm.s32 $0xFFFFFFFF;
	p2 =	slt.u32 s8, $0xFFFFF086  }
0x1c: {  	p1 =	slt.u32 s9, $0xF7A;
	s5 =	simm.s32 @!p2 $0x0  }
0x1d: {  	s5 =	simm.s32 @p1 $0x1;
	p0 =	seq.s32 s7, s2  }
0x1e: {  	s7 =	smul.u32 @!p0 $0xF7A, s2;
	p2 =	seq.s32 @!p0 s5, $0x0  }
0x1f: {  	s9 =	smul.u32 $0xF7A, s1;
	s8 =	simm.s32 @!p0 $0x1BF5;
	p2 =	por !p2, p0  }
0x20: {  	[sflag:s8] =	ssyncset.s32 @!p0 $0xFFFFF086;
	s6 =	sadd.s32 @!p0 s3, s7;
	s7 =	simm.s32 @!p0 $0x108  }
0x21: {  	s3 =	sadd.s32 s3, s9;
	s6 =	sadd.s32 @!p0 $0x88, s6;
	s7 =	simm.s32 @p2 $0x1082  }
0x22: {  	[simem:s7], [sflag:s8] =	dma.local @!p0 [hbm:s6], $0xF7A  }
0x23: {  	s9 =	sor.u32 $0xD0000000, s2;
	s6 =	simm.s32 $0x108;
	_ =	swait.ge @!p0 [sflag:s8], $0x0  }
0x24: {  	s3 =	sadd.s32 $0x88, s3;
	s6 =	simm.s32 @!p1 $0x1082;
	[sflag:s4] =	ssyncset.s32 $0xFFFFF086  }
0x25: {  	[simem:s6], [sflag:s4] =	dma.local [hbm:s3], $0xF7A  }
0x26: {  	[smem:$0x3F9D] =	sst s1;
	(tag) =	ssettag s2;
	_ =	strace s9  }
0x27: {  	s1 =	sld [smem:$0x3FAD]  }
0x28: {  	s2 =	sld [smem:$0x3FAE]  }
0x29: {  	s4 =	sld [smem:$0x3FB0]  }
0x2a: {  	p0 =	seq.s32 s5, $0x0;
	s5 =	sld [smem:$0x3FB1]  }
0x2b: {  	s6 =	sld [smem:$0x3FB2]  }
0x2c: {  	s7 =	sld [smem:$0x3FB3]  }
0x2d: {  	s3 =	simm.s32 $0x108;
	s8 =	sld [smem:$0x3FB4]  }
0x2e: {  	s3 =	simm.s32 @!p0 $0x1082;
	s9 =	sld [smem:$0x3FB5]  }
0x2f: {  	lr =	sadd.s32 s0, s3;
	s0 =	sld [smem:$0x3FAC]  }
0x30: {  	s3 =	sld [smem:$0x3FAF]  }
0x31: {  	[smem:$0x3FB8] =	sst s10  }
0x32: {  	s10 =	sld [smem:$0x3FB6];
	_ =	sdelay $0x3  }
0x33: {  	p0 =	seq.s32 s10, $0x1;
	s10 =	sld [smem:$0x3FB8];
	_ =	sdelay $0x3  }
0x34: {  	[smem:$0x3FB8] =	sst s10  }
0x35: {  	s10 =	sld [smem:$0x3FB7];
	_ =	sdelay $0x3  }
0x36: {  	p1 =	seq.s32 s10, $0x1;
	s10 =	sld [smem:$0x3FB8];
	_ =	sdelay $0x3  }
0x37: {  	[smem:$0x3FB8] =	sst s10  }
0x38: {  	s10 =	sld [smem:$0x3FB9]  }
0x39: {  	_ = 	snop;
	(pc) =	sbr.ind lr, $3  }
0x3a: {  	_ = 	snop  }
0x3b: {  	_ = 	snop  }
0x3c: {  	p2 =	seq.s32 s10, $0x1;
	s10 =	sld [smem:$0x3FB8]  }
0x3d: {  	_ =	shalt  }
0x3e: {  	_ =	shalt  }
0x3f: {  	_ =	shalt  }
0x40: {  	_ =	shalt  }
0x41: {  	_ =	shalt  }
0x42: {  	_ =	shalt  }
0x43: {  	_ =	shalt  }
0x44: {  	_ =	shalt  }
0x45: {  	_ =	shalt  }
0x46: {  	_ =	shalt  }
0x47: {  	_ =	shalt  }
0x48: {  	_ =	shalt  }
0x49: {  	_ =	shalt  }
0x4a: {  	_ =	shalt  }
0x4b: {  	_ =	shalt  }
0x4c: {  	_ =	shalt  }
0x4d: {  	_ =	shalt  }
0x4e: {  	_ =	shalt  }
0x4f: {  	_ =	shalt  }
0x50: {  	_ =	shalt  }
0x51: {  	_ =	shalt  }
0x52: {  	_ =	shalt  }
0x53: {  	_ =	shalt  }
0x54: {  	_ =	shalt  }
0x55: {  	_ =	shalt  }
0x56: {  	_ =	shalt  }
0x57: {  	_ =	shalt  }
0x58: {  	_ =	shalt  }
0x59: {  	_ =	shalt  }
0x5a: {  	_ =	shalt  }
0x5b: {  	_ =	shalt  }
0x5c: {  	_ =	shalt  }
0x5d: {  	_ =	shalt  }
0x5e: {  	_ =	shalt  }
0x5f: {  	_ =	shalt  }
0x60: {  	_ =	shalt  }
0x61: {  	_ =	shalt  }
0x62: {  	_ =	shalt  }
0x63: {  	_ =	shalt  }
0x64: {  	_ =	shalt  }
0x65: {  	_ =	shalt  }
0x66: {  	_ =	shalt  }
0x67: {  	_ =	shalt  }
0x68: {  	_ =	shalt  }
0x69: {  	_ =	shalt  }
0x6a: {  	_ =	shalt  }
0x6b: {  	_ =	shalt  }
0x6c: {  	_ =	shalt  }
0x6d: {  	_ =	shalt  }
0x6e: {  	_ =	shalt  }
0x6f: {  	_ =	shalt  }
0x70: {  	_ =	shalt  }
0x71: {  	_ =	shalt  }
0x72: {  	_ =	shalt  }
0x73: {  	_ =	shalt  }
0x74: {  	_ =	shalt  }
0x75: {  	_ =	shalt  }
0x76: {  	_ =	shalt  }
0x77: {  	_ =	shalt  }
0x78: {  	_ =	shalt  }
0x79: {  	_ =	shalt  }
0x7a: {  	_ =	shalt  }
0x7b: {  	_ =	shalt  }
0x7c: {  	_ =	shalt  }
0x7d: {  	_ =	shalt  }
0x7e: {  	_ =	shalt  }
0x7f: {  	_ =	shalt  }
0x80: {  	_ =	shalt  }
0x81: {  	_ =	shalt  }
0x82: {  	_ =	shalt  }
0x83: {  	_ =	shalt  }
0x84: {  	_ =	shalt  }
0x85: {  	_ =	shalt  }
0x86: {  	_ =	shalt  }
0x87: {  	_ =	shalt  }
.Lfunc_end0:
.L_simem_size_0:
called_computation_lowered:
.L_overlay_start_0:
0x88: {  	s2 =	sld [smem:$0x3FD9]  }
0x89: {  	s3 =	sld [smem:$0x3FFE];
	_ =	sdelay $0x1  }
0x8a: {  	s1 =	srdreg.scid  }
0x8b: {  	s0 =	sand.u32 $0x1, s1  }
0x8c: {  	s17 =	sshll.u32 s0, $0xA;
	s2 =	sadd.s32 s3, s2  }
0x8d: {  	s2 =	sadd.s32 s2, s17  }
0x8e: {  	[smem:$0x3FC4] =	sst s2  }
0x8f: {  	_ = 	snop  }
0x90: {  	s2 =	sld [smem:$0x3FD0];
	(tm) =	ssettm $0x1  }
0x91: {  	s18 =	sld [smem:$0x3FFB];
	_ =	sdelay $0x3  }
0x92: {  	_ =	strace s18  }
0x93: {  	s3 =	sld [smem:$0x3FFC];
	_ =	sdelay $0x3  }
0x94: {  	_ =	strace s3  }
0x95: {  	s3 =	sld [smem:$0x3FFD];
	_ =	sdelay $0x3  }
0x96: {  	_ =	strace s3  }
0x97: {  	_ =	strace $0x8FFFFFFF  }
0x98: {  	s19 =	sld [smem:$0x3FDB];
	_ =	sdelay $0x1  }
0x99: {  	s4 =	simm.s32 $_scs_section_size  }
0x9a: {  	s5 =	simm.s32 $_size__tile_overlayer_lowered;
	s6 =	simm.s32 $_tile_overlayer_lowered  }
0x9b: {  	s22 =	simm.s32 $0x1BFF;
	s21 =	sshll.u32 s6, $0x1;
	s3 =	sadd.s32 s4, s19  }
0x9c: {  	s7 =	simm.s32 $0x0;
	s20 =	sshll.u32 s5, $0x1;
	s5 =	sadd.s32 s21, s3  }
0x9d: {  	[timem:s7], [sflag:s22] =	dma.local [hbm:s5], s20  }
0x9e: {  	_ =	swait.ge [sflag:s22], s20  }
0x9f: {  	s4 =	ssub.s32 $0x0, s20;
	[sflag:s22] =	ssyncset.done $0x0  }
0xa0: {  	[sflag:s22] =	ssyncadd.s32 s4;
	_ =	sdelay $0x1  }
0xa1: {  	s23 =	simm.s32 $0x1B8B  }
0xa2: {  	_ =	swait.ge [sflag:s23], $0x1  }
0xa3: {  	[sflag:s23] =	ssyncset.done $0x0  }
0xa4: {  	s25 =	simm.s32 $0x1B8E;
	s24 =	sld [smem:$0x3FFE];
	[sflag:s23] =	ssyncadd.s32 $0xFFFFFFFF  }
0xa5: {  	s26 =	simm.s32 $execute0_lowered;
	[smem:$0x3FD2] =	sst s25  }
0xa6: {  	s5 =	sshll.u32 s26, $0x1;
	_ =	strace $0x80000046;
	[dreg:$0x1] =	wrdreg $0xFFFFFFFF  }
0xa7: {  	s28 =	simm.s32 $_size_execute0_lowered;
	s3 =	sadd.s32 s3, s5;
	[dreg:$0x0] =	wrdreg $0x0  }
0xa8: {  	s5 =	sshll.u32 s28, $0x1;
	[dreg:$0x2] =	wrdreg s3  }
0xa9: {  	[dreg:$0x3] =	wrdreg s5  }
0xaa: {  	[dreg:$0x4] =	wrdreg $0xC0  }
0xab: {  	_ =	task [dreg:s7], $0x5FFFF  }
0xac: {  	[dreg:$0x1] =	wrdreg $0xFFFFFFFF  }
0xad: {  	[dreg:$0x0] =	wrdreg $0x60  }
0xae: {  	[dreg:$0x2] =	wrdreg s24  }
0xaf: {  	[dreg:$0x3] =	wrdreg s2  }
0xb0: {  	[dreg:$0x4] =	wrdreg $0x15B800  }
0xb1: {  	[dreg:$0x5] =	wrdreg $0x9  }
0xb2: {  	_ =	task.clear_ibuf [dreg:s7], $0x6FFFF;
	_ =	strace $0x90000046  }
0xb3: {  	s29 =	simm.s32 $0x9;
	_ =	strace $0x80000048  }
0xb4: {  	_ =	swait.ge [sflag:s29], $0x1  }
0xb5: {  	[sflag:s29] =	ssyncadd.s32 $0xFFFFFFFF  }
0xb6: {  	_ =	strace $0x90000048  }
0xb7: {  	_ =	sfence  }
0xb8: {  	s30 =	sld [smem:$0x0];
	_ =	sdelay $0x2  }
0xb9: {  	s31 =	sshll.u32 s1, $0xD;
	s1 =	sshrl.u32 s1, $0x2  }
0xba: {  	s3 =	sand.u32 $0x4000, s31;
	s1 =	sadd.s32 s1, s30  }
0xbb: {  	s0 =	sor.u32 s3, s0;
	s1 =	sshll.u32 s1, $0x11  }
0xbc: {  	s0 =	sor.u32 s1, s0  }
0xbd: {  	s0 =	sadd.s32 $0x8F2B, s0  }
0xbe: {  	[sflag:s0] =	ssyncadd.remote.s32 $0x1  }
0xbf: {  	_ =	sfence.sel $0xFFFF  }
0xc0: {  	[dreg:$0x0] =	wrdreg $0xFFFFFFFF;
	(pc) =	sbr.abs _section_cstart, $3  }
0xc1: {  	[dreg:$0x1] =	wrdreg $0xFFFFFFFF  }
0xc2: {  	_ =	task.clear_ibuf [dreg:s7], $0x2FFFF;
	_ =	strace $0x9FFFFFFF  }
0xc3: {  	(tm) =	ssettm $0x7FFFFFFF  }
tec
execute0_lowered:
.L_overlay_start_1:
0x0: {  	(tag) =	ssettag $0x1  }
0x1: {  	s0 =	rddreg [dreg:$0x0]  }
0x2: {  	s3 =	rddreg [dreg:$0x1]  }
0x3: {  	s1 =	rddreg [dreg:$0x2]  }
0x4: {  	s2 =	simm.s32 $0x0;
	s5 =	srdreg.scid;
	s17 =	stileid.u32  }
0x5: {  	s18 =	simm.s32 $0x4;
	s19 =	simm.s32 $0x80;
	s29 =	simm.s32 $0x10580  }
0x6: {  	s30 =	simm.s32 $0x10780;
	[smem:$0x7FF] =	sst s2;
	s11 =	smul.u32 $0x29000, s17  }
0x7: {  	s4 =	sadd.s32 $0x6CE00, s0;
	s8 =	sand.u32 $0x1, s5;
	s13 =	smul.u32 $0xA400, s17  }
0x8: {  	s5 =	sadd.s32 $0x14E00, s0;
	s6 =	sadd.s32 $0xB000, s0;
	s15 =	smul.u32 $0x5400, s17  }
0x9: {  	s7 =	sadd.s32 $0x1200, s0;
	s0 =	sadd.s32 $0x98E00, s0;
	s9 =	smul.u32 $0x1400, s8  }
0xa: {  	_ =	strace $0x80000047;
	s10 =	ssub.s32 $0x2, s8;
	s20 =	smul.u32 $0x54000, s8  }
0xb: {  	s8 =	smul.u32 $0xA4000, s8;
	s12 =	sshrl.u32 s10, $0x1;
	s11 =	sshrl.u32 s11, $0x2  }
0xc: {  	s14 =	sadd.s32 $0x4000, s13;
	s16 =	sadd.s32 $0x8000, s13;
	s10 =	ssub.s32 s10, s12  }
0xd: {  	s24 =	sadd.s32 s11, s1;
	s25 =	sadd.s32 s14, s1;
	s26 =	sadd.s32 s16, s1  }
0xe: {  	s12 =	sadd.s32 s15, s20;
	s11 =	smul.u32 $0x9D, s17;
	s15 =	sadd.s32 $0x1400, s9  }
0xf: {  	s21 =	sadd.s32 s13, s8;
	s22 =	sadd.s32 s8, s14;
	s8 =	sadd.s32 s8, s16  }
0x10: {  	s17 =	simm.s32 $0xC580;
	s20 =	simm.s32 $0x500;
	[dreg:$0x4] =	wrdreg s24  }
0x11: {  	s12 =	sshrl.u32 s12, $0x3;
	s28 =	sshrl.u32 s8, $0x3;
	[dreg:$0x5] =	wrdreg s25  }
0x12: {  	s31 =	smax.u32 s10, $0x1;
	s10 =	simm.s32 $0x40;
	[dreg:$0x6] =	wrdreg s26  }
0x13: {  	s3 =	sadd.s32 s3, s12;
	s12 =	sshrl.u32 s22, $0x3;
	[dreg:$0xb] =	wrdreg s31  }
0x14: {  	v1 =	vlaneseq.u32;
	v3 =	vimm.f32 $0.0e+00;
	[dreg:$0x7] =	wrdreg s3;
	s3 =	sshrl.u32 s21, $0x3;
	s23 =	sadd.s32 s0, s12  }
0x15: {  	v4 =	vimm.s32 $0x1400;
	vm0 =	vmmov $0xffff;
	v8 =	vimm.s32 $0x0;
	s22 =	simm.s32 $0x2;
	s3 =	sadd.s32 s0, s3;
	[dreg:$0x9] =	wrdreg s23  }
0x16: {  	v6 =	vshrl.u32 v1, $0x3;
	v5 =	vand.u32 $0x7, v1;
	v7 =	vor.u32 $0x8, v1;
	s21 =	simm.s32 $0x1;
	s0 =	sadd.s32 s0, s28;
	[dreg:$0x8] =	wrdreg s3  }
0x17: {  	v6 =	vmul.u32 $0x8, v6;
	v0 =	vmov s9;
	v2 =	vmov s15;
	s23 =	simm.s32 $0x3;
	[dreg:$0xa] =	wrdreg s0;
	s3 =	simm.s32 $0x0  }
.LBB2_1:
0x18: {  	[dreg:$0xc] =	wrdreg s3;
	s0 =	simm.s32 $0x0;
	s3 =	simm.s32 $0x200  }
.LBB2_2:
0x19: {  	p0 =	sne.s32 s3, $0xFE00;
	[tilespmem:s0+$0xC5F0] =	vst v3  }
0x1a: {  	[tilespmem:s0+$0xC580] =	vst v3  }
0x1b: {  	[tilespmem:s0+$0xC590] =	vst v3  }
.Ltmp0:
0x1c: {  	[tilespmem:s0+$0xC5A0] =	vst v3;
	(pc) =	sbr.rel @p0 .LBB2_2-.Ltmp0, $4  }
0x1d: {  	[tilespmem:s0+$0xC5B0] =	vst v3  }
0x1e: {  	[tilespmem:s0+$0xC5C0] =	vst v3  }
0x1f: {  	[tilespmem:s0+$0xC5D0] =	vst v3  }
0x20: {  	[tilespmem:s0+$0xC5E0] =	vst v3;
	s0 =	sshra.s32 s3, $0x2;
	s3 =	sadd.s32 $0x200, s3  }
0x21: {  	[tilespmem:s0+$0xC5F0] =	vst v3  }
0x22: {  	[tilespmem:s0+$0xC580] =	vst v3  }
0x23: {  	[tilespmem:s0+$0xC590] =	vst v3  }
0x24: {  	[tilespmem:s0+$0xC5A0] =	vst v3  }
0x25: {  	[tilespmem:s0+$0xC5B0] =	vst v3  }
0x26: {  	[tilespmem:s0+$0xC5C0] =	vst v3  }
0x27: {  	[tilespmem:s0+$0xC5D0] =	vst v3  }
0x28: {  	[tilespmem:s0+$0xC5E0] =	vst v3;
	s0 =	simm.s32 $0x70;
	s3 =	simm.s32 $0x3C0  }
.LBB2_4:
0x29: {  	p0 =	sne.s32 s3, $0x14FC0;
	[tilespmem:s0+$0x10780] =	vst v3  }
0x2a: {  	[tilespmem:s0+$0x10710] =	vst v3  }
0x2b: {  	[tilespmem:s0+$0x10720] =	vst v3  }
.Ltmp1:
0x2c: {  	[tilespmem:s0+$0x10730] =	vst v3;
	(pc) =	sbr.rel @p0 .LBB2_4-.Ltmp1, $4  }
0x2d: {  	[tilespmem:s0+$0x10740] =	vst v3  }
0x2e: {  	[tilespmem:s0+$0x10750] =	vst v3  }
0x2f: {  	[tilespmem:s0+$0x10760] =	vst v3  }
0x30: {  	[tilespmem:s0+$0x10770] =	vst v3;
	s0 =	sshra.s32 s3, $0x2;
	s3 =	sadd.s32 $0x200, s3  }
0x31: {  	[tilespmem:s0+$0x10780] =	vst v3  }
0x32: {  	[tilespmem:s0+$0x10710] =	vst v3  }
0x33: {  	[tilespmem:s0+$0x10720] =	vst v3  }
0x34: {  	[tilespmem:s0+$0x10730] =	vst v3  }
0x35: {  	[tilespmem:s0+$0x10740] =	vst v3  }
0x36: {  	[tilespmem:s0+$0x10750] =	vst v3  }
0x37: {  	[tilespmem:s0+$0x10760] =	vst v3  }
0x38: {  	[tilespmem:s0+$0x10770] =	vst v3  }
0x39: {  	[spmem:s24] =	stream.linear.scatter [tilespmem:s17], [sflag:$0x4], $0x4000, $0x38;
	[tilespmem:$0x1FF80] =	vst v63  }
0x3a: {  	_ =	swait.ge [sflag:s18], $0x4000  }
0x3b: {  	[sflag:s18] =	ssyncset.done $0x0  }
0x3c: {  	[sflag:s18] =	ssyncadd.s32 $0xFFFFC000  }
0x3d: {  	[spmem:s25] =	stream.linear.scatter [tilespmem:s17], [sflag:$0x4], $0x4000, $0x38;
	[tilespmem:$0x1FF80] =	vst v63  }
0x3e: {  	_ =	swait.ge [sflag:s18], $0x4000  }
0x3f: {  	[sflag:s18] =	ssyncset.done $0x0  }
0x40: {  	[sflag:s18] =	ssyncadd.s32 $0xFFFFC000  }
0x41: {  	[spmem:s26] =	stream.linear.scatter [tilespmem:s17], [sflag:$0x4], $0x2400, $0x38;
	[tilespmem:$0x1FF80] =	vst v63  }
0x42: {  	_ =	swait.ge [sflag:s18], $0x2400  }
0x43: {  	[sflag:s18] =	ssyncset.done $0x0  }
0x44: {  	[sflag:s18] =	ssyncadd.s32 $0xFFFFDC00  }
0x45: {  	[bflag:$0x0] =	sbarrier.arrive $0xFFFF  }
0x46: {  	[tilespmem:$0x500] =	vst v4  }
0x47: {  	[tilespmem:$0x510] =	vst v4  }
0x48: {  	[tilespmem:$0x520] =	vst v4  }
0x49: {  	[tilespmem:$0x530] =	vst v4  }
.Ltmp2:
0x4a: {  	[tilespmem:$0x540] =	vst v4;
	(pc) =	sbr.rel .LBB2_6-.Ltmp2, $4  }
0x4b: {  	[tilespmem:$0x550] =	vst v4  }
0x4c: {  	[tilespmem:$0x560] =	vst v4  }
0x4d: {  	s0 =	simm.s32 $0x0;
	s31 =	simm.s32 $0x0;
	[tilespmem:$0x570] =	vst v4  }
0x4e: {  	[spmem:s1] =	stream.indirect.scatter.add.f32 [tilespmem:s17], [sflag:$0x3], $0x80, s20, s19, $0xb8;
	[tilespmem:$0x1FF80] =	vst v63  }
.LBB2_12:
0x4f: {  	s31 =	sadd.s32 $0x1, s31  }
0x50: {  	p1 =	sne.s32 s31, $0x9D  }
.Ltmp3:
0x51: {  	_ = 	snop;
	(pc) =	sbr.rel @!p1 .LBB2_13-.Ltmp3, $3  }
0x52: {  	_ =	sdelay $0x1  }
0x53: {  	p0 =	sgt.s32 s0, $0x7F;
	s3 =	sadd.s32 $0xFFFFFF80, s0  }
0x54: {  	s0 =	smov.u32 @p0 s3  }
.LBB2_6:
0x55: {  	s3 =	sadd.s32 s11, s31  }
0x56: {  	s3 =	sshll.u32 s3, $0x4  }
0x57: {  	s8 =	sadd.s32 s6, s3  }
0x58: {  	[tilespmem:s2], [sflag:$0x1] =	stream.linear.gather [hbm4b:s8+s2], $0x80, $0x38;
	[tilespmem:$0x1FF80] =	vst v63  }
0x59: {  	s3 =	sadd.s32 s7, s3  }
0x5a: {  	[tilespmem:s19], [sflag:$0x2] =	stream.linear.gather [hbm4b:s3+s2], $0x80, $0x38;
	[tilespmem:$0x1FF80] =	vst v63  }
0x5b: {  	_ =	swait.ge [sflag:s21], $0x80  }
0x5c: {  	[sflag:s21] =	ssyncset.done $0x0  }
0x5d: {  	[sflag:s21] =	ssyncadd.s32 $0xFFFFFF80  }
0x5e: {  	_ =	swait.ge [sflag:s22], $0x80  }
0x5f: {  	[sflag:s22] =	ssyncset.done $0x0  }
0x60: {  	[sflag:s22] =	ssyncadd.s32 $0xFFFFFF80  }
0x61: {  	v9 =	vld [tilespmem:$0x0];
	_ =	sdelay $0x2  }
0x62: {  	v10 =	vld [tilespmem:$0x80];
	_ =	sdelay $0x1  }
0x63: {  	v11 =	vsub.s32 v9, v0  }
0x64: {  	vm1 =	vlt.u32 v11, $0x1400  }
0x65: {  	[tilespmem:s0+$0x100] =	vst.msk vm1, v9  }
0x66: {  	v9 =	vmpcnt.ones.xlane vm1;
	[tilespmem:s0+$0x280] =	vst.msk vm1, v10  }
0x67: {  	v10 =	vld [tilespmem:$0x10]  }
0x68: {  	v9 =	vxor.u32 $0x80000000, v9  }
0x69: {  	(xrf0) =	vmax.scan.msk.u32 $0xffff, v9;
	_ =	sdelay $0x2  }
0x6a: {  	v9 =	vsub.s32 v10, v0;
	_ =	sdelay $0x1  }
0x6b: {  	vm1 =	vlt.u32 v9, $0x1400  }
0x6c: {  	v11 =	vmpcnt.ones.xlane vm1;
	v9, _, _ =	vpop (xrf0)  }
0x6d: {  	(v2sf) =	vpush v9, $0xF  }
0x6e: {  	v9 =	vxor.u32 $0x80000000, v11  }
0x6f: {  	(xrf0) =	vmax.scan.msk.u32 $0xffff, v9;
	_ =	sdelay $0x5  }
0x70: {  	v9, _, _ =	vpop (xrf0)  }
0x71: {  	(v2sf) =	vpush v9, $0xF;
	_ =	sdelay $0x4  }
0x72: {  	v9 =	vld [tilespmem:$0x90]  }
0x73: {  	s12 =	spop (v2sf)  }
0x74: {  	s13 =	sadd.s32 s12, s0  }
0x75: {  	s0 =	sadd.s32 $0x80000000, s13  }
0x76: {  	[tilespmem:s0+$0x100] =	vst.msk vm1, v10  }
0x77: {  	[tilespmem:s0+$0x280] =	vst.msk vm1, v9  }
0x78: {  	v9 =	vld [tilespmem:$0x20];
	_ =	sdelay $0x2  }
0x79: {  	v10 =	vld [tilespmem:$0xA0]  }
0x7a: {  	s14 =	spop (v2sf)  }
0x7b: {  	s0 =	sadd.s32 s14, s0;
	v11 =	vsub.s32 v9, v0  }
0x7c: {  	s0 =	sadd.s32 $0x80000000, s0;
	vm1 =	vlt.u32 v11, $0x1400  }
0x7d: {  	[tilespmem:s0+$0x100] =	vst.msk vm1, v9  }
0x7e: {  	v9 =	vmpcnt.ones.xlane vm1;
	[tilespmem:s0+$0x280] =	vst.msk vm1, v10  }
0x7f: {  	v10 =	vld [tilespmem:$0x30]  }
0x80: {  	v9 =	vxor.u32 $0x80000000, v9  }
0x81: {  	(xrf0) =	vmax.scan.msk.u32 $0xffff, v9;
	_ =	sdelay $0x2  }
0x82: {  	v9 =	vsub.s32 v10, v0;
	_ =	sdelay $0x1  }
0x83: {  	vm1 =	vlt.u32 v9, $0x1400  }
0x84: {  	v11 =	vmpcnt.ones.xlane vm1;
	v9, _, _ =	vpop (xrf0)  }
0x85: {  	(v2sf) =	vpush v9, $0xF  }
0x86: {  	v9 =	vxor.u32 $0x80000000, v11  }
0x87: {  	(xrf0) =	vmax.scan.msk.u32 $0xffff, v9;
	_ =	sdelay $0x5  }
0x88: {  	v9, _, _ =	vpop (xrf0)  }
0x89: {  	(v2sf) =	vpush v9, $0xF;
	_ =	sdelay $0x4  }
0x8a: {  	v9 =	vld [tilespmem:$0xB0]  }
0x8b: {  	s15 =	spop (v2sf)  }
0x8c: {  	s0 =	sadd.s32 s15, s0  }
0x8d: {  	s0 =	sadd.s32 $0x80000000, s0  }
0x8e: {  	[tilespmem:s0+$0x100] =	vst.msk vm1, v10  }
0x8f: {  	[tilespmem:s0+$0x280] =	vst.msk vm1, v9  }
0x90: {  	v9 =	vld [tilespmem:$0x40];
	_ =	sdelay $0x2  }
0x91: {  	v10 =	vld [tilespmem:$0xC0]  }
0x92: {  	s16 =	spop (v2sf)  }
0x93: {  	s0 =	sadd.s32 s16, s0;
	v11 =	vsub.s32 v9, v0  }
0x94: {  	s0 =	sadd.s32 $0x80000000, s0;
	vm1 =	vlt.u32 v11, $0x1400  }
0x95: {  	[tilespmem:s0+$0x100] =	vst.msk vm1, v9  }
0x96: {  	v9 =	vmpcnt.ones.xlane vm1;
	[tilespmem:s0+$0x280] =	vst.msk vm1, v10  }
0x97: {  	v10 =	vld [tilespmem:$0x50]  }
0x98: {  	v9 =	vxor.u32 $0x80000000, v9  }
0x99: {  	(xrf0) =	vmax.scan.msk.u32 $0xffff, v9;
	_ =	sdelay $0x2  }
0x9a: {  	v9 =	vsub.s32 v10, v0;
	_ =	sdelay $0x1  }
0x9b: {  	vm1 =	vlt.u32 v9, $0x1400  }
0x9c: {  	v11 =	vmpcnt.ones.xlane vm1;
	v9, _, _ =	vpop (xrf0)  }
0x9d: {  	(v2sf) =	vpush v9, $0xF  }
0x9e: {  	v9 =	vxor.u32 $0x80000000, v11  }
0x9f: {  	(xrf0) =	vmax.scan.msk.u32 $0xffff, v9;
	_ =	sdelay $0x5  }
0xa0: {  	v9, _, _ =	vpop (xrf0)  }
0xa1: {  	(v2sf) =	vpush v9, $0xF;
	_ =	sdelay $0x4  }
0xa2: {  	v9 =	vld [tilespmem:$0xD0]  }
0xa3: {  	s24 =	spop (v2sf)  }
0xa4: {  	s0 =	sadd.s32 s24, s0  }
0xa5: {  	s0 =	sadd.s32 $0x80000000, s0  }
0xa6: {  	[tilespmem:s0+$0x100] =	vst.msk vm1, v10  }
0xa7: {  	[tilespmem:s0+$0x280] =	vst.msk vm1, v9  }
0xa8: {  	v9 =	vld [tilespmem:$0x60];
	_ =	sdelay $0x2  }
0xa9: {  	v10 =	vld [tilespmem:$0xE0]  }
0xaa: {  	s25 =	spop (v2sf)  }
0xab: {  	s0 =	sadd.s32 s25, s0;
	v11 =	vsub.s32 v9, v0  }
0xac: {  	s0 =	sadd.s32 $0x80000000, s0;
	vm1 =	vlt.u32 v11, $0x1400  }
0xad: {  	[tilespmem:s0+$0x100] =	vst.msk vm1, v9  }
0xae: {  	[tilespmem:s0+$0x280] =	vst.msk vm1, v10  }
0xaf: {  	v9 =	vld [tilespmem:$0x70];
	_ =	sdelay $0x4  }
0xb0: {  	v10 =	vmpcnt.ones.xlane vm1;
	v11 =	vsub.s32 v9, v0  }
0xb1: {  	vm1 =	vlt.u32 v11, $0x1400  }
0xb2: {  	v10 =	vxor.u32 $0x80000000, v10;
	v11 =	vmpcnt.ones.xlane vm1  }
0xb3: {  	(xrf0) =	vmax.scan.msk.u32 $0xffff, v10  }
0xb4: {  	v10 =	vxor.u32 $0x80000000, v11  }
0xb5: {  	(xrf0) =	vmax.scan.msk.u32 $0xffff, v10;
	_ =	sdelay $0x3  }
0xb6: {  	v10, _, _ =	vpop (xrf0)  }
0xb7: {  	(v2sf) =	vpush v10, $0xF  }
0xb8: {  	v10, _, _ =	vpop (xrf0)  }
0xb9: {  	(v2sf) =	vpush v10, $0xF;
	_ =	sdelay $0xc  }
0xba: {  	s26 =	spop (v2sf)  }
0xbb: {  	s0 =	sadd.s32 s26, s0  }
0xbc: {  	s3 =	sadd.s32 $0x80000000, s0;
	s28 =	spop (v2sf)  }
0xbd: {  	s0 =	sadd.s32 s28, s3  }
0xbe: {  	s0 =	sadd.s32 $0x80000000, s0  }
0xbf: {  	v10 =	vld [tilespmem:$0xF0];
	p0 =	slt.s32 s0, $0x80  }
.Ltmp4:
0xc0: {  	_ = 	snop;
	(pc) =	sbr.rel @p0 .LBB2_12-.Ltmp4, $3  }
0xc1: {  	_ =	sdelay $0x1  }
0xc2: {  	[tilespmem:s3+$0x100] =	vst.msk vm1, v9  }
0xc3: {  	[tilespmem:s3+$0x280] =	vst.msk vm1, v10  }
0xc4: {  	_ =	swait.ge [sflag:s23], $0x4000  }
0xc5: {  	[sflag:s23] =	ssyncset.done $0x0  }
0xc6: {  	[sflag:s23] =	ssyncadd.s32 $0xFFFFC000  }
0xc7: {  	v9 =	vld [tilespmem:$0x100];
	_ =	sdelay $0x1  }
0xc8: {  	v10 =	vld [tilespmem:$0x280]  }
0xc9: {  	v11 =	vld [tilespmem:$0x110]  }
0xca: {  	v12 =	vld [tilespmem:$0x290]  }
0xcb: {  	[tilespmem:$0x400] =	vst v9;
	v9 =	vsub.s32 v9, v0  }
0xcc: {  	[tilespmem:$0x500] =	vst v9;
	v9 =	vld [tilespmem:$0x120]  }
0xcd: {  	[tilespmem:$0x480] =	vst v10  }
0xce: {  	v60 =	vld [tilespmem:$0x2B0];
	[tilespmem:$0x410] =	vst v11  }
0xcf: {  	v10 =	vsub.s32 v11, v0;
	v11 =	vld [tilespmem:$0x2A0];
	[tilespmem:$0x490] =	vst v12  }
0xd0: {  	[tilespmem:$0x510] =	vst v10;
	v10 =	vld [tilespmem:$0x130]  }
0xd1: {  	[tilespmem:$0x420] =	vst v9;
	v9 =	vsub.s32 v9, v0  }
0xd2: {  	[tilespmem:$0x520] =	vst v9;
	v9 =	vld [tilespmem:$0x140]  }
0xd3: {  	[tilespmem:$0x4B0] =	vst v60;
	v13 =	vld [tilespmem:$0x480]  }
0xd4: {  	[tilespmem:$0x4A0] =	vst v11;
	v11 =	vld [tilespmem:$0x2C0]  }
0xd5: {  	v61 =	vld [tilespmem:$0x2D0];
	[tilespmem:$0x430] =	vst v10;
	v10 =	vsub.s32 v10, v0  }
0xd6: {  	[tilespmem:$0x530] =	vst v10;
	v10 =	vld [tilespmem:$0x150]  }
0xd7: {  	[tilespmem:$0x440] =	vst v9;
	v9 =	vsub.s32 v9, v0  }
0xd8: {  	[tilespmem:$0x540] =	vst v9;
	v9 =	vld [tilespmem:$0x160]  }
0xd9: {  	[tilespmem:$0x4C0] =	vst v11;
	v11 =	vshll.u32 v13, $0x1  }
0xda: {  	v14 =	vld [tilespmem:$0x2E0];
	[tilespmem:$0x4D0] =	vst v61;
	v13 =	vand.u32 $0x7, v13;
	v11 =	vand.u32 $0xFFFFFFF0, v11  }
0xdb: {  	v63 =	vld [tilespmem:$0x2F0];
	[tilespmem:$0x450] =	vst v10;
	v10 =	vsub.s32 v10, v0;
	v11 =	vor.u32 v13, v11  }
0xdc: {  	[tilespmem:$0x550] =	vst v10;
	v10 =	vld [tilespmem:$0x170];
	v62 =	vperm.xlane v11, v5  }
0xdd: {  	[tilespmem:$0x460] =	vst v9;
	v9 =	vsub.s32 v9, v0  }
0xde: {  	v11 =	vperm.xlane v11, v7;
	[tilespmem:$0x560] =	vst v9;
	v9 =	vadd.s32 v6, v62  }
0xdf: {  	[tilespmem:$0x4E0] =	vst v14  }
0xe0: {  	[tilespmem:$0x4F0] =	vst v63;
	v11 =	vadd.s32 v6, v11  }
0xe1: {  	[tilespmem:$0x470] =	vst v10;
	v10 =	vsub.s32 v10, v0  }
0xe2: {  	s3 =	simm.s32 $0x0;
	s8 =	simm.s32 $0x4580;
	[tilespmem:$0x570] =	vst v10  }
0xe3: {  	[tilespmem:s8], [sflag:$0x2] =	stream.indirect_vreg.gather [hbm4b:s5+s3], $0x80, v9, vm0, $0xb8;
	[tilespmem:$0x1FF80] =	vst v63  }
0xe4: {  	s13 =	simm.s32 $0x4D80  }
0xe5: {  	[tilespmem:s13], [sflag:$0x2] =	stream.indirect_vreg.gather [hbm4b:s5+s3], $0x80, v11, vm0, $0xb8;
	[tilespmem:$0x1FF80] =	vst v63  }
0xe6: {  	v9 =	vld [tilespmem:$0x490];
	_ =	sdelay $0x4  }
0xe7: {  	v10 =	vshll.u32 v9, $0x1  }
0xe8: {  	v9 =	vand.u32 $0x7, v9;
	v10 =	vand.u32 $0xFFFFFFF0, v10  }
0xe9: {  	v9 =	vor.u32 v9, v10  }
0xea: {  	v10 =	vperm.xlane v9, v5;
	_ =	sdelay $0x1  }
0xeb: {  	v9 =	vperm.xlane v9, v7;
	v10 =	vadd.s32 v6, v10;
	_ =	sdelay $0x1  }
0xec: {  	v9 =	vadd.s32 v6, v9;
	_ =	sdelay $0x1  }
0xed: {  	s14 =	simm.s32 $0x5580  }
0xee: {  	[tilespmem:s14], [sflag:$0x2] =	stream.indirect_vreg.gather [hbm4b:s5+s3], $0x80, v10, vm0, $0xb8;
	[tilespmem:$0x1FF80] =	vst v63  }
0xef: {  	s15 =	simm.s32 $0x5D80  }
0xf0: {  	[tilespmem:s15], [sflag:$0x2] =	stream.indirect_vreg.gather [hbm4b:s5+s3], $0x80, v9, vm0, $0xb8;
	[tilespmem:$0x1FF80] =	vst v63  }
0xf1: {  	v9 =	vld [tilespmem:$0x4A0];
	_ =	sdelay $0x4  }
0xf2: {  	v10 =	vshll.u32 v9, $0x1  }
0xf3: {  	v9 =	vand.u32 $0x7, v9;
	v10 =	vand.u32 $0xFFFFFFF0, v10  }
0xf4: {  	v9 =	vor.u32 v9, v10  }
0xf5: {  	v10 =	vperm.xlane v9, v5;
	_ =	sdelay $0x1  }
0xf6: {  	v9 =	vperm.xlane v9, v7;
	v10 =	vadd.s32 v6, v10;
	_ =	sdelay $0x1  }
0xf7: {  	v9 =	vadd.s32 v6, v9;
	_ =	sdelay $0x1  }
0xf8: {  	s16 =	simm.s32 $0x6580  }
0xf9: {  	[tilespmem:s16], [sflag:$0x2] =	stream.indirect_vreg.gather [hbm4b:s5+s3], $0x80, v10, vm0, $0xb8;
	[tilespmem:$0x1FF80] =	vst v63  }
0xfa: {  	s24 =	simm.s32 $0x6D80  }
0xfb: {  	[tilespmem:s24], [sflag:$0x2] =	stream.indirect_vreg.gather [hbm4b:s5+s3], $0x80, v9, vm0, $0xb8;
	[tilespmem:$0x1FF80] =	vst v63  }
0xfc: {  	v9 =	vld [tilespmem:$0x4B0];
	_ =	sdelay $0x4  }
0xfd: {  	v10 =	vshll.u32 v9, $0x1  }
0xfe: {  	v9 =	vand.u32 $0x7, v9;
	v10 =	vand.u32 $0xFFFFFFF0, v10  }
0xff: {  	v9 =	vor.u32 v9, v10  }
0x100: {  	v10 =	vperm.xlane v9, v5;
	_ =	sdelay $0x1  }
0x101: {  	v9 =	vperm.xlane v9, v7;
	v10 =	vadd.s32 v6, v10;
	_ =	sdelay $0x1  }
0x102: {  	v9 =	vadd.s32 v6, v9;
	_ =	sdelay $0x1  }
0x103: {  	s25 =	simm.s32 $0x7580  }
0x104: {  	[tilespmem:s25], [sflag:$0x2] =	stream.indirect_vreg.gather [hbm4b:s5+s3], $0x80, v10, vm0, $0xb8;
	[tilespmem:$0x1FF80] =	vst v63  }
0x105: {  	s26 =	simm.s32 $0x7D80  }
0x106: {  	[tilespmem:s26], [sflag:$0x2] =	stream.indirect_vreg.gather [hbm4b:s5+s3], $0x80, v9, vm0, $0xb8;
	[tilespmem:$0x1FF80] =	vst v63  }
0x107: {  	v9 =	vld [tilespmem:$0x4C0];
	_ =	sdelay $0x4  }
0x108: {  	v10 =	vshll.u32 v9, $0x1  }
0x109: {  	v9 =	vand.u32 $0x7, v9;
	v10 =	vand.u32 $0xFFFFFFF0, v10  }
0x10a: {  	v9 =	vor.u32 v9, v10  }
0x10b: {  	v10 =	vperm.xlane v9, v5;
	_ =	sdelay $0x1  }
0x10c: {  	v9 =	vperm.xlane v9, v7;
	v10 =	vadd.s32 v6, v10;
	_ =	sdelay $0x1  }
0x10d: {  	v9 =	vadd.s32 v6, v9;
	_ =	sdelay $0x1  }
0x10e: {  	s28 =	simm.s32 $0x8580  }
0x10f: {  	[tilespmem:s28], [sflag:$0x2] =	stream.indirect_vreg.gather [hbm4b:s5+s3], $0x80, v10, vm0, $0xb8;
	[tilespmem:$0x1FF80] =	vst v63  }
0x110: {  	s9 =	simm.s32 $0x8D80  }
0x111: {  	[tilespmem:s9], [sflag:$0x2] =	stream.indirect_vreg.gather [hbm4b:s5+s3], $0x80, v9, vm0, $0xb8;
	[tilespmem:$0x1FF80] =	vst v63  }
0x112: {  	v9 =	vld [tilespmem:$0x4D0];
	_ =	sdelay $0x4  }
0x113: {  	v10 =	vshll.u32 v9, $0x1  }
0x114: {  	v9 =	vand.u32 $0x7, v9;
	v10 =	vand.u32 $0xFFFFFFF0, v10  }
0x115: {  	v9 =	vor.u32 v9, v10  }
0x116: {  	v10 =	vperm.xlane v9, v5;
	_ =	sdelay $0x1  }
0x117: {  	v9 =	vperm.xlane v9, v7;
	v10 =	vadd.s32 v6, v10;
	_ =	sdelay $0x1  }
0x118: {  	v9 =	vadd.s32 v6, v9;
	_ =	sdelay $0x1  }
0x119: {  	s12 =	simm.s32 $0x9580  }
0x11a: {  	[tilespmem:s12], [sflag:$0x2] =	stream.indirect_vreg.gather [hbm4b:s5+s3], $0x80, v10, vm0, $0xb8;
	[tilespmem:$0x1FF80] =	vst v63  }
0x11b: {  	s13 =	simm.s32 $0x9D80  }
0x11c: {  	[tilespmem:s13], [sflag:$0x2] =	stream.indirect_vreg.gather [hbm4b:s5+s3], $0x80, v9, vm0, $0xb8;
	[tilespmem:$0x1FF80] =	vst v63  }
0x11d: {  	v9 =	vld [tilespmem:$0x4E0];
	_ =	sdelay $0x4  }
0x11e: {  	v10 =	vshll.u32 v9, $0x1  }
0x11f: {  	v9 =	vand.u32 $0x7, v9;
	v10 =	vand.u32 $0xFFFFFFF0, v10  }
0x120: {  	v9 =	vor.u32 v9, v10  }
0x121: {  	v10 =	vperm.xlane v9, v5;
	_ =	sdelay $0x1  }
0x122: {  	v9 =	vperm.xlane v9, v7;
	v10 =	vadd.s32 v6, v10;
	_ =	sdelay $0x1  }
0x123: {  	v9 =	vadd.s32 v6, v9;
	_ =	sdelay $0x1  }
0x124: {  	s14 =	simm.s32 $0xA580  }
0x125: {  	[tilespmem:s14], [sflag:$0x2] =	stream.indirect_vreg.gather [hbm4b:s5+s3], $0x80, v10, vm0, $0xb8;
	[tilespmem:$0x1FF80] =	vst v63  }
0x126: {  	s15 =	simm.s32 $0xAD80  }
0x127: {  	[tilespmem:s15], [sflag:$0x2] =	stream.indirect_vreg.gather [hbm4b:s5+s3], $0x80, v9, vm0, $0xb8;
	[tilespmem:$0x1FF80] =	vst v63  }
0x128: {  	v9 =	vld [tilespmem:$0x4F0];
	_ =	sdelay $0x4  }
0x129: {  	v10 =	vshll.u32 v9, $0x1  }
0x12a: {  	v9 =	vand.u32 $0x7, v9;
	v10 =	vand.u32 $0xFFFFFFF0, v10  }
0x12b: {  	v9 =	vor.u32 v9, v10  }
0x12c: {  	v10 =	vperm.xlane v9, v5;
	_ =	sdelay $0x1  }
0x12d: {  	v9 =	vperm.xlane v9, v7;
	v10 =	vadd.s32 v6, v10;
	_ =	sdelay $0x1  }
0x12e: {  	v9 =	vadd.s32 v6, v9;
	_ =	sdelay $0x1  }
0x12f: {  	s16 =	simm.s32 $0xB580  }
0x130: {  	[tilespmem:s16], [sflag:$0x2] =	stream.indirect_vreg.gather [hbm4b:s5+s3], $0x80, v10, vm0, $0xb8;
	[tilespmem:$0x1FF80] =	vst v63  }
0x131: {  	s24 =	simm.s32 $0xBD80  }
0x132: {  	[tilespmem:s24], [sflag:$0x2] =	stream.indirect_vreg.gather [hbm4b:s5+s3], $0x80, v9, vm0, $0xb8;
	[tilespmem:$0x1FF80] =	vst v63  }
0x133: {  	s25 =	simm.s32 $0x400;
	s9 =	simm.s32 $0x580  }
0x134: {  	[tilespmem:s9], [sflag:$0x1] =	stream.indirect.gather [hbm4b:s4+s10], $0x80, s25, s10, $0xb8;
	[tilespmem:$0x1FF80] =	vst v63  }
0x135: {  	s26 =	simm.s32 $0x440;
	s28 =	simm.s32 $0x2580  }
0x136: {  	[tilespmem:s28], [sflag:$0x1] =	stream.indirect.gather [hbm4b:s4+s10], $0x80, s26, s10, $0xb8;
	[tilespmem:$0x1FF80] =	vst v63  }
0x137: {  	_ =	swait.ge [sflag:s22], $0x2000  }
0x138: {  	[sflag:s22] =	ssyncset.done $0x0  }
0x139: {  	[sflag:s22] =	ssyncadd.s32 $0xFFFFE000  }
0x13a: {  	_ =	swait.ge [sflag:s22], $0x2000  }
0x13b: {  	[sflag:s22] =	ssyncset.done $0x0  }
0x13c: {  	[sflag:s22] =	ssyncadd.s32 $0xFFFFE000  }
0x13d: {  	_ =	swait.ge [sflag:s22], $0x2000  }
0x13e: {  	[sflag:s22] =	ssyncset.done $0x0  }
0x13f: {  	[sflag:s22] =	ssyncadd.s32 $0xFFFFE000  }
0x140: {  	_ =	swait.ge [sflag:s22], $0x2000  }
0x141: {  	[sflag:s22] =	ssyncset.done $0x0  }
0x142: {  	[sflag:s22] =	ssyncadd.s32 $0xFFFFE000  }
0x143: {  	_ =	swait.ge [sflag:s21], $0x2000  }
0x144: {  	[sflag:s21] =	ssyncset.done $0x0  }
0x145: {  	p0 =	por $0x0, $0x0;
	s8 =	simm.s32 $0x0;
	[sflag:s21] =	ssyncadd.s32 $0xFFFFE000  }
0x146: {  	s12 =	simm.s32 $0x180;
	s13 =	simm.s32 $0xC680;
	_ =	swait.ge [sflag:s21], $0x2000  }
0x147: {  	s14 =	simm.s32 $0x680;
	s15 =	simm.s32 $0x0;
	[sflag:s21] =	ssyncset.done $0x0  }
0x148: {  	s16 =	simm.s32 $0x0;
	s9 =	simm.s32 $0x0;
	[sflag:s21] =	ssyncadd.s32 $0xFFFFE000  }
.LBB2_8:
0x149: {  	s24 =	sadd.s32 $0xFFFFFE80, s12;
	s25 =	sand.u32 $0x7800, s8  }
0x14a: {  	v9 =	vld [tilespmem:s14+$0xFFFFFF00];
	s26 =	sand.u32 $0x200, s24;
	s24 =	sadd.s32 $0x4580, s25  }
0x14b: {  	v11 =	vld [tilespmem:s14+$0xFFFFFF10];
	s25 =	sor.u32 s26, s24  }
0x14c: {  	v10 =	vld [tilespmem:s25+$0x0]  }
0x14d: {  	v12 =	vld [tilespmem:s25+$0x10];
	_ =	sdelay $0x4  }
0x14e: {  	v9 =	vmul.f32 v10, v9;
	v10 =	vmul.f32 v12, v11;
	_ =	sdelay $0x1  }
0x14f: {  	v39 =	vld [tilespmem:s14+$0xFFFFFF30];
	v9 =	vadd.f32 v10, v9  }
0x150: {  	v11 =	vld [tilespmem:s14+$0xFFFFFF20]  }
0x151: {  	v10 =	vld [tilespmem:s25+$0x20];
	(xrf2) =	vadd.scan.msk.f32 $0xffff, v9  }
0x152: {  	v9 =	vld [tilespmem:s25+$0x30];
	_ =	sdelay $0x4  }
0x153: {  	v10 =	vmul.f32 v10, v11;
	v9 =	vmul.f32 v9, v39;
	_ =	sdelay $0x1  }
0x154: {  	v40 =	vld [tilespmem:s14+$0xFFFFFF50];
	v9 =	vadd.f32 v9, v10  }
0x155: {  	v11 =	vld [tilespmem:s14+$0xFFFFFF40]  }
0x156: {  	v10 =	vld [tilespmem:s25+$0x40];
	v13, _, _ =	vpop (xrf2);
	(xrf2) =	vadd.scan.msk.f32 $0xffff, v9  }
0x157: {  	v9 =	vld [tilespmem:s25+$0x50];
	v13 =	vbroadcast v13, $0xF;
	_ =	sdelay $0x1  }
0x158: {  	v14 =	vmul.f32 $1.442695020e+00, v13  }
0x159: {  	v15 =	vmov s9  }
0x15a: {  	s26 =	simm.s32 $0x1;
	(erf) = vpow2.f32 v14  }
0x15b: {  	v16 =	vld [tilespmem:s14+$0xFFFFFF60];
	s26 =	simm.s32 @!p0 $0x0;
	v10 =	vmul.f32 v10, v11;
	v9 =	vmul.f32 v9, v40  }
0x15c: {  	v42 =	vld [tilespmem:s25+$0x70];
	s26 =	sshll.u32 s26, $0x9  }
0x15d: {  	v11 =	vld [tilespmem:s25+$0x60];
	s25 =	sadd.s32 s26, s8;
	v9 =	vadd.f32 v9, v10  }
0x15e: {  	v41 =	vld [tilespmem:s14+$0xFFFFFF70];
	[tilespmem:v15+s29+$0x0] =	vst.idx.msk $0x1, v13;
	s26 =	sor.u32 $0x400, s25  }
0x15f: {  	s28 =	sor.u32 $0x410, s25;
	v10 =	vld [tilespmem:s26+$0x4580];
	v43, _, _ =	vpop (xrf2);
	(xrf2) =	vadd.scan.msk.f32 $0xffff, v9  }
0x160: {  	v9 =	vld [tilespmem:s28+$0x4580];
	v13 =	vbroadcast v43, $0xF;
	_ =	sdelay $0x1  }
0x161: {  	v17 =	vmul.f32 $1.442695020e+00, v13  }
0x162: {  	v18 =	vor.u32 $0x80, v15;
	v12 =	vmul.f32 v42, v41;
	v44 =	vpop (erf)  }
0x163: {  	v10 =	vmul.f32 v10, v44;
	(erf) = vpow2.f32 v17  }
0x164: {  	v11 =	vmul.f32 v11, v16;
	v9 =	vmul.f32 v9, v44  }
0x165: {  	[tilespmem:s13+$0xFFFFFF00] =	vst v10  }
0x166: {  	[tilespmem:s13+$0xFFFFFF10] =	vst v9;
	v9 =	vadd.f32 v12, v11  }
0x167: {  	s28 =	sor.u32 $0x420, s25;
	[tilespmem:v18+s29+$0x0] =	vst.idx.msk $0x1, v13  }
0x168: {  	v10 =	vld [tilespmem:s28+$0x4580];
	s28 =	sor.u32 $0x430, s25;
	v11, _, _ =	vpop (xrf2);
	(xrf2) =	vadd.scan.msk.f32 $0xffff, v9  }
0x169: {  	v9 =	vld [tilespmem:s28+$0x4580];
	v11 =	vbroadcast v11, $0xF;
	_ =	sdelay $0x1  }
0x16a: {  	v45 =	vmul.f32 $1.442695020e+00, v11  }
0x16b: {  	v47 =	vor.u32 $0x100, v15;
	v46 =	vpop (erf)  }
0x16c: {  	v10 =	vmul.f32 v10, v46;
	(erf) = vpow2.f32 v45  }
0x16d: {  	v9 =	vmul.f32 v9, v46  }
0x16e: {  	[tilespmem:s13+$0xFFFFFF20] =	vst v10  }
0x16f: {  	[tilespmem:s13+$0xFFFFFF30] =	vst v9  }
0x170: {  	s28 =	sor.u32 $0x440, s25;
	[tilespmem:v47+s29+$0x0] =	vst.idx.msk $0x1, v11  }
0x171: {  	v9 =	vld [tilespmem:s28+$0x4580];
	s28 =	sor.u32 $0x450, s25;
	v10, _, _ =	vpop (xrf2)  }
0x172: {  	v11 =	vld [tilespmem:s28+$0x4580];
	v10 =	vbroadcast v10, $0xF;
	_ =	sdelay $0x1  }
0x173: {  	v48 =	vmul.f32 $1.442695020e+00, v10  }
0x174: {  	v50 =	vor.u32 $0x180, v15;
	v49 =	vpop (erf)  }
0x175: {  	v9 =	vmul.f32 v9, v49;
	(erf) = vpow2.f32 v48  }
0x176: {  	v11 =	vmul.f32 v11, v49  }
0x177: {  	[tilespmem:s13+$0xFFFFFF40] =	vst v9  }
0x178: {  	[tilespmem:s13+$0xFFFFFF50] =	vst v11  }
0x179: {  	s28 =	sor.u32 $0x460, s25;
	[tilespmem:v50+s29+$0x0] =	vst.idx.msk $0x1, v10  }
0x17a: {  	s25 =	sor.u32 $0x470, s25;
	v9 =	vld [tilespmem:s28+$0x4580]  }
0x17b: {  	v10 =	vld [tilespmem:s25+$0x4580];
	_ =	sdelay $0x2  }
0x17c: {  	v11 =	vpop (erf)  }
0x17d: {  	v9 =	vmul.f32 v9, v11  }
0x17e: {  	v10 =	vmul.f32 v10, v11  }
0x17f: {  	s26 =	sadd.s32 $0xFFFFFF00, s12;
	[tilespmem:s13+$0xFFFFFF60] =	vst v9  }
0x180: {  	s25 =	sand.u32 $0x280, s26;
	[tilespmem:s13+$0xFFFFFF70] =	vst v10  }
0x181: {  	s26 =	sadd.s32 s25, s24;
	v9 =	vld [tilespmem:s14+$0xFFFFFF80]  }
0x182: {  	v10 =	vld [tilespmem:s26+$0x0]  }
0x183: {  	v11 =	vld [tilespmem:s14+$0xFFFFFF90]  }
0x184: {  	v51 =	vld [tilespmem:s26+$0x10];
	_ =	sdelay $0x4  }
0x185: {  	v9 =	vmul.f32 v10, v9;
	v10 =	vmul.f32 v51, v11;
	_ =	sdelay $0x1  }
0x186: {  	v52 =	vld [tilespmem:s14+$0xFFFFFFB0];
	v9 =	vadd.f32 v10, v9  }
0x187: {  	v11 =	vld [tilespmem:s14+$0xFFFFFFA0]  }
0x188: {  	v10 =	vld [tilespmem:s26+$0x20];
	(xrf2) =	vadd.scan.msk.f32 $0xffff, v9  }
0x189: {  	v9 =	vld [tilespmem:s26+$0x30];
	_ =	sdelay $0x4  }
0x18a: {  	v10 =	vmul.f32 v10, v11;
	v9 =	vmul.f32 v9, v52;
	_ =	sdelay $0x1  }
0x18b: {  	v53 =	vld [tilespmem:s14+$0xFFFFFFD0];
	v9 =	vadd.f32 v9, v10  }
0x18c: {  	v11 =	vld [tilespmem:s14+$0xFFFFFFC0]  }
0x18d: {  	v10 =	vld [tilespmem:s26+$0x40];
	v54, _, _ =	vpop (xrf2);
	(xrf2) =	vadd.scan.msk.f32 $0xffff, v9  }
0x18e: {  	v9 =	vld [tilespmem:s26+$0x50];
	v13 =	vbroadcast v54, $0xF;
	_ =	sdelay $0x1  }
0x18f: {  	s28 =	sadd.s32 $0x1, s9;
	v55 =	vmul.f32 $1.442695020e+00, v13  }
0x190: {  	v56 =	vmov s28  }
0x191: {  	s28 =	sand.u32 $0x7, s16;
	(erf) = vpow2.f32 v55  }
0x192: {  	s25 =	sshll.u32 s28, $0x7;
	v57 =	vld [tilespmem:s14+$0xFFFFFFE0];
	v10 =	vmul.f32 v10, v11;
	v9 =	vmul.f32 v9, v53  }
0x193: {  	s25 =	sadd.s32 s25, s8;
	v59 =	vld [tilespmem:s26+$0x70]  }
0x194: {  	v11 =	vld [tilespmem:s26+$0x60];
	s26 =	sadd.s32 $0x80, s25;
	v9 =	vadd.f32 v9, v10  }
0x195: {  	v58 =	vld [tilespmem:s14+$0xFFFFFFF0];
	[tilespmem:v56+s29+$0x0] =	vst.idx.msk $0x1, v13;
	s28 =	sor.u32 $0x400, s26  }
0x196: {  	v10 =	vld [tilespmem:s28+$0x4580];
	s28 =	sor.u32 $0x410, s26;
	v60, _, _ =	vpop (xrf2);
	(xrf2) =	vadd.scan.msk.f32 $0xffff, v9  }
0x197: {  	v9 =	vld [tilespmem:s28+$0x4580];
	v13 =	vbroadcast v60, $0xF;
	_ =	sdelay $0x1  }
0x198: {  	v61 =	vmul.f32 $1.442695020e+00, v13  }
0x199: {  	v63 =	vor.u32 $0x80, v56;
	v12 =	vmul.f32 v59, v58;
	v62 =	vpop (erf)  }
0x19a: {  	v10 =	vmul.f32 v10, v62;
	(erf) = vpow2.f32 v61  }
0x19b: {  	v11 =	vmul.f32 v11, v57;
	v9 =	vmul.f32 v9, v62  }
0x19c: {  	[tilespmem:s13+$0xFFFFFF80] =	vst v10  }
0x19d: {  	[tilespmem:s13+$0xFFFFFF90] =	vst v9;
	v9 =	vadd.f32 v12, v11  }
0x19e: {  	s28 =	sor.u32 $0x420, s26;
	[tilespmem:v63+s29+$0x0] =	vst.idx.msk $0x1, v13  }
0x19f: {  	v10 =	vld [tilespmem:s28+$0x4580];
	s28 =	sor.u32 $0x430, s26;
	v11, _, _ =	vpop (xrf2);
	(xrf2) =	vadd.scan.msk.f32 $0xffff, v9  }
0x1a0: {  	v9 =	vld [tilespmem:s28+$0x4580];
	v11 =	vbroadcast v11, $0xF;
	_ =	sdelay $0x1  }
0x1a1: {  	v20 =	vmul.f32 $1.442695020e+00, v11  }
0x1a2: {  	v22 =	vor.u32 $0x100, v56;
	v21 =	vpop (erf)  }
0x1a3: {  	v10 =	vmul.f32 v10, v21;
	(erf) = vpow2.f32 v20  }
0x1a4: {  	v9 =	vmul.f32 v9, v21  }
0x1a5: {  	[tilespmem:s13+$0xFFFFFFA0] =	vst v10  }
0x1a6: {  	[tilespmem:s13+$0xFFFFFFB0] =	vst v9  }
0x1a7: {  	s28 =	sor.u32 $0x440, s26;
	[tilespmem:v22+s29+$0x0] =	vst.idx.msk $0x1, v11  }
0x1a8: {  	v9 =	vld [tilespmem:s28+$0x4580];
	s28 =	sor.u32 $0x450, s26;
	v10, _, _ =	vpop (xrf2)  }
0x1a9: {  	v11 =	vld [tilespmem:s28+$0x4580];
	v10 =	vbroadcast v10, $0xF;
	_ =	sdelay $0x1  }
0x1aa: {  	v23 =	vmul.f32 $1.442695020e+00, v10  }
0x1ab: {  	v25 =	vor.u32 $0x180, v56;
	v24 =	vpop (erf)  }
0x1ac: {  	v9 =	vmul.f32 v9, v24;
	(erf) = vpow2.f32 v23  }
0x1ad: {  	v11 =	vmul.f32 v11, v24  }
0x1ae: {  	[tilespmem:s13+$0xFFFFFFC0] =	vst v9  }
0x1af: {  	[tilespmem:s13+$0xFFFFFFD0] =	vst v11  }
0x1b0: {  	s28 =	sor.u32 $0x460, s26;
	[tilespmem:v25+s29+$0x0] =	vst.idx.msk $0x1, v10  }
0x1b1: {  	s26 =	sor.u32 $0x470, s26;
	v9 =	vld [tilespmem:s28+$0x4580]  }
0x1b2: {  	v10 =	vld [tilespmem:s26+$0x4580];
	_ =	sdelay $0x2  }
0x1b3: {  	v11 =	vpop (erf)  }
0x1b4: {  	v9 =	vmul.f32 v9, v11  }
0x1b5: {  	v10 =	vmul.f32 v10, v11  }
0x1b6: {  	s28 =	sadd.s32 $0xFFFFFF80, s12;
	[tilespmem:s13+$0xFFFFFFE0] =	vst v9  }
0x1b7: {  	s26 =	sand.u32 $0x300, s28;
	[tilespmem:s13+$0xFFFFFFF0] =	vst v10  }
0x1b8: {  	s26 =	sadd.s32 s26, s24;
	v9 =	vld [tilespmem:s14+$0x0]  }
0x1b9: {  	v10 =	vld [tilespmem:s26+$0x0]  }
0x1ba: {  	v11 =	vld [tilespmem:s14+$0x10]  }
0x1bb: {  	v26 =	vld [tilespmem:s26+$0x10];
	_ =	sdelay $0x4  }
0x1bc: {  	v9 =	vmul.f32 v10, v9;
	v10 =	vmul.f32 v26, v11;
	_ =	sdelay $0x1  }
0x1bd: {  	v27 =	vld [tilespmem:s14+$0x30];
	v9 =	vadd.f32 v10, v9  }
0x1be: {  	v11 =	vld [tilespmem:s14+$0x20]  }
0x1bf: {  	v10 =	vld [tilespmem:s26+$0x20];
	(xrf2) =	vadd.scan.msk.f32 $0xffff, v9  }
0x1c0: {  	v9 =	vld [tilespmem:s26+$0x30];
	_ =	sdelay $0x4  }
0x1c1: {  	v10 =	vmul.f32 v10, v11;
	v9 =	vmul.f32 v9, v27;
	_ =	sdelay $0x1  }
0x1c2: {  	v28 =	vld [tilespmem:s14+$0x50];
	v9 =	vadd.f32 v9, v10  }
0x1c3: {  	v11 =	vld [tilespmem:s14+$0x40]  }
0x1c4: {  	v10 =	vld [tilespmem:s26+$0x40];
	v29, _, _ =	vpop (xrf2);
	(xrf2) =	vadd.scan.msk.f32 $0xffff, v9  }
0x1c5: {  	v9 =	vld [tilespmem:s26+$0x50];
	v13 =	vbroadcast v29, $0xF;
	_ =	sdelay $0x1  }
0x1c6: {  	s28 =	sadd.s32 $0x2, s9;
	v30 =	vmul.f32 $1.442695020e+00, v13  }
0x1c7: {  	v31 =	vmov s28  }
0x1c8: {  	s28 =	sand.u32 $0x3, s15;
	(erf) = vpow2.f32 v30  }
0x1c9: {  	s28 =	sshll.u32 s28, $0x8;
	v32 =	vld [tilespmem:s14+$0x60];
	v10 =	vmul.f32 v10, v11;
	v9 =	vmul.f32 v9, v28  }
0x1ca: {  	s28 =	sadd.s32 s8, s28;
	v34 =	vld [tilespmem:s26+$0x70]  }
0x1cb: {  	v11 =	vld [tilespmem:s26+$0x60];
	s26 =	sadd.s32 $0x100, s28;
	v9 =	vadd.f32 v9, v10  }
0x1cc: {  	v33 =	vld [tilespmem:s14+$0x70];
	[tilespmem:v31+s29+$0x0] =	vst.idx.msk $0x1, v13;
	s28 =	sor.u32 $0x400, s26  }
0x1cd: {  	v10 =	vld [tilespmem:s28+$0x4580];
	s28 =	sor.u32 $0x410, s26;
	v35, _, _ =	vpop (xrf2);
	(xrf2) =	vadd.scan.msk.f32 $0xffff, v9  }
0x1ce: {  	v9 =	vld [tilespmem:s28+$0x4580];
	v13 =	vbroadcast v35, $0xF;
	_ =	sdelay $0x1  }
0x1cf: {  	v36 =	vmul.f32 $1.442695020e+00, v13  }
0x1d0: {  	v38 =	vor.u32 $0x80, v31;
	v12 =	vmul.f32 v34, v33;
	v37 =	vpop (erf)  }
0x1d1: {  	v10 =	vmul.f32 v10, v37;
	(erf) = vpow2.f32 v36  }
0x1d2: {  	v11 =	vmul.f32 v11, v32;
	v9 =	vmul.f32 v9, v37  }
0x1d3: {  	[tilespmem:s13+$0x0] =	vst v10  }
0x1d4: {  	[tilespmem:s13+$0x10] =	vst v9;
	v9 =	vadd.f32 v12, v11  }
0x1d5: {  	s28 =	sor.u32 $0x420, s26;
	[tilespmem:v38+s29+$0x0] =	vst.idx.msk $0x1, v13  }
0x1d6: {  	v10 =	vld [tilespmem:s28+$0x4580];
	s28 =	sor.u32 $0x430, s26;
	v11, _, _ =	vpop (xrf2);
	(xrf2) =	vadd.scan.msk.f32 $0xffff, v9  }
0x1d7: {  	v9 =	vld [tilespmem:s28+$0x4580];
	v11 =	vbroadcast v11, $0xF;
	_ =	sdelay $0x1  }
0x1d8: {  	v39 =	vmul.f32 $1.442695020e+00, v11  }
0x1d9: {  	v41 =	vor.u32 $0x100, v31;
	v40 =	vpop (erf)  }
0x1da: {  	v10 =	vmul.f32 v10, v40;
	(erf) = vpow2.f32 v39  }
0x1db: {  	v9 =	vmul.f32 v9, v40  }
0x1dc: {  	[tilespmem:s13+$0x20] =	vst v10  }
0x1dd: {  	[tilespmem:s13+$0x30] =	vst v9  }
0x1de: {  	s28 =	sor.u32 $0x440, s26;
	[tilespmem:v41+s29+$0x0] =	vst.idx.msk $0x1, v11  }
0x1df: {  	v9 =	vld [tilespmem:s28+$0x4580];
	s28 =	sor.u32 $0x450, s26;
	v10, _, _ =	vpop (xrf2)  }
0x1e0: {  	v11 =	vld [tilespmem:s28+$0x4580];
	v10 =	vbroadcast v10, $0xF;
	_ =	sdelay $0x1  }
0x1e1: {  	v42 =	vmul.f32 $1.442695020e+00, v10  }
0x1e2: {  	v44 =	vor.u32 $0x180, v31;
	v43 =	vpop (erf)  }
0x1e3: {  	v9 =	vmul.f32 v9, v43;
	(erf) = vpow2.f32 v42  }
0x1e4: {  	v11 =	vmul.f32 v11, v43  }
0x1e5: {  	[tilespmem:s13+$0x40] =	vst v9  }
0x1e6: {  	[tilespmem:s13+$0x50] =	vst v11  }
0x1e7: {  	s28 =	sor.u32 $0x460, s26;
	[tilespmem:v44+s29+$0x0] =	vst.idx.msk $0x1, v10  }
0x1e8: {  	s26 =	sor.u32 $0x470, s26;
	v9 =	vld [tilespmem:s28+$0x4580]  }
0x1e9: {  	v10 =	vld [tilespmem:s26+$0x4580];
	_ =	sdelay $0x2  }
0x1ea: {  	v11 =	vpop (erf)  }
0x1eb: {  	v9 =	vmul.f32 v9, v11  }
0x1ec: {  	v10 =	vmul.f32 v10, v11  }
0x1ed: {  	[tilespmem:s13+$0x60] =	vst v9  }
0x1ee: {  	s28 =	sand.u32 $0x380, s12;
	[tilespmem:s13+$0x70] =	vst v10  }
0x1ef: {  	s24 =	sadd.s32 s28, s24;
	v9 =	vld [tilespmem:s14+$0x80]  }
0x1f0: {  	v10 =	vld [tilespmem:s24+$0x0]  }
0x1f1: {  	v11 =	vld [tilespmem:s14+$0x90]  }
0x1f2: {  	v45 =	vld [tilespmem:s24+$0x10];
	_ =	sdelay $0x4  }
0x1f3: {  	v9 =	vmul.f32 v10, v9;
	v10 =	vmul.f32 v45, v11;
	_ =	sdelay $0x1  }
0x1f4: {  	v46 =	vld [tilespmem:s14+$0xB0];
	v9 =	vadd.f32 v10, v9  }
0x1f5: {  	v11 =	vld [tilespmem:s14+$0xA0]  }
0x1f6: {  	v10 =	vld [tilespmem:s24+$0x20];
	(xrf2) =	vadd.scan.msk.f32 $0xffff, v9  }
0x1f7: {  	v9 =	vld [tilespmem:s24+$0x30];
	_ =	sdelay $0x4  }
0x1f8: {  	v10 =	vmul.f32 v10, v11;
	v9 =	vmul.f32 v9, v46;
	_ =	sdelay $0x1  }
0x1f9: {  	v47 =	vld [tilespmem:s14+$0xD0];
	v9 =	vadd.f32 v9, v10  }
0x1fa: {  	v11 =	vld [tilespmem:s14+$0xC0]  }
0x1fb: {  	v10 =	vld [tilespmem:s24+$0x40];
	v48, _, _ =	vpop (xrf2);
	(xrf2) =	vadd.scan.msk.f32 $0xffff, v9  }
0x1fc: {  	v9 =	vld [tilespmem:s24+$0x50];
	v13 =	vbroadcast v48, $0xF;
	_ =	sdelay $0x1  }
0x1fd: {  	s28 =	sadd.s32 $0x3, s9;
	v49 =	vmul.f32 $1.442695020e+00, v13  }
0x1fe: {  	v50 =	vmov s28  }
0x1ff: {  	(erf) = vpow2.f32 v49  }
0x200: {  	v51 =	vld [tilespmem:s14+$0xE0];
	v10 =	vmul.f32 v10, v11;
	v9 =	vmul.f32 v9, v47  }
0x201: {  	v53 =	vld [tilespmem:s24+$0x70]  }
0x202: {  	v11 =	vld [tilespmem:s24+$0x60];
	s24 =	sadd.s32 $0x180, s25;
	v9 =	vadd.f32 v9, v10  }
0x203: {  	v52 =	vld [tilespmem:s14+$0xF0];
	[tilespmem:v50+s29+$0x0] =	vst.idx.msk $0x1, v13;
	s25 =	sor.u32 $0x400, s24  }
0x204: {  	s26 =	sor.u32 $0x410, s24;
	v10 =	vld [tilespmem:s25+$0x4580];
	v54, _, _ =	vpop (xrf2);
	(xrf2) =	vadd.scan.msk.f32 $0xffff, v9  }
0x205: {  	v9 =	vld [tilespmem:s26+$0x4580];
	v13 =	vbroadcast v54, $0xF;
	_ =	sdelay $0x1  }
0x206: {  	v55 =	vmul.f32 $1.442695020e+00, v13  }
0x207: {  	v57 =	vor.u32 $0x80, v50;
	v12 =	vmul.f32 v53, v52;
	v56 =	vpop (erf)  }
0x208: {  	v10 =	vmul.f32 v10, v56;
	(erf) = vpow2.f32 v55  }
0x209: {  	v11 =	vmul.f32 v11, v51;
	v9 =	vmul.f32 v9, v56  }
0x20a: {  	[tilespmem:s13+$0x80] =	vst v10  }
0x20b: {  	[tilespmem:s13+$0x90] =	vst v9;
	v9 =	vadd.f32 v12, v11  }
0x20c: {  	s28 =	sor.u32 $0x420, s24;
	[tilespmem:v57+s29+$0x0] =	vst.idx.msk $0x1, v13  }
0x20d: {  	s26 =	sor.u32 $0x430, s24;
	v10 =	vld [tilespmem:s28+$0x4580];
	v11, _, _ =	vpop (xrf2);
	(xrf2) =	vadd.scan.msk.f32 $0xffff, v9  }
0x20e: {  	v9 =	vld [tilespmem:s26+$0x4580];
	v11 =	vbroadcast v11, $0xF;
	_ =	sdelay $0x1  }
0x20f: {  	v58 =	vmul.f32 $1.442695020e+00, v11  }
0x210: {  	v60 =	vor.u32 $0x100, v50;
	v59 =	vpop (erf)  }
0x211: {  	v10 =	vmul.f32 v10, v59;
	(erf) = vpow2.f32 v58  }
0x212: {  	v9 =	vmul.f32 v9, v59  }
0x213: {  	[tilespmem:s13+$0xA0] =	vst v10  }
0x214: {  	[tilespmem:s13+$0xB0] =	vst v9  }
0x215: {  	s28 =	sor.u32 $0x440, s24;
	[tilespmem:v60+s29+$0x0] =	vst.idx.msk $0x1, v11  }
0x216: {  	s26 =	sor.u32 $0x450, s24;
	v9 =	vld [tilespmem:s28+$0x4580];
	v10, _, _ =	vpop (xrf2)  }
0x217: {  	v11 =	vld [tilespmem:s26+$0x4580];
	v10 =	vbroadcast v10, $0xF;
	_ =	sdelay $0x1  }
0x218: {  	v61 =	vmul.f32 $1.442695020e+00, v10  }
0x219: {  	v63 =	vor.u32 $0x180, v50;
	v62 =	vpop (erf)  }
0x21a: {  	v9 =	vmul.f32 v9, v62;
	(erf) = vpow2.f32 v61  }
0x21b: {  	v11 =	vmul.f32 v11, v62  }
0x21c: {  	[tilespmem:s13+$0xC0] =	vst v9  }
0x21d: {  	[tilespmem:s13+$0xD0] =	vst v11  }
0x21e: {  	s28 =	sor.u32 $0x460, s24;
	[tilespmem:v63+s29+$0x0] =	vst.idx.msk $0x1, v10  }
0x21f: {  	s24 =	sor.u32 $0x470, s24;
	v9 =	vld [tilespmem:s28+$0x4580]  }
0x220: {  	v10 =	vld [tilespmem:s24+$0x4580];
	_ =	sdelay $0x1  }
0x221: {  	p1 =	slt.u32 s9, $0x7C  }
.Ltmp5:
0x222: {  	v11 =	vpop (erf);
	(pc) =	sbr.rel @p1 .LBB2_8-.Ltmp5, $4  }
0x223: {  	v9 =	vmul.f32 v9, v11  }
0x224: {  	p0 =	por !p0, !p0;
	s16 =	sadd.s32 $0x4, s16;
	s15 =	sadd.s32 $0x2, s15;
	v10 =	vmul.f32 v10, v11  }
0x225: {  	s8 =	sadd.s32 $0x400, s8;
	s12 =	sadd.s32 $0x200, s12;
	s9 =	sadd.s32 $0x4, s9;
	[tilespmem:s13+$0xE0] =	vst v9  }
0x226: {  	s14 =	sadd.s32 $0x200, s14;
	s24 =	simm.s32 $0x500;
	[tilespmem:s13+$0xF0] =	vst v10;
	s13 =	sadd.s32 $0x200, s13  }
0x227: {  	v9 =	vor.u32 s3, v1;
	_ =	sdelay $0x4  }
0x228: {  	v9 =	vld.idx.msk [tilespmem:v9+s29+$0x0], $0xffff;
	_ =	sdelay $0x4  }
0x229: {  	v9 =	vmul.f32 $1.442695020e+00, v9;
	_ =	sdelay $0x1  }
0x22a: {  	v10 =	vld [tilespmem:s24+$0x0];
	(erf) = vpow2.f32 v9;
	_ =	sdelay $0x4  }
0x22b: {  	v12 =	vshll.u32 v10, $0x2;
	v9 =	vor.u32 $0x80, v1  }
0x22c: {  	v10 =	vor.u32 s3, v9;
	_ =	sdelay $0x2  }
0x22d: {  	v11 =	vpop (erf)  }
0x22e: {  	[tilespmem:v12+s30+$0x0] =	vst.idx.add.f32.msk $0xffff, v11  }
0x22f: {  	v10 =	vld.idx.msk [tilespmem:v10+s29+$0x0], $0xffff;
	_ =	sdelay $0x4  }
0x230: {  	v10 =	vmul.f32 $1.442695020e+00, v10;
	_ =	sdelay $0x1  }
0x231: {  	(erf) = vpow2.f32 v10;
	_ =	sdelay $0x4  }
0x232: {  	v11 =	vor.u32 $0x1, v12;
	v10 =	vor.u32 $0x100, v1  }
0x233: {  	v13 =	vor.u32 s3, v10;
	_ =	sdelay $0x2  }
0x234: {  	v14 =	vpop (erf)  }
0x235: {  	[tilespmem:v11+s30+$0x0] =	vst.idx.add.f32.msk $0xffff, v14  }
0x236: {  	v11 =	vld.idx.msk [tilespmem:v13+s29+$0x0], $0xffff;
	_ =	sdelay $0x4  }
0x237: {  	v11 =	vmul.f32 $1.442695020e+00, v11;
	_ =	sdelay $0x1  }
0x238: {  	(erf) = vpow2.f32 v11;
	_ =	sdelay $0x4  }
0x239: {  	v13 =	vor.u32 $0x2, v12;
	v11 =	vor.u32 $0x180, v1  }
0x23a: {  	v14 =	vor.u32 s3, v11;
	_ =	sdelay $0x2  }
0x23b: {  	v15 =	vpop (erf)  }
0x23c: {  	[tilespmem:v13+s30+$0x0] =	vst.idx.add.f32.msk $0xffff, v15  }
0x23d: {  	v13 =	vld.idx.msk [tilespmem:v14+s29+$0x0], $0xffff;
	_ =	sdelay $0x4  }
0x23e: {  	v13 =	vmul.f32 $1.442695020e+00, v13;
	_ =	sdelay $0x1  }
0x23f: {  	(erf) = vpow2.f32 v13;
	_ =	sdelay $0x5  }
0x240: {  	s3 =	simm.s32 $0x10;
	v13 =	vor.u32 $0x3, v12  }
0x241: {  	v12 =	vor.u32 s3, v1;
	_ =	sdelay $0x1  }
0x242: {  	s8 =	simm.s32 $0x20;
	v14 =	vpop (erf)  }
.LBB2_10:
0x243: {  	p0 =	sne.s32 s8, $0x70  }
0x244: {  	[tilespmem:v13+s30+$0x0] =	vst.idx.add.f32.msk $0xffff, v14;
	s24 =	sadd.s32 $0x10, s24;
	s9 =	smov.u32 s8;
	s8 =	sadd.s32 $0x10, s8  }
0x245: {  	v12 =	vld.idx.msk [tilespmem:v12+s29+$0x0], $0xffff;
	_ =	sdelay $0x5  }
0x246: {  	v12 =	vmul.f32 $1.442695020e+00, v12;
	_ =	sdelay $0x1  }
0x247: {  	v13 =	vld [tilespmem:s24+$0x0];
	(erf) = vpow2.f32 v12;
	_ =	sdelay $0x4  }
0x248: {  	v12 =	vshll.u32 v13, $0x2  }
0x249: {  	v13 =	vor.u32 s3, v9;
	_ =	sdelay $0x2  }
0x24a: {  	v14 =	vpop (erf)  }
0x24b: {  	[tilespmem:v12+s30+$0x0] =	vst.idx.add.f32.msk $0xffff, v14  }
0x24c: {  	v13 =	vld.idx.msk [tilespmem:v13+s29+$0x0], $0xffff;
	_ =	sdelay $0x5  }
0x24d: {  	v13 =	vmul.f32 $1.442695020e+00, v13;
	_ =	sdelay $0x1  }
0x24e: {  	(erf) = vpow2.f32 v13;
	_ =	sdelay $0x4  }
0x24f: {  	v13 =	vor.u32 $0x1, v12  }
0x250: {  	v14 =	vor.u32 s3, v10;
	_ =	sdelay $0x2  }
0x251: {  	v15 =	vpop (erf)  }
0x252: {  	[tilespmem:v13+s30+$0x0] =	vst.idx.add.f32.msk $0xffff, v15  }
0x253: {  	v13 =	vld.idx.msk [tilespmem:v14+s29+$0x0], $0xffff;
	_ =	sdelay $0x5  }
0x254: {  	v13 =	vmul.f32 $1.442695020e+00, v13;
	_ =	sdelay $0x1  }
0x255: {  	(erf) = vpow2.f32 v13;
	_ =	sdelay $0x4  }
0x256: {  	v13 =	vor.u32 $0x2, v12  }
0x257: {  	v14 =	vor.u32 s3, v11;
	s3 =	smov.u32 s9;
	_ =	sdelay $0x2  }
0x258: {  	v15 =	vpop (erf)  }
0x259: {  	[tilespmem:v13+s30+$0x0] =	vst.idx.add.f32.msk $0xffff, v15  }
0x25a: {  	v13 =	vld.idx.msk [tilespmem:v14+s29+$0x0], $0xffff;
	_ =	sdelay $0x5  }
0x25b: {  	v13 =	vmul.f32 $1.442695020e+00, v13;
	_ =	sdelay $0x1  }
0x25c: {  	(erf) = vpow2.f32 v13;
	_ =	sdelay $0x4  }
.Ltmp6:
0x25d: {  	v13 =	vor.u32 $0x3, v12;
	(pc) =	sbr.rel @p0 .LBB2_10-.Ltmp6, $2  }
0x25e: {  	v12 =	vor.u32 s3, v1;
	_ =	sdelay $0x2  }
0x25f: {  	v14 =	vpop (erf)  }
0x260: {  	_ =	sdelay $0x3  }
0x261: {  	[tilespmem:v13+s30+$0x0] =	vst.idx.add.f32.msk $0xffff, v14  }
0x262: {  	v12 =	vld.idx.msk [tilespmem:v12+s29+$0x0], $0xffff;
	_ =	sdelay $0x4  }
0x263: {  	v12 =	vmul.f32 $1.442695020e+00, v12  }
0x264: {  	s8 =	sadd.s32 $0x10, s24  }
0x265: {  	v13 =	vld [tilespmem:s8+$0x0];
	(erf) = vpow2.f32 v12;
	_ =	sdelay $0x4  }
0x266: {  	v56 =	vshll.u32 v13, $0x2  }
0x267: {  	v9 =	vor.u32 s3, v9;
	_ =	sdelay $0x2  }
0x268: {  	v57 =	vpop (erf)  }
0x269: {  	[tilespmem:v56+s30+$0x0] =	vst.idx.add.f32.msk $0xffff, v57  }
0x26a: {  	v9 =	vld.idx.msk [tilespmem:v9+s29+$0x0], $0xffff;
	_ =	sdelay $0x4  }
0x26b: {  	v9 =	vmul.f32 $1.442695020e+00, v9;
	_ =	sdelay $0x1  }
0x26c: {  	(erf) = vpow2.f32 v9;
	_ =	sdelay $0x4  }
0x26d: {  	v9 =	vor.u32 $0x1, v56  }
0x26e: {  	v10 =	vor.u32 s3, v10;
	_ =	sdelay $0x2  }
0x26f: {  	v58 =	vpop (erf)  }
0x270: {  	[tilespmem:v9+s30+$0x0] =	vst.idx.add.f32.msk $0xffff, v58  }
0x271: {  	v9 =	vld.idx.msk [tilespmem:v10+s29+$0x0], $0xffff;
	_ =	sdelay $0x4  }
0x272: {  	v9 =	vmul.f32 $1.442695020e+00, v9;
	_ =	sdelay $0x1  }
0x273: {  	(erf) = vpow2.f32 v9;
	_ =	sdelay $0x4  }
0x274: {  	v9 =	vor.u32 $0x2, v56  }
0x275: {  	v10 =	vor.u32 s3, v11;
	_ =	sdelay $0x2  }
0x276: {  	v11 =	vpop (erf)  }
0x277: {  	[tilespmem:v9+s30+$0x0] =	vst.idx.add.f32.msk $0xffff, v11  }
0x278: {  	v9 =	vld.idx.msk [tilespmem:v10+s29+$0x0], $0xffff;
	_ =	sdelay $0x4  }
0x279: {  	v9 =	vmul.f32 $1.442695020e+00, v9;
	_ =	sdelay $0x1  }
0x27a: {  	(erf) = vpow2.f32 v9;
	_ =	sdelay $0x4  }
0x27b: {  	v9 =	vor.u32 $0x3, v56;
	_ =	sdelay $0x3  }
0x27c: {  	v10 =	vpop (erf)  }
0x27d: {  	[tilespmem:v9+s30+$0x0] =	vst.idx.add.f32.msk $0xffff, v10  }
0x27e: {  	[spmem:s1] =	stream.indirect.scatter.add.f32 [tilespmem:s17], [sflag:$0x3], $0x80, s20, s19, $0xb8;
	[tilespmem:$0x1FF80] =	vst v63  }
0x27f: {  	v9 =	vld [tilespmem:$0x180]  }
0x280: {  	v10 =	vld [tilespmem:$0x300]  }
0x281: {  	v11 =	vld [tilespmem:$0x190]  }
0x282: {  	v59 =	vld [tilespmem:$0x310]  }
0x283: {  	v13 =	vld [tilespmem:$0x1A0]  }
0x284: {  	[tilespmem:$0x100] =	vst v9;
	v9 =	vld [tilespmem:$0x320]  }
0x285: {  	v60 =	vld [tilespmem:$0x1C0];
	[tilespmem:$0x280] =	vst v10  }
0x286: {  	v61 =	vld [tilespmem:$0x340];
	[tilespmem:$0x110] =	vst v11  }
0x287: {  	v10 =	vld [tilespmem:$0x1B0];
	[tilespmem:$0x290] =	vst v59  }
0x288: {  	v11 =	vld [tilespmem:$0x330];
	[tilespmem:$0x120] =	vst v13  }
0x289: {  	[tilespmem:$0x2A0] =	vst v9;
	v9 =	vld [tilespmem:$0x1D0]  }
0x28a: {  	v62 =	vld [tilespmem:$0x360];
	[tilespmem:$0x140] =	vst v60  }
0x28b: {  	v63 =	vld [tilespmem:$0x1F0];
	[tilespmem:$0x2C0] =	vst v61  }
0x28c: {  	[tilespmem:$0x130] =	vst v10;
	v10 =	vld [tilespmem:$0x350]  }
0x28d: {  	[tilespmem:$0x2B0] =	vst v11;
	v11 =	vld [tilespmem:$0x1E0]  }
0x28e: {  	[tilespmem:$0x150] =	vst v9;
	v9 =	vld [tilespmem:$0x370]  }
.Ltmp7:
0x28f: {  	[tilespmem:$0x2E0] =	vst v62;
	(pc) =	sbr.rel .LBB2_12-.Ltmp7, $4  }
0x290: {  	[tilespmem:$0x170] =	vst v63  }
0x291: {  	[tilespmem:$0x2D0] =	vst v10  }
0x292: {  	[tilespmem:$0x160] =	vst v11  }
0x293: {  	[tilespmem:$0x2F0] =	vst v9  }
.LBB2_13:
0x294: {  	[tilespmem:s0+$0x100] =	vst v2  }
0x295: {  	[tilespmem:s0+$0x280] =	vst v8  }
0x296: {  	[tilespmem:s0+$0x110] =	vst v2  }
0x297: {  	[tilespmem:s0+$0x290] =	vst v8  }
0x298: {  	[tilespmem:s0+$0x120] =	vst v2  }
0x299: {  	[tilespmem:s0+$0x2A0] =	vst v8  }
0x29a: {  	[tilespmem:s0+$0x130] =	vst v2  }
0x29b: {  	[tilespmem:s0+$0x2B0] =	vst v8  }
0x29c: {  	[tilespmem:s0+$0x140] =	vst v2  }
0x29d: {  	[tilespmem:s0+$0x2C0] =	vst v8  }
0x29e: {  	[tilespmem:s0+$0x150] =	vst v2  }
0x29f: {  	[tilespmem:s0+$0x2D0] =	vst v8  }
0x2a0: {  	[tilespmem:s0+$0x160] =	vst v2  }
0x2a1: {  	[tilespmem:s0+$0x2E0] =	vst v8  }
0x2a2: {  	[tilespmem:s0+$0x170] =	vst v2  }
0x2a3: {  	[tilespmem:s0+$0x2F0] =	vst v8  }
0x2a4: {  	[tilespmem:s0+$0x180] =	vst v2  }
0x2a5: {  	[tilespmem:s0+$0x300] =	vst v8  }
0x2a6: {  	_ =	swait.ge [sflag:s23], $0x4000  }
0x2a7: {  	[sflag:s23] =	ssyncset.done $0x0  }
0x2a8: {  	[sflag:s23] =	ssyncadd.s32 $0xFFFFC000  }
0x2a9: {  	v9 =	vld [tilespmem:$0x100];
	_ =	sdelay $0x1  }
0x2aa: {  	v10 =	vld [tilespmem:$0x280]  }
0x2ab: {  	v11 =	vld [tilespmem:$0x110]  }
0x2ac: {  	v12 =	vld [tilespmem:$0x290]  }
0x2ad: {  	[tilespmem:$0x400] =	vst v9;
	v9 =	vsub.s32 v9, v0  }
0x2ae: {  	[tilespmem:$0x500] =	vst v9;
	v9 =	vld [tilespmem:$0x120]  }
0x2af: {  	[tilespmem:$0x480] =	vst v10  }
0x2b0: {  	v60 =	vld [tilespmem:$0x2B0];
	[tilespmem:$0x410] =	vst v11  }
0x2b1: {  	v10 =	vsub.s32 v11, v0;
	v11 =	vld [tilespmem:$0x2A0];
	[tilespmem:$0x490] =	vst v12  }
0x2b2: {  	[tilespmem:$0x510] =	vst v10;
	v10 =	vld [tilespmem:$0x130]  }
0x2b3: {  	[tilespmem:$0x420] =	vst v9;
	v9 =	vsub.s32 v9, v0  }
0x2b4: {  	[tilespmem:$0x520] =	vst v9;
	v9 =	vld [tilespmem:$0x140]  }
0x2b5: {  	[tilespmem:$0x4B0] =	vst v60;
	v13 =	vld [tilespmem:$0x480]  }
0x2b6: {  	[tilespmem:$0x4A0] =	vst v11;
	v11 =	vld [tilespmem:$0x2C0]  }
0x2b7: {  	v61 =	vld [tilespmem:$0x2D0];
	[tilespmem:$0x430] =	vst v10;
	v10 =	vsub.s32 v10, v0  }
0x2b8: {  	[tilespmem:$0x530] =	vst v10;
	v10 =	vld [tilespmem:$0x150]  }
0x2b9: {  	[tilespmem:$0x440] =	vst v9;
	v9 =	vsub.s32 v9, v0  }
0x2ba: {  	[tilespmem:$0x540] =	vst v9;
	v9 =	vld [tilespmem:$0x160]  }
0x2bb: {  	[tilespmem:$0x4C0] =	vst v11;
	v11 =	vshll.u32 v13, $0x1  }
0x2bc: {  	v14 =	vld [tilespmem:$0x2E0];
	[tilespmem:$0x4D0] =	vst v61;
	v13 =	vand.u32 $0x7, v13;
	v11 =	vand.u32 $0xFFFFFFF0, v11  }
0x2bd: {  	v63 =	vld [tilespmem:$0x2F0];
	[tilespmem:$0x450] =	vst v10;
	v10 =	vsub.s32 v10, v0;
	v11 =	vor.u32 v13, v11  }
0x2be: {  	[tilespmem:$0x550] =	vst v10;
	v10 =	vld [tilespmem:$0x170];
	v62 =	vperm.xlane v11, v5  }
0x2bf: {  	[tilespmem:$0x460] =	vst v9;
	v9 =	vsub.s32 v9, v0  }
0x2c0: {  	v11 =	vperm.xlane v11, v7;
	[tilespmem:$0x560] =	vst v9;
	v9 =	vadd.s32 v6, v62  }
0x2c1: {  	[tilespmem:$0x4E0] =	vst v14  }
0x2c2: {  	[tilespmem:$0x4F0] =	vst v63;
	v11 =	vadd.s32 v6, v11  }
0x2c3: {  	[tilespmem:$0x470] =	vst v10;
	v10 =	vsub.s32 v10, v0  }
0x2c4: {  	s0 =	simm.s32 $0x0;
	s3 =	simm.s32 $0x4580;
	[tilespmem:$0x570] =	vst v10  }
0x2c5: {  	[tilespmem:s3], [sflag:$0x2] =	stream.indirect_vreg.gather [hbm4b:s5+s0], $0x80, v9, vm0, $0xb8;
	[tilespmem:$0x1FF80] =	vst v63  }
0x2c6: {  	s16 =	simm.s32 $0x4D80  }
0x2c7: {  	[tilespmem:s16], [sflag:$0x2] =	stream.indirect_vreg.gather [hbm4b:s5+s0], $0x80, v11, vm0, $0xb8;
	[tilespmem:$0x1FF80] =	vst v63  }
0x2c8: {  	v9 =	vld [tilespmem:$0x490];
	_ =	sdelay $0x4  }
0x2c9: {  	v10 =	vshll.u32 v9, $0x1  }
0x2ca: {  	v9 =	vand.u32 $0x7, v9;
	v10 =	vand.u32 $0xFFFFFFF0, v10  }
0x2cb: {  	v9 =	vor.u32 v9, v10  }
0x2cc: {  	v10 =	vperm.xlane v9, v5;
	_ =	sdelay $0x1  }
0x2cd: {  	v9 =	vperm.xlane v9, v7;
	v10 =	vadd.s32 v6, v10;
	_ =	sdelay $0x1  }
0x2ce: {  	v9 =	vadd.s32 v6, v9;
	_ =	sdelay $0x1  }
0x2cf: {  	s24 =	simm.s32 $0x5580  }
0x2d0: {  	[tilespmem:s24], [sflag:$0x2] =	stream.indirect_vreg.gather [hbm4b:s5+s0], $0x80, v10, vm0, $0xb8;
	[tilespmem:$0x1FF80] =	vst v63  }
0x2d1: {  	s25 =	simm.s32 $0x5D80  }
0x2d2: {  	[tilespmem:s25], [sflag:$0x2] =	stream.indirect_vreg.gather [hbm4b:s5+s0], $0x80, v9, vm0, $0xb8;
	[tilespmem:$0x1FF80] =	vst v63  }
0x2d3: {  	v9 =	vld [tilespmem:$0x4A0];
	_ =	sdelay $0x4  }
0x2d4: {  	v10 =	vshll.u32 v9, $0x1  }
0x2d5: {  	v9 =	vand.u32 $0x7, v9;
	v10 =	vand.u32 $0xFFFFFFF0, v10  }
0x2d6: {  	v9 =	vor.u32 v9, v10  }
0x2d7: {  	v10 =	vperm.xlane v9, v5;
	_ =	sdelay $0x1  }
0x2d8: {  	v9 =	vperm.xlane v9, v7;
	v10 =	vadd.s32 v6, v10;
	_ =	sdelay $0x1  }
0x2d9: {  	v9 =	vadd.s32 v6, v9;
	_ =	sdelay $0x1  }
0x2da: {  	s26 =	simm.s32 $0x6580  }
0x2db: {  	[tilespmem:s26], [sflag:$0x2] =	stream.indirect_vreg.gather [hbm4b:s5+s0], $0x80, v10, vm0, $0xb8;
	[tilespmem:$0x1FF80] =	vst v63  }
0x2dc: {  	s28 =	simm.s32 $0x6D80  }
0x2dd: {  	[tilespmem:s28], [sflag:$0x2] =	stream.indirect_vreg.gather [hbm4b:s5+s0], $0x80, v9, vm0, $0xb8;
	[tilespmem:$0x1FF80] =	vst v63  }
0x2de: {  	v9 =	vld [tilespmem:$0x4B0];
	_ =	sdelay $0x4  }
0x2df: {  	v10 =	vshll.u32 v9, $0x1  }
0x2e0: {  	v9 =	vand.u32 $0x7, v9;
	v10 =	vand.u32 $0xFFFFFFF0, v10  }
0x2e1: {  	v9 =	vor.u32 v9, v10  }
0x2e2: {  	v10 =	vperm.xlane v9, v5;
	_ =	sdelay $0x1  }
0x2e3: {  	v9 =	vperm.xlane v9, v7;
	v10 =	vadd.s32 v6, v10;
	_ =	sdelay $0x1  }
0x2e4: {  	v9 =	vadd.s32 v6, v9;
	_ =	sdelay $0x1  }
0x2e5: {  	s31 =	simm.s32 $0x7580  }
0x2e6: {  	[tilespmem:s31], [sflag:$0x2] =	stream.indirect_vreg.gather [hbm4b:s5+s0], $0x80, v10, vm0, $0xb8;
	[tilespmem:$0x1FF80] =	vst v63  }
0x2e7: {  	s8 =	simm.s32 $0x7D80  }
0x2e8: {  	[tilespmem:s8], [sflag:$0x2] =	stream.indirect_vreg.gather [hbm4b:s5+s0], $0x80, v9, vm0, $0xb8;
	[tilespmem:$0x1FF80] =	vst v63  }
0x2e9: {  	v9 =	vld [tilespmem:$0x4C0];
	_ =	sdelay $0x4  }
0x2ea: {  	v10 =	vshll.u32 v9, $0x1  }
0x2eb: {  	v9 =	vand.u32 $0x7, v9;
	v10 =	vand.u32 $0xFFFFFFF0, v10  }
0x2ec: {  	v9 =	vor.u32 v9, v10  }
0x2ed: {  	v10 =	vperm.xlane v9, v5;
	_ =	sdelay $0x1  }
0x2ee: {  	v9 =	vperm.xlane v9, v7;
	v10 =	vadd.s32 v6, v10;
	_ =	sdelay $0x1  }
0x2ef: {  	v9 =	vadd.s32 v6, v9;
	_ =	sdelay $0x1  }
0x2f0: {  	s9 =	simm.s32 $0x8580  }
0x2f1: {  	[tilespmem:s9], [sflag:$0x2] =	stream.indirect_vreg.gather [hbm4b:s5+s0], $0x80, v10, vm0, $0xb8;
	[tilespmem:$0x1FF80] =	vst v63  }
0x2f2: {  	s12 =	simm.s32 $0x8D80  }
0x2f3: {  	[tilespmem:s12], [sflag:$0x2] =	stream.indirect_vreg.gather [hbm4b:s5+s0], $0x80, v9, vm0, $0xb8;
	[tilespmem:$0x1FF80] =	vst v63  }
0x2f4: {  	v9 =	vld [tilespmem:$0x4D0];
	_ =	sdelay $0x4  }
0x2f5: {  	v10 =	vshll.u32 v9, $0x1  }
0x2f6: {  	v9 =	vand.u32 $0x7, v9;
	v10 =	vand.u32 $0xFFFFFFF0, v10  }
0x2f7: {  	v9 =	vor.u32 v9, v10  }
0x2f8: {  	v10 =	vperm.xlane v9, v5;
	_ =	sdelay $0x1  }
0x2f9: {  	v9 =	vperm.xlane v9, v7;
	v10 =	vadd.s32 v6, v10;
	_ =	sdelay $0x1  }
0x2fa: {  	v9 =	vadd.s32 v6, v9;
	_ =	sdelay $0x1  }
0x2fb: {  	s13 =	simm.s32 $0x9580  }
0x2fc: {  	[tilespmem:s13], [sflag:$0x2] =	stream.indirect_vreg.gather [hbm4b:s5+s0], $0x80, v10, vm0, $0xb8;
	[tilespmem:$0x1FF80] =	vst v63  }
0x2fd: {  	s14 =	simm.s32 $0x9D80  }
0x2fe: {  	[tilespmem:s14], [sflag:$0x2] =	stream.indirect_vreg.gather [hbm4b:s5+s0], $0x80, v9, vm0, $0xb8;
	[tilespmem:$0x1FF80] =	vst v63  }
0x2ff: {  	v9 =	vld [tilespmem:$0x4E0];
	_ =	sdelay $0x4  }
0x300: {  	v10 =	vshll.u32 v9, $0x1  }
0x301: {  	v9 =	vand.u32 $0x7, v9;
	v10 =	vand.u32 $0xFFFFFFF0, v10  }
0x302: {  	v9 =	vor.u32 v9, v10  }
0x303: {  	v10 =	vperm.xlane v9, v5;
	_ =	sdelay $0x1  }
0x304: {  	v9 =	vperm.xlane v9, v7;
	v10 =	vadd.s32 v6, v10;
	_ =	sdelay $0x1  }
0x305: {  	v9 =	vadd.s32 v6, v9;
	_ =	sdelay $0x1  }
0x306: {  	s15 =	simm.s32 $0xA580  }
0x307: {  	[tilespmem:s15], [sflag:$0x2] =	stream.indirect_vreg.gather [hbm4b:s5+s0], $0x80, v10, vm0, $0xb8;
	[tilespmem:$0x1FF80] =	vst v63  }
0x308: {  	s16 =	simm.s32 $0xAD80  }
0x309: {  	[tilespmem:s16], [sflag:$0x2] =	stream.indirect_vreg.gather [hbm4b:s5+s0], $0x80, v9, vm0, $0xb8;
	[tilespmem:$0x1FF80] =	vst v63  }
0x30a: {  	v9 =	vld [tilespmem:$0x4F0];
	_ =	sdelay $0x4  }
0x30b: {  	v10 =	vshll.u32 v9, $0x1  }
0x30c: {  	v9 =	vand.u32 $0x7, v9;
	v10 =	vand.u32 $0xFFFFFFF0, v10  }
0x30d: {  	v9 =	vor.u32 v9, v10  }
0x30e: {  	v10 =	vperm.xlane v9, v5;
	_ =	sdelay $0x1  }
0x30f: {  	v9 =	vperm.xlane v9, v7;
	v10 =	vadd.s32 v6, v10;
	_ =	sdelay $0x1  }
0x310: {  	v9 =	vadd.s32 v6, v9;
	_ =	sdelay $0x1  }
0x311: {  	s24 =	simm.s32 $0xB580  }
0x312: {  	[tilespmem:s24], [sflag:$0x2] =	stream.indirect_vreg.gather [hbm4b:s5+s0], $0x80, v10, vm0, $0xb8;
	[tilespmem:$0x1FF80] =	vst v63  }
0x313: {  	s25 =	simm.s32 $0xBD80  }
0x314: {  	[tilespmem:s25], [sflag:$0x2] =	stream.indirect_vreg.gather [hbm4b:s5+s0], $0x80, v9, vm0, $0xb8;
	[tilespmem:$0x1FF80] =	vst v63  }
0x315: {  	s26 =	simm.s32 $0x400;
	s8 =	simm.s32 $0x580  }
0x316: {  	[tilespmem:s8], [sflag:$0x1] =	stream.indirect.gather [hbm4b:s4+s10], $0x80, s26, s10, $0xb8;
	[tilespmem:$0x1FF80] =	vst v63  }
0x317: {  	s28 =	simm.s32 $0x440;
	s31 =	simm.s32 $0x2580  }
0x318: {  	[tilespmem:s31], [sflag:$0x1] =	stream.indirect.gather [hbm4b:s4+s10], $0x80, s28, s10, $0xb8;
	[tilespmem:$0x1FF80] =	vst v63  }
0x319: {  	_ =	swait.ge [sflag:s22], $0x2000  }
0x31a: {  	[sflag:s22] =	ssyncset.done $0x0  }
0x31b: {  	[sflag:s22] =	ssyncadd.s32 $0xFFFFE000  }
0x31c: {  	_ =	swait.ge [sflag:s22], $0x2000  }
0x31d: {  	[sflag:s22] =	ssyncset.done $0x0  }
0x31e: {  	[sflag:s22] =	ssyncadd.s32 $0xFFFFE000  }
0x31f: {  	_ =	swait.ge [sflag:s22], $0x2000  }
0x320: {  	[sflag:s22] =	ssyncset.done $0x0  }
0x321: {  	[sflag:s22] =	ssyncadd.s32 $0xFFFFE000  }
0x322: {  	_ =	swait.ge [sflag:s22], $0x2000  }
0x323: {  	[sflag:s22] =	ssyncset.done $0x0  }
0x324: {  	[sflag:s22] =	ssyncadd.s32 $0xFFFFE000  }
0x325: {  	_ =	swait.ge [sflag:s21], $0x2000  }
0x326: {  	[sflag:s21] =	ssyncset.done $0x0  }
0x327: {  	p0 =	por $0x0, $0x0;
	s3 =	simm.s32 $0x180;
	[sflag:s21] =	ssyncadd.s32 $0xFFFFE000  }
0x328: {  	s9 =	simm.s32 $0x0;
	s12 =	simm.s32 $0xC680;
	_ =	swait.ge [sflag:s21], $0x2000  }
0x329: {  	s13 =	simm.s32 $0x680;
	s14 =	simm.s32 $0x0;
	[sflag:s21] =	ssyncset.done $0x0  }
0x32a: {  	s15 =	simm.s32 $0x0;
	s8 =	simm.s32 $0x0;
	[sflag:s21] =	ssyncadd.s32 $0xFFFFE000  }
.LBB2_14:
0x32b: {  	s16 =	sadd.s32 $0xFFFFFE80, s3;
	s24 =	sand.u32 $0x7800, s8  }
0x32c: {  	v9 =	vld [tilespmem:s13+$0xFFFFFF00];
	s25 =	sand.u32 $0x200, s16;
	s16 =	sadd.s32 $0x4580, s24  }
0x32d: {  	v11 =	vld [tilespmem:s13+$0xFFFFFF10];
	s24 =	sor.u32 s25, s16  }
0x32e: {  	v10 =	vld [tilespmem:s24+$0x0]  }
0x32f: {  	v12 =	vld [tilespmem:s24+$0x10];
	_ =	sdelay $0x4  }
0x330: {  	v9 =	vmul.f32 v10, v9;
	v10 =	vmul.f32 v12, v11;
	_ =	sdelay $0x1  }
0x331: {  	v39 =	vld [tilespmem:s13+$0xFFFFFF30];
	v9 =	vadd.f32 v10, v9  }
0x332: {  	v11 =	vld [tilespmem:s13+$0xFFFFFF20]  }
0x333: {  	v10 =	vld [tilespmem:s24+$0x20];
	(xrf2) =	vadd.scan.msk.f32 $0xffff, v9  }
0x334: {  	v9 =	vld [tilespmem:s24+$0x30];
	_ =	sdelay $0x4  }
0x335: {  	v10 =	vmul.f32 v10, v11;
	v9 =	vmul.f32 v9, v39;
	_ =	sdelay $0x1  }
0x336: {  	v40 =	vld [tilespmem:s13+$0xFFFFFF50];
	v9 =	vadd.f32 v9, v10  }
0x337: {  	v11 =	vld [tilespmem:s13+$0xFFFFFF40]  }
0x338: {  	v10 =	vld [tilespmem:s24+$0x40];
	v13, _, _ =	vpop (xrf2);
	(xrf2) =	vadd.scan.msk.f32 $0xffff, v9  }
0x339: {  	v9 =	vld [tilespmem:s24+$0x50];
	v13 =	vbroadcast v13, $0xF;
	_ =	sdelay $0x1  }
0x33a: {  	v14 =	vmul.f32 $1.442695020e+00, v13  }
0x33b: {  	v15 =	vmov s9  }
0x33c: {  	s25 =	simm.s32 $0x1;
	(erf) = vpow2.f32 v14  }
0x33d: {  	v16 =	vld [tilespmem:s13+$0xFFFFFF60];
	s25 =	simm.s32 @!p0 $0x0;
	v10 =	vmul.f32 v10, v11;
	v9 =	vmul.f32 v9, v40  }
0x33e: {  	v42 =	vld [tilespmem:s24+$0x70];
	s25 =	sshll.u32 s25, $0x9  }
0x33f: {  	v11 =	vld [tilespmem:s24+$0x60];
	s24 =	sadd.s32 s25, s8;
	v9 =	vadd.f32 v9, v10  }
0x340: {  	v41 =	vld [tilespmem:s13+$0xFFFFFF70];
	[tilespmem:v15+s29+$0x0] =	vst.idx.msk $0x1, v13;
	s25 =	sor.u32 $0x400, s24  }
0x341: {  	s26 =	sor.u32 $0x410, s24;
	v10 =	vld [tilespmem:s25+$0x4580];
	v43, _, _ =	vpop (xrf2);
	(xrf2) =	vadd.scan.msk.f32 $0xffff, v9  }
0x342: {  	v9 =	vld [tilespmem:s26+$0x4580];
	v13 =	vbroadcast v43, $0xF;
	_ =	sdelay $0x1  }
0x343: {  	v17 =	vmul.f32 $1.442695020e+00, v13  }
0x344: {  	v18 =	vor.u32 $0x80, v15;
	v12 =	vmul.f32 v42, v41;
	v44 =	vpop (erf)  }
0x345: {  	v10 =	vmul.f32 v10, v44;
	(erf) = vpow2.f32 v17  }
0x346: {  	v11 =	vmul.f32 v11, v16;
	v9 =	vmul.f32 v9, v44  }
0x347: {  	[tilespmem:s12+$0xFFFFFF00] =	vst v10  }
0x348: {  	[tilespmem:s12+$0xFFFFFF10] =	vst v9;
	v9 =	vadd.f32 v12, v11  }
0x349: {  	s28 =	sor.u32 $0x420, s24;
	[tilespmem:v18+s29+$0x0] =	vst.idx.msk $0x1, v13  }
0x34a: {  	s31 =	sor.u32 $0x430, s24;
	v10 =	vld [tilespmem:s28+$0x4580];
	v11, _, _ =	vpop (xrf2);
	(xrf2) =	vadd.scan.msk.f32 $0xffff, v9  }
0x34b: {  	v9 =	vld [tilespmem:s31+$0x4580];
	v11 =	vbroadcast v11, $0xF;
	_ =	sdelay $0x1  }
0x34c: {  	v45 =	vmul.f32 $1.442695020e+00, v11  }
0x34d: {  	v47 =	vor.u32 $0x100, v15;
	v46 =	vpop (erf)  }
0x34e: {  	v10 =	vmul.f32 v10, v46;
	(erf) = vpow2.f32 v45  }
0x34f: {  	v9 =	vmul.f32 v9, v46  }
0x350: {  	[tilespmem:s12+$0xFFFFFF20] =	vst v10  }
0x351: {  	[tilespmem:s12+$0xFFFFFF30] =	vst v9  }
0x352: {  	s26 =	sor.u32 $0x440, s24;
	[tilespmem:v47+s29+$0x0] =	vst.idx.msk $0x1, v11  }
0x353: {  	s28 =	sor.u32 $0x450, s24;
	v9 =	vld [tilespmem:s26+$0x4580];
	v10, _, _ =	vpop (xrf2)  }
0x354: {  	v11 =	vld [tilespmem:s28+$0x4580];
	v10 =	vbroadcast v10, $0xF;
	_ =	sdelay $0x1  }
0x355: {  	v48 =	vmul.f32 $1.442695020e+00, v10  }
0x356: {  	v50 =	vor.u32 $0x180, v15;
	v49 =	vpop (erf)  }
0x357: {  	v9 =	vmul.f32 v9, v49;
	(erf) = vpow2.f32 v48  }
0x358: {  	v11 =	vmul.f32 v11, v49  }
0x359: {  	[tilespmem:s12+$0xFFFFFF40] =	vst v9  }
0x35a: {  	[tilespmem:s12+$0xFFFFFF50] =	vst v11  }
0x35b: {  	s31 =	sor.u32 $0x460, s24;
	[tilespmem:v50+s29+$0x0] =	vst.idx.msk $0x1, v10  }
0x35c: {  	s24 =	sor.u32 $0x470, s24;
	v9 =	vld [tilespmem:s31+$0x4580]  }
0x35d: {  	v10 =	vld [tilespmem:s24+$0x4580];
	_ =	sdelay $0x2  }
0x35e: {  	v11 =	vpop (erf)  }
0x35f: {  	v9 =	vmul.f32 v9, v11  }
0x360: {  	v10 =	vmul.f32 v10, v11  }
0x361: {  	s26 =	sadd.s32 $0xFFFFFF00, s3;
	[tilespmem:s12+$0xFFFFFF60] =	vst v9  }
0x362: {  	s24 =	sand.u32 $0x280, s26;
	[tilespmem:s12+$0xFFFFFF70] =	vst v10  }
0x363: {  	s28 =	sadd.s32 s24, s16;
	v9 =	vld [tilespmem:s13+$0xFFFFFF80]  }
0x364: {  	v10 =	vld [tilespmem:s28+$0x0]  }
0x365: {  	v11 =	vld [tilespmem:s13+$0xFFFFFF90]  }
0x366: {  	v51 =	vld [tilespmem:s28+$0x10];
	_ =	sdelay $0x4  }
0x367: {  	v9 =	vmul.f32 v10, v9;
	v10 =	vmul.f32 v51, v11;
	_ =	sdelay $0x1  }
0x368: {  	v52 =	vld [tilespmem:s13+$0xFFFFFFB0];
	v9 =	vadd.f32 v10, v9  }
0x369: {  	v11 =	vld [tilespmem:s13+$0xFFFFFFA0]  }
0x36a: {  	v10 =	vld [tilespmem:s28+$0x20];
	(xrf2) =	vadd.scan.msk.f32 $0xffff, v9  }
0x36b: {  	v9 =	vld [tilespmem:s28+$0x30];
	_ =	sdelay $0x4  }
0x36c: {  	v10 =	vmul.f32 v10, v11;
	v9 =	vmul.f32 v9, v52;
	_ =	sdelay $0x1  }
0x36d: {  	v53 =	vld [tilespmem:s13+$0xFFFFFFD0];
	v9 =	vadd.f32 v9, v10  }
0x36e: {  	v11 =	vld [tilespmem:s13+$0xFFFFFFC0]  }
0x36f: {  	v10 =	vld [tilespmem:s28+$0x40];
	v54, _, _ =	vpop (xrf2);
	(xrf2) =	vadd.scan.msk.f32 $0xffff, v9  }
0x370: {  	v9 =	vld [tilespmem:s28+$0x50];
	v13 =	vbroadcast v54, $0xF;
	_ =	sdelay $0x1  }
0x371: {  	s31 =	sadd.s32 $0x1, s9;
	v55 =	vmul.f32 $1.442695020e+00, v13  }
0x372: {  	v56 =	vmov s31  }
0x373: {  	s26 =	sand.u32 $0x7, s15;
	(erf) = vpow2.f32 v55  }
0x374: {  	s24 =	sshll.u32 s26, $0x7;
	v57 =	vld [tilespmem:s13+$0xFFFFFFE0];
	v10 =	vmul.f32 v10, v11;
	v9 =	vmul.f32 v9, v53  }
0x375: {  	s24 =	sadd.s32 s24, s8;
	v58 =	vld [tilespmem:s13+$0xFFFFFFF0]  }
0x376: {  	s25 =	sadd.s32 $0x80, s24;
	v59 =	vld [tilespmem:s28+$0x70];
	v9 =	vadd.f32 v9, v10  }
0x377: {  	s26 =	sor.u32 $0x400, s25;
	v11 =	vld [tilespmem:s28+$0x60];
	[tilespmem:v56+s29+$0x0] =	vst.idx.msk $0x1, v13  }
0x378: {  	s28 =	sor.u32 $0x410, s25;
	v10 =	vld [tilespmem:s26+$0x4580];
	v60, _, _ =	vpop (xrf2);
	(xrf2) =	vadd.scan.msk.f32 $0xffff, v9  }
0x379: {  	v9 =	vld [tilespmem:s28+$0x4580];
	v13 =	vbroadcast v60, $0xF;
	_ =	sdelay $0x1  }
0x37a: {  	v61 =	vmul.f32 $1.442695020e+00, v13  }
0x37b: {  	v63 =	vor.u32 $0x80, v56;
	v12 =	vmul.f32 v59, v58;
	v62 =	vpop (erf)  }
0x37c: {  	v10 =	vmul.f32 v10, v62;
	(erf) = vpow2.f32 v61  }
0x37d: {  	v11 =	vmul.f32 v11, v57;
	v9 =	vmul.f32 v9, v62  }
0x37e: {  	[tilespmem:s12+$0xFFFFFF80] =	vst v10  }
0x37f: {  	[tilespmem:s12+$0xFFFFFF90] =	vst v9;
	v9 =	vadd.f32 v12, v11  }
0x380: {  	s31 =	sor.u32 $0x420, s25;
	[tilespmem:v63+s29+$0x0] =	vst.idx.msk $0x1, v13  }
0x381: {  	s28 =	sor.u32 $0x430, s25;
	v10 =	vld [tilespmem:s31+$0x4580];
	v11, _, _ =	vpop (xrf2);
	(xrf2) =	vadd.scan.msk.f32 $0xffff, v9  }
0x382: {  	v9 =	vld [tilespmem:s28+$0x4580];
	v11 =	vbroadcast v11, $0xF;
	_ =	sdelay $0x1  }
0x383: {  	v20 =	vmul.f32 $1.442695020e+00, v11  }
0x384: {  	v22 =	vor.u32 $0x100, v56;
	v21 =	vpop (erf)  }
0x385: {  	v10 =	vmul.f32 v10, v21;
	(erf) = vpow2.f32 v20  }
0x386: {  	v9 =	vmul.f32 v9, v21  }
0x387: {  	[tilespmem:s12+$0xFFFFFFA0] =	vst v10  }
0x388: {  	[tilespmem:s12+$0xFFFFFFB0] =	vst v9  }
0x389: {  	s31 =	sor.u32 $0x440, s25;
	[tilespmem:v22+s29+$0x0] =	vst.idx.msk $0x1, v11  }
0x38a: {  	s28 =	sor.u32 $0x450, s25;
	v9 =	vld [tilespmem:s31+$0x4580];
	v10, _, _ =	vpop (xrf2)  }
0x38b: {  	v11 =	vld [tilespmem:s28+$0x4580];
	v10 =	vbroadcast v10, $0xF;
	_ =	sdelay $0x1  }
0x38c: {  	v23 =	vmul.f32 $1.442695020e+00, v10  }
0x38d: {  	v25 =	vor.u32 $0x180, v56;
	v24 =	vpop (erf)  }
0x38e: {  	v9 =	vmul.f32 v9, v24;
	(erf) = vpow2.f32 v23  }
0x38f: {  	v11 =	vmul.f32 v11, v24  }
0x390: {  	[tilespmem:s12+$0xFFFFFFC0] =	vst v9  }
0x391: {  	[tilespmem:s12+$0xFFFFFFD0] =	vst v11  }
0x392: {  	s31 =	sor.u32 $0x460, s25;
	[tilespmem:v25+s29+$0x0] =	vst.idx.msk $0x1, v10  }
0x393: {  	s25 =	sor.u32 $0x470, s25;
	v9 =	vld [tilespmem:s31+$0x4580]  }
0x394: {  	v10 =	vld [tilespmem:s25+$0x4580];
	_ =	sdelay $0x2  }
0x395: {  	v11 =	vpop (erf)  }
0x396: {  	v9 =	vmul.f32 v9, v11  }
0x397: {  	v10 =	vmul.f32 v10, v11  }
0x398: {  	s28 =	sadd.s32 $0xFFFFFF80, s3;
	[tilespmem:s12+$0xFFFFFFE0] =	vst v9  }
0x399: {  	s25 =	sand.u32 $0x300, s28;
	[tilespmem:s12+$0xFFFFFFF0] =	vst v10  }
0x39a: {  	s25 =	sadd.s32 s25, s16;
	v9 =	vld [tilespmem:s13+$0x0]  }
0x39b: {  	v10 =	vld [tilespmem:s25+$0x0]  }
0x39c: {  	v11 =	vld [tilespmem:s13+$0x10]  }
0x39d: {  	v26 =	vld [tilespmem:s25+$0x10];
	_ =	sdelay $0x4  }
0x39e: {  	v9 =	vmul.f32 v10, v9;
	v10 =	vmul.f32 v26, v11;
	_ =	sdelay $0x1  }
0x39f: {  	v27 =	vld [tilespmem:s13+$0x30];
	v9 =	vadd.f32 v10, v9  }
0x3a0: {  	v11 =	vld [tilespmem:s13+$0x20]  }
0x3a1: {  	v10 =	vld [tilespmem:s25+$0x20];
	(xrf2) =	vadd.scan.msk.f32 $0xffff, v9  }
0x3a2: {  	v9 =	vld [tilespmem:s25+$0x30];
	_ =	sdelay $0x4  }
0x3a3: {  	v10 =	vmul.f32 v10, v11;
	v9 =	vmul.f32 v9, v27;
	_ =	sdelay $0x1  }
0x3a4: {  	v28 =	vld [tilespmem:s13+$0x50];
	v9 =	vadd.f32 v9, v10  }
0x3a5: {  	v11 =	vld [tilespmem:s13+$0x40]  }
0x3a6: {  	v10 =	vld [tilespmem:s25+$0x40];
	v29, _, _ =	vpop (xrf2);
	(xrf2) =	vadd.scan.msk.f32 $0xffff, v9  }
0x3a7: {  	v9 =	vld [tilespmem:s25+$0x50];
	v13 =	vbroadcast v29, $0xF;
	_ =	sdelay $0x1  }
0x3a8: {  	s31 =	sadd.s32 $0x2, s9;
	v30 =	vmul.f32 $1.442695020e+00, v13  }
0x3a9: {  	v31 =	vmov s31  }
0x3aa: {  	s28 =	sand.u32 $0x3, s14;
	(erf) = vpow2.f32 v30  }
0x3ab: {  	s26 =	sshll.u32 s28, $0x8;
	v32 =	vld [tilespmem:s13+$0x60];
	v10 =	vmul.f32 v10, v11;
	v9 =	vmul.f32 v9, v28  }
0x3ac: {  	s26 =	sadd.s32 s8, s26;
	v34 =	vld [tilespmem:s25+$0x70]  }
0x3ad: {  	v11 =	vld [tilespmem:s25+$0x60];
	s25 =	sadd.s32 $0x100, s26;
	v9 =	vadd.f32 v9, v10  }
0x3ae: {  	v33 =	vld [tilespmem:s13+$0x70];
	[tilespmem:v31+s29+$0x0] =	vst.idx.msk $0x1, v13;
	s26 =	sor.u32 $0x400, s25  }
0x3af: {  	s31 =	sor.u32 $0x410, s25;
	v10 =	vld [tilespmem:s26+$0x4580];
	v35, _, _ =	vpop (xrf2);
	(xrf2) =	vadd.scan.msk.f32 $0xffff, v9  }
0x3b0: {  	v9 =	vld [tilespmem:s31+$0x4580];
	v13 =	vbroadcast v35, $0xF;
	_ =	sdelay $0x1  }
0x3b1: {  	v36 =	vmul.f32 $1.442695020e+00, v13  }
0x3b2: {  	v38 =	vor.u32 $0x80, v31;
	v12 =	vmul.f32 v34, v33;
	v37 =	vpop (erf)  }
0x3b3: {  	v10 =	vmul.f32 v10, v37;
	(erf) = vpow2.f32 v36  }
0x3b4: {  	v11 =	vmul.f32 v11, v32;
	v9 =	vmul.f32 v9, v37  }
0x3b5: {  	[tilespmem:s12+$0x0] =	vst v10  }
0x3b6: {  	[tilespmem:s12+$0x10] =	vst v9;
	v9 =	vadd.f32 v12, v11  }
0x3b7: {  	s28 =	sor.u32 $0x420, s25;
	[tilespmem:v38+s29+$0x0] =	vst.idx.msk $0x1, v13  }
0x3b8: {  	s31 =	sor.u32 $0x430, s25;
	v10 =	vld [tilespmem:s28+$0x4580];
	v11, _, _ =	vpop (xrf2);
	(xrf2) =	vadd.scan.msk.f32 $0xffff, v9  }
0x3b9: {  	v9 =	vld [tilespmem:s31+$0x4580];
	v11 =	vbroadcast v11, $0xF;
	_ =	sdelay $0x1  }
0x3ba: {  	v39 =	vmul.f32 $1.442695020e+00, v11  }
0x3bb: {  	v41 =	vor.u32 $0x100, v31;
	v40 =	vpop (erf)  }
0x3bc: {  	v10 =	vmul.f32 v10, v40;
	(erf) = vpow2.f32 v39  }
0x3bd: {  	v9 =	vmul.f32 v9, v40  }
0x3be: {  	[tilespmem:s12+$0x20] =	vst v10  }
0x3bf: {  	[tilespmem:s12+$0x30] =	vst v9  }
0x3c0: {  	s28 =	sor.u32 $0x440, s25;
	[tilespmem:v41+s29+$0x0] =	vst.idx.msk $0x1, v11  }
0x3c1: {  	s31 =	sor.u32 $0x450, s25;
	v9 =	vld [tilespmem:s28+$0x4580];
	v10, _, _ =	vpop (xrf2)  }
0x3c2: {  	v11 =	vld [tilespmem:s31+$0x4580];
	v10 =	vbroadcast v10, $0xF;
	_ =	sdelay $0x1  }
0x3c3: {  	v42 =	vmul.f32 $1.442695020e+00, v10  }
0x3c4: {  	v44 =	vor.u32 $0x180, v31;
	v43 =	vpop (erf)  }
0x3c5: {  	v9 =	vmul.f32 v9, v43;
	(erf) = vpow2.f32 v42  }
0x3c6: {  	v11 =	vmul.f32 v11, v43  }
0x3c7: {  	[tilespmem:s12+$0x40] =	vst v9  }
0x3c8: {  	[tilespmem:s12+$0x50] =	vst v11  }
0x3c9: {  	s28 =	sor.u32 $0x460, s25;
	[tilespmem:v44+s29+$0x0] =	vst.idx.msk $0x1, v10  }
0x3ca: {  	s25 =	sor.u32 $0x470, s25;
	v9 =	vld [tilespmem:s28+$0x4580]  }
0x3cb: {  	v10 =	vld [tilespmem:s25+$0x4580];
	_ =	sdelay $0x2  }
0x3cc: {  	v11 =	vpop (erf)  }
0x3cd: {  	v9 =	vmul.f32 v9, v11  }
0x3ce: {  	v10 =	vmul.f32 v10, v11  }
0x3cf: {  	[tilespmem:s12+$0x60] =	vst v9  }
0x3d0: {  	s31 =	sand.u32 $0x380, s3;
	[tilespmem:s12+$0x70] =	vst v10  }
0x3d1: {  	s16 =	sadd.s32 s31, s16;
	v9 =	vld [tilespmem:s13+$0x80]  }
0x3d2: {  	v10 =	vld [tilespmem:s16+$0x0]  }
0x3d3: {  	v11 =	vld [tilespmem:s13+$0x90]  }
0x3d4: {  	v45 =	vld [tilespmem:s16+$0x10];
	_ =	sdelay $0x4  }
0x3d5: {  	v9 =	vmul.f32 v10, v9;
	v10 =	vmul.f32 v45, v11;
	_ =	sdelay $0x1  }
0x3d6: {  	v46 =	vld [tilespmem:s13+$0xB0];
	v9 =	vadd.f32 v10, v9  }
0x3d7: {  	v11 =	vld [tilespmem:s13+$0xA0]  }
0x3d8: {  	v10 =	vld [tilespmem:s16+$0x20];
	(xrf2) =	vadd.scan.msk.f32 $0xffff, v9  }
0x3d9: {  	v9 =	vld [tilespmem:s16+$0x30];
	_ =	sdelay $0x4  }
0x3da: {  	v10 =	vmul.f32 v10, v11;
	v9 =	vmul.f32 v9, v46;
	_ =	sdelay $0x1  }
0x3db: {  	v47 =	vld [tilespmem:s13+$0xD0];
	v9 =	vadd.f32 v9, v10  }
0x3dc: {  	v11 =	vld [tilespmem:s13+$0xC0]  }
0x3dd: {  	v10 =	vld [tilespmem:s16+$0x40];
	v48, _, _ =	vpop (xrf2);
	(xrf2) =	vadd.scan.msk.f32 $0xffff, v9  }
0x3de: {  	v9 =	vld [tilespmem:s16+$0x50];
	v13 =	vbroadcast v48, $0xF;
	_ =	sdelay $0x1  }
0x3df: {  	s26 =	sadd.s32 $0x3, s9;
	v49 =	vmul.f32 $1.442695020e+00, v13  }
0x3e0: {  	v50 =	vmov s26  }
0x3e1: {  	(erf) = vpow2.f32 v49  }
0x3e2: {  	v51 =	vld [tilespmem:s13+$0xE0];
	v10 =	vmul.f32 v10, v11;
	v9 =	vmul.f32 v9, v47  }
0x3e3: {  	v53 =	vld [tilespmem:s16+$0x70]  }
0x3e4: {  	v11 =	vld [tilespmem:s16+$0x60];
	s16 =	sadd.s32 $0x180, s24;
	v9 =	vadd.f32 v9, v10  }
0x3e5: {  	v52 =	vld [tilespmem:s13+$0xF0];
	[tilespmem:v50+s29+$0x0] =	vst.idx.msk $0x1, v13;
	s24 =	sor.u32 $0x400, s16  }
0x3e6: {  	s28 =	sor.u32 $0x410, s16;
	v10 =	vld [tilespmem:s24+$0x4580];
	v54, _, _ =	vpop (xrf2);
	(xrf2) =	vadd.scan.msk.f32 $0xffff, v9  }
0x3e7: {  	v9 =	vld [tilespmem:s28+$0x4580];
	v13 =	vbroadcast v54, $0xF;
	_ =	sdelay $0x1  }
0x3e8: {  	v55 =	vmul.f32 $1.442695020e+00, v13  }
0x3e9: {  	v57 =	vor.u32 $0x80, v50;
	v12 =	vmul.f32 v53, v52;
	v56 =	vpop (erf)  }
0x3ea: {  	v10 =	vmul.f32 v10, v56;
	(erf) = vpow2.f32 v55  }
0x3eb: {  	v11 =	vmul.f32 v11, v51;
	v9 =	vmul.f32 v9, v56  }
0x3ec: {  	[tilespmem:s12+$0x80] =	vst v10  }
0x3ed: {  	[tilespmem:s12+$0x90] =	vst v9;
	v9 =	vadd.f32 v12, v11  }
0x3ee: {  	s31 =	sor.u32 $0x420, s16;
	[tilespmem:v57+s29+$0x0] =	vst.idx.msk $0x1, v13  }
0x3ef: {  	s25 =	sor.u32 $0x430, s16;
	v10 =	vld [tilespmem:s31+$0x4580];
	v11, _, _ =	vpop (xrf2);
	(xrf2) =	vadd.scan.msk.f32 $0xffff, v9  }
0x3f0: {  	v9 =	vld [tilespmem:s25+$0x4580];
	v11 =	vbroadcast v11, $0xF;
	_ =	sdelay $0x1  }
0x3f1: {  	v58 =	vmul.f32 $1.442695020e+00, v11  }
0x3f2: {  	v60 =	vor.u32 $0x100, v50;
	v59 =	vpop (erf)  }
0x3f3: {  	v10 =	vmul.f32 v10, v59;
	(erf) = vpow2.f32 v58  }
0x3f4: {  	v9 =	vmul.f32 v9, v59  }
0x3f5: {  	[tilespmem:s12+$0xA0] =	vst v10  }
0x3f6: {  	[tilespmem:s12+$0xB0] =	vst v9  }
0x3f7: {  	s26 =	sor.u32 $0x440, s16;
	[tilespmem:v60+s29+$0x0] =	vst.idx.msk $0x1, v11  }
0x3f8: {  	s28 =	sor.u32 $0x450, s16;
	v9 =	vld [tilespmem:s26+$0x4580];
	v10, _, _ =	vpop (xrf2)  }
0x3f9: {  	v11 =	vld [tilespmem:s28+$0x4580];
	v10 =	vbroadcast v10, $0xF;
	_ =	sdelay $0x1  }
0x3fa: {  	v61 =	vmul.f32 $1.442695020e+00, v10  }
0x3fb: {  	v63 =	vor.u32 $0x180, v50;
	v62 =	vpop (erf)  }
0x3fc: {  	v9 =	vmul.f32 v9, v62;
	(erf) = vpow2.f32 v61  }
0x3fd: {  	v11 =	vmul.f32 v11, v62  }
0x3fe: {  	[tilespmem:s12+$0xC0] =	vst v9  }
0x3ff: {  	[tilespmem:s12+$0xD0] =	vst v11  }
0x400: {  	s31 =	sor.u32 $0x460, s16;
	[tilespmem:v63+s29+$0x0] =	vst.idx.msk $0x1, v10  }
0x401: {  	s16 =	sor.u32 $0x470, s16;
	v9 =	vld [tilespmem:s31+$0x4580]  }
0x402: {  	v10 =	vld [tilespmem:s16+$0x4580];
	_ =	sdelay $0x1  }
0x403: {  	p1 =	slt.u32 s9, $0x7C  }
.Ltmp8:
0x404: {  	v11 =	vpop (erf);
	(pc) =	sbr.rel @p1 .LBB2_14-.Ltmp8, $4  }
0x405: {  	v9 =	vmul.f32 v9, v11  }
0x406: {  	p0 =	por !p0, !p0;
	s15 =	sadd.s32 $0x4, s15;
	s14 =	sadd.s32 $0x2, s14;
	v10 =	vmul.f32 v10, v11  }
0x407: {  	s8 =	sadd.s32 $0x400, s8;
	s9 =	sadd.s32 $0x4, s9;
	s3 =	sadd.s32 $0x200, s3;
	[tilespmem:s12+$0xE0] =	vst v9  }
0x408: {  	s13 =	sadd.s32 $0x200, s13;
	s16 =	simm.s32 $0x500;
	[tilespmem:s12+$0xF0] =	vst v10;
	s12 =	sadd.s32 $0x200, s12  }
0x409: {  	v9 =	vor.u32 s0, v1;
	_ =	sdelay $0x4  }
0x40a: {  	v9 =	vld.idx.msk [tilespmem:v9+s29+$0x0], $0xffff;
	_ =	sdelay $0x4  }
0x40b: {  	v9 =	vmul.f32 $1.442695020e+00, v9;
	_ =	sdelay $0x1  }
0x40c: {  	v10 =	vld [tilespmem:s16+$0x0];
	(erf) = vpow2.f32 v9;
	_ =	sdelay $0x4  }
0x40d: {  	v12 =	vshll.u32 v10, $0x2;
	v9 =	vor.u32 $0x80, v1  }
0x40e: {  	v10 =	vor.u32 s0, v9;
	_ =	sdelay $0x2  }
0x40f: {  	v11 =	vpop (erf)  }
0x410: {  	[tilespmem:v12+s30+$0x0] =	vst.idx.add.f32.msk $0xffff, v11  }
0x411: {  	v10 =	vld.idx.msk [tilespmem:v10+s29+$0x0], $0xffff;
	_ =	sdelay $0x4  }
0x412: {  	v10 =	vmul.f32 $1.442695020e+00, v10;
	_ =	sdelay $0x1  }
0x413: {  	(erf) = vpow2.f32 v10;
	_ =	sdelay $0x4  }
0x414: {  	v11 =	vor.u32 $0x1, v12;
	v10 =	vor.u32 $0x100, v1  }
0x415: {  	v13 =	vor.u32 s0, v10;
	_ =	sdelay $0x2  }
0x416: {  	v14 =	vpop (erf)  }
0x417: {  	[tilespmem:v11+s30+$0x0] =	vst.idx.add.f32.msk $0xffff, v14  }
0x418: {  	v11 =	vld.idx.msk [tilespmem:v13+s29+$0x0], $0xffff;
	_ =	sdelay $0x4  }
0x419: {  	v11 =	vmul.f32 $1.442695020e+00, v11;
	_ =	sdelay $0x1  }
0x41a: {  	(erf) = vpow2.f32 v11;
	_ =	sdelay $0x4  }
0x41b: {  	v13 =	vor.u32 $0x2, v12;
	v11 =	vor.u32 $0x180, v1  }
0x41c: {  	v14 =	vor.u32 s0, v11;
	_ =	sdelay $0x2  }
0x41d: {  	v15 =	vpop (erf)  }
0x41e: {  	[tilespmem:v13+s30+$0x0] =	vst.idx.add.f32.msk $0xffff, v15  }
0x41f: {  	v13 =	vld.idx.msk [tilespmem:v14+s29+$0x0], $0xffff;
	_ =	sdelay $0x4  }
0x420: {  	v13 =	vmul.f32 $1.442695020e+00, v13;
	_ =	sdelay $0x1  }
0x421: {  	(erf) = vpow2.f32 v13;
	_ =	sdelay $0x5  }
0x422: {  	s0 =	simm.s32 $0x10;
	v13 =	vor.u32 $0x3, v12  }
0x423: {  	s24 =	rddreg [dreg:$0x4];
	v12 =	vor.u32 s0, v1  }
0x424: {  	s25 =	rddreg [dreg:$0x5]  }
0x425: {  	s3 =	simm.s32 $0x20;
	s26 =	rddreg [dreg:$0x6];
	v14 =	vpop (erf)  }
.LBB2_16:
0x426: {  	p0 =	sne.s32 s3, $0x70  }
0x427: {  	[tilespmem:v13+s30+$0x0] =	vst.idx.add.f32.msk $0xffff, v14;
	s16 =	sadd.s32 $0x10, s16;
	s8 =	smov.u32 s3;
	s3 =	sadd.s32 $0x10, s3  }
0x428: {  	v12 =	vld.idx.msk [tilespmem:v12+s29+$0x0], $0xffff;
	_ =	sdelay $0x5  }
0x429: {  	v12 =	vmul.f32 $1.442695020e+00, v12;
	_ =	sdelay $0x1  }
0x42a: {  	v13 =	vld [tilespmem:s16+$0x0];
	(erf) = vpow2.f32 v12;
	_ =	sdelay $0x4  }
0x42b: {  	v12 =	vshll.u32 v13, $0x2  }
0x42c: {  	v13 =	vor.u32 s0, v9;
	_ =	sdelay $0x2  }
0x42d: {  	v14 =	vpop (erf)  }
0x42e: {  	[tilespmem:v12+s30+$0x0] =	vst.idx.add.f32.msk $0xffff, v14  }
0x42f: {  	v13 =	vld.idx.msk [tilespmem:v13+s29+$0x0], $0xffff;
	_ =	sdelay $0x5  }
0x430: {  	v13 =	vmul.f32 $1.442695020e+00, v13;
	_ =	sdelay $0x1  }
0x431: {  	(erf) = vpow2.f32 v13;
	_ =	sdelay $0x4  }
0x432: {  	v13 =	vor.u32 $0x1, v12  }
0x433: {  	v14 =	vor.u32 s0, v10;
	_ =	sdelay $0x2  }
0x434: {  	v15 =	vpop (erf)  }
0x435: {  	[tilespmem:v13+s30+$0x0] =	vst.idx.add.f32.msk $0xffff, v15  }
0x436: {  	v13 =	vld.idx.msk [tilespmem:v14+s29+$0x0], $0xffff;
	_ =	sdelay $0x5  }
0x437: {  	v13 =	vmul.f32 $1.442695020e+00, v13;
	_ =	sdelay $0x1  }
0x438: {  	(erf) = vpow2.f32 v13;
	_ =	sdelay $0x4  }
0x439: {  	v13 =	vor.u32 $0x2, v12  }
0x43a: {  	v14 =	vor.u32 s0, v11;
	s0 =	smov.u32 s8;
	_ =	sdelay $0x2  }
0x43b: {  	v15 =	vpop (erf)  }
0x43c: {  	[tilespmem:v13+s30+$0x0] =	vst.idx.add.f32.msk $0xffff, v15  }
0x43d: {  	v13 =	vld.idx.msk [tilespmem:v14+s29+$0x0], $0xffff;
	_ =	sdelay $0x5  }
0x43e: {  	v13 =	vmul.f32 $1.442695020e+00, v13;
	_ =	sdelay $0x1  }
0x43f: {  	(erf) = vpow2.f32 v13;
	_ =	sdelay $0x4  }
.Ltmp9:
0x440: {  	v13 =	vor.u32 $0x3, v12;
	(pc) =	sbr.rel @p0 .LBB2_16-.Ltmp9, $2  }
0x441: {  	v12 =	vor.u32 s0, v1;
	_ =	sdelay $0x2  }
0x442: {  	v14 =	vpop (erf)  }
0x443: {  	_ =	sdelay $0x3  }
0x444: {  	[tilespmem:v13+s30+$0x0] =	vst.idx.add.f32.msk $0xffff, v14  }
0x445: {  	v12 =	vld.idx.msk [tilespmem:v12+s29+$0x0], $0xffff;
	_ =	sdelay $0x4  }
0x446: {  	v12 =	vmul.f32 $1.442695020e+00, v12  }
0x447: {  	s3 =	sadd.s32 $0x10, s16  }
0x448: {  	v13 =	vld [tilespmem:s3+$0x0];
	(erf) = vpow2.f32 v12;
	_ =	sdelay $0x4  }
0x449: {  	v56 =	vshll.u32 v13, $0x2  }
0x44a: {  	v9 =	vor.u32 s0, v9;
	_ =	sdelay $0x2  }
0x44b: {  	v57 =	vpop (erf)  }
0x44c: {  	[tilespmem:v56+s30+$0x0] =	vst.idx.add.f32.msk $0xffff, v57  }
0x44d: {  	v9 =	vld.idx.msk [tilespmem:v9+s29+$0x0], $0xffff;
	_ =	sdelay $0x4  }
0x44e: {  	v9 =	vmul.f32 $1.442695020e+00, v9;
	_ =	sdelay $0x1  }
0x44f: {  	(erf) = vpow2.f32 v9;
	_ =	sdelay $0x4  }
0x450: {  	v9 =	vor.u32 $0x1, v56  }
0x451: {  	v10 =	vor.u32 s0, v10;
	_ =	sdelay $0x2  }
0x452: {  	v58 =	vpop (erf)  }
0x453: {  	[tilespmem:v9+s30+$0x0] =	vst.idx.add.f32.msk $0xffff, v58  }
0x454: {  	v9 =	vld.idx.msk [tilespmem:v10+s29+$0x0], $0xffff;
	_ =	sdelay $0x4  }
0x455: {  	v9 =	vmul.f32 $1.442695020e+00, v9;
	_ =	sdelay $0x1  }
0x456: {  	(erf) = vpow2.f32 v9;
	_ =	sdelay $0x4  }
0x457: {  	v9 =	vor.u32 $0x2, v56  }
0x458: {  	v10 =	vor.u32 s0, v11;
	_ =	sdelay $0x2  }
0x459: {  	v11 =	vpop (erf)  }
0x45a: {  	[tilespmem:v9+s30+$0x0] =	vst.idx.add.f32.msk $0xffff, v11  }
0x45b: {  	v9 =	vld.idx.msk [tilespmem:v10+s29+$0x0], $0xffff;
	_ =	sdelay $0x4  }
0x45c: {  	v9 =	vmul.f32 $1.442695020e+00, v9;
	_ =	sdelay $0x1  }
0x45d: {  	(erf) = vpow2.f32 v9;
	_ =	sdelay $0x4  }
0x45e: {  	v9 =	vor.u32 $0x3, v56;
	_ =	sdelay $0x3  }
0x45f: {  	v10 =	vpop (erf)  }
0x460: {  	[tilespmem:v9+s30+$0x0] =	vst.idx.add.f32.msk $0xffff, v10  }
0x461: {  	[spmem:s1] =	stream.indirect.scatter.add.f32 [tilespmem:s17], [sflag:$0x3], $0x80, s20, s19, $0xb8;
	[tilespmem:$0x1FF80] =	vst v63  }
0x462: {  	v9 =	vld [tilespmem:$0x180]  }
0x463: {  	v10 =	vld [tilespmem:$0x300]  }
0x464: {  	v11 =	vld [tilespmem:$0x190]  }
0x465: {  	v59 =	vld [tilespmem:$0x310]  }
0x466: {  	v13 =	vld [tilespmem:$0x1A0]  }
0x467: {  	[tilespmem:$0x100] =	vst v9;
	v9 =	vld [tilespmem:$0x320]  }
0x468: {  	v60 =	vld [tilespmem:$0x1C0];
	[tilespmem:$0x280] =	vst v10  }
0x469: {  	v61 =	vld [tilespmem:$0x340];
	[tilespmem:$0x110] =	vst v11  }
0x46a: {  	v10 =	vld [tilespmem:$0x1B0];
	[tilespmem:$0x290] =	vst v59  }
0x46b: {  	v11 =	vld [tilespmem:$0x330];
	[tilespmem:$0x120] =	vst v13  }
0x46c: {  	[tilespmem:$0x2A0] =	vst v9;
	v9 =	vld [tilespmem:$0x1D0]  }
0x46d: {  	v62 =	vld [tilespmem:$0x360];
	[tilespmem:$0x140] =	vst v60  }
0x46e: {  	v63 =	vld [tilespmem:$0x1F0];
	[tilespmem:$0x2C0] =	vst v61  }
0x46f: {  	[tilespmem:$0x130] =	vst v10;
	v10 =	vld [tilespmem:$0x350]  }
0x470: {  	[tilespmem:$0x2B0] =	vst v11;
	v11 =	vld [tilespmem:$0x1E0]  }
0x471: {  	[tilespmem:$0x150] =	vst v9;
	v9 =	vld [tilespmem:$0x370]  }
0x472: {  	[tilespmem:$0x2E0] =	vst v62  }
0x473: {  	[tilespmem:$0x170] =	vst v63  }
0x474: {  	[tilespmem:$0x2D0] =	vst v10  }
0x475: {  	[tilespmem:$0x160] =	vst v11  }
0x476: {  	[tilespmem:$0x2F0] =	vst v9  }
0x477: {  	_ =	swait.ge [sflag:s23], $0x4000  }
0x478: {  	[sflag:s23] =	ssyncset.done $0x0  }
0x479: {  	s13 =	rddreg [dreg:$0x7];
	[sflag:s23] =	ssyncadd.s32 $0xFFFFC000  }
0x47a: {  	[hbm4b:s13+s2] =	stream.linear.scatter [tilespmem:s30], [sflag:$0x4], $0x5400, $0x38;
	[tilespmem:$0x1FF80] =	vst v63  }
0x47b: {  	_ =	swait.ge [sflag:s18], $0x5400  }
0x47c: {  	[sflag:s18] =	ssyncset.done $0x0  }
0x47d: {  	[sflag:s18] =	ssyncadd.s32 $0xFFFFAC00  }
0x47e: {  	[bflag:$0x0] =	sbarrier.arrive $0xFFFF  }
0x47f: {  	[tilespmem:s17], [sflag:$0x4] =	stream.linear.gather [spmem:s24], $0x4000, $0x38;
	[tilespmem:$0x1FF80] =	vst v63  }
0x480: {  	_ =	swait.ge [sflag:s18], $0x4000  }
0x481: {  	[sflag:s18] =	ssyncset.done $0x0  }
0x482: {  	s14 =	rddreg [dreg:$0x8];
	[sflag:s18] =	ssyncadd.s32 $0xFFFFC000  }
0x483: {  	[hbm4b:s14+s2] =	stream.linear.scatter [tilespmem:s17], [sflag:$0x4], $0x4000, $0x38;
	[tilespmem:$0x1FF80] =	vst v63  }
0x484: {  	_ =	swait.ge [sflag:s18], $0x4000  }
0x485: {  	[sflag:s18] =	ssyncset.done $0x0  }
0x486: {  	[sflag:s18] =	ssyncadd.s32 $0xFFFFC000  }
0x487: {  	[tilespmem:s17], [sflag:$0x4] =	stream.linear.gather [spmem:s25], $0x4000, $0x38;
	[tilespmem:$0x1FF80] =	vst v63  }
0x488: {  	_ =	swait.ge [sflag:s18], $0x4000  }
0x489: {  	[sflag:s18] =	ssyncset.done $0x0  }
0x48a: {  	s15 =	rddreg [dreg:$0x9];
	[sflag:s18] =	ssyncadd.s32 $0xFFFFC000  }
0x48b: {  	[hbm4b:s15+s2] =	stream.linear.scatter [tilespmem:s17], [sflag:$0x4], $0x4000, $0x38;
	[tilespmem:$0x1FF80] =	vst v63  }
0x48c: {  	_ =	swait.ge [sflag:s18], $0x4000  }
0x48d: {  	[sflag:s18] =	ssyncset.done $0x0  }
0x48e: {  	[sflag:s18] =	ssyncadd.s32 $0xFFFFC000  }
0x48f: {  	[tilespmem:s17], [sflag:$0x4] =	stream.linear.gather [spmem:s26], $0x2400, $0x38;
	[tilespmem:$0x1FF80] =	vst v63  }
0x490: {  	_ =	swait.ge [sflag:s18], $0x2400  }
0x491: {  	[sflag:s18] =	ssyncset.done $0x0  }
0x492: {  	s16 =	rddreg [dreg:$0xa];
	[sflag:s18] =	ssyncadd.s32 $0xFFFFDC00  }
0x493: {  	[hbm4b:s16+s2] =	stream.linear.scatter [tilespmem:s17], [sflag:$0x4], $0x2400, $0x38;
	[tilespmem:$0x1FF80] =	vst v63  }
0x494: {  	_ =	swait.ge [sflag:s18], $0x2400  }
0x495: {  	s28 =	rddreg [dreg:$0xc]  }
0x496: {  	s31 =	rddreg [dreg:$0xb];
	s3 =	sadd.s32 $0x1, s28  }
0x497: {  	p0 =	sne.s32 s3, s31  }
.Ltmp10:
0x498: {  	_ = 	snop;
	(pc) =	sbr.rel @p0 .LBB2_1-.Ltmp10, $3  }
0x499: {  	_ =	sdelay $0x1  }
0x49a: {  	[sflag:s18] =	ssyncset.done $0x0  }
0x49b: {  	[sflag:s18] =	ssyncadd.s32 $0xFFFFDC00  }
0x49c: {  	_ =	sfence.sel $0x180000  }
0x49d: {  	[bflag:$0x0] =	sbarrier.arrive $0xFFFF  }
0x49e: {  	_ =	strace $0x90000047  }
0x49f: {  	s0 =	stileid.u32;
	[bflag:$0x2] =	sbarrier.arrive $0xFFFF  }
0x4a0: {  	p0 =	sne.s32 s0, $0x0;
	s0 =	rddreg [dreg:$0x3]  }
0x4a1: {  	s0 =	sadd.s32 @!p0 $0x100000, s0  }
0x4a2: {  	[sflag:s0] =	ssyncadd.tile.s32 @!p0 $0x1;
	_ =	shalt  }
.Lfunc_end2:
_tile_overlayer_lowered:
.L_overlay_start_2:
0x4a3: {  	(tag) =	ssettag $0x2  }
0x4a4: {  	s0 =	rddreg [dreg:$0x0];
	s2 =	stileid.u32  }
0x4a5: {  	s1 =	rddreg [dreg:$0x1];
	p0 =	sne.s32 s2, $0x0  }
0x4a6: {  	s3 =	rddreg [dreg:$0x2];
	[bflag:$0x3] =	sbarrier.arrive $0xFFFF;
	s2 =	simm.s32 @!p0 $0x1C04  }
0x4a7: {  	[timem:s3], [sflag:s2] =	dma.local @!p0 [hbm:s0], s1  }
0x4a8: {  	s0 =	simm.s32 @!p0 $0x4  }
0x4a9: {  	_ =	swait.ge @!p0 [sflag:s0], s1  }
0x4aa: {  	s1 =	ssub.s32 @!p0 $0x0, s1;
	[sflag:s0] =	ssyncset.done @!p0 $0x0  }
0x4ab: {  	[sflag:s0] =	ssyncadd.s32 @!p0 s1  }
0x4ac: {  	[bflag:$0x3] =	sbarrier.arrive $0xFFFF  }
0x4ad: {  	_ =	shalt  }

</sc_bundles>
